<compile_context>
chip_gen: v7x
topology: tpu7x:2x2x1
jax: 0.10.2.dev20260603
libtpu: 0.0.44.dev20260713+nightly
codegen_flags: <defaults>
</compile_context>

<pallas_src>
import functools

import jax
import jax.numpy as jnp
from jax import lax
from jax.experimental import pallas as pl
from jax.experimental.pallas import tpu as pltpu
from jax.experimental.pallas import tpu_sc as plsc

_N_NODES = 10000
_N_EDGES = 160000
_D1 = 256
_D2 = 128

_NPAD = 10240

_NC = 2
_NS = 16
_NW = _NC * _NS

_NB = 1000
_EB = 4000
_GCH = 80
_SCH = 40


def _relu(x):
    return jnp.maximum(x, 0.0)


def _dot(x, w):
    return jnp.dot(x.astype(jnp.bfloat16), w, preferred_element_type=jnp.float32)



def _node_pre(fin, wd1, bd1, wd2, bd2, wvi, bvi):
    f = fin.shape[1]
    grid = (_N_NODES // _NB,)

    def body(x_ref, wd1r, bd1r, wd2r, bd2r, wvir, bvir, hx_ref, vi_ref):
        x = x_ref[...]
        h = _relu(_dot(x, wd1r[...]) + bd1r[...])
        hx = _relu(_dot(h, wd2r[...]) + bd2r[...])
        hx_ref[...] = hx
        vi_ref[...] = _dot(hx, wvir[...]) + bvir[...]

    full = lambda a: pl.BlockSpec(a.shape, lambda i: (0,) * a.ndim)
    return pl.pallas_call(
        body,
        grid=grid,
        in_specs=[pl.BlockSpec((_NB, f), lambda i: (i, 0))]
        + [full(a) for a in (wd1, bd1, wd2, bd2, wvi, bvi)],
        out_specs=[
            pl.BlockSpec((_NB, _D2), lambda i: (i, 0)),
            pl.BlockSpec((_NB, _D1), lambda i: (i, 0)),
        ],
        out_shape=[
            jax.ShapeDtypeStruct((_N_NODES, _D2), jnp.float32),
            jax.ShapeDtypeStruct((_N_NODES, _D1), jnp.float32),
        ],
    )(fin, wd1, bd1, wd2, bd2, wvi, bvi)


def _edge(ein, gs, gd, wd1, bd1, wd2, bd2, wvsk, wvrk, wek, b0, wm1, bm1,
          wm2, bm2, residual_he):
    f = ein.shape[1]
    grid = (_N_EDGES // _EB,)

    def body(x_ref, gs_ref, gd_ref, wd1r, bd1r, wd2r, bd2r, wvskr, wvrkr,
             wekr, b0r, wm1r, bm1r, wm2r, bm2r, e_ref, eo_ref):
        x = x_ref[...]
        h = _relu(_dot(x, wd1r[...]) + bd1r[...])
        he = _relu(_dot(h, wd2r[...]) + bd2r[...])
        e0 = _relu(_dot(gs_ref[...], wvskr[...]) + _dot(gd_ref[...], wvrkr[...])
                   + _dot(he, wekr[...]) + b0r[...])
        h1 = _relu(_dot(e0, wm1r[...]) + bm1r[...])
        e = _relu(_dot(h1, wm2r[...]) + bm2r[...])
        e_ref[...] = e
        eo_ref[...] = e + (he if residual_he else x)

    full = lambda a: pl.BlockSpec(a.shape, lambda i: (0,) * a.ndim)
    return pl.pallas_call(
        body,
        grid=grid,
        in_specs=[
            pl.BlockSpec((_EB, f), lambda i: (i, 0)),
            pl.BlockSpec((_EB, _D2), lambda i: (i, 0)),
            pl.BlockSpec((_EB, _D2), lambda i: (i, 0)),
        ]
        + [full(a) for a in (wd1, bd1, wd2, bd2, wvsk, wvrk, wek, b0, wm1,
                             bm1, wm2, bm2)],
        out_specs=[
            pl.BlockSpec((_EB, _D2), lambda i: (i, 0)),
            pl.BlockSpec((_EB, _D2), lambda i: (i, 0)),
        ],
        out_shape=[
            jax.ShapeDtypeStruct((_N_EDGES, _D2), jnp.float32),
            jax.ShapeDtypeStruct((_N_EDGES, _D2), jnp.float32),
        ],
    )(ein, gs, gd, wd1, bd1, wd2, bd2, wvsk, wvrk, wek, b0, wm1, bm1,
      wm2, bm2)


def _node_upd(parts, cnts, vi, res, wvie, bvie, wn1, bn1, wn2, bn2):
    grid = (_N_NODES // _NB,)

    def body(p_ref, c_ref, vi_ref, r_ref, wvier, bvier, wn1r, bn1r, wn2r,
             bn2r, vo_ref):
        agg = p_ref[0] + p_ref[1]
        cnt = (c_ref[0] + c_ref[1])[:, 0:1]
        agg = agg / jnp.maximum(cnt, 1.0)
        vie = _dot(agg, wvier[...]) + bvier[...]
        v = _relu(vi_ref[...] + vie)
        v = _relu(_dot(v, wn1r[...]) + bn1r[...])
        v = _relu(_dot(v, wn2r[...]) + bn2r[...])
        vo_ref[...] = v + r_ref[...]

    full = lambda a: pl.BlockSpec(a.shape, lambda i: (0,) * a.ndim)
    return pl.pallas_call(
        body,
        grid=grid,
        in_specs=[
            pl.BlockSpec((2, _NB, _D2), lambda i: (0, i, 0)),
            pl.BlockSpec((2, _NB, _D2), lambda i: (0, i, 0)),
            pl.BlockSpec((_NB, _D1), lambda i: (i, 0)),
            pl.BlockSpec((_NB, _D2), lambda i: (i, 0)),
        ]
        + [full(a) for a in (wvie, bvie, wn1, bn1, wn2, bn2)],
        out_specs=pl.BlockSpec((_NB, _D2), lambda i: (i, 0)),
        out_shape=jax.ShapeDtypeStruct((_N_NODES, _D2), jnp.float32),
    )(parts, cnts, vi, res, wvie, bvie, wn1, bn1, wn2, bn2)



def _sc_gather(table, idx3):
    n_ch = idx3.shape[1]
    b = _NW * n_ch * _GCH
    d = table.shape[1]
    per_w = b // _NW
    mesh = plsc.VectorSubcoreMesh(core_axis_name="c", subcore_axis_name="s")
    n_pair = (n_ch - 1) // 2

    @functools.partial(
        pl.kernel,
        mesh=mesh,
        out_type=jax.ShapeDtypeStruct((b, d), jnp.float32),
        scratch_types=[
            pltpu.VMEM((n_ch, _GCH), jnp.int32),
            pltpu.VMEM((_GCH, d), jnp.float32),
            pltpu.VMEM((_GCH, d), jnp.float32),
            pltpu.SemaphoreType.DMA,
            pltpu.SemaphoreType.DMA,
        ],
    )
    def k(table_hbm, idx3_hbm, out_hbm, idx_v, rows_a, rows_b, sem_a, sem_b):
        wid = lax.axis_index("s") * _NC + lax.axis_index("c")
        base = wid * per_w
        pltpu.sync_copy(idx3_hbm.at[wid], idx_v)
        pltpu.async_copy(table_hbm.at[idx_v.at[0]], rows_a, sem_a)

        def wait_gather(rows, sem):
            pltpu.make_async_copy(table_hbm.at[idx_v.at[0]], rows, sem).wait()

        def step(g, carry):
            c0 = 2 * g
            pltpu.async_copy(table_hbm.at[idx_v.at[c0 + 1]], rows_b, sem_b)
            wait_gather(rows_a, sem_a)
            pltpu.sync_copy(rows_a, out_hbm.at[pl.ds(base + c0 * _GCH, _GCH)])
            pltpu.async_copy(table_hbm.at[idx_v.at[c0 + 2]], rows_a, sem_a)
            wait_gather(rows_b, sem_b)
            pltpu.sync_copy(rows_b,
                            out_hbm.at[pl.ds(base + (c0 + 1) * _GCH, _GCH)])
            return carry

        lax.fori_loop(0, n_pair, step, 0)
        wait_gather(rows_a, sem_a)
        pltpu.sync_copy(rows_a,
                        out_hbm.at[pl.ds(base + (n_ch - 1) * _GCH, _GCH)])

    return k(table, idx3)


def _sc_scatter(vals, idx3, zeros_acc):
    e = vals.shape[0]
    d = vals.shape[1]
    per_w = e // _NW
    n_ch = per_w // _SCH
    rows_t = _NPAD // _NS
    drc = rows_t // 4
    mesh = plsc.VectorSubcoreMesh(core_axis_name="c", subcore_axis_name="s")

    @functools.partial(
        pl.kernel,
        mesh=mesh,
        out_type=jax.ShapeDtypeStruct((_NC, _NPAD, d), jnp.float32),
        scratch_types=[
            pltpu.VMEM((n_ch, _SCH), jnp.int32),
            pltpu.VMEM((_SCH, d), jnp.float32),
            pltpu.VMEM((_SCH, d), jnp.float32),
            pltpu.VMEM((drc, d), jnp.float32),
            pltpu.VMEM_SHARED((_NPAD, d), jnp.float32),
            pltpu.SemaphoreType.DMA,
            pltpu.SemaphoreType.DMA,
        ],
    )
    def k(vals_hbm, idx3_hbm, zacc_hbm, parts_hbm, idx_v, rows_a, rows_b,
          buf_v, acc_sh, sem_a, sem_b):
        c = lax.axis_index("c")
        s = lax.axis_index("s")
        wid = s * _NC + c
        r0 = s * rows_t
        pltpu.sync_copy(zacc_hbm, buf_v)
        for h in range(4):
            pltpu.sync_copy(buf_v, acc_sh.at[pl.ds(r0 + h * drc, drc)])
        pltpu.sync_copy(idx3_hbm.at[wid], idx_v)
        plsc.subcore_barrier()
        base = wid * per_w
        n_pair = (n_ch - 1) // 2

        def load(i, rows, sem):
            pltpu.async_copy(vals_hbm.at[pl.ds(base + i * _SCH, _SCH)],
                             rows, sem)

        def wait_load(i, rows, sem):
            pltpu.make_async_copy(
                vals_hbm.at[pl.ds(base + i * _SCH, _SCH)], rows, sem).wait()

        load(0, rows_a, sem_a)

        def step(g, carry):
            c0 = 2 * g
            load(c0 + 1, rows_b, sem_b)
            wait_load(c0, rows_a, sem_a)
            pltpu.sync_copy(rows_a, acc_sh.at[idx_v.at[c0]], add=True)
            load(c0 + 2, rows_a, sem_a)
            wait_load(c0 + 1, rows_b, sem_b)
            pltpu.sync_copy(rows_b, acc_sh.at[idx_v.at[c0 + 1]], add=True)
            return carry

        lax.fori_loop(0, n_pair, step, 0)
        wait_load(n_ch - 1, rows_a, sem_a)
        pltpu.sync_copy(rows_a, acc_sh.at[idx_v.at[n_ch - 1]], add=True)
        plsc.subcore_barrier()
        for h in range(4):
            pltpu.sync_copy(acc_sh.at[pl.ds(r0 + h * drc, drc)], buf_v)
            pltpu.sync_copy(buf_v, parts_hbm.at[c, pl.ds(r0 + h * drc, drc)])

    return k(vals, idx3, zeros_acc)


def _sc_count(idx3, zeros_acc, ones_rows):
    n_ch = idx3.shape[1]
    rows_t = _NPAD // _NS
    drc = rows_t // 4
    mesh = plsc.VectorSubcoreMesh(core_axis_name="c", subcore_axis_name="s")

    @functools.partial(
        pl.kernel,
        mesh=mesh,
        out_type=jax.ShapeDtypeStruct((_NC, _NPAD, _D2), jnp.float32),
        scratch_types=[
            pltpu.VMEM((n_ch, _SCH), jnp.int32),
            pltpu.VMEM((_SCH, _D2), jnp.float32),
            pltpu.VMEM((drc, _D2), jnp.float32),
            pltpu.VMEM_SHARED((_NPAD, _D2), jnp.float32),
            pltpu.SemaphoreType.DMA,
        ],
    )
    def k(idx3_hbm, zacc_hbm, ones_hbm, parts_hbm, idx_v, ones_v, buf_v,
          acc_sh, sem):
        c = lax.axis_index("c")
        s = lax.axis_index("s")
        wid = s * _NC + c
        r0 = s * rows_t
        pltpu.sync_copy(zacc_hbm, buf_v)
        for h in range(4):
            pltpu.sync_copy(buf_v, acc_sh.at[pl.ds(r0 + h * drc, drc)])
        pltpu.sync_copy(idx3_hbm.at[wid], idx_v)
        pltpu.sync_copy(ones_hbm, ones_v)
        plsc.subcore_barrier()

        def step(i, carry):
            pltpu.sync_copy(ones_v, acc_sh.at[idx_v.at[i]], add=True)
            return carry

        lax.fori_loop(0, n_ch, step, 0)
        plsc.subcore_barrier()
        for h in range(4):
            pltpu.sync_copy(acc_sh.at[pl.ds(r0 + h * drc, drc)], buf_v)
            pltpu.sync_copy(buf_v, parts_hbm.at[c, pl.ds(r0 + h * drc, drc)])

    return k(idx3, zeros_acc, ones_rows)



def _tw(lp):
    return lp["w"].T.astype(jnp.bfloat16), lp["b"][None, :]


def kernel(feat, efeat, edge_index, params):
    src = edge_index[0].astype(jnp.int32)
    dst = edge_index[1].astype(jnp.int32)
    idx_all = jnp.concatenate([src, dst])
    idx_all3 = idx_all.reshape(_NW, (2 * _N_EDGES // _NW) // _GCH, _GCH)
    dst3 = dst.reshape(_NW, (_N_EDGES // _NW) // _SCH, _SCH)
    ones_rows = jnp.ones((_SCH, _D2), jnp.float32)
    zeros_acc = jnp.zeros((_NPAD // _NS // 4, _D2), jnp.float32)

    cnts = None
    vout, eout = feat, efeat
    for n, bp in enumerate(params["blocks"]):
        fin, ein = vout, eout
        wd1, bd1 = _tw(bp["dense_node"][0])
        wd2, bd2 = _tw(bp["dense_node"][1])
        we1, be1 = _tw(bp["dense_edge"][0])
        we2, be2 = _tw(bp["dense_edge"][1])
        wvsk, bvsk = _tw(bp["edge_mlp0"]["vsk"])
        wvrk, bvrk = _tw(bp["edge_mlp0"]["vrk"])
        wek, bek = _tw(bp["edge_mlp0"]["ek"])
        wm1, bm1 = _tw(bp["edge_mlp"][0])
        wm2, bm2 = _tw(bp["edge_mlp"][1])
        wvi, bvi = _tw(bp["node_mlp0"]["vi"])
        wvie, bvie = _tw(bp["node_mlp0"]["vie"])
        wn1, bn1 = _tw(bp["node_mlp"][0])
        wn2, bn2 = _tw(bp["node_mlp"][1])

        if n == 0:
            cnts = _sc_count(dst3, zeros_acc, ones_rows)
        hx, vi = _node_pre(fin, wd1, bd1, wd2, bd2, wvi, bvi)
        g = _sc_gather(hx, idx_all3)
        b0 = bvsk + bvrk + bek
        e, eo = _edge(ein, g[:_N_EDGES], g[_N_EDGES:], we1, be1, we2, be2,
                      wvsk, wvrk, wek, b0, wm1, bm1, wm2, bm2,
                      residual_he=(n == 0))
        parts = _sc_scatter(e, dst3, zeros_acc)
        res = hx if n == 0 else fin
        v = _node_upd(parts[:, :_N_NODES], cnts[:, :_N_NODES], vi, res,
                      wvie, bvie, wn1, bn1, wn2, bn2)
        vout, eout = v, eo
    return vout, eout

# --- scband reference (transcript-rebuilt; emitter-appended) ---
"""Pipeline reference for scband-megnet-61838939128119 (READ-ONLY COPY).

The authoritative reference and input builder live on the scoring server;
editing this copy changes nothing except your own understanding.
"""

import jax, jax.numpy as jnp
import numpy as np

N_NODES = 10000
N_EDGES = 160000
IN_FEATS = 256
IN_EFEATS = 16
DIM1 = 256
DIM2 = 128


def _lin(key, din, dout):
    k1, k2 = jax.random.split(key)
    w = jax.random.normal(k1, (dout, din), jnp.float32) * (1.0 / np.sqrt(din))
    b = jnp.zeros((dout,), jnp.float32)
    return {"w": w, "b": b}


def _block_params(key, in_f, in_e):
    ks = jax.random.split(key, 13)
    return {
        "dense_node": [_lin(ks[0], in_f, DIM1), _lin(ks[1], DIM1, DIM2)],
        "dense_edge": [_lin(ks[2], in_e, DIM1), _lin(ks[3], DIM1, DIM2)],
        "edge_mlp0": {"vsk": _lin(ks[4], DIM2, DIM1), "vrk": _lin(ks[5], DIM2, DIM1), "ek": _lin(ks[6], DIM2, DIM1)},
        "edge_mlp": [_lin(ks[7], DIM1, DIM1), _lin(ks[8], DIM1, DIM2)],
        "node_mlp0": {"vi": _lin(ks[9], DIM2, DIM1), "vie": _lin(ks[10], DIM2, DIM1)},
        "node_mlp": [_lin(ks[11], DIM1, DIM1), _lin(ks[12], DIM1, DIM2)],
    }


def setup_inputs(seed: int = 0) -> dict:
    key = jax.random.key(seed)
    k1, k2, k3, k4, k5 = jax.random.split(key, 5)
    feat = jax.random.normal(k1, (N_NODES, IN_FEATS), jnp.float32)
    efeat = jax.random.normal(k2, (N_EDGES, IN_EFEATS), jnp.float32)
    edge_index = jax.random.randint(k3, (2, N_EDGES), 0, N_NODES, jnp.int32)
    params = {"blocks": [_block_params(k4, IN_FEATS, IN_EFEATS), _block_params(k5, DIM2, DIM2)]}
    return {"feat": feat, "efeat": efeat, "edge_index": edge_index, "params": params}


def _apply(lp, x):
    return x @ lp["w"].T + lp["b"]


def _forward(params, feat, efeat, src, dst):
    vout, eout = feat, efeat
    for n, bp in enumerate(params["blocks"]):
        fin, ein = vout, eout
        hx = fin
        for lp in bp["dense_node"]:
            hx = jax.nn.relu(_apply(lp, hx))
        he = ein
        for lp in bp["dense_edge"]:
            he = jax.nn.relu(_apply(lp, he))
        # EdgeUpdate: u_add_v + edge feature, then MLP
        vsk = _apply(bp["edge_mlp0"]["vsk"], hx)
        vrk = _apply(bp["edge_mlp0"]["vrk"], hx)
        ek = _apply(bp["edge_mlp0"]["ek"], he)
        e = jax.nn.relu(vsk[src] + vrk[dst] + ek)
        for lp in bp["edge_mlp"]:
            e = jax.nn.relu(_apply(lp, e))
        # NodeUpdate: copy_e -> mean over incoming edges at dst
        vi = _apply(bp["node_mlp0"]["vi"], hx)
        agg = jax.ops.segment_sum(e, dst, num_segments=N_NODES)
        cnt = jax.ops.segment_sum(jnp.ones((e.shape[0],), jnp.float32), dst, num_segments=N_NODES)
        agg = agg / jnp.clip(cnt, 1.0)[:, None]
        vie = _apply(bp["node_mlp0"]["vie"], agg)
        v = jax.nn.relu(vi + vie)
        for lp in bp["node_mlp"]:
            v = jax.nn.relu(_apply(lp, v))
        if n == 0:
            eout = e + he
            vout = v + hx
        else:
            eout = e + ein
            vout = v + fin
    return vout, eout


def reference(feat, efeat, edge_index, params):
    src = edge_index[0]
    dst = edge_index[1]
    return _forward(params, feat, efeat, src, dst)

if __name__ == "__main__":
    import jax
    _d = setup_inputs()
    print(jax.jit(kernel)(*tuple(_d.values())))

</pallas_src>

<mosaic_0001>
#map = affine_map<(d0, d1) -> (0, 0)>
#map1 = affine_map<(d0, d1) -> (0, 0, 0)>
module attributes {stable_mosaic.version = 14 : i64} {
  func.func @k(%arg0: i32, %arg1: i32, %arg2: memref<160000x128xf32, #tpu.memory_space<hbm>>, %arg3: memref<32x125x40xi32, #tpu.memory_space<hbm>>, %arg4: memref<160x128xf32, #tpu.memory_space<hbm>>, %arg5: memref<2x10240x128xf32, #tpu.memory_space<hbm>>, %arg6: memref<125x40xi32, #tpu.memory_space<vmem>>, %arg7: memref<40x128xf32, #tpu.memory_space<vmem>>, %arg8: memref<40x128xf32, #tpu.memory_space<vmem>>, %arg9: memref<160x128xf32, #tpu.memory_space<vmem>>, %arg10: memref<10240x128xf32, #tpu.memory_space<vmem_shared>>, %arg11: memref<!tpu.dma_semaphore, #tpu.memory_space<semaphore_mem>>, %arg12: memref<!tpu.dma_semaphore, #tpu.memory_space<semaphore_mem>>) attributes {dimension_semantics = [#tpu.dimension_semantics<core_parallel>, #tpu.dimension_semantics<subcore_parallel>], iteration_bounds = array<i64: 2, 16>, scalar_prefetch = 0 : i64, scratch_operands = 7 : i64, tpu.core_type = #tpu.core_type<sc_vector_subcore>, window_params = [{transform_indices = #map}, {transform_indices = #map1}, {transform_indices = #map}, {transform_indices = #map1}]} {
    %mul3A = arith.constant 2 : i32
    %mul3A_0 = arith.muli %arg1, %mul3A : i32
    %add3A = arith.addi %mul3A_0, %arg0 : i32
    %mul3A_1 = arith.constant 640 : i32
    %mul3A_2 = arith.muli %arg1, %mul3A_1 : i32
    "tpu.region"() ({
      %run_scoped3A_45 = tpu.sem_alloc : memref<!tpu.dma_semaphore, #tpu.memory_space<semaphore_mem>>
      tpu.enqueue_dma source(%arg4 : memref<160x128xf32, #tpu.memory_space<hbm>>) target(%arg9 : memref<160x128xf32, #tpu.memory_space<vmem>>) target_semaphore(%run_scoped3A_45 : memref<!tpu.dma_semaphore, #tpu.memory_space<semaphore_mem>>)
      tpu.wait_dma2 semaphore(%run_scoped3A_45 : memref<!tpu.dma_semaphore, #tpu.memory_space<semaphore_mem>>) src(%arg4 : memref<160x128xf32, #tpu.memory_space<hbm>>) dst(%arg9 : memref<160x128xf32, #tpu.memory_space<vmem>>)
      tpu.yield
    }) : () -> ()
    %add3A_3 = arith.constant 0 : i32
    %add3A_4 = arith.addi %mul3A_2, %add3A_3 : i32
    "tpu.region"() ({
      %run_scoped3A_45 = tpu.sem_alloc : memref<!tpu.dma_semaphore, #tpu.memory_space<semaphore_mem>>
      %dma_start3A_46 = arith.constant 0 : i32
      %dma_start3A_47 = tpu.memref_slice %arg10[%add3A_4, %dma_start3A_46] : memref<10240x128xf32, #tpu.memory_space<vmem_shared>> -> memref<160x128xf32, #tpu.memory_space<vmem_shared>>
      %dma_start3A_48 = arith.constant 0 : i32
      %dma_start3A_49 = tpu.memref_slice %arg10[%add3A_4, %dma_start3A_48] : memref<10240x128xf32, #tpu.memory_space<vmem_shared>> -> memref<160x128xf32, #tpu.memory_space<vmem_shared>>
      tpu.enqueue_dma source(%arg9 : memref<160x128xf32, #tpu.memory_space<vmem>>) target(%dma_start3A_49 : memref<160x128xf32, #tpu.memory_space<vmem_shared>>) target_semaphore(%run_scoped3A_45 : memref<!tpu.dma_semaphore, #tpu.memory_space<semaphore_mem>>)
      %dma_wait3A_50 = arith.constant 0 : i32
      %dma_wait3A_51 = tpu.memref_slice %arg10[%add3A_4, %dma_wait3A_50] : memref<10240x128xf32, #tpu.memory_space<vmem_shared>> -> memref<160x128xf32, #tpu.memory_space<vmem_shared>>
      %dma_wait3A_52 = arith.constant 0 : i32
      %dma_wait3A_53 = tpu.memref_slice %arg10[%add3A_4, %dma_wait3A_52] : memref<10240x128xf32, #tpu.memory_space<vmem_shared>> -> memref<160x128xf32, #tpu.memory_space<vmem_shared>>
      tpu.wait_dma2 semaphore(%run_scoped3A_45 : memref<!tpu.dma_semaphore, #tpu.memory_space<semaphore_mem>>) src(%arg9 : memref<160x128xf32, #tpu.memory_space<vmem>>) dst(%dma_wait3A_53 : memref<160x128xf32, #tpu.memory_space<vmem_shared>>)
      tpu.yield
    }) : () -> ()
    %add3A_5 = arith.constant 160 : i32
    %add3A_6 = arith.addi %mul3A_2, %add3A_5 : i32
    "tpu.region"() ({
      %run_scoped3A_45 = tpu.sem_alloc : memref<!tpu.dma_semaphore, #tpu.memory_space<semaphore_mem>>
      %dma_start3A_46 = arith.constant 0 : i32
      %dma_start3A_47 = tpu.memref_slice %arg10[%add3A_6, %dma_start3A_46] : memref<10240x128xf32, #tpu.memory_space<vmem_shared>> -> memref<160x128xf32, #tpu.memory_space<vmem_shared>>
      %dma_start3A_48 = arith.constant 0 : i32
      %dma_start3A_49 = tpu.memref_slice %arg10[%add3A_6, %dma_start3A_48] : memref<10240x128xf32, #tpu.memory_space<vmem_shared>> -> memref<160x128xf32, #tpu.memory_space<vmem_shared>>
      tpu.enqueue_dma source(%arg9 : memref<160x128xf32, #tpu.memory_space<vmem>>) target(%dma_start3A_49 : memref<160x128xf32, #tpu.memory_space<vmem_shared>>) target_semaphore(%run_scoped3A_45 : memref<!tpu.dma_semaphore, #tpu.memory_space<semaphore_mem>>)
      %dma_wait3A_50 = arith.constant 0 : i32
      %dma_wait3A_51 = tpu.memref_slice %arg10[%add3A_6, %dma_wait3A_50] : memref<10240x128xf32, #tpu.memory_space<vmem_shared>> -> memref<160x128xf32, #tpu.memory_space<vmem_shared>>
      %dma_wait3A_52 = arith.constant 0 : i32
      %dma_wait3A_53 = tpu.memref_slice %arg10[%add3A_6, %dma_wait3A_52] : memref<10240x128xf32, #tpu.memory_space<vmem_shared>> -> memref<160x128xf32, #tpu.memory_space<vmem_shared>>
      tpu.wait_dma2 semaphore(%run_scoped3A_45 : memref<!tpu.dma_semaphore, #tpu.memory_space<semaphore_mem>>) src(%arg9 : memref<160x128xf32, #tpu.memory_space<vmem>>) dst(%dma_wait3A_53 : memref<160x128xf32, #tpu.memory_space<vmem_shared>>)
      tpu.yield
    }) : () -> ()
    %add3A_7 = arith.constant 320 : i32
    %add3A_8 = arith.addi %mul3A_2, %add3A_7 : i32
    "tpu.region"() ({
      %run_scoped3A_45 = tpu.sem_alloc : memref<!tpu.dma_semaphore, #tpu.memory_space<semaphore_mem>>
      %dma_start3A_46 = arith.constant 0 : i32
      %dma_start3A_47 = tpu.memref_slice %arg10[%add3A_8, %dma_start3A_46] : memref<10240x128xf32, #tpu.memory_space<vmem_shared>> -> memref<160x128xf32, #tpu.memory_space<vmem_shared>>
      %dma_start3A_48 = arith.constant 0 : i32
      %dma_start3A_49 = tpu.memref_slice %arg10[%add3A_8, %dma_start3A_48] : memref<10240x128xf32, #tpu.memory_space<vmem_shared>> -> memref<160x128xf32, #tpu.memory_space<vmem_shared>>
      tpu.enqueue_dma source(%arg9 : memref<160x128xf32, #tpu.memory_space<vmem>>) target(%dma_start3A_49 : memref<160x128xf32, #tpu.memory_space<vmem_shared>>) target_semaphore(%run_scoped3A_45 : memref<!tpu.dma_semaphore, #tpu.memory_space<semaphore_mem>>)
      %dma_wait3A_50 = arith.constant 0 : i32
      %dma_wait3A_51 = tpu.memref_slice %arg10[%add3A_8, %dma_wait3A_50] : memref<10240x128xf32, #tpu.memory_space<vmem_shared>> -> memref<160x128xf32, #tpu.memory_space<vmem_shared>>
      %dma_wait3A_52 = arith.constant 0 : i32
      %dma_wait3A_53 = tpu.memref_slice %arg10[%add3A_8, %dma_wait3A_52] : memref<10240x128xf32, #tpu.memory_space<vmem_shared>> -> memref<160x128xf32, #tpu.memory_space<vmem_shared>>
      tpu.wait_dma2 semaphore(%run_scoped3A_45 : memref<!tpu.dma_semaphore, #tpu.memory_space<semaphore_mem>>) src(%arg9 : memref<160x128xf32, #tpu.memory_space<vmem>>) dst(%dma_wait3A_53 : memref<160x128xf32, #tpu.memory_space<vmem_shared>>)
      tpu.yield
    }) : () -> ()
    %add3A_9 = arith.constant 480 : i32
    %add3A_10 = arith.addi %mul3A_2, %add3A_9 : i32
    "tpu.region"() ({
      %run_scoped3A_45 = tpu.sem_alloc : memref<!tpu.dma_semaphore, #tpu.memory_space<semaphore_mem>>
      %dma_start3A_46 = arith.constant 0 : i32
      %dma_start3A_47 = tpu.memref_slice %arg10[%add3A_10, %dma_start3A_46] : memref<10240x128xf32, #tpu.memory_space<vmem_shared>> -> memref<160x128xf32, #tpu.memory_space<vmem_shared>>
      %dma_start3A_48 = arith.constant 0 : i32
      %dma_start3A_49 = tpu.memref_slice %arg10[%add3A_10, %dma_start3A_48] : memref<10240x128xf32, #tpu.memory_space<vmem_shared>> -> memref<160x128xf32, #tpu.memory_space<vmem_shared>>
      tpu.enqueue_dma source(%arg9 : memref<160x128xf32, #tpu.memory_space<vmem>>) target(%dma_start3A_49 : memref<160x128xf32, #tpu.memory_space<vmem_shared>>) target_semaphore(%run_scoped3A_45 : memref<!tpu.dma_semaphore, #tpu.memory_space<semaphore_mem>>)
      %dma_wait3A_50 = arith.constant 0 : i32
      %dma_wait3A_51 = tpu.memref_slice %arg10[%add3A_10, %dma_wait3A_50] : memref<10240x128xf32, #tpu.memory_space<vmem_shared>> -> memref<160x128xf32, #tpu.memory_space<vmem_shared>>
      %dma_wait3A_52 = arith.constant 0 : i32
      %dma_wait3A_53 = tpu.memref_slice %arg10[%add3A_10, %dma_wait3A_52] : memref<10240x128xf32, #tpu.memory_space<vmem_shared>> -> memref<160x128xf32, #tpu.memory_space<vmem_shared>>
      tpu.wait_dma2 semaphore(%run_scoped3A_45 : memref<!tpu.dma_semaphore, #tpu.memory_space<semaphore_mem>>) src(%arg9 : memref<160x128xf32, #tpu.memory_space<vmem>>) dst(%dma_wait3A_53 : memref<160x128xf32, #tpu.memory_space<vmem_shared>>)
      tpu.yield
    }) : () -> ()
    "tpu.region"() ({
      %run_scoped3A_45 = tpu.sem_alloc : memref<!tpu.dma_semaphore, #tpu.memory_space<semaphore_mem>>
      %dma_start3A_46 = arith.constant 0 : i32
      %dma_start3A_47 = arith.constant 0 : i32
      %dma_start3A_48 = tpu.memref_slice %arg3[%add3A, %dma_start3A_46, %dma_start3A_47] : memref<32x125x40xi32, #tpu.memory_space<hbm>> -> memref<1x125x40xi32, #tpu.memory_space<hbm>>
      %dma_start3A_49 = tpu.memref_squeeze %dma_start3A_48 : memref<1x125x40xi32, #tpu.memory_space<hbm>> -> memref<125x40xi32, #tpu.memory_space<hbm>>
      %dma_start3A_50 = arith.constant 0 : i32
      %dma_start3A_51 = arith.constant 0 : i32
      %dma_start3A_52 = tpu.memref_slice %arg3[%add3A, %dma_start3A_50, %dma_start3A_51] : memref<32x125x40xi32, #tpu.memory_space<hbm>> -> memref<1x125x40xi32, #tpu.memory_space<hbm>>
      %dma_start3A_53 = tpu.memref_squeeze %dma_start3A_52 : memref<1x125x40xi32, #tpu.memory_space<hbm>> -> memref<125x40xi32, #tpu.memory_space<hbm>>
      tpu.enqueue_dma source(%dma_start3A_53 : memref<125x40xi32, #tpu.memory_space<hbm>>) target(%arg6 : memref<125x40xi32, #tpu.memory_space<vmem>>) target_semaphore(%run_scoped3A_45 : memref<!tpu.dma_semaphore, #tpu.memory_space<semaphore_mem>>)
      %dma_wait3A_54 = arith.constant 0 : i32
      %dma_wait3A_55 = arith.constant 0 : i32
      %dma_wait3A_56 = tpu.memref_slice %arg3[%add3A, %dma_wait3A_54, %dma_wait3A_55] : memref<32x125x40xi32, #tpu.memory_space<hbm>> -> memref<1x125x40xi32, #tpu.memory_space<hbm>>
      %dma_wait3A_57 = tpu.memref_squeeze %dma_wait3A_56 : memref<1x125x40xi32, #tpu.memory_space<hbm>> -> memref<125x40xi32, #tpu.memory_space<hbm>>
      %dma_wait3A_58 = arith.constant 0 : i32
      %dma_wait3A_59 = arith.constant 0 : i32
      %dma_wait3A_60 = tpu.memref_slice %arg3[%add3A, %dma_wait3A_58, %dma_wait3A_59] : memref<32x125x40xi32, #tpu.memory_space<hbm>> -> memref<1x125x40xi32, #tpu.memory_space<hbm>>
      %dma_wait3A_61 = tpu.memref_squeeze %dma_wait3A_60 : memref<1x125x40xi32, #tpu.memory_space<hbm>> -> memref<125x40xi32, #tpu.memory_space<hbm>>
      tpu.wait_dma2 semaphore(%run_scoped3A_45 : memref<!tpu.dma_semaphore, #tpu.memory_space<semaphore_mem>>) src(%dma_wait3A_61 : memref<125x40xi32, #tpu.memory_space<hbm>>) dst(%arg6 : memref<125x40xi32, #tpu.memory_space<vmem>>)
      tpu.yield
    }) : () -> ()
    %barrier3A = arith.constant 0 : index
    tpu.barrier barrier_id(%barrier3A)
    %mul3A_11 = arith.constant 5000 : i32
    %mul3A_12 = arith.muli %add3A, %mul3A_11 : i32
    %add3A_13 = arith.constant 0 : i32
    %add3A_14 = arith.addi %mul3A_12, %add3A_13 : i32
    %dma_start3A = arith.constant 0 : i32
    %dma_start3A_15 = tpu.memref_slice %arg2[%add3A_14, %dma_start3A] : memref<160000x128xf32, #tpu.memory_space<hbm>> -> memref<40x128xf32, #tpu.memory_space<hbm>>
    %dma_start3A_16 = arith.constant 0 : i32
    %dma_start3A_17 = tpu.memref_slice %arg2[%add3A_14, %dma_start3A_16] : memref<160000x128xf32, #tpu.memory_space<hbm>> -> memref<40x128xf32, #tpu.memory_space<hbm>>
    tpu.enqueue_dma source(%dma_start3A_17 : memref<40x128xf32, #tpu.memory_space<hbm>>) target(%arg7 : memref<40x128xf32, #tpu.memory_space<vmem>>) target_semaphore(%arg11 : memref<!tpu.dma_semaphore, #tpu.memory_space<semaphore_mem>>)
    %scan3A = arith.constant 0 : i32
    %scan3A_18 = arith.constant 0 : i32
    %scan3A_19 = arith.constant 62 : i32
    %scan3A_20 = arith.addi %scan3A_18, %scan3A_19 : i32
    %scan3A_21 = arith.constant 1 : i32
    scf.for %scan3A_45 = %scan3A_18 to %scan3A_20 step %scan3A_21  : i32 {
      %mul3A_46 = arith.constant 2 : i32
      %mul3A_47 = arith.muli %mul3A_46, %scan3A_45 : i32
      %add3A_48 = arith.constant 1 : i32
      %add3A_49 = arith.addi %mul3A_47, %add3A_48 : i32
      %mul3A_50 = arith.constant 40 : i32
      %mul3A_51 = arith.muli %add3A_49, %mul3A_50 : i32
      %add3A_52 = arith.addi %mul3A_12, %mul3A_51 : i32
      %dma_start3A_53 = arith.constant 0 : i32
      %dma_start3A_54 = tpu.memref_slice %arg2[%add3A_52, %dma_start3A_53] : memref<160000x128xf32, #tpu.memory_space<hbm>> -> memref<40x128xf32, #tpu.memory_space<hbm>>
      %dma_start3A_55 = arith.constant 0 : i32
      %dma_start3A_56 = tpu.memref_slice %arg2[%add3A_52, %dma_start3A_55] : memref<160000x128xf32, #tpu.memory_space<hbm>> -> memref<40x128xf32, #tpu.memory_space<hbm>>
      tpu.enqueue_dma source(%dma_start3A_56 : memref<40x128xf32, #tpu.memory_space<hbm>>) target(%arg8 : memref<40x128xf32, #tpu.memory_space<vmem>>) target_semaphore(%arg12 : memref<!tpu.dma_semaphore, #tpu.memory_space<semaphore_mem>>)
      %mul3A_57 = arith.constant 40 : i32
      %mul3A_58 = arith.muli %mul3A_47, %mul3A_57 : i32
      %add3A_59 = arith.addi %mul3A_12, %mul3A_58 : i32
      %dma_wait3A_60 = arith.constant 0 : i32
      %dma_wait3A_61 = tpu.memref_slice %arg2[%add3A_59, %dma_wait3A_60] : memref<160000x128xf32, #tpu.memory_space<hbm>> -> memref<40x128xf32, #tpu.memory_space<hbm>>
      %dma_wait3A_62 = arith.constant 0 : i32
      %dma_wait3A_63 = tpu.memref_slice %arg2[%add3A_59, %dma_wait3A_62] : memref<160000x128xf32, #tpu.memory_space<hbm>> -> memref<40x128xf32, #tpu.memory_space<hbm>>
      tpu.wait_dma2 semaphore(%arg11 : memref<!tpu.dma_semaphore, #tpu.memory_space<semaphore_mem>>) src(%dma_wait3A_63 : memref<40x128xf32, #tpu.memory_space<hbm>>) dst(%arg7 : memref<40x128xf32, #tpu.memory_space<vmem>>)
      "tpu.region"() ({
        %run_scoped3A_84 = tpu.sem_alloc : memref<!tpu.dma_semaphore, #tpu.memory_space<semaphore_mem>>
        %dma_start3A_85 = arith.constant 0 : i32
        %dma_start3A_86 = tpu.memref_slice %arg6[%mul3A_47, %dma_start3A_85] : memref<125x40xi32, #tpu.memory_space<vmem>> -> memref<1x40xi32, #tpu.memory_space<vmem>>
        %dma_start3A_87 = tpu.memref_squeeze %dma_start3A_86 : memref<1x40xi32, #tpu.memory_space<vmem>> -> memref<40xi32, #tpu.memory_space<vmem>>
        %dma_start3A_88 = arith.constant 0 : i32
        %dma_start3A_89 = arith.constant 0 : i32
        %dma_start3A_90 = tpu.memref_slice %arg10[%dma_start3A_88, %dma_start3A_89] : memref<10240x128xf32, #tpu.memory_space<vmem_shared>> -> memref<10240x128xf32, #tpu.memory_space<vmem_shared>>
        tpu.enqueue_indirect_dma source(%arg7 : memref<40x128xf32, #tpu.memory_space<vmem>>) target(%dma_start3A_90 : memref<10240x128xf32, #tpu.memory_space<vmem_shared>>) offsets(%dma_start3A_87 : memref<40xi32, #tpu.memory_space<vmem>>) semaphore(%run_scoped3A_84 : memref<!tpu.dma_semaphore, #tpu.memory_space<semaphore_mem>>) {add = true}
        %dma_wait3A_91 = arith.constant 0 : i32
        %dma_wait3A_92 = tpu.memref_slice %arg6[%mul3A_47, %dma_wait3A_91] : memref<125x40xi32, #tpu.memory_space<vmem>> -> memref<1x40xi32, #tpu.memory_space<vmem>>
        %dma_wait3A_93 = tpu.memref_squeeze %dma_wait3A_92 : memref<1x40xi32, #tpu.memory_space<vmem>> -> memref<40xi32, #tpu.memory_space<vmem>>
        %dma_wait3A_94 = arith.constant 0 : i32
        %dma_wait3A_95 = arith.constant 0 : i32
        %dma_wait3A_96 = tpu.memref_slice %arg10[%dma_wait3A_94, %dma_wait3A_95] : memref<10240x128xf32, #tpu.memory_space<vmem_shared>> -> memref<10240x128xf32, #tpu.memory_space<vmem_shared>>
        tpu.wait_indirect_dma semaphore(%run_scoped3A_84 : memref<!tpu.dma_semaphore, #tpu.memory_space<semaphore_mem>>) src(%arg7 : memref<40x128xf32, #tpu.memory_space<vmem>>) dst(%dma_wait3A_96 : memref<10240x128xf32, #tpu.memory_space<vmem_shared>>)
        tpu.yield
      }) : () -> ()
      %add3A_64 = arith.constant 2 : i32
      %add3A_65 = arith.addi %mul3A_47, %add3A_64 : i32
      %mul3A_66 = arith.constant 40 : i32
      %mul3A_67 = arith.muli %add3A_65, %mul3A_66 : i32
      %add3A_68 = arith.addi %mul3A_12, %mul3A_67 : i32
      %dma_start3A_69 = arith.constant 0 : i32
      %dma_start3A_70 = tpu.memref_slice %arg2[%add3A_68, %dma_start3A_69] : memref<160000x128xf32, #tpu.memory_space<hbm>> -> memref<40x128xf32, #tpu.memory_space<hbm>>
      %dma_start3A_71 = arith.constant 0 : i32
      %dma_start3A_72 = tpu.memref_slice %arg2[%add3A_68, %dma_start3A_71] : memref<160000x128xf32, #tpu.memory_space<hbm>> -> memref<40x128xf32, #tpu.memory_space<hbm>>
      tpu.enqueue_dma source(%dma_start3A_72 : memref<40x128xf32, #tpu.memory_space<hbm>>) target(%arg7 : memref<40x128xf32, #tpu.memory_space<vmem>>) target_semaphore(%arg11 : memref<!tpu.dma_semaphore, #tpu.memory_space<semaphore_mem>>)
      %add3A_73 = arith.constant 1 : i32
      %add3A_74 = arith.addi %mul3A_47, %add3A_73 : i32
      %mul3A_75 = arith.constant 40 : i32
      %mul3A_76 = arith.muli %add3A_74, %mul3A_75 : i32
      %add3A_77 = arith.addi %mul3A_12, %mul3A_76 : i32
      %dma_wait3A_78 = arith.constant 0 : i32
      %dma_wait3A_79 = tpu.memref_slice %arg2[%add3A_77, %dma_wait3A_78] : memref<160000x128xf32, #tpu.memory_space<hbm>> -> memref<40x128xf32, #tpu.memory_space<hbm>>
      %dma_wait3A_80 = arith.constant 0 : i32
      %dma_wait3A_81 = tpu.memref_slice %arg2[%add3A_77, %dma_wait3A_80] : memref<160000x128xf32, #tpu.memory_space<hbm>> -> memref<40x128xf32, #tpu.memory_space<hbm>>
      tpu.wait_dma2 semaphore(%arg12 : memref<!tpu.dma_semaphore, #tpu.memory_space<semaphore_mem>>) src(%dma_wait3A_81 : memref<40x128xf32, #tpu.memory_space<hbm>>) dst(%arg8 : memref<40x128xf32, #tpu.memory_space<vmem>>)
      %add3A_82 = arith.constant 1 : i32
      %add3A_83 = arith.addi %mul3A_47, %add3A_82 : i32
      "tpu.region"() ({
        %run_scoped3A_84 = tpu.sem_alloc : memref<!tpu.dma_semaphore, #tpu.memory_space<semaphore_mem>>
        %dma_start3A_85 = arith.constant 0 : i32
        %dma_start3A_86 = tpu.memref_slice %arg6[%add3A_83, %dma_start3A_85] : memref<125x40xi32, #tpu.memory_space<vmem>> -> memref<1x40xi32, #tpu.memory_space<vmem>>
        %dma_start3A_87 = tpu.memref_squeeze %dma_start3A_86 : memref<1x40xi32, #tpu.memory_space<vmem>> -> memref<40xi32, #tpu.memory_space<vmem>>
        %dma_start3A_88 = arith.constant 0 : i32
        %dma_start3A_89 = arith.constant 0 : i32
        %dma_start3A_90 = tpu.memref_slice %arg10[%dma_start3A_88, %dma_start3A_89] : memref<10240x128xf32, #tpu.memory_space<vmem_shared>> -> memref<10240x128xf32, #tpu.memory_space<vmem_shared>>
        tpu.enqueue_indirect_dma source(%arg8 : memref<40x128xf32, #tpu.memory_space<vmem>>) target(%dma_start3A_90 : memref<10240x128xf32, #tpu.memory_space<vmem_shared>>) offsets(%dma_start3A_87 : memref<40xi32, #tpu.memory_space<vmem>>) semaphore(%run_scoped3A_84 : memref<!tpu.dma_semaphore, #tpu.memory_space<semaphore_mem>>) {add = true}
        %dma_wait3A_91 = arith.constant 0 : i32
        %dma_wait3A_92 = tpu.memref_slice %arg6[%add3A_83, %dma_wait3A_91] : memref<125x40xi32, #tpu.memory_space<vmem>> -> memref<1x40xi32, #tpu.memory_space<vmem>>
        %dma_wait3A_93 = tpu.memref_squeeze %dma_wait3A_92 : memref<1x40xi32, #tpu.memory_space<vmem>> -> memref<40xi32, #tpu.memory_space<vmem>>
        %dma_wait3A_94 = arith.constant 0 : i32
        %dma_wait3A_95 = arith.constant 0 : i32
        %dma_wait3A_96 = tpu.memref_slice %arg10[%dma_wait3A_94, %dma_wait3A_95] : memref<10240x128xf32, #tpu.memory_space<vmem_shared>> -> memref<10240x128xf32, #tpu.memory_space<vmem_shared>>
        tpu.wait_indirect_dma semaphore(%run_scoped3A_84 : memref<!tpu.dma_semaphore, #tpu.memory_space<semaphore_mem>>) src(%arg8 : memref<40x128xf32, #tpu.memory_space<vmem>>) dst(%dma_wait3A_96 : memref<10240x128xf32, #tpu.memory_space<vmem_shared>>)
        tpu.yield
      }) : () -> ()
    }
    %scan3A_22 = arith.constant 62 : i32
    %add3A_23 = arith.constant 4960 : i32
    %add3A_24 = arith.addi %mul3A_12, %add3A_23 : i32
    %dma_wait3A = arith.constant 0 : i32
    %dma_wait3A_25 = tpu.memref_slice %arg2[%add3A_24, %dma_wait3A] : memref<160000x128xf32, #tpu.memory_space<hbm>> -> memref<40x128xf32, #tpu.memory_space<hbm>>
    %dma_wait3A_26 = arith.constant 0 : i32
    %dma_wait3A_27 = tpu.memref_slice %arg2[%add3A_24, %dma_wait3A_26] : memref<160000x128xf32, #tpu.memory_space<hbm>> -> memref<40x128xf32, #tpu.memory_space<hbm>>
    tpu.wait_dma2 semaphore(%arg11 : memref<!tpu.dma_semaphore, #tpu.memory_space<semaphore_mem>>) src(%dma_wait3A_27 : memref<40x128xf32, #tpu.memory_space<hbm>>) dst(%arg7 : memref<40x128xf32, #tpu.memory_space<vmem>>)
    %run_scoped3A = arith.constant 124 : i32
    "tpu.region"() ({
      %run_scoped3A_45 = tpu.sem_alloc : memref<!tpu.dma_semaphore, #tpu.memory_space<semaphore_mem>>
      %dma_start3A_46 = arith.constant 0 : i32
      %dma_start3A_47 = tpu.memref_slice %arg6[%run_scoped3A, %dma_start3A_46] : memref<125x40xi32, #tpu.memory_space<vmem>> -> memref<1x40xi32, #tpu.memory_space<vmem>>
      %dma_start3A_48 = tpu.memref_squeeze %dma_start3A_47 : memref<1x40xi32, #tpu.memory_space<vmem>> -> memref<40xi32, #tpu.memory_space<vmem>>
      %dma_start3A_49 = arith.constant 0 : i32
      %dma_start3A_50 = arith.constant 0 : i32
      %dma_start3A_51 = tpu.memref_slice %arg10[%dma_start3A_49, %dma_start3A_50] : memref<10240x128xf32, #tpu.memory_space<vmem_shared>> -> memref<10240x128xf32, #tpu.memory_space<vmem_shared>>
      tpu.enqueue_indirect_dma source(%arg7 : memref<40x128xf32, #tpu.memory_space<vmem>>) target(%dma_start3A_51 : memref<10240x128xf32, #tpu.memory_space<vmem_shared>>) offsets(%dma_start3A_48 : memref<40xi32, #tpu.memory_space<vmem>>) semaphore(%run_scoped3A_45 : memref<!tpu.dma_semaphore, #tpu.memory_space<semaphore_mem>>) {add = true}
      %dma_wait3A_52 = arith.constant 0 : i32
      %dma_wait3A_53 = tpu.memref_slice %arg6[%run_scoped3A, %dma_wait3A_52] : memref<125x40xi32, #tpu.memory_space<vmem>> -> memref<1x40xi32, #tpu.memory_space<vmem>>
      %dma_wait3A_54 = tpu.memref_squeeze %dma_wait3A_53 : memref<1x40xi32, #tpu.memory_space<vmem>> -> memref<40xi32, #tpu.memory_space<vmem>>
      %dma_wait3A_55 = arith.constant 0 : i32
      %dma_wait3A_56 = arith.constant 0 : i32
      %dma_wait3A_57 = tpu.memref_slice %arg10[%dma_wait3A_55, %dma_wait3A_56] : memref<10240x128xf32, #tpu.memory_space<vmem_shared>> -> memref<10240x128xf32, #tpu.memory_space<vmem_shared>>
      tpu.wait_indirect_dma semaphore(%run_scoped3A_45 : memref<!tpu.dma_semaphore, #tpu.memory_space<semaphore_mem>>) src(%arg7 : memref<40x128xf32, #tpu.memory_space<vmem>>) dst(%dma_wait3A_57 : memref<10240x128xf32, #tpu.memory_space<vmem_shared>>)
      tpu.yield
    }) : () -> ()
    %barrier3A_28 = arith.constant 0 : index
    tpu.barrier barrier_id(%barrier3A_28)
    %add3A_29 = arith.constant 0 : i32
    %add3A_30 = arith.addi %mul3A_2, %add3A_29 : i32
    "tpu.region"() ({
      %run_scoped3A_45 = tpu.sem_alloc : memref<!tpu.dma_semaphore, #tpu.memory_space<semaphore_mem>>
      %dma_start3A_46 = arith.constant 0 : i32
      %dma_start3A_47 = tpu.memref_slice %arg10[%add3A_30, %dma_start3A_46] : memref<10240x128xf32, #tpu.memory_space<vmem_shared>> -> memref<160x128xf32, #tpu.memory_space<vmem_shared>>
      %dma_start3A_48 = arith.constant 0 : i32
      %dma_start3A_49 = tpu.memref_slice %arg10[%add3A_30, %dma_start3A_48] : memref<10240x128xf32, #tpu.memory_space<vmem_shared>> -> memref<160x128xf32, #tpu.memory_space<vmem_shared>>
      tpu.enqueue_dma source(%dma_start3A_49 : memref<160x128xf32, #tpu.memory_space<vmem_shared>>) target(%arg9 : memref<160x128xf32, #tpu.memory_space<vmem>>) target_semaphore(%run_scoped3A_45 : memref<!tpu.dma_semaphore, #tpu.memory_space<semaphore_mem>>)
      %dma_wait3A_50 = arith.constant 0 : i32
      %dma_wait3A_51 = tpu.memref_slice %arg10[%add3A_30, %dma_wait3A_50] : memref<10240x128xf32, #tpu.memory_space<vmem_shared>> -> memref<160x128xf32, #tpu.memory_space<vmem_shared>>
      %dma_wait3A_52 = arith.constant 0 : i32
      %dma_wait3A_53 = tpu.memref_slice %arg10[%add3A_30, %dma_wait3A_52] : memref<10240x128xf32, #tpu.memory_space<vmem_shared>> -> memref<160x128xf32, #tpu.memory_space<vmem_shared>>
      tpu.wait_dma2 semaphore(%run_scoped3A_45 : memref<!tpu.dma_semaphore, #tpu.memory_space<semaphore_mem>>) src(%dma_wait3A_53 : memref<160x128xf32, #tpu.memory_space<vmem_shared>>) dst(%arg9 : memref<160x128xf32, #tpu.memory_space<vmem>>)
      tpu.yield
    }) : () -> ()
    %add3A_31 = arith.constant 0 : i32
    %add3A_32 = arith.addi %mul3A_2, %add3A_31 : i32
    "tpu.region"() ({
      %run_scoped3A_45 = tpu.sem_alloc : memref<!tpu.dma_semaphore, #tpu.memory_space<semaphore_mem>>
      %dma_start3A_46 = arith.constant 0 : i32
      %dma_start3A_47 = tpu.memref_slice %arg5[%arg0, %add3A_32, %dma_start3A_46] : memref<2x10240x128xf32, #tpu.memory_space<hbm>> -> memref<1x160x128xf32, #tpu.memory_space<hbm>>
      %dma_start3A_48 = tpu.memref_squeeze %dma_start3A_47 : memref<1x160x128xf32, #tpu.memory_space<hbm>> -> memref<160x128xf32, #tpu.memory_space<hbm>>
      %dma_start3A_49 = arith.constant 0 : i32
      %dma_start3A_50 = tpu.memref_slice %arg5[%arg0, %add3A_32, %dma_start3A_49] : memref<2x10240x128xf32, #tpu.memory_space<hbm>> -> memref<1x160x128xf32, #tpu.memory_space<hbm>>
      %dma_start3A_51 = tpu.memref_squeeze %dma_start3A_50 : memref<1x160x128xf32, #tpu.memory_space<hbm>> -> memref<160x128xf32, #tpu.memory_space<hbm>>
      tpu.enqueue_dma source(%arg9 : memref<160x128xf32, #tpu.memory_space<vmem>>) target(%dma_start3A_51 : memref<160x128xf32, #tpu.memory_space<hbm>>) target_semaphore(%run_scoped3A_45 : memref<!tpu.dma_semaphore, #tpu.memory_space<semaphore_mem>>)
      %dma_wait3A_52 = arith.constant 0 : i32
      %dma_wait3A_53 = tpu.memref_slice %arg5[%arg0, %add3A_32, %dma_wait3A_52] : memref<2x10240x128xf32, #tpu.memory_space<hbm>> -> memref<1x160x128xf32, #tpu.memory_space<hbm>>
      %dma_wait3A_54 = tpu.memref_squeeze %dma_wait3A_53 : memref<1x160x128xf32, #tpu.memory_space<hbm>> -> memref<160x128xf32, #tpu.memory_space<hbm>>
      %dma_wait3A_55 = arith.constant 0 : i32
      %dma_wait3A_56 = tpu.memref_slice %arg5[%arg0, %add3A_32, %dma_wait3A_55] : memref<2x10240x128xf32, #tpu.memory_space<hbm>> -> memref<1x160x128xf32, #tpu.memory_space<hbm>>
      %dma_wait3A_57 = tpu.memref_squeeze %dma_wait3A_56 : memref<1x160x128xf32, #tpu.memory_space<hbm>> -> memref<160x128xf32, #tpu.memory_space<hbm>>
      tpu.wait_dma2 semaphore(%run_scoped3A_45 : memref<!tpu.dma_semaphore, #tpu.memory_space<semaphore_mem>>) src(%arg9 : memref<160x128xf32, #tpu.memory_space<vmem>>) dst(%dma_wait3A_57 : memref<160x128xf32, #tpu.memory_space<hbm>>)
      tpu.yield
    }) : () -> ()
    %add3A_33 = arith.constant 160 : i32
    %add3A_34 = arith.addi %mul3A_2, %add3A_33 : i32
    "tpu.region"() ({
      %run_scoped3A_45 = tpu.sem_alloc : memref<!tpu.dma_semaphore, #tpu.memory_space<semaphore_mem>>
      %dma_start3A_46 = arith.constant 0 : i32
      %dma_start3A_47 = tpu.memref_slice %arg10[%add3A_34, %dma_start3A_46] : memref<10240x128xf32, #tpu.memory_space<vmem_shared>> -> memref<160x128xf32, #tpu.memory_space<vmem_shared>>
      %dma_start3A_48 = arith.constant 0 : i32
      %dma_start3A_49 = tpu.memref_slice %arg10[%add3A_34, %dma_start3A_48] : memref<10240x128xf32, #tpu.memory_space<vmem_shared>> -> memref<160x128xf32, #tpu.memory_space<vmem_shared>>
      tpu.enqueue_dma source(%dma_start3A_49 : memref<160x128xf32, #tpu.memory_space<vmem_shared>>) target(%arg9 : memref<160x128xf32, #tpu.memory_space<vmem>>) target_semaphore(%run_scoped3A_45 : memref<!tpu.dma_semaphore, #tpu.memory_space<semaphore_mem>>)
      %dma_wait3A_50 = arith.constant 0 : i32
      %dma_wait3A_51 = tpu.memref_slice %arg10[%add3A_34, %dma_wait3A_50] : memref<10240x128xf32, #tpu.memory_space<vmem_shared>> -> memref<160x128xf32, #tpu.memory_space<vmem_shared>>
      %dma_wait3A_52 = arith.constant 0 : i32
      %dma_wait3A_53 = tpu.memref_slice %arg10[%add3A_34, %dma_wait3A_52] : memref<10240x128xf32, #tpu.memory_space<vmem_shared>> -> memref<160x128xf32, #tpu.memory_space<vmem_shared>>
      tpu.wait_dma2 semaphore(%run_scoped3A_45 : memref<!tpu.dma_semaphore, #tpu.memory_space<semaphore_mem>>) src(%dma_wait3A_53 : memref<160x128xf32, #tpu.memory_space<vmem_shared>>) dst(%arg9 : memref<160x128xf32, #tpu.memory_space<vmem>>)
      tpu.yield
    }) : () -> ()
    %add3A_35 = arith.constant 160 : i32
    %add3A_36 = arith.addi %mul3A_2, %add3A_35 : i32
    "tpu.region"() ({
      %run_scoped3A_45 = tpu.sem_alloc : memref<!tpu.dma_semaphore, #tpu.memory_space<semaphore_mem>>
      %dma_start3A_46 = arith.constant 0 : i32
      %dma_start3A_47 = tpu.memref_slice %arg5[%arg0, %add3A_36, %dma_start3A_46] : memref<2x10240x128xf32, #tpu.memory_space<hbm>> -> memref<1x160x128xf32, #tpu.memory_space<hbm>>
      %dma_start3A_48 = tpu.memref_squeeze %dma_start3A_47 : memref<1x160x128xf32, #tpu.memory_space<hbm>> -> memref<160x128xf32, #tpu.memory_space<hbm>>
      %dma_start3A_49 = arith.constant 0 : i32
      %dma_start3A_50 = tpu.memref_slice %arg5[%arg0, %add3A_36, %dma_start3A_49] : memref<2x10240x128xf32, #tpu.memory_space<hbm>> -> memref<1x160x128xf32, #tpu.memory_space<hbm>>
      %dma_start3A_51 = tpu.memref_squeeze %dma_start3A_50 : memref<1x160x128xf32, #tpu.memory_space<hbm>> -> memref<160x128xf32, #tpu.memory_space<hbm>>
      tpu.enqueue_dma source(%arg9 : memref<160x128xf32, #tpu.memory_space<vmem>>) target(%dma_start3A_51 : memref<160x128xf32, #tpu.memory_space<hbm>>) target_semaphore(%run_scoped3A_45 : memref<!tpu.dma_semaphore, #tpu.memory_space<semaphore_mem>>)
      %dma_wait3A_52 = arith.constant 0 : i32
      %dma_wait3A_53 = tpu.memref_slice %arg5[%arg0, %add3A_36, %dma_wait3A_52] : memref<2x10240x128xf32, #tpu.memory_space<hbm>> -> memref<1x160x128xf32, #tpu.memory_space<hbm>>
      %dma_wait3A_54 = tpu.memref_squeeze %dma_wait3A_53 : memref<1x160x128xf32, #tpu.memory_space<hbm>> -> memref<160x128xf32, #tpu.memory_space<hbm>>
      %dma_wait3A_55 = arith.constant 0 : i32
      %dma_wait3A_56 = tpu.memref_slice %arg5[%arg0, %add3A_36, %dma_wait3A_55] : memref<2x10240x128xf32, #tpu.memory_space<hbm>> -> memref<1x160x128xf32, #tpu.memory_space<hbm>>
      %dma_wait3A_57 = tpu.memref_squeeze %dma_wait3A_56 : memref<1x160x128xf32, #tpu.memory_space<hbm>> -> memref<160x128xf32, #tpu.memory_space<hbm>>
      tpu.wait_dma2 semaphore(%run_scoped3A_45 : memref<!tpu.dma_semaphore, #tpu.memory_space<semaphore_mem>>) src(%arg9 : memref<160x128xf32, #tpu.memory_space<vmem>>) dst(%dma_wait3A_57 : memref<160x128xf32, #tpu.memory_space<hbm>>)
      tpu.yield
    }) : () -> ()
    %add3A_37 = arith.constant 320 : i32
    %add3A_38 = arith.addi %mul3A_2, %add3A_37 : i32
    "tpu.region"() ({
      %run_scoped3A_45 = tpu.sem_alloc : memref<!tpu.dma_semaphore, #tpu.memory_space<semaphore_mem>>
      %dma_start3A_46 = arith.constant 0 : i32
      %dma_start3A_47 = tpu.memref_slice %arg10[%add3A_38, %dma_start3A_46] : memref<10240x128xf32, #tpu.memory_space<vmem_shared>> -> memref<160x128xf32, #tpu.memory_space<vmem_shared>>
      %dma_start3A_48 = arith.constant 0 : i32
      %dma_start3A_49 = tpu.memref_slice %arg10[%add3A_38, %dma_start3A_48] : memref<10240x128xf32, #tpu.memory_space<vmem_shared>> -> memref<160x128xf32, #tpu.memory_space<vmem_shared>>
      tpu.enqueue_dma source(%dma_start3A_49 : memref<160x128xf32, #tpu.memory_space<vmem_shared>>) target(%arg9 : memref<160x128xf32, #tpu.memory_space<vmem>>) target_semaphore(%run_scoped3A_45 : memref<!tpu.dma_semaphore, #tpu.memory_space<semaphore_mem>>)
      %dma_wait3A_50 = arith.constant 0 : i32
      %dma_wait3A_51 = tpu.memref_slice %arg10[%add3A_38, %dma_wait3A_50] : memref<10240x128xf32, #tpu.memory_space<vmem_shared>> -> memref<160x128xf32, #tpu.memory_space<vmem_shared>>
      %dma_wait3A_52 = arith.constant 0 : i32
      %dma_wait3A_53 = tpu.memref_slice %arg10[%add3A_38, %dma_wait3A_52] : memref<10240x128xf32, #tpu.memory_space<vmem_shared>> -> memref<160x128xf32, #tpu.memory_space<vmem_shared>>
      tpu.wait_dma2 semaphore(%run_scoped3A_45 : memref<!tpu.dma_semaphore, #tpu.memory_space<semaphore_mem>>) src(%dma_wait3A_53 : memref<160x128xf32, #tpu.memory_space<vmem_shared>>) dst(%arg9 : memref<160x128xf32, #tpu.memory_space<vmem>>)
      tpu.yield
    }) : () -> ()
    %add3A_39 = arith.constant 320 : i32
    %add3A_40 = arith.addi %mul3A_2, %add3A_39 : i32
    "tpu.region"() ({
      %run_scoped3A_45 = tpu.sem_alloc : memref<!tpu.dma_semaphore, #tpu.memory_space<semaphore_mem>>
      %dma_start3A_46 = arith.constant 0 : i32
      %dma_start3A_47 = tpu.memref_slice %arg5[%arg0, %add3A_40, %dma_start3A_46] : memref<2x10240x128xf32, #tpu.memory_space<hbm>> -> memref<1x160x128xf32, #tpu.memory_space<hbm>>
      %dma_start3A_48 = tpu.memref_squeeze %dma_start3A_47 : memref<1x160x128xf32, #tpu.memory_space<hbm>> -> memref<160x128xf32, #tpu.memory_space<hbm>>
      %dma_start3A_49 = arith.constant 0 : i32
      %dma_start3A_50 = tpu.memref_slice %arg5[%arg0, %add3A_40, %dma_start3A_49] : memref<2x10240x128xf32, #tpu.memory_space<hbm>> -> memref<1x160x128xf32, #tpu.memory_space<hbm>>
      %dma_start3A_51 = tpu.memref_squeeze %dma_start3A_50 : memref<1x160x128xf32, #tpu.memory_space<hbm>> -> memref<160x128xf32, #tpu.memory_space<hbm>>
      tpu.enqueue_dma source(%arg9 : memref<160x128xf32, #tpu.memory_space<vmem>>) target(%dma_start3A_51 : memref<160x128xf32, #tpu.memory_space<hbm>>) target_semaphore(%run_scoped3A_45 : memref<!tpu.dma_semaphore, #tpu.memory_space<semaphore_mem>>)
      %dma_wait3A_52 = arith.constant 0 : i32
      %dma_wait3A_53 = tpu.memref_slice %arg5[%arg0, %add3A_40, %dma_wait3A_52] : memref<2x10240x128xf32, #tpu.memory_space<hbm>> -> memref<1x160x128xf32, #tpu.memory_space<hbm>>
      %dma_wait3A_54 = tpu.memref_squeeze %dma_wait3A_53 : memref<1x160x128xf32, #tpu.memory_space<hbm>> -> memref<160x128xf32, #tpu.memory_space<hbm>>
      %dma_wait3A_55 = arith.constant 0 : i32
      %dma_wait3A_56 = tpu.memref_slice %arg5[%arg0, %add3A_40, %dma_wait3A_55] : memref<2x10240x128xf32, #tpu.memory_space<hbm>> -> memref<1x160x128xf32, #tpu.memory_space<hbm>>
      %dma_wait3A_57 = tpu.memref_squeeze %dma_wait3A_56 : memref<1x160x128xf32, #tpu.memory_space<hbm>> -> memref<160x128xf32, #tpu.memory_space<hbm>>
      tpu.wait_dma2 semaphore(%run_scoped3A_45 : memref<!tpu.dma_semaphore, #tpu.memory_space<semaphore_mem>>) src(%arg9 : memref<160x128xf32, #tpu.memory_space<vmem>>) dst(%dma_wait3A_57 : memref<160x128xf32, #tpu.memory_space<hbm>>)
      tpu.yield
    }) : () -> ()
    %add3A_41 = arith.constant 480 : i32
    %add3A_42 = arith.addi %mul3A_2, %add3A_41 : i32
    "tpu.region"() ({
      %run_scoped3A_45 = tpu.sem_alloc : memref<!tpu.dma_semaphore, #tpu.memory_space<semaphore_mem>>
      %dma_start3A_46 = arith.constant 0 : i32
      %dma_start3A_47 = tpu.memref_slice %arg10[%add3A_42, %dma_start3A_46] : memref<10240x128xf32, #tpu.memory_space<vmem_shared>> -> memref<160x128xf32, #tpu.memory_space<vmem_shared>>
      %dma_start3A_48 = arith.constant 0 : i32
      %dma_start3A_49 = tpu.memref_slice %arg10[%add3A_42, %dma_start3A_48] : memref<10240x128xf32, #tpu.memory_space<vmem_shared>> -> memref<160x128xf32, #tpu.memory_space<vmem_shared>>
      tpu.enqueue_dma source(%dma_start3A_49 : memref<160x128xf32, #tpu.memory_space<vmem_shared>>) target(%arg9 : memref<160x128xf32, #tpu.memory_space<vmem>>) target_semaphore(%run_scoped3A_45 : memref<!tpu.dma_semaphore, #tpu.memory_space<semaphore_mem>>)
      %dma_wait3A_50 = arith.constant 0 : i32
      %dma_wait3A_51 = tpu.memref_slice %arg10[%add3A_42, %dma_wait3A_50] : memref<10240x128xf32, #tpu.memory_space<vmem_shared>> -> memref<160x128xf32, #tpu.memory_space<vmem_shared>>
      %dma_wait3A_52 = arith.constant 0 : i32
      %dma_wait3A_53 = tpu.memref_slice %arg10[%add3A_42, %dma_wait3A_52] : memref<10240x128xf32, #tpu.memory_space<vmem_shared>> -> memref<160x128xf32, #tpu.memory_space<vmem_shared>>
      tpu.wait_dma2 semaphore(%run_scoped3A_45 : memref<!tpu.dma_semaphore, #tpu.memory_space<semaphore_mem>>) src(%dma_wait3A_53 : memref<160x128xf32, #tpu.memory_space<vmem_shared>>) dst(%arg9 : memref<160x128xf32, #tpu.memory_space<vmem>>)
      tpu.yield
    }) : () -> ()
    %add3A_43 = arith.constant 480 : i32
    %add3A_44 = arith.addi %mul3A_2, %add3A_43 : i32
    "tpu.region"() ({
      %run_scoped3A_45 = tpu.sem_alloc : memref<!tpu.dma_semaphore, #tpu.memory_space<semaphore_mem>>
      %dma_start3A_46 = arith.constant 0 : i32
      %dma_start3A_47 = tpu.memref_slice %arg5[%arg0, %add3A_44, %dma_start3A_46] : memref<2x10240x128xf32, #tpu.memory_space<hbm>> -> memref<1x160x128xf32, #tpu.memory_space<hbm>>
      %dma_start3A_48 = tpu.memref_squeeze %dma_start3A_47 : memref<1x160x128xf32, #tpu.memory_space<hbm>> -> memref<160x128xf32, #tpu.memory_space<hbm>>
      %dma_start3A_49 = arith.constant 0 : i32
      %dma_start3A_50 = tpu.memref_slice %arg5[%arg0, %add3A_44, %dma_start3A_49] : memref<2x10240x128xf32, #tpu.memory_space<hbm>> -> memref<1x160x128xf32, #tpu.memory_space<hbm>>
      %dma_start3A_51 = tpu.memref_squeeze %dma_start3A_50 : memref<1x160x128xf32, #tpu.memory_space<hbm>> -> memref<160x128xf32, #tpu.memory_space<hbm>>
      tpu.enqueue_dma source(%arg9 : memref<160x128xf32, #tpu.memory_space<vmem>>) target(%dma_start3A_51 : memref<160x128xf32, #tpu.memory_space<hbm>>) target_semaphore(%run_scoped3A_45 : memref<!tpu.dma_semaphore, #tpu.memory_space<semaphore_mem>>)
      %dma_wait3A_52 = arith.constant 0 : i32
      %dma_wait3A_53 = tpu.memref_slice %arg5[%arg0, %add3A_44, %dma_wait3A_52] : memref<2x10240x128xf32, #tpu.memory_space<hbm>> -> memref<1x160x128xf32, #tpu.memory_space<hbm>>
      %dma_wait3A_54 = tpu.memref_squeeze %dma_wait3A_53 : memref<1x160x128xf32, #tpu.memory_space<hbm>> -> memref<160x128xf32, #tpu.memory_space<hbm>>
      %dma_wait3A_55 = arith.constant 0 : i32
      %dma_wait3A_56 = tpu.memref_slice %arg5[%arg0, %add3A_44, %dma_wait3A_55] : memref<2x10240x128xf32, #tpu.memory_space<hbm>> -> memref<1x160x128xf32, #tpu.memory_space<hbm>>
      %dma_wait3A_57 = tpu.memref_squeeze %dma_wait3A_56 : memref<1x160x128xf32, #tpu.memory_space<hbm>> -> memref<160x128xf32, #tpu.memory_space<hbm>>
      tpu.wait_dma2 semaphore(%run_scoped3A_45 : memref<!tpu.dma_semaphore, #tpu.memory_space<semaphore_mem>>) src(%arg9 : memref<160x128xf32, #tpu.memory_space<vmem>>) dst(%dma_wait3A_57 : memref<160x128xf32, #tpu.memory_space<hbm>>)
      tpu.yield
    }) : () -> ()
    return
  }
}

#map = affine_map<(d0, d1) -> (0, 0)>
#map1 = affine_map<(d0, d1) -> (0, 0, 0)>
module attributes {stable_mosaic.version = 14 : i64} {
  func.func @k(%arg0: i32, %arg1: i32, %arg2: memref<10000x128xf32, #tpu.memory_space<hbm>>, %arg3: memref<32x125x80xi32, #tpu.memory_space<hbm>>, %arg4: memref<320000x128xf32, #tpu.memory_space<hbm>>, %arg5: memref<125x80xi32, #tpu.memory_space<vmem>>, %arg6: memref<80x128xf32, #tpu.memory_space<vmem>>, %arg7: memref<80x128xf32, #tpu.memory_space<vmem>>, %arg8: memref<!tpu.dma_semaphore, #tpu.memory_space<semaphore_mem>>, %arg9: memref<!tpu.dma_semaphore, #tpu.memory_space<semaphore_mem>>) attributes {dimension_semantics = [#tpu.dimension_semantics<core_parallel>, #tpu.dimension_semantics<subcore_parallel>], iteration_bounds = array<i64: 2, 16>, scalar_prefetch = 0 : i64, scratch_operands = 5 : i64, tpu.core_type = #tpu.core_type<sc_vector_subcore>, window_params = [{transform_indices = #map}, {transform_indices = #map1}, {transform_indices = #map}]} {
    %mul3A = arith.constant 2 : i32
    %mul3A_0 = arith.muli %arg1, %mul3A : i32
    %add3A = arith.addi %mul3A_0, %arg0 : i32
    %mul3A_1 = arith.constant 10000 : i32
    %mul3A_2 = arith.muli %add3A, %mul3A_1 : i32
    "tpu.region"() ({
      %run_scoped3A = tpu.sem_alloc : memref<!tpu.dma_semaphore, #tpu.memory_space<semaphore_mem>>
      %dma_start3A_22 = arith.constant 0 : i32
      %dma_start3A_23 = arith.constant 0 : i32
      %dma_start3A_24 = tpu.memref_slice %arg3[%add3A, %dma_start3A_22, %dma_start3A_23] : memref<32x125x80xi32, #tpu.memory_space<hbm>> -> memref<1x125x80xi32, #tpu.memory_space<hbm>>
      %dma_start3A_25 = tpu.memref_squeeze %dma_start3A_24 : memref<1x125x80xi32, #tpu.memory_space<hbm>> -> memref<125x80xi32, #tpu.memory_space<hbm>>
      %dma_start3A_26 = arith.constant 0 : i32
      %dma_start3A_27 = arith.constant 0 : i32
      %dma_start3A_28 = tpu.memref_slice %arg3[%add3A, %dma_start3A_26, %dma_start3A_27] : memref<32x125x80xi32, #tpu.memory_space<hbm>> -> memref<1x125x80xi32, #tpu.memory_space<hbm>>
      %dma_start3A_29 = tpu.memref_squeeze %dma_start3A_28 : memref<1x125x80xi32, #tpu.memory_space<hbm>> -> memref<125x80xi32, #tpu.memory_space<hbm>>
      tpu.enqueue_dma source(%dma_start3A_29 : memref<125x80xi32, #tpu.memory_space<hbm>>) target(%arg5 : memref<125x80xi32, #tpu.memory_space<vmem>>) target_semaphore(%run_scoped3A : memref<!tpu.dma_semaphore, #tpu.memory_space<semaphore_mem>>)
      %dma_wait3A_30 = arith.constant 0 : i32
      %dma_wait3A_31 = arith.constant 0 : i32
      %dma_wait3A_32 = tpu.memref_slice %arg3[%add3A, %dma_wait3A_30, %dma_wait3A_31] : memref<32x125x80xi32, #tpu.memory_space<hbm>> -> memref<1x125x80xi32, #tpu.memory_space<hbm>>
      %dma_wait3A_33 = tpu.memref_squeeze %dma_wait3A_32 : memref<1x125x80xi32, #tpu.memory_space<hbm>> -> memref<125x80xi32, #tpu.memory_space<hbm>>
      %dma_wait3A_34 = arith.constant 0 : i32
      %dma_wait3A_35 = arith.constant 0 : i32
      %dma_wait3A_36 = tpu.memref_slice %arg3[%add3A, %dma_wait3A_34, %dma_wait3A_35] : memref<32x125x80xi32, #tpu.memory_space<hbm>> -> memref<1x125x80xi32, #tpu.memory_space<hbm>>
      %dma_wait3A_37 = tpu.memref_squeeze %dma_wait3A_36 : memref<1x125x80xi32, #tpu.memory_space<hbm>> -> memref<125x80xi32, #tpu.memory_space<hbm>>
      tpu.wait_dma2 semaphore(%run_scoped3A : memref<!tpu.dma_semaphore, #tpu.memory_space<semaphore_mem>>) src(%dma_wait3A_37 : memref<125x80xi32, #tpu.memory_space<hbm>>) dst(%arg5 : memref<125x80xi32, #tpu.memory_space<vmem>>)
      tpu.yield
    }) : () -> ()
    %dma_start3A = arith.constant 0 : i32
    %dma_start3A_3 = arith.constant 0 : i32
    %dma_start3A_4 = tpu.memref_slice %arg5[%dma_start3A, %dma_start3A_3] : memref<125x80xi32, #tpu.memory_space<vmem>> -> memref<1x80xi32, #tpu.memory_space<vmem>>
    %dma_start3A_5 = tpu.memref_squeeze %dma_start3A_4 : memref<1x80xi32, #tpu.memory_space<vmem>> -> memref<80xi32, #tpu.memory_space<vmem>>
    %dma_start3A_6 = arith.constant 0 : i32
    %dma_start3A_7 = arith.constant 0 : i32
    %dma_start3A_8 = tpu.memref_slice %arg2[%dma_start3A_6, %dma_start3A_7] : memref<10000x128xf32, #tpu.memory_space<hbm>> -> memref<10000x128xf32, #tpu.memory_space<hbm>>
    tpu.enqueue_indirect_dma source(%dma_start3A_8 : memref<10000x128xf32, #tpu.memory_space<hbm>>) target(%arg6 : memref<80x128xf32, #tpu.memory_space<vmem>>) offsets(%dma_start3A_5 : memref<80xi32, #tpu.memory_space<vmem>>) semaphore(%arg8 : memref<!tpu.dma_semaphore, #tpu.memory_space<semaphore_mem>>)
    %scan3A = arith.constant 0 : i32
    %scan3A_9 = arith.constant 0 : i32
    %scan3A_10 = arith.constant 62 : i32
    %scan3A_11 = arith.addi %scan3A_9, %scan3A_10 : i32
    %scan3A_12 = arith.constant 1 : i32
    scf.for %scan3A_22 = %scan3A_9 to %scan3A_11 step %scan3A_12  : i32 {
      %mul3A_23 = arith.constant 2 : i32
      %mul3A_24 = arith.muli %mul3A_23, %scan3A_22 : i32
      %add3A_25 = arith.constant 1 : i32
      %add3A_26 = arith.addi %mul3A_24, %add3A_25 : i32
      %dma_start3A_27 = arith.constant 0 : i32
      %dma_start3A_28 = tpu.memref_slice %arg5[%add3A_26, %dma_start3A_27] : memref<125x80xi32, #tpu.memory_space<vmem>> -> memref<1x80xi32, #tpu.memory_space<vmem>>
      %dma_start3A_29 = tpu.memref_squeeze %dma_start3A_28 : memref<1x80xi32, #tpu.memory_space<vmem>> -> memref<80xi32, #tpu.memory_space<vmem>>
      %dma_start3A_30 = arith.constant 0 : i32
      %dma_start3A_31 = arith.constant 0 : i32
      %dma_start3A_32 = tpu.memref_slice %arg2[%dma_start3A_30, %dma_start3A_31] : memref<10000x128xf32, #tpu.memory_space<hbm>> -> memref<10000x128xf32, #tpu.memory_space<hbm>>
      tpu.enqueue_indirect_dma source(%dma_start3A_32 : memref<10000x128xf32, #tpu.memory_space<hbm>>) target(%arg7 : memref<80x128xf32, #tpu.memory_space<vmem>>) offsets(%dma_start3A_29 : memref<80xi32, #tpu.memory_space<vmem>>) semaphore(%arg9 : memref<!tpu.dma_semaphore, #tpu.memory_space<semaphore_mem>>)
      %dma_wait3A_33 = arith.constant 0 : i32
      %dma_wait3A_34 = arith.constant 0 : i32
      %dma_wait3A_35 = tpu.memref_slice %arg5[%dma_wait3A_33, %dma_wait3A_34] : memref<125x80xi32, #tpu.memory_space<vmem>> -> memref<1x80xi32, #tpu.memory_space<vmem>>
      %dma_wait3A_36 = tpu.memref_squeeze %dma_wait3A_35 : memref<1x80xi32, #tpu.memory_space<vmem>> -> memref<80xi32, #tpu.memory_space<vmem>>
      %dma_wait3A_37 = arith.constant 0 : i32
      %dma_wait3A_38 = arith.constant 0 : i32
      %dma_wait3A_39 = tpu.memref_slice %arg2[%dma_wait3A_37, %dma_wait3A_38] : memref<10000x128xf32, #tpu.memory_space<hbm>> -> memref<10000x128xf32, #tpu.memory_space<hbm>>
      tpu.wait_indirect_dma semaphore(%arg8 : memref<!tpu.dma_semaphore, #tpu.memory_space<semaphore_mem>>) src(%dma_wait3A_39 : memref<10000x128xf32, #tpu.memory_space<hbm>>) dst(%arg6 : memref<80x128xf32, #tpu.memory_space<vmem>>)
      %mul3A_40 = arith.constant 80 : i32
      %mul3A_41 = arith.muli %mul3A_24, %mul3A_40 : i32
      %add3A_42 = arith.addi %mul3A_2, %mul3A_41 : i32
      "tpu.region"() ({
        %run_scoped3A = tpu.sem_alloc : memref<!tpu.dma_semaphore, #tpu.memory_space<semaphore_mem>>
        %dma_start3A_63 = arith.constant 0 : i32
        %dma_start3A_64 = tpu.memref_slice %arg4[%add3A_42, %dma_start3A_63] : memref<320000x128xf32, #tpu.memory_space<hbm>> -> memref<80x128xf32, #tpu.memory_space<hbm>>
        %dma_start3A_65 = arith.constant 0 : i32
        %dma_start3A_66 = tpu.memref_slice %arg4[%add3A_42, %dma_start3A_65] : memref<320000x128xf32, #tpu.memory_space<hbm>> -> memref<80x128xf32, #tpu.memory_space<hbm>>
        tpu.enqueue_dma source(%arg6 : memref<80x128xf32, #tpu.memory_space<vmem>>) target(%dma_start3A_66 : memref<80x128xf32, #tpu.memory_space<hbm>>) target_semaphore(%run_scoped3A : memref<!tpu.dma_semaphore, #tpu.memory_space<semaphore_mem>>)
        %dma_wait3A_67 = arith.constant 0 : i32
        %dma_wait3A_68 = tpu.memref_slice %arg4[%add3A_42, %dma_wait3A_67] : memref<320000x128xf32, #tpu.memory_space<hbm>> -> memref<80x128xf32, #tpu.memory_space<hbm>>
        %dma_wait3A_69 = arith.constant 0 : i32
        %dma_wait3A_70 = tpu.memref_slice %arg4[%add3A_42, %dma_wait3A_69] : memref<320000x128xf32, #tpu.memory_space<hbm>> -> memref<80x128xf32, #tpu.memory_space<hbm>>
        tpu.wait_dma2 semaphore(%run_scoped3A : memref<!tpu.dma_semaphore, #tpu.memory_space<semaphore_mem>>) src(%arg6 : memref<80x128xf32, #tpu.memory_space<vmem>>) dst(%dma_wait3A_70 : memref<80x128xf32, #tpu.memory_space<hbm>>)
        tpu.yield
      }) : () -> ()
      %add3A_43 = arith.constant 2 : i32
      %add3A_44 = arith.addi %mul3A_24, %add3A_43 : i32
      %dma_start3A_45 = arith.constant 0 : i32
      %dma_start3A_46 = tpu.memref_slice %arg5[%add3A_44, %dma_start3A_45] : memref<125x80xi32, #tpu.memory_space<vmem>> -> memref<1x80xi32, #tpu.memory_space<vmem>>
      %dma_start3A_47 = tpu.memref_squeeze %dma_start3A_46 : memref<1x80xi32, #tpu.memory_space<vmem>> -> memref<80xi32, #tpu.memory_space<vmem>>
      %dma_start3A_48 = arith.constant 0 : i32
      %dma_start3A_49 = arith.constant 0 : i32
      %dma_start3A_50 = tpu.memref_slice %arg2[%dma_start3A_48, %dma_start3A_49] : memref<10000x128xf32, #tpu.memory_space<hbm>> -> memref<10000x128xf32, #tpu.memory_space<hbm>>
      tpu.enqueue_indirect_dma source(%dma_start3A_50 : memref<10000x128xf32, #tpu.memory_space<hbm>>) target(%arg6 : memref<80x128xf32, #tpu.memory_space<vmem>>) offsets(%dma_start3A_47 : memref<80xi32, #tpu.memory_space<vmem>>) semaphore(%arg8 : memref<!tpu.dma_semaphore, #tpu.memory_space<semaphore_mem>>)
      %dma_wait3A_51 = arith.constant 0 : i32
      %dma_wait3A_52 = arith.constant 0 : i32
      %dma_wait3A_53 = tpu.memref_slice %arg5[%dma_wait3A_51, %dma_wait3A_52] : memref<125x80xi32, #tpu.memory_space<vmem>> -> memref<1x80xi32, #tpu.memory_space<vmem>>
      %dma_wait3A_54 = tpu.memref_squeeze %dma_wait3A_53 : memref<1x80xi32, #tpu.memory_space<vmem>> -> memref<80xi32, #tpu.memory_space<vmem>>
      %dma_wait3A_55 = arith.constant 0 : i32
      %dma_wait3A_56 = arith.constant 0 : i32
      %dma_wait3A_57 = tpu.memref_slice %arg2[%dma_wait3A_55, %dma_wait3A_56] : memref<10000x128xf32, #tpu.memory_space<hbm>> -> memref<10000x128xf32, #tpu.memory_space<hbm>>
      tpu.wait_indirect_dma semaphore(%arg9 : memref<!tpu.dma_semaphore, #tpu.memory_space<semaphore_mem>>) src(%dma_wait3A_57 : memref<10000x128xf32, #tpu.memory_space<hbm>>) dst(%arg7 : memref<80x128xf32, #tpu.memory_space<vmem>>)
      %add3A_58 = arith.constant 1 : i32
      %add3A_59 = arith.addi %mul3A_24, %add3A_58 : i32
      %mul3A_60 = arith.constant 80 : i32
      %mul3A_61 = arith.muli %add3A_59, %mul3A_60 : i32
      %add3A_62 = arith.addi %mul3A_2, %mul3A_61 : i32
      "tpu.region"() ({
        %run_scoped3A = tpu.sem_alloc : memref<!tpu.dma_semaphore, #tpu.memory_space<semaphore_mem>>
        %dma_start3A_63 = arith.constant 0 : i32
        %dma_start3A_64 = tpu.memref_slice %arg4[%add3A_62, %dma_start3A_63] : memref<320000x128xf32, #tpu.memory_space<hbm>> -> memref<80x128xf32, #tpu.memory_space<hbm>>
        %dma_start3A_65 = arith.constant 0 : i32
        %dma_start3A_66 = tpu.memref_slice %arg4[%add3A_62, %dma_start3A_65] : memref<320000x128xf32, #tpu.memory_space<hbm>> -> memref<80x128xf32, #tpu.memory_space<hbm>>
        tpu.enqueue_dma source(%arg7 : memref<80x128xf32, #tpu.memory_space<vmem>>) target(%dma_start3A_66 : memref<80x128xf32, #tpu.memory_space<hbm>>) target_semaphore(%run_scoped3A : memref<!tpu.dma_semaphore, #tpu.memory_space<semaphore_mem>>)
        %dma_wait3A_67 = arith.constant 0 : i32
        %dma_wait3A_68 = tpu.memref_slice %arg4[%add3A_62, %dma_wait3A_67] : memref<320000x128xf32, #tpu.memory_space<hbm>> -> memref<80x128xf32, #tpu.memory_space<hbm>>
        %dma_wait3A_69 = arith.constant 0 : i32
        %dma_wait3A_70 = tpu.memref_slice %arg4[%add3A_62, %dma_wait3A_69] : memref<320000x128xf32, #tpu.memory_space<hbm>> -> memref<80x128xf32, #tpu.memory_space<hbm>>
        tpu.wait_dma2 semaphore(%run_scoped3A : memref<!tpu.dma_semaphore, #tpu.memory_space<semaphore_mem>>) src(%arg7 : memref<80x128xf32, #tpu.memory_space<vmem>>) dst(%dma_wait3A_70 : memref<80x128xf32, #tpu.memory_space<hbm>>)
        tpu.yield
      }) : () -> ()
    }
    %scan3A_13 = arith.constant 62 : i32
    %dma_wait3A = arith.constant 0 : i32
    %dma_wait3A_14 = arith.constant 0 : i32
    %dma_wait3A_15 = tpu.memref_slice %arg5[%dma_wait3A, %dma_wait3A_14] : memref<125x80xi32, #tpu.memory_space<vmem>> -> memref<1x80xi32, #tpu.memory_space<vmem>>
    %dma_wait3A_16 = tpu.memref_squeeze %dma_wait3A_15 : memref<1x80xi32, #tpu.memory_space<vmem>> -> memref<80xi32, #tpu.memory_space<vmem>>
    %dma_wait3A_17 = arith.constant 0 : i32
    %dma_wait3A_18 = arith.constant 0 : i32
    %dma_wait3A_19 = tpu.memref_slice %arg2[%dma_wait3A_17, %dma_wait3A_18] : memref<10000x128xf32, #tpu.memory_space<hbm>> -> memref<10000x128xf32, #tpu.memory_space<hbm>>
    tpu.wait_indirect_dma semaphore(%arg8 : memref<!tpu.dma_semaphore, #tpu.memory_space<semaphore_mem>>) src(%dma_wait3A_19 : memref<10000x128xf32, #tpu.memory_space<hbm>>) dst(%arg6 : memref<80x128xf32, #tpu.memory_space<vmem>>)
    %add3A_20 = arith.constant 9920 : i32
    %add3A_21 = arith.addi %mul3A_2, %add3A_20 : i32
    "tpu.region"() ({
      %run_scoped3A = tpu.sem_alloc : memref<!tpu.dma_semaphore, #tpu.memory_space<semaphore_mem>>
      %dma_start3A_22 = arith.constant 0 : i32
      %dma_start3A_23 = tpu.memref_slice %arg4[%add3A_21, %dma_start3A_22] : memref<320000x128xf32, #tpu.memory_space<hbm>> -> memref<80x128xf32, #tpu.memory_space<hbm>>
      %dma_start3A_24 = arith.constant 0 : i32
      %dma_start3A_25 = tpu.memref_slice %arg4[%add3A_21, %dma_start3A_24] : memref<320000x128xf32, #tpu.memory_space<hbm>> -> memref<80x128xf32, #tpu.memory_space<hbm>>
      tpu.enqueue_dma source(%arg6 : memref<80x128xf32, #tpu.memory_space<vmem>>) target(%dma_start3A_25 : memref<80x128xf32, #tpu.memory_space<hbm>>) target_semaphore(%run_scoped3A : memref<!tpu.dma_semaphore, #tpu.memory_space<semaphore_mem>>)
      %dma_wait3A_26 = arith.constant 0 : i32
      %dma_wait3A_27 = tpu.memref_slice %arg4[%add3A_21, %dma_wait3A_26] : memref<320000x128xf32, #tpu.memory_space<hbm>> -> memref<80x128xf32, #tpu.memory_space<hbm>>
      %dma_wait3A_28 = arith.constant 0 : i32
      %dma_wait3A_29 = tpu.memref_slice %arg4[%add3A_21, %dma_wait3A_28] : memref<320000x128xf32, #tpu.memory_space<hbm>> -> memref<80x128xf32, #tpu.memory_space<hbm>>
      tpu.wait_dma2 semaphore(%run_scoped3A : memref<!tpu.dma_semaphore, #tpu.memory_space<semaphore_mem>>) src(%arg6 : memref<80x128xf32, #tpu.memory_space<vmem>>) dst(%dma_wait3A_29 : memref<80x128xf32, #tpu.memory_space<hbm>>)
      tpu.yield
    }) : () -> ()
    return
  }
}

#map = affine_map<(d0, d1) -> (0, 0, 0)>
#map1 = affine_map<(d0, d1) -> (0, 0)>
module attributes {stable_mosaic.version = 14 : i64} {
  func.func @k(%arg0: i32, %arg1: i32, %arg2: memref<32x125x40xi32, #tpu.memory_space<hbm>>, %arg3: memref<160x128xf32, #tpu.memory_space<hbm>>, %arg4: memref<40x128xf32, #tpu.memory_space<hbm>>, %arg5: memref<2x10240x128xf32, #tpu.memory_space<hbm>>, %arg6: memref<125x40xi32, #tpu.memory_space<vmem>>, %arg7: memref<40x128xf32, #tpu.memory_space<vmem>>, %arg8: memref<160x128xf32, #tpu.memory_space<vmem>>, %arg9: memref<10240x128xf32, #tpu.memory_space<vmem_shared>>, %arg10: memref<!tpu.dma_semaphore, #tpu.memory_space<semaphore_mem>>) attributes {dimension_semantics = [#tpu.dimension_semantics<core_parallel>, #tpu.dimension_semantics<subcore_parallel>], iteration_bounds = array<i64: 2, 16>, scalar_prefetch = 0 : i64, scratch_operands = 5 : i64, tpu.core_type = #tpu.core_type<sc_vector_subcore>, window_params = [{transform_indices = #map}, {transform_indices = #map1}, {transform_indices = #map1}, {transform_indices = #map}]} {
    %mul3A = arith.constant 2 : i32
    %mul3A_0 = arith.muli %arg1, %mul3A : i32
    %add3A = arith.addi %mul3A_0, %arg0 : i32
    %mul3A_1 = arith.constant 640 : i32
    %mul3A_2 = arith.muli %arg1, %mul3A_1 : i32
    "tpu.region"() ({
      %run_scoped3A = tpu.sem_alloc : memref<!tpu.dma_semaphore, #tpu.memory_space<semaphore_mem>>
      tpu.enqueue_dma source(%arg3 : memref<160x128xf32, #tpu.memory_space<hbm>>) target(%arg8 : memref<160x128xf32, #tpu.memory_space<vmem>>) target_semaphore(%run_scoped3A : memref<!tpu.dma_semaphore, #tpu.memory_space<semaphore_mem>>)
      tpu.wait_dma2 semaphore(%run_scoped3A : memref<!tpu.dma_semaphore, #tpu.memory_space<semaphore_mem>>) src(%arg3 : memref<160x128xf32, #tpu.memory_space<hbm>>) dst(%arg8 : memref<160x128xf32, #tpu.memory_space<vmem>>)
      tpu.yield
    }) : () -> ()
    %add3A_3 = arith.constant 0 : i32
    %add3A_4 = arith.addi %mul3A_2, %add3A_3 : i32
    "tpu.region"() ({
      %run_scoped3A = tpu.sem_alloc : memref<!tpu.dma_semaphore, #tpu.memory_space<semaphore_mem>>
      %dma_start3A = arith.constant 0 : i32
      %dma_start3A_33 = tpu.memref_slice %arg9[%add3A_4, %dma_start3A] : memref<10240x128xf32, #tpu.memory_space<vmem_shared>> -> memref<160x128xf32, #tpu.memory_space<vmem_shared>>
      %dma_start3A_34 = arith.constant 0 : i32
      %dma_start3A_35 = tpu.memref_slice %arg9[%add3A_4, %dma_start3A_34] : memref<10240x128xf32, #tpu.memory_space<vmem_shared>> -> memref<160x128xf32, #tpu.memory_space<vmem_shared>>
      tpu.enqueue_dma source(%arg8 : memref<160x128xf32, #tpu.memory_space<vmem>>) target(%dma_start3A_35 : memref<160x128xf32, #tpu.memory_space<vmem_shared>>) target_semaphore(%run_scoped3A : memref<!tpu.dma_semaphore, #tpu.memory_space<semaphore_mem>>)
      %dma_wait3A = arith.constant 0 : i32
      %dma_wait3A_36 = tpu.memref_slice %arg9[%add3A_4, %dma_wait3A] : memref<10240x128xf32, #tpu.memory_space<vmem_shared>> -> memref<160x128xf32, #tpu.memory_space<vmem_shared>>
      %dma_wait3A_37 = arith.constant 0 : i32
      %dma_wait3A_38 = tpu.memref_slice %arg9[%add3A_4, %dma_wait3A_37] : memref<10240x128xf32, #tpu.memory_space<vmem_shared>> -> memref<160x128xf32, #tpu.memory_space<vmem_shared>>
      tpu.wait_dma2 semaphore(%run_scoped3A : memref<!tpu.dma_semaphore, #tpu.memory_space<semaphore_mem>>) src(%arg8 : memref<160x128xf32, #tpu.memory_space<vmem>>) dst(%dma_wait3A_38 : memref<160x128xf32, #tpu.memory_space<vmem_shared>>)
      tpu.yield
    }) : () -> ()
    %add3A_5 = arith.constant 160 : i32
    %add3A_6 = arith.addi %mul3A_2, %add3A_5 : i32
    "tpu.region"() ({
      %run_scoped3A = tpu.sem_alloc : memref<!tpu.dma_semaphore, #tpu.memory_space<semaphore_mem>>
      %dma_start3A = arith.constant 0 : i32
      %dma_start3A_33 = tpu.memref_slice %arg9[%add3A_6, %dma_start3A] : memref<10240x128xf32, #tpu.memory_space<vmem_shared>> -> memref<160x128xf32, #tpu.memory_space<vmem_shared>>
      %dma_start3A_34 = arith.constant 0 : i32
      %dma_start3A_35 = tpu.memref_slice %arg9[%add3A_6, %dma_start3A_34] : memref<10240x128xf32, #tpu.memory_space<vmem_shared>> -> memref<160x128xf32, #tpu.memory_space<vmem_shared>>
      tpu.enqueue_dma source(%arg8 : memref<160x128xf32, #tpu.memory_space<vmem>>) target(%dma_start3A_35 : memref<160x128xf32, #tpu.memory_space<vmem_shared>>) target_semaphore(%run_scoped3A : memref<!tpu.dma_semaphore, #tpu.memory_space<semaphore_mem>>)
      %dma_wait3A = arith.constant 0 : i32
      %dma_wait3A_36 = tpu.memref_slice %arg9[%add3A_6, %dma_wait3A] : memref<10240x128xf32, #tpu.memory_space<vmem_shared>> -> memref<160x128xf32, #tpu.memory_space<vmem_shared>>
      %dma_wait3A_37 = arith.constant 0 : i32
      %dma_wait3A_38 = tpu.memref_slice %arg9[%add3A_6, %dma_wait3A_37] : memref<10240x128xf32, #tpu.memory_space<vmem_shared>> -> memref<160x128xf32, #tpu.memory_space<vmem_shared>>
      tpu.wait_dma2 semaphore(%run_scoped3A : memref<!tpu.dma_semaphore, #tpu.memory_space<semaphore_mem>>) src(%arg8 : memref<160x128xf32, #tpu.memory_space<vmem>>) dst(%dma_wait3A_38 : memref<160x128xf32, #tpu.memory_space<vmem_shared>>)
      tpu.yield
    }) : () -> ()
    %add3A_7 = arith.constant 320 : i32
    %add3A_8 = arith.addi %mul3A_2, %add3A_7 : i32
    "tpu.region"() ({
      %run_scoped3A = tpu.sem_alloc : memref<!tpu.dma_semaphore, #tpu.memory_space<semaphore_mem>>
      %dma_start3A = arith.constant 0 : i32
      %dma_start3A_33 = tpu.memref_slice %arg9[%add3A_8, %dma_start3A] : memref<10240x128xf32, #tpu.memory_space<vmem_shared>> -> memref<160x128xf32, #tpu.memory_space<vmem_shared>>
      %dma_start3A_34 = arith.constant 0 : i32
      %dma_start3A_35 = tpu.memref_slice %arg9[%add3A_8, %dma_start3A_34] : memref<10240x128xf32, #tpu.memory_space<vmem_shared>> -> memref<160x128xf32, #tpu.memory_space<vmem_shared>>
      tpu.enqueue_dma source(%arg8 : memref<160x128xf32, #tpu.memory_space<vmem>>) target(%dma_start3A_35 : memref<160x128xf32, #tpu.memory_space<vmem_shared>>) target_semaphore(%run_scoped3A : memref<!tpu.dma_semaphore, #tpu.memory_space<semaphore_mem>>)
      %dma_wait3A = arith.constant 0 : i32
      %dma_wait3A_36 = tpu.memref_slice %arg9[%add3A_8, %dma_wait3A] : memref<10240x128xf32, #tpu.memory_space<vmem_shared>> -> memref<160x128xf32, #tpu.memory_space<vmem_shared>>
      %dma_wait3A_37 = arith.constant 0 : i32
      %dma_wait3A_38 = tpu.memref_slice %arg9[%add3A_8, %dma_wait3A_37] : memref<10240x128xf32, #tpu.memory_space<vmem_shared>> -> memref<160x128xf32, #tpu.memory_space<vmem_shared>>
      tpu.wait_dma2 semaphore(%run_scoped3A : memref<!tpu.dma_semaphore, #tpu.memory_space<semaphore_mem>>) src(%arg8 : memref<160x128xf32, #tpu.memory_space<vmem>>) dst(%dma_wait3A_38 : memref<160x128xf32, #tpu.memory_space<vmem_shared>>)
      tpu.yield
    }) : () -> ()
    %add3A_9 = arith.constant 480 : i32
    %add3A_10 = arith.addi %mul3A_2, %add3A_9 : i32
    "tpu.region"() ({
      %run_scoped3A = tpu.sem_alloc : memref<!tpu.dma_semaphore, #tpu.memory_space<semaphore_mem>>
      %dma_start3A = arith.constant 0 : i32
      %dma_start3A_33 = tpu.memref_slice %arg9[%add3A_10, %dma_start3A] : memref<10240x128xf32, #tpu.memory_space<vmem_shared>> -> memref<160x128xf32, #tpu.memory_space<vmem_shared>>
      %dma_start3A_34 = arith.constant 0 : i32
      %dma_start3A_35 = tpu.memref_slice %arg9[%add3A_10, %dma_start3A_34] : memref<10240x128xf32, #tpu.memory_space<vmem_shared>> -> memref<160x128xf32, #tpu.memory_space<vmem_shared>>
      tpu.enqueue_dma source(%arg8 : memref<160x128xf32, #tpu.memory_space<vmem>>) target(%dma_start3A_35 : memref<160x128xf32, #tpu.memory_space<vmem_shared>>) target_semaphore(%run_scoped3A : memref<!tpu.dma_semaphore, #tpu.memory_space<semaphore_mem>>)
      %dma_wait3A = arith.constant 0 : i32
      %dma_wait3A_36 = tpu.memref_slice %arg9[%add3A_10, %dma_wait3A] : memref<10240x128xf32, #tpu.memory_space<vmem_shared>> -> memref<160x128xf32, #tpu.memory_space<vmem_shared>>
      %dma_wait3A_37 = arith.constant 0 : i32
      %dma_wait3A_38 = tpu.memref_slice %arg9[%add3A_10, %dma_wait3A_37] : memref<10240x128xf32, #tpu.memory_space<vmem_shared>> -> memref<160x128xf32, #tpu.memory_space<vmem_shared>>
      tpu.wait_dma2 semaphore(%run_scoped3A : memref<!tpu.dma_semaphore, #tpu.memory_space<semaphore_mem>>) src(%arg8 : memref<160x128xf32, #tpu.memory_space<vmem>>) dst(%dma_wait3A_38 : memref<160x128xf32, #tpu.memory_space<vmem_shared>>)
      tpu.yield
    }) : () -> ()
    "tpu.region"() ({
      %run_scoped3A = tpu.sem_alloc : memref<!tpu.dma_semaphore, #tpu.memory_space<semaphore_mem>>
      %dma_start3A = arith.constant 0 : i32
      %dma_start3A_33 = arith.constant 0 : i32
      %dma_start3A_34 = tpu.memref_slice %arg2[%add3A, %dma_start3A, %dma_start3A_33] : memref<32x125x40xi32, #tpu.memory_space<hbm>> -> memref<1x125x40xi32, #tpu.memory_space<hbm>>
      %dma_start3A_35 = tpu.memref_squeeze %dma_start3A_34 : memref<1x125x40xi32, #tpu.memory_space<hbm>> -> memref<125x40xi32, #tpu.memory_space<hbm>>
      %dma_start3A_36 = arith.constant 0 : i32
      %dma_start3A_37 = arith.constant 0 : i32
      %dma_start3A_38 = tpu.memref_slice %arg2[%add3A, %dma_start3A_36, %dma_start3A_37] : memref<32x125x40xi32, #tpu.memory_space<hbm>> -> memref<1x125x40xi32, #tpu.memory_space<hbm>>
      %dma_start3A_39 = tpu.memref_squeeze %dma_start3A_38 : memref<1x125x40xi32, #tpu.memory_space<hbm>> -> memref<125x40xi32, #tpu.memory_space<hbm>>
      tpu.enqueue_dma source(%dma_start3A_39 : memref<125x40xi32, #tpu.memory_space<hbm>>) target(%arg6 : memref<125x40xi32, #tpu.memory_space<vmem>>) target_semaphore(%run_scoped3A : memref<!tpu.dma_semaphore, #tpu.memory_space<semaphore_mem>>)
      %dma_wait3A = arith.constant 0 : i32
      %dma_wait3A_40 = arith.constant 0 : i32
      %dma_wait3A_41 = tpu.memref_slice %arg2[%add3A, %dma_wait3A, %dma_wait3A_40] : memref<32x125x40xi32, #tpu.memory_space<hbm>> -> memref<1x125x40xi32, #tpu.memory_space<hbm>>
      %dma_wait3A_42 = tpu.memref_squeeze %dma_wait3A_41 : memref<1x125x40xi32, #tpu.memory_space<hbm>> -> memref<125x40xi32, #tpu.memory_space<hbm>>
      %dma_wait3A_43 = arith.constant 0 : i32
      %dma_wait3A_44 = arith.constant 0 : i32
      %dma_wait3A_45 = tpu.memref_slice %arg2[%add3A, %dma_wait3A_43, %dma_wait3A_44] : memref<32x125x40xi32, #tpu.memory_space<hbm>> -> memref<1x125x40xi32, #tpu.memory_space<hbm>>
      %dma_wait3A_46 = tpu.memref_squeeze %dma_wait3A_45 : memref<1x125x40xi32, #tpu.memory_space<hbm>> -> memref<125x40xi32, #tpu.memory_space<hbm>>
      tpu.wait_dma2 semaphore(%run_scoped3A : memref<!tpu.dma_semaphore, #tpu.memory_space<semaphore_mem>>) src(%dma_wait3A_46 : memref<125x40xi32, #tpu.memory_space<hbm>>) dst(%arg6 : memref<125x40xi32, #tpu.memory_space<vmem>>)
      tpu.yield
    }) : () -> ()
    "tpu.region"() ({
      %run_scoped3A = tpu.sem_alloc : memref<!tpu.dma_semaphore, #tpu.memory_space<semaphore_mem>>
      tpu.enqueue_dma source(%arg4 : memref<40x128xf32, #tpu.memory_space<hbm>>) target(%arg7 : memref<40x128xf32, #tpu.memory_space<vmem>>) target_semaphore(%run_scoped3A : memref<!tpu.dma_semaphore, #tpu.memory_space<semaphore_mem>>)
      tpu.wait_dma2 semaphore(%run_scoped3A : memref<!tpu.dma_semaphore, #tpu.memory_space<semaphore_mem>>) src(%arg4 : memref<40x128xf32, #tpu.memory_space<hbm>>) dst(%arg7 : memref<40x128xf32, #tpu.memory_space<vmem>>)
      tpu.yield
    }) : () -> ()
    %barrier3A = arith.constant 0 : index
    tpu.barrier barrier_id(%barrier3A)
    %scan3A = arith.constant 0 : i32
    %scan3A_11 = arith.constant 0 : i32
    %scan3A_12 = arith.constant 125 : i32
    %scan3A_13 = arith.addi %scan3A_11, %scan3A_12 : i32
    %scan3A_14 = arith.constant 1 : i32
    scf.for %scan3A_33 = %scan3A_11 to %scan3A_13 step %scan3A_14  : i32 {
      "tpu.region"() ({
        %run_scoped3A = tpu.sem_alloc : memref<!tpu.dma_semaphore, #tpu.memory_space<semaphore_mem>>
        %dma_start3A = arith.constant 0 : i32
        %dma_start3A_34 = tpu.memref_slice %arg6[%scan3A_33, %dma_start3A] : memref<125x40xi32, #tpu.memory_space<vmem>> -> memref<1x40xi32, #tpu.memory_space<vmem>>
        %dma_start3A_35 = tpu.memref_squeeze %dma_start3A_34 : memref<1x40xi32, #tpu.memory_space<vmem>> -> memref<40xi32, #tpu.memory_space<vmem>>
        %dma_start3A_36 = arith.constant 0 : i32
        %dma_start3A_37 = arith.constant 0 : i32
        %dma_start3A_38 = tpu.memref_slice %arg9[%dma_start3A_36, %dma_start3A_37] : memref<10240x128xf32, #tpu.memory_space<vmem_shared>> -> memref<10240x128xf32, #tpu.memory_space<vmem_shared>>
        tpu.enqueue_indirect_dma source(%arg7 : memref<40x128xf32, #tpu.memory_space<vmem>>) target(%dma_start3A_38 : memref<10240x128xf32, #tpu.memory_space<vmem_shared>>) offsets(%dma_start3A_35 : memref<40xi32, #tpu.memory_space<vmem>>) semaphore(%run_scoped3A : memref<!tpu.dma_semaphore, #tpu.memory_space<semaphore_mem>>) {add = true}
        %dma_wait3A = arith.constant 0 : i32
        %dma_wait3A_39 = tpu.memref_slice %arg6[%scan3A_33, %dma_wait3A] : memref<125x40xi32, #tpu.memory_space<vmem>> -> memref<1x40xi32, #tpu.memory_space<vmem>>
        %dma_wait3A_40 = tpu.memref_squeeze %dma_wait3A_39 : memref<1x40xi32, #tpu.memory_space<vmem>> -> memref<40xi32, #tpu.memory_space<vmem>>
        %dma_wait3A_41 = arith.constant 0 : i32
        %dma_wait3A_42 = arith.constant 0 : i32
        %dma_wait3A_43 = tpu.memref_slice %arg9[%dma_wait3A_41, %dma_wait3A_42] : memref<10240x128xf32, #tpu.memory_space<vmem_shared>> -> memref<10240x128xf32, #tpu.memory_space<vmem_shared>>
        tpu.wait_indirect_dma semaphore(%run_scoped3A : memref<!tpu.dma_semaphore, #tpu.memory_space<semaphore_mem>>) src(%arg7 : memref<40x128xf32, #tpu.memory_space<vmem>>) dst(%dma_wait3A_43 : memref<10240x128xf32, #tpu.memory_space<vmem_shared>>)
        tpu.yield
      }) : () -> ()
    }
    %scan3A_15 = arith.constant 125 : i32
    %barrier3A_16 = arith.constant 0 : index
    tpu.barrier barrier_id(%barrier3A_16)
    %add3A_17 = arith.constant 0 : i32
    %add3A_18 = arith.addi %mul3A_2, %add3A_17 : i32
    "tpu.region"() ({
      %run_scoped3A = tpu.sem_alloc : memref<!tpu.dma_semaphore, #tpu.memory_space<semaphore_mem>>
      %dma_start3A = arith.constant 0 : i32
      %dma_start3A_33 = tpu.memref_slice %arg9[%add3A_18, %dma_start3A] : memref<10240x128xf32, #tpu.memory_space<vmem_shared>> -> memref<160x128xf32, #tpu.memory_space<vmem_shared>>
      %dma_start3A_34 = arith.constant 0 : i32
      %dma_start3A_35 = tpu.memref_slice %arg9[%add3A_18, %dma_start3A_34] : memref<10240x128xf32, #tpu.memory_space<vmem_shared>> -> memref<160x128xf32, #tpu.memory_space<vmem_shared>>
      tpu.enqueue_dma source(%dma_start3A_35 : memref<160x128xf32, #tpu.memory_space<vmem_shared>>) target(%arg8 : memref<160x128xf32, #tpu.memory_space<vmem>>) target_semaphore(%run_scoped3A : memref<!tpu.dma_semaphore, #tpu.memory_space<semaphore_mem>>)
      %dma_wait3A = arith.constant 0 : i32
      %dma_wait3A_36 = tpu.memref_slice %arg9[%add3A_18, %dma_wait3A] : memref<10240x128xf32, #tpu.memory_space<vmem_shared>> -> memref<160x128xf32, #tpu.memory_space<vmem_shared>>
      %dma_wait3A_37 = arith.constant 0 : i32
      %dma_wait3A_38 = tpu.memref_slice %arg9[%add3A_18, %dma_wait3A_37] : memref<10240x128xf32, #tpu.memory_space<vmem_shared>> -> memref<160x128xf32, #tpu.memory_space<vmem_shared>>
      tpu.wait_dma2 semaphore(%run_scoped3A : memref<!tpu.dma_semaphore, #tpu.memory_space<semaphore_mem>>) src(%dma_wait3A_38 : memref<160x128xf32, #tpu.memory_space<vmem_shared>>) dst(%arg8 : memref<160x128xf32, #tpu.memory_space<vmem>>)
      tpu.yield
    }) : () -> ()
    %add3A_19 = arith.constant 0 : i32
    %add3A_20 = arith.addi %mul3A_2, %add3A_19 : i32
    "tpu.region"() ({
      %run_scoped3A = tpu.sem_alloc : memref<!tpu.dma_semaphore, #tpu.memory_space<semaphore_mem>>
      %dma_start3A = arith.constant 0 : i32
      %dma_start3A_33 = tpu.memref_slice %arg5[%arg0, %add3A_20, %dma_start3A] : memref<2x10240x128xf32, #tpu.memory_space<hbm>> -> memref<1x160x128xf32, #tpu.memory_space<hbm>>
      %dma_start3A_34 = tpu.memref_squeeze %dma_start3A_33 : memref<1x160x128xf32, #tpu.memory_space<hbm>> -> memref<160x128xf32, #tpu.memory_space<hbm>>
      %dma_start3A_35 = arith.constant 0 : i32
      %dma_start3A_36 = tpu.memref_slice %arg5[%arg0, %add3A_20, %dma_start3A_35] : memref<2x10240x128xf32, #tpu.memory_space<hbm>> -> memref<1x160x128xf32, #tpu.memory_space<hbm>>
      %dma_start3A_37 = tpu.memref_squeeze %dma_start3A_36 : memref<1x160x128xf32, #tpu.memory_space<hbm>> -> memref<160x128xf32, #tpu.memory_space<hbm>>
      tpu.enqueue_dma source(%arg8 : memref<160x128xf32, #tpu.memory_space<vmem>>) target(%dma_start3A_37 : memref<160x128xf32, #tpu.memory_space<hbm>>) target_semaphore(%run_scoped3A : memref<!tpu.dma_semaphore, #tpu.memory_space<semaphore_mem>>)
      %dma_wait3A = arith.constant 0 : i32
      %dma_wait3A_38 = tpu.memref_slice %arg5[%arg0, %add3A_20, %dma_wait3A] : memref<2x10240x128xf32, #tpu.memory_space<hbm>> -> memref<1x160x128xf32, #tpu.memory_space<hbm>>
      %dma_wait3A_39 = tpu.memref_squeeze %dma_wait3A_38 : memref<1x160x128xf32, #tpu.memory_space<hbm>> -> memref<160x128xf32, #tpu.memory_space<hbm>>
      %dma_wait3A_40 = arith.constant 0 : i32
      %dma_wait3A_41 = tpu.memref_slice %arg5[%arg0, %add3A_20, %dma_wait3A_40] : memref<2x10240x128xf32, #tpu.memory_space<hbm>> -> memref<1x160x128xf32, #tpu.memory_space<hbm>>
      %dma_wait3A_42 = tpu.memref_squeeze %dma_wait3A_41 : memref<1x160x128xf32, #tpu.memory_space<hbm>> -> memref<160x128xf32, #tpu.memory_space<hbm>>
      tpu.wait_dma2 semaphore(%run_scoped3A : memref<!tpu.dma_semaphore, #tpu.memory_space<semaphore_mem>>) src(%arg8 : memref<160x128xf32, #tpu.memory_space<vmem>>) dst(%dma_wait3A_42 : memref<160x128xf32, #tpu.memory_space<hbm>>)
      tpu.yield
    }) : () -> ()
    %add3A_21 = arith.constant 160 : i32
    %add3A_22 = arith.addi %mul3A_2, %add3A_21 : i32
    "tpu.region"() ({
      %run_scoped3A = tpu.sem_alloc : memref<!tpu.dma_semaphore, #tpu.memory_space<semaphore_mem>>
      %dma_start3A = arith.constant 0 : i32
      %dma_start3A_33 = tpu.memref_slice %arg9[%add3A_22, %dma_start3A] : memref<10240x128xf32, #tpu.memory_space<vmem_shared>> -> memref<160x128xf32, #tpu.memory_space<vmem_shared>>
      %dma_start3A_34 = arith.constant 0 : i32
      %dma_start3A_35 = tpu.memref_slice %arg9[%add3A_22, %dma_start3A_34] : memref<10240x128xf32, #tpu.memory_space<vmem_shared>> -> memref<160x128xf32, #tpu.memory_space<vmem_shared>>
      tpu.enqueue_dma source(%dma_start3A_35 : memref<160x128xf32, #tpu.memory_space<vmem_shared>>) target(%arg8 : memref<160x128xf32, #tpu.memory_space<vmem>>) target_semaphore(%run_scoped3A : memref<!tpu.dma_semaphore, #tpu.memory_space<semaphore_mem>>)
      %dma_wait3A = arith.constant 0 : i32
      %dma_wait3A_36 = tpu.memref_slice %arg9[%add3A_22, %dma_wait3A] : memref<10240x128xf32, #tpu.memory_space<vmem_shared>> -> memref<160x128xf32, #tpu.memory_space<vmem_shared>>
      %dma_wait3A_37 = arith.constant 0 : i32
      %dma_wait3A_38 = tpu.memref_slice %arg9[%add3A_22, %dma_wait3A_37] : memref<10240x128xf32, #tpu.memory_space<vmem_shared>> -> memref<160x128xf32, #tpu.memory_space<vmem_shared>>
      tpu.wait_dma2 semaphore(%run_scoped3A : memref<!tpu.dma_semaphore, #tpu.memory_space<semaphore_mem>>) src(%dma_wait3A_38 : memref<160x128xf32, #tpu.memory_space<vmem_shared>>) dst(%arg8 : memref<160x128xf32, #tpu.memory_space<vmem>>)
      tpu.yield
    }) : () -> ()
    %add3A_23 = arith.constant 160 : i32
    %add3A_24 = arith.addi %mul3A_2, %add3A_23 : i32
    "tpu.region"() ({
      %run_scoped3A = tpu.sem_alloc : memref<!tpu.dma_semaphore, #tpu.memory_space<semaphore_mem>>
      %dma_start3A = arith.constant 0 : i32
      %dma_start3A_33 = tpu.memref_slice %arg5[%arg0, %add3A_24, %dma_start3A] : memref<2x10240x128xf32, #tpu.memory_space<hbm>> -> memref<1x160x128xf32, #tpu.memory_space<hbm>>
      %dma_start3A_34 = tpu.memref_squeeze %dma_start3A_33 : memref<1x160x128xf32, #tpu.memory_space<hbm>> -> memref<160x128xf32, #tpu.memory_space<hbm>>
      %dma_start3A_35 = arith.constant 0 : i32
      %dma_start3A_36 = tpu.memref_slice %arg5[%arg0, %add3A_24, %dma_start3A_35] : memref<2x10240x128xf32, #tpu.memory_space<hbm>> -> memref<1x160x128xf32, #tpu.memory_space<hbm>>
      %dma_start3A_37 = tpu.memref_squeeze %dma_start3A_36 : memref<1x160x128xf32, #tpu.memory_space<hbm>> -> memref<160x128xf32, #tpu.memory_space<hbm>>
      tpu.enqueue_dma source(%arg8 : memref<160x128xf32, #tpu.memory_space<vmem>>) target(%dma_start3A_37 : memref<160x128xf32, #tpu.memory_space<hbm>>) target_semaphore(%run_scoped3A : memref<!tpu.dma_semaphore, #tpu.memory_space<semaphore_mem>>)
      %dma_wait3A = arith.constant 0 : i32
      %dma_wait3A_38 = tpu.memref_slice %arg5[%arg0, %add3A_24, %dma_wait3A] : memref<2x10240x128xf32, #tpu.memory_space<hbm>> -> memref<1x160x128xf32, #tpu.memory_space<hbm>>
      %dma_wait3A_39 = tpu.memref_squeeze %dma_wait3A_38 : memref<1x160x128xf32, #tpu.memory_space<hbm>> -> memref<160x128xf32, #tpu.memory_space<hbm>>
      %dma_wait3A_40 = arith.constant 0 : i32
      %dma_wait3A_41 = tpu.memref_slice %arg5[%arg0, %add3A_24, %dma_wait3A_40] : memref<2x10240x128xf32, #tpu.memory_space<hbm>> -> memref<1x160x128xf32, #tpu.memory_space<hbm>>
      %dma_wait3A_42 = tpu.memref_squeeze %dma_wait3A_41 : memref<1x160x128xf32, #tpu.memory_space<hbm>> -> memref<160x128xf32, #tpu.memory_space<hbm>>
      tpu.wait_dma2 semaphore(%run_scoped3A : memref<!tpu.dma_semaphore, #tpu.memory_space<semaphore_mem>>) src(%arg8 : memref<160x128xf32, #tpu.memory_space<vmem>>) dst(%dma_wait3A_42 : memref<160x128xf32, #tpu.memory_space<hbm>>)
      tpu.yield
    }) : () -> ()
    %add3A_25 = arith.constant 320 : i32
    %add3A_26 = arith.addi %mul3A_2, %add3A_25 : i32
    "tpu.region"() ({
      %run_scoped3A = tpu.sem_alloc : memref<!tpu.dma_semaphore, #tpu.memory_space<semaphore_mem>>
      %dma_start3A = arith.constant 0 : i32
      %dma_start3A_33 = tpu.memref_slice %arg9[%add3A_26, %dma_start3A] : memref<10240x128xf32, #tpu.memory_space<vmem_shared>> -> memref<160x128xf32, #tpu.memory_space<vmem_shared>>
      %dma_start3A_34 = arith.constant 0 : i32
      %dma_start3A_35 = tpu.memref_slice %arg9[%add3A_26, %dma_start3A_34] : memref<10240x128xf32, #tpu.memory_space<vmem_shared>> -> memref<160x128xf32, #tpu.memory_space<vmem_shared>>
      tpu.enqueue_dma source(%dma_start3A_35 : memref<160x128xf32, #tpu.memory_space<vmem_shared>>) target(%arg8 : memref<160x128xf32, #tpu.memory_space<vmem>>) target_semaphore(%run_scoped3A : memref<!tpu.dma_semaphore, #tpu.memory_space<semaphore_mem>>)
      %dma_wait3A = arith.constant 0 : i32
      %dma_wait3A_36 = tpu.memref_slice %arg9[%add3A_26, %dma_wait3A] : memref<10240x128xf32, #tpu.memory_space<vmem_shared>> -> memref<160x128xf32, #tpu.memory_space<vmem_shared>>
      %dma_wait3A_37 = arith.constant 0 : i32
      %dma_wait3A_38 = tpu.memref_slice %arg9[%add3A_26, %dma_wait3A_37] : memref<10240x128xf32, #tpu.memory_space<vmem_shared>> -> memref<160x128xf32, #tpu.memory_space<vmem_shared>>
      tpu.wait_dma2 semaphore(%run_scoped3A : memref<!tpu.dma_semaphore, #tpu.memory_space<semaphore_mem>>) src(%dma_wait3A_38 : memref<160x128xf32, #tpu.memory_space<vmem_shared>>) dst(%arg8 : memref<160x128xf32, #tpu.memory_space<vmem>>)
      tpu.yield
    }) : () -> ()
    %add3A_27 = arith.constant 320 : i32
    %add3A_28 = arith.addi %mul3A_2, %add3A_27 : i32
    "tpu.region"() ({
      %run_scoped3A = tpu.sem_alloc : memref<!tpu.dma_semaphore, #tpu.memory_space<semaphore_mem>>
      %dma_start3A = arith.constant 0 : i32
      %dma_start3A_33 = tpu.memref_slice %arg5[%arg0, %add3A_28, %dma_start3A] : memref<2x10240x128xf32, #tpu.memory_space<hbm>> -> memref<1x160x128xf32, #tpu.memory_space<hbm>>
      %dma_start3A_34 = tpu.memref_squeeze %dma_start3A_33 : memref<1x160x128xf32, #tpu.memory_space<hbm>> -> memref<160x128xf32, #tpu.memory_space<hbm>>
      %dma_start3A_35 = arith.constant 0 : i32
      %dma_start3A_36 = tpu.memref_slice %arg5[%arg0, %add3A_28, %dma_start3A_35] : memref<2x10240x128xf32, #tpu.memory_space<hbm>> -> memref<1x160x128xf32, #tpu.memory_space<hbm>>
      %dma_start3A_37 = tpu.memref_squeeze %dma_start3A_36 : memref<1x160x128xf32, #tpu.memory_space<hbm>> -> memref<160x128xf32, #tpu.memory_space<hbm>>
      tpu.enqueue_dma source(%arg8 : memref<160x128xf32, #tpu.memory_space<vmem>>) target(%dma_start3A_37 : memref<160x128xf32, #tpu.memory_space<hbm>>) target_semaphore(%run_scoped3A : memref<!tpu.dma_semaphore, #tpu.memory_space<semaphore_mem>>)
      %dma_wait3A = arith.constant 0 : i32
      %dma_wait3A_38 = tpu.memref_slice %arg5[%arg0, %add3A_28, %dma_wait3A] : memref<2x10240x128xf32, #tpu.memory_space<hbm>> -> memref<1x160x128xf32, #tpu.memory_space<hbm>>
      %dma_wait3A_39 = tpu.memref_squeeze %dma_wait3A_38 : memref<1x160x128xf32, #tpu.memory_space<hbm>> -> memref<160x128xf32, #tpu.memory_space<hbm>>
      %dma_wait3A_40 = arith.constant 0 : i32
      %dma_wait3A_41 = tpu.memref_slice %arg5[%arg0, %add3A_28, %dma_wait3A_40] : memref<2x10240x128xf32, #tpu.memory_space<hbm>> -> memref<1x160x128xf32, #tpu.memory_space<hbm>>
      %dma_wait3A_42 = tpu.memref_squeeze %dma_wait3A_41 : memref<1x160x128xf32, #tpu.memory_space<hbm>> -> memref<160x128xf32, #tpu.memory_space<hbm>>
      tpu.wait_dma2 semaphore(%run_scoped3A : memref<!tpu.dma_semaphore, #tpu.memory_space<semaphore_mem>>) src(%arg8 : memref<160x128xf32, #tpu.memory_space<vmem>>) dst(%dma_wait3A_42 : memref<160x128xf32, #tpu.memory_space<hbm>>)
      tpu.yield
    }) : () -> ()
    %add3A_29 = arith.constant 480 : i32
    %add3A_30 = arith.addi %mul3A_2, %add3A_29 : i32
    "tpu.region"() ({
      %run_scoped3A = tpu.sem_alloc : memref<!tpu.dma_semaphore, #tpu.memory_space<semaphore_mem>>
      %dma_start3A = arith.constant 0 : i32
      %dma_start3A_33 = tpu.memref_slice %arg9[%add3A_30, %dma_start3A] : memref<10240x128xf32, #tpu.memory_space<vmem_shared>> -> memref<160x128xf32, #tpu.memory_space<vmem_shared>>
      %dma_start3A_34 = arith.constant 0 : i32
      %dma_start3A_35 = tpu.memref_slice %arg9[%add3A_30, %dma_start3A_34] : memref<10240x128xf32, #tpu.memory_space<vmem_shared>> -> memref<160x128xf32, #tpu.memory_space<vmem_shared>>
      tpu.enqueue_dma source(%dma_start3A_35 : memref<160x128xf32, #tpu.memory_space<vmem_shared>>) target(%arg8 : memref<160x128xf32, #tpu.memory_space<vmem>>) target_semaphore(%run_scoped3A : memref<!tpu.dma_semaphore, #tpu.memory_space<semaphore_mem>>)
      %dma_wait3A = arith.constant 0 : i32
      %dma_wait3A_36 = tpu.memref_slice %arg9[%add3A_30, %dma_wait3A] : memref<10240x128xf32, #tpu.memory_space<vmem_shared>> -> memref<160x128xf32, #tpu.memory_space<vmem_shared>>
      %dma_wait3A_37 = arith.constant 0 : i32
      %dma_wait3A_38 = tpu.memref_slice %arg9[%add3A_30, %dma_wait3A_37] : memref<10240x128xf32, #tpu.memory_space<vmem_shared>> -> memref<160x128xf32, #tpu.memory_space<vmem_shared>>
      tpu.wait_dma2 semaphore(%run_scoped3A : memref<!tpu.dma_semaphore, #tpu.memory_space<semaphore_mem>>) src(%dma_wait3A_38 : memref<160x128xf32, #tpu.memory_space<vmem_shared>>) dst(%arg8 : memref<160x128xf32, #tpu.memory_space<vmem>>)
      tpu.yield
    }) : () -> ()
    %add3A_31 = arith.constant 480 : i32
    %add3A_32 = arith.addi %mul3A_2, %add3A_31 : i32
    "tpu.region"() ({
      %run_scoped3A = tpu.sem_alloc : memref<!tpu.dma_semaphore, #tpu.memory_space<semaphore_mem>>
      %dma_start3A = arith.constant 0 : i32
      %dma_start3A_33 = tpu.memref_slice %arg5[%arg0, %add3A_32, %dma_start3A] : memref<2x10240x128xf32, #tpu.memory_space<hbm>> -> memref<1x160x128xf32, #tpu.memory_space<hbm>>
      %dma_start3A_34 = tpu.memref_squeeze %dma_start3A_33 : memref<1x160x128xf32, #tpu.memory_space<hbm>> -> memref<160x128xf32, #tpu.memory_space<hbm>>
      %dma_start3A_35 = arith.constant 0 : i32
      %dma_start3A_36 = tpu.memref_slice %arg5[%arg0, %add3A_32, %dma_start3A_35] : memref<2x10240x128xf32, #tpu.memory_space<hbm>> -> memref<1x160x128xf32, #tpu.memory_space<hbm>>
      %dma_start3A_37 = tpu.memref_squeeze %dma_start3A_36 : memref<1x160x128xf32, #tpu.memory_space<hbm>> -> memref<160x128xf32, #tpu.memory_space<hbm>>
      tpu.enqueue_dma source(%arg8 : memref<160x128xf32, #tpu.memory_space<vmem>>) target(%dma_start3A_37 : memref<160x128xf32, #tpu.memory_space<hbm>>) target_semaphore(%run_scoped3A : memref<!tpu.dma_semaphore, #tpu.memory_space<semaphore_mem>>)
      %dma_wait3A = arith.constant 0 : i32
      %dma_wait3A_38 = tpu.memref_slice %arg5[%arg0, %add3A_32, %dma_wait3A] : memref<2x10240x128xf32, #tpu.memory_space<hbm>> -> memref<1x160x128xf32, #tpu.memory_space<hbm>>
      %dma_wait3A_39 = tpu.memref_squeeze %dma_wait3A_38 : memref<1x160x128xf32, #tpu.memory_space<hbm>> -> memref<160x128xf32, #tpu.memory_space<hbm>>
      %dma_wait3A_40 = arith.constant 0 : i32
      %dma_wait3A_41 = tpu.memref_slice %arg5[%arg0, %add3A_32, %dma_wait3A_40] : memref<2x10240x128xf32, #tpu.memory_space<hbm>> -> memref<1x160x128xf32, #tpu.memory_space<hbm>>
      %dma_wait3A_42 = tpu.memref_squeeze %dma_wait3A_41 : memref<1x160x128xf32, #tpu.memory_space<hbm>> -> memref<160x128xf32, #tpu.memory_space<hbm>>
      tpu.wait_dma2 semaphore(%run_scoped3A : memref<!tpu.dma_semaphore, #tpu.memory_space<semaphore_mem>>) src(%arg8 : memref<160x128xf32, #tpu.memory_space<vmem>>) dst(%dma_wait3A_42 : memref<160x128xf32, #tpu.memory_space<hbm>>)
      tpu.yield
    }) : () -> ()
    return
  }
}

#map = affine_map<(d0, d1) -> (0, 0)>
#map1 = affine_map<(d0, d1) -> (0, 0, 0)>
module attributes {stable_mosaic.version = 14 : i64} {
  func.func @k(%arg0: i32, %arg1: i32, %arg2: memref<10000x128xf32, #tpu.memory_space<hbm>>, %arg3: memref<32x125x80xi32, #tpu.memory_space<hbm>>, %arg4: memref<320000x128xf32, #tpu.memory_space<hbm>>, %arg5: memref<125x80xi32, #tpu.memory_space<vmem>>, %arg6: memref<80x128xf32, #tpu.memory_space<vmem>>, %arg7: memref<80x128xf32, #tpu.memory_space<vmem>>, %arg8: memref<!tpu.dma_semaphore, #tpu.memory_space<semaphore_mem>>, %arg9: memref<!tpu.dma_semaphore, #tpu.memory_space<semaphore_mem>>) attributes {dimension_semantics = [#tpu.dimension_semantics<core_parallel>, #tpu.dimension_semantics<subcore_parallel>], iteration_bounds = array<i64: 2, 16>, scalar_prefetch = 0 : i64, scratch_operands = 5 : i64, tpu.core_type = #tpu.core_type<sc_vector_subcore>, window_params = [{transform_indices = #map}, {transform_indices = #map1}, {transform_indices = #map}]} {
    %mul3A = arith.constant 2 : i32
    %mul3A_0 = arith.muli %arg1, %mul3A : i32
    %add3A = arith.addi %mul3A_0, %arg0 : i32
    %mul3A_1 = arith.constant 10000 : i32
    %mul3A_2 = arith.muli %add3A, %mul3A_1 : i32
    "tpu.region"() ({
      %run_scoped3A = tpu.sem_alloc : memref<!tpu.dma_semaphore, #tpu.memory_space<semaphore_mem>>
      %dma_start3A_22 = arith.constant 0 : i32
      %dma_start3A_23 = arith.constant 0 : i32
      %dma_start3A_24 = tpu.memref_slice %arg3[%add3A, %dma_start3A_22, %dma_start3A_23] : memref<32x125x80xi32, #tpu.memory_space<hbm>> -> memref<1x125x80xi32, #tpu.memory_space<hbm>>
      %dma_start3A_25 = tpu.memref_squeeze %dma_start3A_24 : memref<1x125x80xi32, #tpu.memory_space<hbm>> -> memref<125x80xi32, #tpu.memory_space<hbm>>
      %dma_start3A_26 = arith.constant 0 : i32
      %dma_start3A_27 = arith.constant 0 : i32
      %dma_start3A_28 = tpu.memref_slice %arg3[%add3A, %dma_start3A_26, %dma_start3A_27] : memref<32x125x80xi32, #tpu.memory_space<hbm>> -> memref<1x125x80xi32, #tpu.memory_space<hbm>>
      %dma_start3A_29 = tpu.memref_squeeze %dma_start3A_28 : memref<1x125x80xi32, #tpu.memory_space<hbm>> -> memref<125x80xi32, #tpu.memory_space<hbm>>
      tpu.enqueue_dma source(%dma_start3A_29 : memref<125x80xi32, #tpu.memory_space<hbm>>) target(%arg5 : memref<125x80xi32, #tpu.memory_space<vmem>>) target_semaphore(%run_scoped3A : memref<!tpu.dma_semaphore, #tpu.memory_space<semaphore_mem>>)
      %dma_wait3A_30 = arith.constant 0 : i32
      %dma_wait3A_31 = arith.constant 0 : i32
      %dma_wait3A_32 = tpu.memref_slice %arg3[%add3A, %dma_wait3A_30, %dma_wait3A_31] : memref<32x125x80xi32, #tpu.memory_space<hbm>> -> memref<1x125x80xi32, #tpu.memory_space<hbm>>
      %dma_wait3A_33 = tpu.memref_squeeze %dma_wait3A_32 : memref<1x125x80xi32, #tpu.memory_space<hbm>> -> memref<125x80xi32, #tpu.memory_space<hbm>>
      %dma_wait3A_34 = arith.constant 0 : i32
      %dma_wait3A_35 = arith.constant 0 : i32
      %dma_wait3A_36 = tpu.memref_slice %arg3[%add3A, %dma_wait3A_34, %dma_wait3A_35] : memref<32x125x80xi32, #tpu.memory_space<hbm>> -> memref<1x125x80xi32, #tpu.memory_space<hbm>>
      %dma_wait3A_37 = tpu.memref_squeeze %dma_wait3A_36 : memref<1x125x80xi32, #tpu.memory_space<hbm>> -> memref<125x80xi32, #tpu.memory_space<hbm>>
      tpu.wait_dma2 semaphore(%run_scoped3A : memref<!tpu.dma_semaphore, #tpu.memory_space<semaphore_mem>>) src(%dma_wait3A_37 : memref<125x80xi32, #tpu.memory_space<hbm>>) dst(%arg5 : memref<125x80xi32, #tpu.memory_space<vmem>>)
      tpu.yield
    }) : () -> ()
    %dma_start3A = arith.constant 0 : i32
    %dma_start3A_3 = arith.constant 0 : i32
    %dma_start3A_4 = tpu.memref_slice %arg5[%dma_start3A, %dma_start3A_3] : memref<125x80xi32, #tpu.memory_space<vmem>> -> memref<1x80xi32, #tpu.memory_space<vmem>>
    %dma_start3A_5 = tpu.memref_squeeze %dma_start3A_4 : memref<1x80xi32, #tpu.memory_space<vmem>> -> memref<80xi32, #tpu.memory_space<vmem>>
    %dma_start3A_6 = arith.constant 0 : i32
    %dma_start3A_7 = arith.constant 0 : i32
    %dma_start3A_8 = tpu.memref_slice %arg2[%dma_start3A_6, %dma_start3A_7] : memref<10000x128xf32, #tpu.memory_space<hbm>> -> memref<10000x128xf32, #tpu.memory_space<hbm>>
    tpu.enqueue_indirect_dma source(%dma_start3A_8 : memref<10000x128xf32, #tpu.memory_space<hbm>>) target(%arg6 : memref<80x128xf32, #tpu.memory_space<vmem>>) offsets(%dma_start3A_5 : memref<80xi32, #tpu.memory_space<vmem>>) semaphore(%arg8 : memref<!tpu.dma_semaphore, #tpu.memory_space<semaphore_mem>>)
    %scan3A = arith.constant 0 : i32
    %scan3A_9 = arith.constant 0 : i32
    %scan3A_10 = arith.constant 62 : i32
    %scan3A_11 = arith.addi %scan3A_9, %scan3A_10 : i32
    %scan3A_12 = arith.constant 1 : i32
    scf.for %scan3A_22 = %scan3A_9 to %scan3A_11 step %scan3A_12  : i32 {
      %mul3A_23 = arith.constant 2 : i32
      %mul3A_24 = arith.muli %mul3A_23, %scan3A_22 : i32
      %add3A_25 = arith.constant 1 : i32
      %add3A_26 = arith.addi %mul3A_24, %add3A_25 : i32
      %dma_start3A_27 = arith.constant 0 : i32
      %dma_start3A_28 = tpu.memref_slice %arg5[%add3A_26, %dma_start3A_27] : memref<125x80xi32, #tpu.memory_space<vmem>> -> memref<1x80xi32, #tpu.memory_space<vmem>>
      %dma_start3A_29 = tpu.memref_squeeze %dma_start3A_28 : memref<1x80xi32, #tpu.memory_space<vmem>> -> memref<80xi32, #tpu.memory_space<vmem>>
      %dma_start3A_30 = arith.constant 0 : i32
      %dma_start3A_31 = arith.constant 0 : i32
      %dma_start3A_32 = tpu.memref_slice %arg2[%dma_start3A_30, %dma_start3A_31] : memref<10000x128xf32, #tpu.memory_space<hbm>> -> memref<10000x128xf32, #tpu.memory_space<hbm>>
      tpu.enqueue_indirect_dma source(%dma_start3A_32 : memref<10000x128xf32, #tpu.memory_space<hbm>>) target(%arg7 : memref<80x128xf32, #tpu.memory_space<vmem>>) offsets(%dma_start3A_29 : memref<80xi32, #tpu.memory_space<vmem>>) semaphore(%arg9 : memref<!tpu.dma_semaphore, #tpu.memory_space<semaphore_mem>>)
      %dma_wait3A_33 = arith.constant 0 : i32
      %dma_wait3A_34 = arith.constant 0 : i32
      %dma_wait3A_35 = tpu.memref_slice %arg5[%dma_wait3A_33, %dma_wait3A_34] : memref<125x80xi32, #tpu.memory_space<vmem>> -> memref<1x80xi32, #tpu.memory_space<vmem>>
      %dma_wait3A_36 = tpu.memref_squeeze %dma_wait3A_35 : memref<1x80xi32, #tpu.memory_space<vmem>> -> memref<80xi32, #tpu.memory_space<vmem>>
      %dma_wait3A_37 = arith.constant 0 : i32
      %dma_wait3A_38 = arith.constant 0 : i32
      %dma_wait3A_39 = tpu.memref_slice %arg2[%dma_wait3A_37, %dma_wait3A_38] : memref<10000x128xf32, #tpu.memory_space<hbm>> -> memref<10000x128xf32, #tpu.memory_space<hbm>>
      tpu.wait_indirect_dma semaphore(%arg8 : memref<!tpu.dma_semaphore, #tpu.memory_space<semaphore_mem>>) src(%dma_wait3A_39 : memref<10000x128xf32, #tpu.memory_space<hbm>>) dst(%arg6 : memref<80x128xf32, #tpu.memory_space<vmem>>)
      %mul3A_40 = arith.constant 80 : i32
      %mul3A_41 = arith.muli %mul3A_24, %mul3A_40 : i32
      %add3A_42 = arith.addi %mul3A_2, %mul3A_41 : i32
      "tpu.region"() ({
        %run_scoped3A = tpu.sem_alloc : memref<!tpu.dma_semaphore, #tpu.memory_space<semaphore_mem>>
        %dma_start3A_63 = arith.constant 0 : i32
        %dma_start3A_64 = tpu.memref_slice %arg4[%add3A_42, %dma_start3A_63] : memref<320000x128xf32, #tpu.memory_space<hbm>> -> memref<80x128xf32, #tpu.memory_space<hbm>>
        %dma_start3A_65 = arith.constant 0 : i32
        %dma_start3A_66 = tpu.memref_slice %arg4[%add3A_42, %dma_start3A_65] : memref<320000x128xf32, #tpu.memory_space<hbm>> -> memref<80x128xf32, #tpu.memory_space<hbm>>
        tpu.enqueue_dma source(%arg6 : memref<80x128xf32, #tpu.memory_space<vmem>>) target(%dma_start3A_66 : memref<80x128xf32, #tpu.memory_space<hbm>>) target_semaphore(%run_scoped3A : memref<!tpu.dma_semaphore, #tpu.memory_space<semaphore_mem>>)
        %dma_wait3A_67 = arith.constant 0 : i32
        %dma_wait3A_68 = tpu.memref_slice %arg4[%add3A_42, %dma_wait3A_67] : memref<320000x128xf32, #tpu.memory_space<hbm>> -> memref<80x128xf32, #tpu.memory_space<hbm>>
        %dma_wait3A_69 = arith.constant 0 : i32
        %dma_wait3A_70 = tpu.memref_slice %arg4[%add3A_42, %dma_wait3A_69] : memref<320000x128xf32, #tpu.memory_space<hbm>> -> memref<80x128xf32, #tpu.memory_space<hbm>>
        tpu.wait_dma2 semaphore(%run_scoped3A : memref<!tpu.dma_semaphore, #tpu.memory_space<semaphore_mem>>) src(%arg6 : memref<80x128xf32, #tpu.memory_space<vmem>>) dst(%dma_wait3A_70 : memref<80x128xf32, #tpu.memory_space<hbm>>)
        tpu.yield
      }) : () -> ()
      %add3A_43 = arith.constant 2 : i32
      %add3A_44 = arith.addi %mul3A_24, %add3A_43 : i32
      %dma_start3A_45 = arith.constant 0 : i32
      %dma_start3A_46 = tpu.memref_slice %arg5[%add3A_44, %dma_start3A_45] : memref<125x80xi32, #tpu.memory_space<vmem>> -> memref<1x80xi32, #tpu.memory_space<vmem>>
      %dma_start3A_47 = tpu.memref_squeeze %dma_start3A_46 : memref<1x80xi32, #tpu.memory_space<vmem>> -> memref<80xi32, #tpu.memory_space<vmem>>
      %dma_start3A_48 = arith.constant 0 : i32
      %dma_start3A_49 = arith.constant 0 : i32
      %dma_start3A_50 = tpu.memref_slice %arg2[%dma_start3A_48, %dma_start3A_49] : memref<10000x128xf32, #tpu.memory_space<hbm>> -> memref<10000x128xf32, #tpu.memory_space<hbm>>
      tpu.enqueue_indirect_dma source(%dma_start3A_50 : memref<10000x128xf32, #tpu.memory_space<hbm>>) target(%arg6 : memref<80x128xf32, #tpu.memory_space<vmem>>) offsets(%dma_start3A_47 : memref<80xi32, #tpu.memory_space<vmem>>) semaphore(%arg8 : memref<!tpu.dma_semaphore, #tpu.memory_space<semaphore_mem>>)
      %dma_wait3A_51 = arith.constant 0 : i32
      %dma_wait3A_52 = arith.constant 0 : i32
      %dma_wait3A_53 = tpu.memref_slice %arg5[%dma_wait3A_51, %dma_wait3A_52] : memref<125x80xi32, #tpu.memory_space<vmem>> -> memref<1x80xi32, #tpu.memory_space<vmem>>
      %dma_wait3A_54 = tpu.memref_squeeze %dma_wait3A_53 : memref<1x80xi32, #tpu.memory_space<vmem>> -> memref<80xi32, #tpu.memory_space<vmem>>
      %dma_wait3A_55 = arith.constant 0 : i32
      %dma_wait3A_56 = arith.constant 0 : i32
      %dma_wait3A_57 = tpu.memref_slice %arg2[%dma_wait3A_55, %dma_wait3A_56] : memref<10000x128xf32, #tpu.memory_space<hbm>> -> memref<10000x128xf32, #tpu.memory_space<hbm>>
      tpu.wait_indirect_dma semaphore(%arg9 : memref<!tpu.dma_semaphore, #tpu.memory_space<semaphore_mem>>) src(%dma_wait3A_57 : memref<10000x128xf32, #tpu.memory_space<hbm>>) dst(%arg7 : memref<80x128xf32, #tpu.memory_space<vmem>>)
      %add3A_58 = arith.constant 1 : i32
      %add3A_59 = arith.addi %mul3A_24, %add3A_58 : i32
      %mul3A_60 = arith.constant 80 : i32
      %mul3A_61 = arith.muli %add3A_59, %mul3A_60 : i32
      %add3A_62 = arith.addi %mul3A_2, %mul3A_61 : i32
      "tpu.region"() ({
        %run_scoped3A = tpu.sem_alloc : memref<!tpu.dma_semaphore, #tpu.memory_space<semaphore_mem>>
        %dma_start3A_63 = arith.constant 0 : i32
        %dma_start3A_64 = tpu.memref_slice %arg4[%add3A_62, %dma_start3A_63] : memref<320000x128xf32, #tpu.memory_space<hbm>> -> memref<80x128xf32, #tpu.memory_space<hbm>>
        %dma_start3A_65 = arith.constant 0 : i32
        %dma_start3A_66 = tpu.memref_slice %arg4[%add3A_62, %dma_start3A_65] : memref<320000x128xf32, #tpu.memory_space<hbm>> -> memref<80x128xf32, #tpu.memory_space<hbm>>
        tpu.enqueue_dma source(%arg7 : memref<80x128xf32, #tpu.memory_space<vmem>>) target(%dma_start3A_66 : memref<80x128xf32, #tpu.memory_space<hbm>>) target_semaphore(%run_scoped3A : memref<!tpu.dma_semaphore, #tpu.memory_space<semaphore_mem>>)
        %dma_wait3A_67 = arith.constant 0 : i32
        %dma_wait3A_68 = tpu.memref_slice %arg4[%add3A_62, %dma_wait3A_67] : memref<320000x128xf32, #tpu.memory_space<hbm>> -> memref<80x128xf32, #tpu.memory_space<hbm>>
        %dma_wait3A_69 = arith.constant 0 : i32
        %dma_wait3A_70 = tpu.memref_slice %arg4[%add3A_62, %dma_wait3A_69] : memref<320000x128xf32, #tpu.memory_space<hbm>> -> memref<80x128xf32, #tpu.memory_space<hbm>>
        tpu.wait_dma2 semaphore(%run_scoped3A : memref<!tpu.dma_semaphore, #tpu.memory_space<semaphore_mem>>) src(%arg7 : memref<80x128xf32, #tpu.memory_space<vmem>>) dst(%dma_wait3A_70 : memref<80x128xf32, #tpu.memory_space<hbm>>)
        tpu.yield
      }) : () -> ()
    }
    %scan3A_13 = arith.constant 62 : i32
    %dma_wait3A = arith.constant 0 : i32
    %dma_wait3A_14 = arith.constant 0 : i32
    %dma_wait3A_15 = tpu.memref_slice %arg5[%dma_wait3A, %dma_wait3A_14] : memref<125x80xi32, #tpu.memory_space<vmem>> -> memref<1x80xi32, #tpu.memory_space<vmem>>
    %dma_wait3A_16 = tpu.memref_squeeze %dma_wait3A_15 : memref<1x80xi32, #tpu.memory_space<vmem>> -> memref<80xi32, #tpu.memory_space<vmem>>
    %dma_wait3A_17 = arith.constant 0 : i32
    %dma_wait3A_18 = arith.constant 0 : i32
    %dma_wait3A_19 = tpu.memref_slice %arg2[%dma_wait3A_17, %dma_wait3A_18] : memref<10000x128xf32, #tpu.memory_space<hbm>> -> memref<10000x128xf32, #tpu.memory_space<hbm>>
    tpu.wait_indirect_dma semaphore(%arg8 : memref<!tpu.dma_semaphore, #tpu.memory_space<semaphore_mem>>) src(%dma_wait3A_19 : memref<10000x128xf32, #tpu.memory_space<hbm>>) dst(%arg6 : memref<80x128xf32, #tpu.memory_space<vmem>>)
    %add3A_20 = arith.constant 9920 : i32
    %add3A_21 = arith.addi %mul3A_2, %add3A_20 : i32
    "tpu.region"() ({
      %run_scoped3A = tpu.sem_alloc : memref<!tpu.dma_semaphore, #tpu.memory_space<semaphore_mem>>
      %dma_start3A_22 = arith.constant 0 : i32
      %dma_start3A_23 = tpu.memref_slice %arg4[%add3A_21, %dma_start3A_22] : memref<320000x128xf32, #tpu.memory_space<hbm>> -> memref<80x128xf32, #tpu.memory_space<hbm>>
      %dma_start3A_24 = arith.constant 0 : i32
      %dma_start3A_25 = tpu.memref_slice %arg4[%add3A_21, %dma_start3A_24] : memref<320000x128xf32, #tpu.memory_space<hbm>> -> memref<80x128xf32, #tpu.memory_space<hbm>>
      tpu.enqueue_dma source(%arg6 : memref<80x128xf32, #tpu.memory_space<vmem>>) target(%dma_start3A_25 : memref<80x128xf32, #tpu.memory_space<hbm>>) target_semaphore(%run_scoped3A : memref<!tpu.dma_semaphore, #tpu.memory_space<semaphore_mem>>)
      %dma_wait3A_26 = arith.constant 0 : i32
      %dma_wait3A_27 = tpu.memref_slice %arg4[%add3A_21, %dma_wait3A_26] : memref<320000x128xf32, #tpu.memory_space<hbm>> -> memref<80x128xf32, #tpu.memory_space<hbm>>
      %dma_wait3A_28 = arith.constant 0 : i32
      %dma_wait3A_29 = tpu.memref_slice %arg4[%add3A_21, %dma_wait3A_28] : memref<320000x128xf32, #tpu.memory_space<hbm>> -> memref<80x128xf32, #tpu.memory_space<hbm>>
      tpu.wait_dma2 semaphore(%run_scoped3A : memref<!tpu.dma_semaphore, #tpu.memory_space<semaphore_mem>>) src(%arg6 : memref<80x128xf32, #tpu.memory_space<vmem>>) dst(%dma_wait3A_29 : memref<80x128xf32, #tpu.memory_space<hbm>>)
      tpu.yield
    }) : () -> ()
    return
  }
}

#map = affine_map<(d0, d1) -> (0, 0)>
#map1 = affine_map<(d0, d1) -> (0, 0, 0)>
module attributes {stable_mosaic.version = 14 : i64} {
  func.func @k(%arg0: i32, %arg1: i32, %arg2: memref<160000x128xf32, #tpu.memory_space<hbm>>, %arg3: memref<32x125x40xi32, #tpu.memory_space<hbm>>, %arg4: memref<160x128xf32, #tpu.memory_space<hbm>>, %arg5: memref<2x10240x128xf32, #tpu.memory_space<hbm>>, %arg6: memref<125x40xi32, #tpu.memory_space<vmem>>, %arg7: memref<40x128xf32, #tpu.memory_space<vmem>>, %arg8: memref<40x128xf32, #tpu.memory_space<vmem>>, %arg9: memref<160x128xf32, #tpu.memory_space<vmem>>, %arg10: memref<10240x128xf32, #tpu.memory_space<vmem_shared>>, %arg11: memref<!tpu.dma_semaphore, #tpu.memory_space<semaphore_mem>>, %arg12: memref<!tpu.dma_semaphore, #tpu.memory_space<semaphore_mem>>) attributes {dimension_semantics = [#tpu.dimension_semantics<core_parallel>, #tpu.dimension_semantics<subcore_parallel>], iteration_bounds = array<i64: 2, 16>, scalar_prefetch = 0 : i64, scratch_operands = 7 : i64, tpu.core_type = #tpu.core_type<sc_vector_subcore>, window_params = [{transform_indices = #map}, {transform_indices = #map1}, {transform_indices = #map}, {transform_indices = #map1}]} {
    %mul3A = arith.constant 2 : i32
    %mul3A_0 = arith.muli %arg1, %mul3A : i32
    %add3A = arith.addi %mul3A_0, %arg0 : i32
    %mul3A_1 = arith.constant 640 : i32
    %mul3A_2 = arith.muli %arg1, %mul3A_1 : i32
    "tpu.region"() ({
      %run_scoped3A_45 = tpu.sem_alloc : memref<!tpu.dma_semaphore, #tpu.memory_space<semaphore_mem>>
      tpu.enqueue_dma source(%arg4 : memref<160x128xf32, #tpu.memory_space<hbm>>) target(%arg9 : memref<160x128xf32, #tpu.memory_space<vmem>>) target_semaphore(%run_scoped3A_45 : memref<!tpu.dma_semaphore, #tpu.memory_space<semaphore_mem>>)
      tpu.wait_dma2 semaphore(%run_scoped3A_45 : memref<!tpu.dma_semaphore, #tpu.memory_space<semaphore_mem>>) src(%arg4 : memref<160x128xf32, #tpu.memory_space<hbm>>) dst(%arg9 : memref<160x128xf32, #tpu.memory_space<vmem>>)
      tpu.yield
    }) : () -> ()
    %add3A_3 = arith.constant 0 : i32
    %add3A_4 = arith.addi %mul3A_2, %add3A_3 : i32
    "tpu.region"() ({
      %run_scoped3A_45 = tpu.sem_alloc : memref<!tpu.dma_semaphore, #tpu.memory_space<semaphore_mem>>
      %dma_start3A_46 = arith.constant 0 : i32
      %dma_start3A_47 = tpu.memref_slice %arg10[%add3A_4, %dma_start3A_46] : memref<10240x128xf32, #tpu.memory_space<vmem_shared>> -> memref<160x128xf32, #tpu.memory_space<vmem_shared>>
      %dma_start3A_48 = arith.constant 0 : i32
      %dma_start3A_49 = tpu.memref_slice %arg10[%add3A_4, %dma_start3A_48] : memref<10240x128xf32, #tpu.memory_space<vmem_shared>> -> memref<160x128xf32, #tpu.memory_space<vmem_shared>>
      tpu.enqueue_dma source(%arg9 : memref<160x128xf32, #tpu.memory_space<vmem>>) target(%dma_start3A_49 : memref<160x128xf32, #tpu.memory_space<vmem_shared>>) target_semaphore(%run_scoped3A_45 : memref<!tpu.dma_semaphore, #tpu.memory_space<semaphore_mem>>)
      %dma_wait3A_50 = arith.constant 0 : i32
      %dma_wait3A_51 = tpu.memref_slice %arg10[%add3A_4, %dma_wait3A_50] : memref<10240x128xf32, #tpu.memory_space<vmem_shared>> -> memref<160x128xf32, #tpu.memory_space<vmem_shared>>
      %dma_wait3A_52 = arith.constant 0 : i32
      %dma_wait3A_53 = tpu.memref_slice %arg10[%add3A_4, %dma_wait3A_52] : memref<10240x128xf32, #tpu.memory_space<vmem_shared>> -> memref<160x128xf32, #tpu.memory_space<vmem_shared>>
      tpu.wait_dma2 semaphore(%run_scoped3A_45 : memref<!tpu.dma_semaphore, #tpu.memory_space<semaphore_mem>>) src(%arg9 : memref<160x128xf32, #tpu.memory_space<vmem>>) dst(%dma_wait3A_53 : memref<160x128xf32, #tpu.memory_space<vmem_shared>>)
      tpu.yield
    }) : () -> ()
    %add3A_5 = arith.constant 160 : i32
    %add3A_6 = arith.addi %mul3A_2, %add3A_5 : i32
    "tpu.region"() ({
      %run_scoped3A_45 = tpu.sem_alloc : memref<!tpu.dma_semaphore, #tpu.memory_space<semaphore_mem>>
      %dma_start3A_46 = arith.constant 0 : i32
      %dma_start3A_47 = tpu.memref_slice %arg10[%add3A_6, %dma_start3A_46] : memref<10240x128xf32, #tpu.memory_space<vmem_shared>> -> memref<160x128xf32, #tpu.memory_space<vmem_shared>>
      %dma_start3A_48 = arith.constant 0 : i32
      %dma_start3A_49 = tpu.memref_slice %arg10[%add3A_6, %dma_start3A_48] : memref<10240x128xf32, #tpu.memory_space<vmem_shared>> -> memref<160x128xf32, #tpu.memory_space<vmem_shared>>
      tpu.enqueue_dma source(%arg9 : memref<160x128xf32, #tpu.memory_space<vmem>>) target(%dma_start3A_49 : memref<160x128xf32, #tpu.memory_space<vmem_shared>>) target_semaphore(%run_scoped3A_45 : memref<!tpu.dma_semaphore, #tpu.memory_space<semaphore_mem>>)
      %dma_wait3A_50 = arith.constant 0 : i32
      %dma_wait3A_51 = tpu.memref_slice %arg10[%add3A_6, %dma_wait3A_50] : memref<10240x128xf32, #tpu.memory_space<vmem_shared>> -> memref<160x128xf32, #tpu.memory_space<vmem_shared>>
      %dma_wait3A_52 = arith.constant 0 : i32
      %dma_wait3A_53 = tpu.memref_slice %arg10[%add3A_6, %dma_wait3A_52] : memref<10240x128xf32, #tpu.memory_space<vmem_shared>> -> memref<160x128xf32, #tpu.memory_space<vmem_shared>>
      tpu.wait_dma2 semaphore(%run_scoped3A_45 : memref<!tpu.dma_semaphore, #tpu.memory_space<semaphore_mem>>) src(%arg9 : memref<160x128xf32, #tpu.memory_space<vmem>>) dst(%dma_wait3A_53 : memref<160x128xf32, #tpu.memory_space<vmem_shared>>)
      tpu.yield
    }) : () -> ()
    %add3A_7 = arith.constant 320 : i32
    %add3A_8 = arith.addi %mul3A_2, %add3A_7 : i32
    "tpu.region"() ({
      %run_scoped3A_45 = tpu.sem_alloc : memref<!tpu.dma_semaphore, #tpu.memory_space<semaphore_mem>>
      %dma_start3A_46 = arith.constant 0 : i32
      %dma_start3A_47 = tpu.memref_slice %arg10[%add3A_8, %dma_start3A_46] : memref<10240x128xf32, #tpu.memory_space<vmem_shared>> -> memref<160x128xf32, #tpu.memory_space<vmem_shared>>
      %dma_start3A_48 = arith.constant 0 : i32
      %dma_start3A_49 = tpu.memref_slice %arg10[%add3A_8, %dma_start3A_48] : memref<10240x128xf32, #tpu.memory_space<vmem_shared>> -> memref<160x128xf32, #tpu.memory_space<vmem_shared>>
      tpu.enqueue_dma source(%arg9 : memref<160x128xf32, #tpu.memory_space<vmem>>) target(%dma_start3A_49 : memref<160x128xf32, #tpu.memory_space<vmem_shared>>) target_semaphore(%run_scoped3A_45 : memref<!tpu.dma_semaphore, #tpu.memory_space<semaphore_mem>>)
      %dma_wait3A_50 = arith.constant 0 : i32
      %dma_wait3A_51 = tpu.memref_slice %arg10[%add3A_8, %dma_wait3A_50] : memref<10240x128xf32, #tpu.memory_space<vmem_shared>> -> memref<160x128xf32, #tpu.memory_space<vmem_shared>>
      %dma_wait3A_52 = arith.constant 0 : i32
      %dma_wait3A_53 = tpu.memref_slice %arg10[%add3A_8, %dma_wait3A_52] : memref<10240x128xf32, #tpu.memory_space<vmem_shared>> -> memref<160x128xf32, #tpu.memory_space<vmem_shared>>
      tpu.wait_dma2 semaphore(%run_scoped3A_45 : memref<!tpu.dma_semaphore, #tpu.memory_space<semaphore_mem>>) src(%arg9 : memref<160x128xf32, #tpu.memory_space<vmem>>) dst(%dma_wait3A_53 : memref<160x128xf32, #tpu.memory_space<vmem_shared>>)
      tpu.yield
    }) : () -> ()
    %add3A_9 = arith.constant 480 : i32
    %add3A_10 = arith.addi %mul3A_2, %add3A_9 : i32
    "tpu.region"() ({
      %run_scoped3A_45 = tpu.sem_alloc : memref<!tpu.dma_semaphore, #tpu.memory_space<semaphore_mem>>
      %dma_start3A_46 = arith.constant 0 : i32
      %dma_start3A_47 = tpu.memref_slice %arg10[%add3A_10, %dma_start3A_46] : memref<10240x128xf32, #tpu.memory_space<vmem_shared>> -> memref<160x128xf32, #tpu.memory_space<vmem_shared>>
      %dma_start3A_48 = arith.constant 0 : i32
      %dma_start3A_49 = tpu.memref_slice %arg10[%add3A_10, %dma_start3A_48] : memref<10240x128xf32, #tpu.memory_space<vmem_shared>> -> memref<160x128xf32, #tpu.memory_space<vmem_shared>>
      tpu.enqueue_dma source(%arg9 : memref<160x128xf32, #tpu.memory_space<vmem>>) target(%dma_start3A_49 : memref<160x128xf32, #tpu.memory_space<vmem_shared>>) target_semaphore(%run_scoped3A_45 : memref<!tpu.dma_semaphore, #tpu.memory_space<semaphore_mem>>)
      %dma_wait3A_50 = arith.constant 0 : i32
      %dma_wait3A_51 = tpu.memref_slice %arg10[%add3A_10, %dma_wait3A_50] : memref<10240x128xf32, #tpu.memory_space<vmem_shared>> -> memref<160x128xf32, #tpu.memory_space<vmem_shared>>
      %dma_wait3A_52 = arith.constant 0 : i32
      %dma_wait3A_53 = tpu.memref_slice %arg10[%add3A_10, %dma_wait3A_52] : memref<10240x128xf32, #tpu.memory_space<vmem_shared>> -> memref<160x128xf32, #tpu.memory_space<vmem_shared>>
      tpu.wait_dma2 semaphore(%run_scoped3A_45 : memref<!tpu.dma_semaphore, #tpu.memory_space<semaphore_mem>>) src(%arg9 : memref<160x128xf32, #tpu.memory_space<vmem>>) dst(%dma_wait3A_53 : memref<160x128xf32, #tpu.memory_space<vmem_shared>>)
      tpu.yield
    }) : () -> ()
    "tpu.region"() ({
      %run_scoped3A_45 = tpu.sem_alloc : memref<!tpu.dma_semaphore, #tpu.memory_space<semaphore_mem>>
      %dma_start3A_46 = arith.constant 0 : i32
      %dma_start3A_47 = arith.constant 0 : i32
      %dma_start3A_48 = tpu.memref_slice %arg3[%add3A, %dma_start3A_46, %dma_start3A_47] : memref<32x125x40xi32, #tpu.memory_space<hbm>> -> memref<1x125x40xi32, #tpu.memory_space<hbm>>
      %dma_start3A_49 = tpu.memref_squeeze %dma_start3A_48 : memref<1x125x40xi32, #tpu.memory_space<hbm>> -> memref<125x40xi32, #tpu.memory_space<hbm>>
      %dma_start3A_50 = arith.constant 0 : i32
      %dma_start3A_51 = arith.constant 0 : i32
      %dma_start3A_52 = tpu.memref_slice %arg3[%add3A, %dma_start3A_50, %dma_start3A_51] : memref<32x125x40xi32, #tpu.memory_space<hbm>> -> memref<1x125x40xi32, #tpu.memory_space<hbm>>
      %dma_start3A_53 = tpu.memref_squeeze %dma_start3A_52 : memref<1x125x40xi32, #tpu.memory_space<hbm>> -> memref<125x40xi32, #tpu.memory_space<hbm>>
      tpu.enqueue_dma source(%dma_start3A_53 : memref<125x40xi32, #tpu.memory_space<hbm>>) target(%arg6 : memref<125x40xi32, #tpu.memory_space<vmem>>) target_semaphore(%run_scoped3A_45 : memref<!tpu.dma_semaphore, #tpu.memory_space<semaphore_mem>>)
      %dma_wait3A_54 = arith.constant 0 : i32
      %dma_wait3A_55 = arith.constant 0 : i32
      %dma_wait3A_56 = tpu.memref_slice %arg3[%add3A, %dma_wait3A_54, %dma_wait3A_55] : memref<32x125x40xi32, #tpu.memory_space<hbm>> -> memref<1x125x40xi32, #tpu.memory_space<hbm>>
      %dma_wait3A_57 = tpu.memref_squeeze %dma_wait3A_56 : memref<1x125x40xi32, #tpu.memory_space<hbm>> -> memref<125x40xi32, #tpu.memory_space<hbm>>
      %dma_wait3A_58 = arith.constant 0 : i32
      %dma_wait3A_59 = arith.constant 0 : i32
      %dma_wait3A_60 = tpu.memref_slice %arg3[%add3A, %dma_wait3A_58, %dma_wait3A_59] : memref<32x125x40xi32, #tpu.memory_space<hbm>> -> memref<1x125x40xi32, #tpu.memory_space<hbm>>
      %dma_wait3A_61 = tpu.memref_squeeze %dma_wait3A_60 : memref<1x125x40xi32, #tpu.memory_space<hbm>> -> memref<125x40xi32, #tpu.memory_space<hbm>>
      tpu.wait_dma2 semaphore(%run_scoped3A_45 : memref<!tpu.dma_semaphore, #tpu.memory_space<semaphore_mem>>) src(%dma_wait3A_61 : memref<125x40xi32, #tpu.memory_space<hbm>>) dst(%arg6 : memref<125x40xi32, #tpu.memory_space<vmem>>)
      tpu.yield
    }) : () -> ()
    %barrier3A = arith.constant 0 : index
    tpu.barrier barrier_id(%barrier3A)
    %mul3A_11 = arith.constant 5000 : i32
    %mul3A_12 = arith.muli %add3A, %mul3A_11 : i32
    %add3A_13 = arith.constant 0 : i32
    %add3A_14 = arith.addi %mul3A_12, %add3A_13 : i32
    %dma_start3A = arith.constant 0 : i32
    %dma_start3A_15 = tpu.memref_slice %arg2[%add3A_14, %dma_start3A] : memref<160000x128xf32, #tpu.memory_space<hbm>> -> memref<40x128xf32, #tpu.memory_space<hbm>>
    %dma_start3A_16 = arith.constant 0 : i32
    %dma_start3A_17 = tpu.memref_slice %arg2[%add3A_14, %dma_start3A_16] : memref<160000x128xf32, #tpu.memory_space<hbm>> -> memref<40x128xf32, #tpu.memory_space<hbm>>
    tpu.enqueue_dma source(%dma_start3A_17 : memref<40x128xf32, #tpu.memory_space<hbm>>) target(%arg7 : memref<40x128xf32, #tpu.memory_space<vmem>>) target_semaphore(%arg11 : memref<!tpu.dma_semaphore, #tpu.memory_space<semaphore_mem>>)
    %scan3A = arith.constant 0 : i32
    %scan3A_18 = arith.constant 0 : i32
    %scan3A_19 = arith.constant 62 : i32
    %scan3A_20 = arith.addi %scan3A_18, %scan3A_19 : i32
    %scan3A_21 = arith.constant 1 : i32
    scf.for %scan3A_45 = %scan3A_18 to %scan3A_20 step %scan3A_21  : i32 {
      %mul3A_46 = arith.constant 2 : i32
      %mul3A_47 = arith.muli %mul3A_46, %scan3A_45 : i32
      %add3A_48 = arith.constant 1 : i32
      %add3A_49 = arith.addi %mul3A_47, %add3A_48 : i32
      %mul3A_50 = arith.constant 40 : i32
      %mul3A_51 = arith.muli %add3A_49, %mul3A_50 : i32
      %add3A_52 = arith.addi %mul3A_12, %mul3A_51 : i32
      %dma_start3A_53 = arith.constant 0 : i32
      %dma_start3A_54 = tpu.memref_slice %arg2[%add3A_52, %dma_start3A_53] : memref<160000x128xf32, #tpu.memory_space<hbm>> -> memref<40x128xf32, #tpu.memory_space<hbm>>
      %dma_start3A_55 = arith.constant 0 : i32
      %dma_start3A_56 = tpu.memref_slice %arg2[%add3A_52, %dma_start3A_55] : memref<160000x128xf32, #tpu.memory_space<hbm>> -> memref<40x128xf32, #tpu.memory_space<hbm>>
      tpu.enqueue_dma source(%dma_start3A_56 : memref<40x128xf32, #tpu.memory_space<hbm>>) target(%arg8 : memref<40x128xf32, #tpu.memory_space<vmem>>) target_semaphore(%arg12 : memref<!tpu.dma_semaphore, #tpu.memory_space<semaphore_mem>>)
      %mul3A_57 = arith.constant 40 : i32
      %mul3A_58 = arith.muli %mul3A_47, %mul3A_57 : i32
      %add3A_59 = arith.addi %mul3A_12, %mul3A_58 : i32
      %dma_wait3A_60 = arith.constant 0 : i32
      %dma_wait3A_61 = tpu.memref_slice %arg2[%add3A_59, %dma_wait3A_60] : memref<160000x128xf32, #tpu.memory_space<hbm>> -> memref<40x128xf32, #tpu.memory_space<hbm>>
      %dma_wait3A_62 = arith.constant 0 : i32
      %dma_wait3A_63 = tpu.memref_slice %arg2[%add3A_59, %dma_wait3A_62] : memref<160000x128xf32, #tpu.memory_space<hbm>> -> memref<40x128xf32, #tpu.memory_space<hbm>>
      tpu.wait_dma2 semaphore(%arg11 : memref<!tpu.dma_semaphore, #tpu.memory_space<semaphore_mem>>) src(%dma_wait3A_63 : memref<40x128xf32, #tpu.memory_space<hbm>>) dst(%arg7 : memref<40x128xf32, #tpu.memory_space<vmem>>)
      "tpu.region"() ({
        %run_scoped3A_84 = tpu.sem_alloc : memref<!tpu.dma_semaphore, #tpu.memory_space<semaphore_mem>>
        %dma_start3A_85 = arith.constant 0 : i32
        %dma_start3A_86 = tpu.memref_slice %arg6[%mul3A_47, %dma_start3A_85] : memref<125x40xi32, #tpu.memory_space<vmem>> -> memref<1x40xi32, #tpu.memory_space<vmem>>
        %dma_start3A_87 = tpu.memref_squeeze %dma_start3A_86 : memref<1x40xi32, #tpu.memory_space<vmem>> -> memref<40xi32, #tpu.memory_space<vmem>>
        %dma_start3A_88 = arith.constant 0 : i32
        %dma_start3A_89 = arith.constant 0 : i32
        %dma_start3A_90 = tpu.memref_slice %arg10[%dma_start3A_88, %dma_start3A_89] : memref<10240x128xf32, #tpu.memory_space<vmem_shared>> -> memref<10240x128xf32, #tpu.memory_space<vmem_shared>>
        tpu.enqueue_indirect_dma source(%arg7 : memref<40x128xf32, #tpu.memory_space<vmem>>) target(%dma_start3A_90 : memref<10240x128xf32, #tpu.memory_space<vmem_shared>>) offsets(%dma_start3A_87 : memref<40xi32, #tpu.memory_space<vmem>>) semaphore(%run_scoped3A_84 : memref<!tpu.dma_semaphore, #tpu.memory_space<semaphore_mem>>) {add = true}
        %dma_wait3A_91 = arith.constant 0 : i32
        %dma_wait3A_92 = tpu.memref_slice %arg6[%mul3A_47, %dma_wait3A_91] : memref<125x40xi32, #tpu.memory_space<vmem>> -> memref<1x40xi32, #tpu.memory_space<vmem>>
        %dma_wait3A_93 = tpu.memref_squeeze %dma_wait3A_92 : memref<1x40xi32, #tpu.memory_space<vmem>> -> memref<40xi32, #tpu.memory_space<vmem>>
        %dma_wait3A_94 = arith.constant 0 : i32
        %dma_wait3A_95 = arith.constant 0 : i32
        %dma_wait3A_96 = tpu.memref_slice %arg10[%dma_wait3A_94, %dma_wait3A_95] : memref<10240x128xf32, #tpu.memory_space<vmem_shared>> -> memref<10240x128xf32, #tpu.memory_space<vmem_shared>>
        tpu.wait_indirect_dma semaphore(%run_scoped3A_84 : memref<!tpu.dma_semaphore, #tpu.memory_space<semaphore_mem>>) src(%arg7 : memref<40x128xf32, #tpu.memory_space<vmem>>) dst(%dma_wait3A_96 : memref<10240x128xf32, #tpu.memory_space<vmem_shared>>)
        tpu.yield
      }) : () -> ()
      %add3A_64 = arith.constant 2 : i32
      %add3A_65 = arith.addi %mul3A_47, %add3A_64 : i32
      %mul3A_66 = arith.constant 40 : i32
      %mul3A_67 = arith.muli %add3A_65, %mul3A_66 : i32
      %add3A_68 = arith.addi %mul3A_12, %mul3A_67 : i32
      %dma_start3A_69 = arith.constant 0 : i32
      %dma_start3A_70 = tpu.memref_slice %arg2[%add3A_68, %dma_start3A_69] : memref<160000x128xf32, #tpu.memory_space<hbm>> -> memref<40x128xf32, #tpu.memory_space<hbm>>
      %dma_start3A_71 = arith.constant 0 : i32
      %dma_start3A_72 = tpu.memref_slice %arg2[%add3A_68, %dma_start3A_71] : memref<160000x128xf32, #tpu.memory_space<hbm>> -> memref<40x128xf32, #tpu.memory_space<hbm>>
      tpu.enqueue_dma source(%dma_start3A_72 : memref<40x128xf32, #tpu.memory_space<hbm>>) target(%arg7 : memref<40x128xf32, #tpu.memory_space<vmem>>) target_semaphore(%arg11 : memref<!tpu.dma_semaphore, #tpu.memory_space<semaphore_mem>>)
      %add3A_73 = arith.constant 1 : i32
      %add3A_74 = arith.addi %mul3A_47, %add3A_73 : i32
      %mul3A_75 = arith.constant 40 : i32
      %mul3A_76 = arith.muli %add3A_74, %mul3A_75 : i32
      %add3A_77 = arith.addi %mul3A_12, %mul3A_76 : i32
      %dma_wait3A_78 = arith.constant 0 : i32
      %dma_wait3A_79 = tpu.memref_slice %arg2[%add3A_77, %dma_wait3A_78] : memref<160000x128xf32, #tpu.memory_space<hbm>> -> memref<40x128xf32, #tpu.memory_space<hbm>>
      %dma_wait3A_80 = arith.constant 0 : i32
      %dma_wait3A_81 = tpu.memref_slice %arg2[%add3A_77, %dma_wait3A_80] : memref<160000x128xf32, #tpu.memory_space<hbm>> -> memref<40x128xf32, #tpu.memory_space<hbm>>
      tpu.wait_dma2 semaphore(%arg12 : memref<!tpu.dma_semaphore, #tpu.memory_space<semaphore_mem>>) src(%dma_wait3A_81 : memref<40x128xf32, #tpu.memory_space<hbm>>) dst(%arg8 : memref<40x128xf32, #tpu.memory_space<vmem>>)
      %add3A_82 = arith.constant 1 : i32
      %add3A_83 = arith.addi %mul3A_47, %add3A_82 : i32
      "tpu.region"() ({
        %run_scoped3A_84 = tpu.sem_alloc : memref<!tpu.dma_semaphore, #tpu.memory_space<semaphore_mem>>
        %dma_start3A_85 = arith.constant 0 : i32
        %dma_start3A_86 = tpu.memref_slice %arg6[%add3A_83, %dma_start3A_85] : memref<125x40xi32, #tpu.memory_space<vmem>> -> memref<1x40xi32, #tpu.memory_space<vmem>>
        %dma_start3A_87 = tpu.memref_squeeze %dma_start3A_86 : memref<1x40xi32, #tpu.memory_space<vmem>> -> memref<40xi32, #tpu.memory_space<vmem>>
        %dma_start3A_88 = arith.constant 0 : i32
        %dma_start3A_89 = arith.constant 0 : i32
        %dma_start3A_90 = tpu.memref_slice %arg10[%dma_start3A_88, %dma_start3A_89] : memref<10240x128xf32, #tpu.memory_space<vmem_shared>> -> memref<10240x128xf32, #tpu.memory_space<vmem_shared>>
        tpu.enqueue_indirect_dma source(%arg8 : memref<40x128xf32, #tpu.memory_space<vmem>>) target(%dma_start3A_90 : memref<10240x128xf32, #tpu.memory_space<vmem_shared>>) offsets(%dma_start3A_87 : memref<40xi32, #tpu.memory_space<vmem>>) semaphore(%run_scoped3A_84 : memref<!tpu.dma_semaphore, #tpu.memory_space<semaphore_mem>>) {add = true}
        %dma_wait3A_91 = arith.constant 0 : i32
        %dma_wait3A_92 = tpu.memref_slice %arg6[%add3A_83, %dma_wait3A_91] : memref<125x40xi32, #tpu.memory_space<vmem>> -> memref<1x40xi32, #tpu.memory_space<vmem>>
        %dma_wait3A_93 = tpu.memref_squeeze %dma_wait3A_92 : memref<1x40xi32, #tpu.memory_space<vmem>> -> memref<40xi32, #tpu.memory_space<vmem>>
        %dma_wait3A_94 = arith.constant 0 : i32
        %dma_wait3A_95 = arith.constant 0 : i32
        %dma_wait3A_96 = tpu.memref_slice %arg10[%dma_wait3A_94, %dma_wait3A_95] : memref<10240x128xf32, #tpu.memory_space<vmem_shared>> -> memref<10240x128xf32, #tpu.memory_space<vmem_shared>>
        tpu.wait_indirect_dma semaphore(%run_scoped3A_84 : memref<!tpu.dma_semaphore, #tpu.memory_space<semaphore_mem>>) src(%arg8 : memref<40x128xf32, #tpu.memory_space<vmem>>) dst(%dma_wait3A_96 : memref<10240x128xf32, #tpu.memory_space<vmem_shared>>)
        tpu.yield
      }) : () -> ()
    }
    %scan3A_22 = arith.constant 62 : i32
    %add3A_23 = arith.constant 4960 : i32
    %add3A_24 = arith.addi %mul3A_12, %add3A_23 : i32
    %dma_wait3A = arith.constant 0 : i32
    %dma_wait3A_25 = tpu.memref_slice %arg2[%add3A_24, %dma_wait3A] : memref<160000x128xf32, #tpu.memory_space<hbm>> -> memref<40x128xf32, #tpu.memory_space<hbm>>
    %dma_wait3A_26 = arith.constant 0 : i32
    %dma_wait3A_27 = tpu.memref_slice %arg2[%add3A_24, %dma_wait3A_26] : memref<160000x128xf32, #tpu.memory_space<hbm>> -> memref<40x128xf32, #tpu.memory_space<hbm>>
    tpu.wait_dma2 semaphore(%arg11 : memref<!tpu.dma_semaphore, #tpu.memory_space<semaphore_mem>>) src(%dma_wait3A_27 : memref<40x128xf32, #tpu.memory_space<hbm>>) dst(%arg7 : memref<40x128xf32, #tpu.memory_space<vmem>>)
    %run_scoped3A = arith.constant 124 : i32
    "tpu.region"() ({
      %run_scoped3A_45 = tpu.sem_alloc : memref<!tpu.dma_semaphore, #tpu.memory_space<semaphore_mem>>
      %dma_start3A_46 = arith.constant 0 : i32
      %dma_start3A_47 = tpu.memref_slice %arg6[%run_scoped3A, %dma_start3A_46] : memref<125x40xi32, #tpu.memory_space<vmem>> -> memref<1x40xi32, #tpu.memory_space<vmem>>
      %dma_start3A_48 = tpu.memref_squeeze %dma_start3A_47 : memref<1x40xi32, #tpu.memory_space<vmem>> -> memref<40xi32, #tpu.memory_space<vmem>>
      %dma_start3A_49 = arith.constant 0 : i32
      %dma_start3A_50 = arith.constant 0 : i32
      %dma_start3A_51 = tpu.memref_slice %arg10[%dma_start3A_49, %dma_start3A_50] : memref<10240x128xf32, #tpu.memory_space<vmem_shared>> -> memref<10240x128xf32, #tpu.memory_space<vmem_shared>>
      tpu.enqueue_indirect_dma source(%arg7 : memref<40x128xf32, #tpu.memory_space<vmem>>) target(%dma_start3A_51 : memref<10240x128xf32, #tpu.memory_space<vmem_shared>>) offsets(%dma_start3A_48 : memref<40xi32, #tpu.memory_space<vmem>>) semaphore(%run_scoped3A_45 : memref<!tpu.dma_semaphore, #tpu.memory_space<semaphore_mem>>) {add = true}
      %dma_wait3A_52 = arith.constant 0 : i32
      %dma_wait3A_53 = tpu.memref_slice %arg6[%run_scoped3A, %dma_wait3A_52] : memref<125x40xi32, #tpu.memory_space<vmem>> -> memref<1x40xi32, #tpu.memory_space<vmem>>
      %dma_wait3A_54 = tpu.memref_squeeze %dma_wait3A_53 : memref<1x40xi32, #tpu.memory_space<vmem>> -> memref<40xi32, #tpu.memory_space<vmem>>
      %dma_wait3A_55 = arith.constant 0 : i32
      %dma_wait3A_56 = arith.constant 0 : i32
      %dma_wait3A_57 = tpu.memref_slice %arg10[%dma_wait3A_55, %dma_wait3A_56] : memref<10240x128xf32, #tpu.memory_space<vmem_shared>> -> memref<10240x128xf32, #tpu.memory_space<vmem_shared>>
      tpu.wait_indirect_dma semaphore(%run_scoped3A_45 : memref<!tpu.dma_semaphore, #tpu.memory_space<semaphore_mem>>) src(%arg7 : memref<40x128xf32, #tpu.memory_space<vmem>>) dst(%dma_wait3A_57 : memref<10240x128xf32, #tpu.memory_space<vmem_shared>>)
      tpu.yield
    }) : () -> ()
    %barrier3A_28 = arith.constant 0 : index
    tpu.barrier barrier_id(%barrier3A_28)
    %add3A_29 = arith.constant 0 : i32
    %add3A_30 = arith.addi %mul3A_2, %add3A_29 : i32
    "tpu.region"() ({
      %run_scoped3A_45 = tpu.sem_alloc : memref<!tpu.dma_semaphore, #tpu.memory_space<semaphore_mem>>
      %dma_start3A_46 = arith.constant 0 : i32
      %dma_start3A_47 = tpu.memref_slice %arg10[%add3A_30, %dma_start3A_46] : memref<10240x128xf32, #tpu.memory_space<vmem_shared>> -> memref<160x128xf32, #tpu.memory_space<vmem_shared>>
      %dma_start3A_48 = arith.constant 0 : i32
      %dma_start3A_49 = tpu.memref_slice %arg10[%add3A_30, %dma_start3A_48] : memref<10240x128xf32, #tpu.memory_space<vmem_shared>> -> memref<160x128xf32, #tpu.memory_space<vmem_shared>>
      tpu.enqueue_dma source(%dma_start3A_49 : memref<160x128xf32, #tpu.memory_space<vmem_shared>>) target(%arg9 : memref<160x128xf32, #tpu.memory_space<vmem>>) target_semaphore(%run_scoped3A_45 : memref<!tpu.dma_semaphore, #tpu.memory_space<semaphore_mem>>)
      %dma_wait3A_50 = arith.constant 0 : i32
      %dma_wait3A_51 = tpu.memref_slice %arg10[%add3A_30, %dma_wait3A_50] : memref<10240x128xf32, #tpu.memory_space<vmem_shared>> -> memref<160x128xf32, #tpu.memory_space<vmem_shared>>
      %dma_wait3A_52 = arith.constant 0 : i32
      %dma_wait3A_53 = tpu.memref_slice %arg10[%add3A_30, %dma_wait3A_52] : memref<10240x128xf32, #tpu.memory_space<vmem_shared>> -> memref<160x128xf32, #tpu.memory_space<vmem_shared>>
      tpu.wait_dma2 semaphore(%run_scoped3A_45 : memref<!tpu.dma_semaphore, #tpu.memory_space<semaphore_mem>>) src(%dma_wait3A_53 : memref<160x128xf32, #tpu.memory_space<vmem_shared>>) dst(%arg9 : memref<160x128xf32, #tpu.memory_space<vmem>>)
      tpu.yield
    }) : () -> ()
    %add3A_31 = arith.constant 0 : i32
    %add3A_32 = arith.addi %mul3A_2, %add3A_31 : i32
    "tpu.region"() ({
      %run_scoped3A_45 = tpu.sem_alloc : memref<!tpu.dma_semaphore, #tpu.memory_space<semaphore_mem>>
      %dma_start3A_46 = arith.constant 0 : i32
      %dma_start3A_47 = tpu.memref_slice %arg5[%arg0, %add3A_32, %dma_start3A_46] : memref<2x10240x128xf32, #tpu.memory_space<hbm>> -> memref<1x160x128xf32, #tpu.memory_space<hbm>>
      %dma_start3A_48 = tpu.memref_squeeze %dma_start3A_47 : memref<1x160x128xf32, #tpu.memory_space<hbm>> -> memref<160x128xf32, #tpu.memory_space<hbm>>
      %dma_start3A_49 = arith.constant 0 : i32
      %dma_start3A_50 = tpu.memref_slice %arg5[%arg0, %add3A_32, %dma_start3A_49] : memref<2x10240x128xf32, #tpu.memory_space<hbm>> -> memref<1x160x128xf32, #tpu.memory_space<hbm>>
      %dma_start3A_51 = tpu.memref_squeeze %dma_start3A_50 : memref<1x160x128xf32, #tpu.memory_space<hbm>> -> memref<160x128xf32, #tpu.memory_space<hbm>>
      tpu.enqueue_dma source(%arg9 : memref<160x128xf32, #tpu.memory_space<vmem>>) target(%dma_start3A_51 : memref<160x128xf32, #tpu.memory_space<hbm>>) target_semaphore(%run_scoped3A_45 : memref<!tpu.dma_semaphore, #tpu.memory_space<semaphore_mem>>)
      %dma_wait3A_52 = arith.constant 0 : i32
      %dma_wait3A_53 = tpu.memref_slice %arg5[%arg0, %add3A_32, %dma_wait3A_52] : memref<2x10240x128xf32, #tpu.memory_space<hbm>> -> memref<1x160x128xf32, #tpu.memory_space<hbm>>
      %dma_wait3A_54 = tpu.memref_squeeze %dma_wait3A_53 : memref<1x160x128xf32, #tpu.memory_space<hbm>> -> memref<160x128xf32, #tpu.memory_space<hbm>>
      %dma_wait3A_55 = arith.constant 0 : i32
      %dma_wait3A_56 = tpu.memref_slice %arg5[%arg0, %add3A_32, %dma_wait3A_55] : memref<2x10240x128xf32, #tpu.memory_space<hbm>> -> memref<1x160x128xf32, #tpu.memory_space<hbm>>
      %dma_wait3A_57 = tpu.memref_squeeze %dma_wait3A_56 : memref<1x160x128xf32, #tpu.memory_space<hbm>> -> memref<160x128xf32, #tpu.memory_space<hbm>>
      tpu.wait_dma2 semaphore(%run_scoped3A_45 : memref<!tpu.dma_semaphore, #tpu.memory_space<semaphore_mem>>) src(%arg9 : memref<160x128xf32, #tpu.memory_space<vmem>>) dst(%dma_wait3A_57 : memref<160x128xf32, #tpu.memory_space<hbm>>)
      tpu.yield
    }) : () -> ()
    %add3A_33 = arith.constant 160 : i32
    %add3A_34 = arith.addi %mul3A_2, %add3A_33 : i32
    "tpu.region"() ({
      %run_scoped3A_45 = tpu.sem_alloc : memref<!tpu.dma_semaphore, #tpu.memory_space<semaphore_mem>>
      %dma_start3A_46 = arith.constant 0 : i32
      %dma_start3A_47 = tpu.memref_slice %arg10[%add3A_34, %dma_start3A_46] : memref<10240x128xf32, #tpu.memory_space<vmem_shared>> -> memref<160x128xf32, #tpu.memory_space<vmem_shared>>
      %dma_start3A_48 = arith.constant 0 : i32
      %dma_start3A_49 = tpu.memref_slice %arg10[%add3A_34, %dma_start3A_48] : memref<10240x128xf32, #tpu.memory_space<vmem_shared>> -> memref<160x128xf32, #tpu.memory_space<vmem_shared>>
      tpu.enqueue_dma source(%dma_start3A_49 : memref<160x128xf32, #tpu.memory_space<vmem_shared>>) target(%arg9 : memref<160x128xf32, #tpu.memory_space<vmem>>) target_semaphore(%run_scoped3A_45 : memref<!tpu.dma_semaphore, #tpu.memory_space<semaphore_mem>>)
      %dma_wait3A_50 = arith.constant 0 : i32
      %dma_wait3A_51 = tpu.memref_slice %arg10[%add3A_34, %dma_wait3A_50] : memref<10240x128xf32, #tpu.memory_space<vmem_shared>> -> memref<160x128xf32, #tpu.memory_space<vmem_shared>>
      %dma_wait3A_52 = arith.constant 0 : i32
      %dma_wait3A_53 = tpu.memref_slice %arg10[%add3A_34, %dma_wait3A_52] : memref<10240x128xf32, #tpu.memory_space<vmem_shared>> -> memref<160x128xf32, #tpu.memory_space<vmem_shared>>
      tpu.wait_dma2 semaphore(%run_scoped3A_45 : memref<!tpu.dma_semaphore, #tpu.memory_space<semaphore_mem>>) src(%dma_wait3A_53 : memref<160x128xf32, #tpu.memory_space<vmem_shared>>) dst(%arg9 : memref<160x128xf32, #tpu.memory_space<vmem>>)
      tpu.yield
    }) : () -> ()
    %add3A_35 = arith.constant 160 : i32
    %add3A_36 = arith.addi %mul3A_2, %add3A_35 : i32
    "tpu.region"() ({
      %run_scoped3A_45 = tpu.sem_alloc : memref<!tpu.dma_semaphore, #tpu.memory_space<semaphore_mem>>
      %dma_start3A_46 = arith.constant 0 : i32
      %dma_start3A_47 = tpu.memref_slice %arg5[%arg0, %add3A_36, %dma_start3A_46] : memref<2x10240x128xf32, #tpu.memory_space<hbm>> -> memref<1x160x128xf32, #tpu.memory_space<hbm>>
      %dma_start3A_48 = tpu.memref_squeeze %dma_start3A_47 : memref<1x160x128xf32, #tpu.memory_space<hbm>> -> memref<160x128xf32, #tpu.memory_space<hbm>>
      %dma_start3A_49 = arith.constant 0 : i32
      %dma_start3A_50 = tpu.memref_slice %arg5[%arg0, %add3A_36, %dma_start3A_49] : memref<2x10240x128xf32, #tpu.memory_space<hbm>> -> memref<1x160x128xf32, #tpu.memory_space<hbm>>
      %dma_start3A_51 = tpu.memref_squeeze %dma_start3A_50 : memref<1x160x128xf32, #tpu.memory_space<hbm>> -> memref<160x128xf32, #tpu.memory_space<hbm>>
      tpu.enqueue_dma source(%arg9 : memref<160x128xf32, #tpu.memory_space<vmem>>) target(%dma_start3A_51 : memref<160x128xf32, #tpu.memory_space<hbm>>) target_semaphore(%run_scoped3A_45 : memref<!tpu.dma_semaphore, #tpu.memory_space<semaphore_mem>>)
      %dma_wait3A_52 = arith.constant 0 : i32
      %dma_wait3A_53 = tpu.memref_slice %arg5[%arg0, %add3A_36, %dma_wait3A_52] : memref<2x10240x128xf32, #tpu.memory_space<hbm>> -> memref<1x160x128xf32, #tpu.memory_space<hbm>>
      %dma_wait3A_54 = tpu.memref_squeeze %dma_wait3A_53 : memref<1x160x128xf32, #tpu.memory_space<hbm>> -> memref<160x128xf32, #tpu.memory_space<hbm>>
      %dma_wait3A_55 = arith.constant 0 : i32
      %dma_wait3A_56 = tpu.memref_slice %arg5[%arg0, %add3A_36, %dma_wait3A_55] : memref<2x10240x128xf32, #tpu.memory_space<hbm>> -> memref<1x160x128xf32, #tpu.memory_space<hbm>>
      %dma_wait3A_57 = tpu.memref_squeeze %dma_wait3A_56 : memref<1x160x128xf32, #tpu.memory_space<hbm>> -> memref<160x128xf32, #tpu.memory_space<hbm>>
      tpu.wait_dma2 semaphore(%run_scoped3A_45 : memref<!tpu.dma_semaphore, #tpu.memory_space<semaphore_mem>>) src(%arg9 : memref<160x128xf32, #tpu.memory_space<vmem>>) dst(%dma_wait3A_57 : memref<160x128xf32, #tpu.memory_space<hbm>>)
      tpu.yield
    }) : () -> ()
    %add3A_37 = arith.constant 320 : i32
    %add3A_38 = arith.addi %mul3A_2, %add3A_37 : i32
    "tpu.region"() ({
      %run_scoped3A_45 = tpu.sem_alloc : memref<!tpu.dma_semaphore, #tpu.memory_space<semaphore_mem>>
      %dma_start3A_46 = arith.constant 0 : i32
      %dma_start3A_47 = tpu.memref_slice %arg10[%add3A_38, %dma_start3A_46] : memref<10240x128xf32, #tpu.memory_space<vmem_shared>> -> memref<160x128xf32, #tpu.memory_space<vmem_shared>>
      %dma_start3A_48 = arith.constant 0 : i32
      %dma_start3A_49 = tpu.memref_slice %arg10[%add3A_38, %dma_start3A_48] : memref<10240x128xf32, #tpu.memory_space<vmem_shared>> -> memref<160x128xf32, #tpu.memory_space<vmem_shared>>
      tpu.enqueue_dma source(%dma_start3A_49 : memref<160x128xf32, #tpu.memory_space<vmem_shared>>) target(%arg9 : memref<160x128xf32, #tpu.memory_space<vmem>>) target_semaphore(%run_scoped3A_45 : memref<!tpu.dma_semaphore, #tpu.memory_space<semaphore_mem>>)
      %dma_wait3A_50 = arith.constant 0 : i32
      %dma_wait3A_51 = tpu.memref_slice %arg10[%add3A_38, %dma_wait3A_50] : memref<10240x128xf32, #tpu.memory_space<vmem_shared>> -> memref<160x128xf32, #tpu.memory_space<vmem_shared>>
      %dma_wait3A_52 = arith.constant 0 : i32
      %dma_wait3A_53 = tpu.memref_slice %arg10[%add3A_38, %dma_wait3A_52] : memref<10240x128xf32, #tpu.memory_space<vmem_shared>> -> memref<160x128xf32, #tpu.memory_space<vmem_shared>>
      tpu.wait_dma2 semaphore(%run_scoped3A_45 : memref<!tpu.dma_semaphore, #tpu.memory_space<semaphore_mem>>) src(%dma_wait3A_53 : memref<160x128xf32, #tpu.memory_space<vmem_shared>>) dst(%arg9 : memref<160x128xf32, #tpu.memory_space<vmem>>)
      tpu.yield
    }) : () -> ()
    %add3A_39 = arith.constant 320 : i32
    %add3A_40 = arith.addi %mul3A_2, %add3A_39 : i32
    "tpu.region"() ({
      %run_scoped3A_45 = tpu.sem_alloc : memref<!tpu.dma_semaphore, #tpu.memory_space<semaphore_mem>>
      %dma_start3A_46 = arith.constant 0 : i32
      %dma_start3A_47 = tpu.memref_slice %arg5[%arg0, %add3A_40, %dma_start3A_46] : memref<2x10240x128xf32, #tpu.memory_space<hbm>> -> memref<1x160x128xf32, #tpu.memory_space<hbm>>
      %dma_start3A_48 = tpu.memref_squeeze %dma_start3A_47 : memref<1x160x128xf32, #tpu.memory_space<hbm>> -> memref<160x128xf32, #tpu.memory_space<hbm>>
      %dma_start3A_49 = arith.constant 0 : i32
      %dma_start3A_50 = tpu.memref_slice %arg5[%arg0, %add3A_40, %dma_start3A_49] : memref<2x10240x128xf32, #tpu.memory_space<hbm>> -> memref<1x160x128xf32, #tpu.memory_space<hbm>>
      %dma_start3A_51 = tpu.memref_squeeze %dma_start3A_50 : memref<1x160x128xf32, #tpu.memory_space<hbm>> -> memref<160x128xf32, #tpu.memory_space<hbm>>
      tpu.enqueue_dma source(%arg9 : memref<160x128xf32, #tpu.memory_space<vmem>>) target(%dma_start3A_51 : memref<160x128xf32, #tpu.memory_space<hbm>>) target_semaphore(%run_scoped3A_45 : memref<!tpu.dma_semaphore, #tpu.memory_space<semaphore_mem>>)
      %dma_wait3A_52 = arith.constant 0 : i32
      %dma_wait3A_53 = tpu.memref_slice %arg5[%arg0, %add3A_40, %dma_wait3A_52] : memref<2x10240x128xf32, #tpu.memory_space<hbm>> -> memref<1x160x128xf32, #tpu.memory_space<hbm>>
      %dma_wait3A_54 = tpu.memref_squeeze %dma_wait3A_53 : memref<1x160x128xf32, #tpu.memory_space<hbm>> -> memref<160x128xf32, #tpu.memory_space<hbm>>
      %dma_wait3A_55 = arith.constant 0 : i32
      %dma_wait3A_56 = tpu.memref_slice %arg5[%arg0, %add3A_40, %dma_wait3A_55] : memref<2x10240x128xf32, #tpu.memory_space<hbm>> -> memref<1x160x128xf32, #tpu.memory_space<hbm>>
      %dma_wait3A_57 = tpu.memref_squeeze %dma_wait3A_56 : memref<1x160x128xf32, #tpu.memory_space<hbm>> -> memref<160x128xf32, #tpu.memory_space<hbm>>
      tpu.wait_dma2 semaphore(%run_scoped3A_45 : memref<!tpu.dma_semaphore, #tpu.memory_space<semaphore_mem>>) src(%arg9 : memref<160x128xf32, #tpu.memory_space<vmem>>) dst(%dma_wait3A_57 : memref<160x128xf32, #tpu.memory_space<hbm>>)
      tpu.yield
    }) : () -> ()
    %add3A_41 = arith.constant 480 : i32
    %add3A_42 = arith.addi %mul3A_2, %add3A_41 : i32
    "tpu.region"() ({
      %run_scoped3A_45 = tpu.sem_alloc : memref<!tpu.dma_semaphore, #tpu.memory_space<semaphore_mem>>
      %dma_start3A_46 = arith.constant 0 : i32
      %dma_start3A_47 = tpu.memref_slice %arg10[%add3A_42, %dma_start3A_46] : memref<10240x128xf32, #tpu.memory_space<vmem_shared>> -> memref<160x128xf32, #tpu.memory_space<vmem_shared>>
      %dma_start3A_48 = arith.constant 0 : i32
      %dma_start3A_49 = tpu.memref_slice %arg10[%add3A_42, %dma_start3A_48] : memref<10240x128xf32, #tpu.memory_space<vmem_shared>> -> memref<160x128xf32, #tpu.memory_space<vmem_shared>>
      tpu.enqueue_dma source(%dma_start3A_49 : memref<160x128xf32, #tpu.memory_space<vmem_shared>>) target(%arg9 : memref<160x128xf32, #tpu.memory_space<vmem>>) target_semaphore(%run_scoped3A_45 : memref<!tpu.dma_semaphore, #tpu.memory_space<semaphore_mem>>)
      %dma_wait3A_50 = arith.constant 0 : i32
      %dma_wait3A_51 = tpu.memref_slice %arg10[%add3A_42, %dma_wait3A_50] : memref<10240x128xf32, #tpu.memory_space<vmem_shared>> -> memref<160x128xf32, #tpu.memory_space<vmem_shared>>
      %dma_wait3A_52 = arith.constant 0 : i32
      %dma_wait3A_53 = tpu.memref_slice %arg10[%add3A_42, %dma_wait3A_52] : memref<10240x128xf32, #tpu.memory_space<vmem_shared>> -> memref<160x128xf32, #tpu.memory_space<vmem_shared>>
      tpu.wait_dma2 semaphore(%run_scoped3A_45 : memref<!tpu.dma_semaphore, #tpu.memory_space<semaphore_mem>>) src(%dma_wait3A_53 : memref<160x128xf32, #tpu.memory_space<vmem_shared>>) dst(%arg9 : memref<160x128xf32, #tpu.memory_space<vmem>>)
      tpu.yield
    }) : () -> ()
    %add3A_43 = arith.constant 480 : i32
    %add3A_44 = arith.addi %mul3A_2, %add3A_43 : i32
    "tpu.region"() ({
      %run_scoped3A_45 = tpu.sem_alloc : memref<!tpu.dma_semaphore, #tpu.memory_space<semaphore_mem>>
      %dma_start3A_46 = arith.constant 0 : i32
      %dma_start3A_47 = tpu.memref_slice %arg5[%arg0, %add3A_44, %dma_start3A_46] : memref<2x10240x128xf32, #tpu.memory_space<hbm>> -> memref<1x160x128xf32, #tpu.memory_space<hbm>>
      %dma_start3A_48 = tpu.memref_squeeze %dma_start3A_47 : memref<1x160x128xf32, #tpu.memory_space<hbm>> -> memref<160x128xf32, #tpu.memory_space<hbm>>
      %dma_start3A_49 = arith.constant 0 : i32
      %dma_start3A_50 = tpu.memref_slice %arg5[%arg0, %add3A_44, %dma_start3A_49] : memref<2x10240x128xf32, #tpu.memory_space<hbm>> -> memref<1x160x128xf32, #tpu.memory_space<hbm>>
      %dma_start3A_51 = tpu.memref_squeeze %dma_start3A_50 : memref<1x160x128xf32, #tpu.memory_space<hbm>> -> memref<160x128xf32, #tpu.memory_space<hbm>>
      tpu.enqueue_dma source(%arg9 : memref<160x128xf32, #tpu.memory_space<vmem>>) target(%dma_start3A_51 : memref<160x128xf32, #tpu.memory_space<hbm>>) target_semaphore(%run_scoped3A_45 : memref<!tpu.dma_semaphore, #tpu.memory_space<semaphore_mem>>)
      %dma_wait3A_52 = arith.constant 0 : i32
      %dma_wait3A_53 = tpu.memref_slice %arg5[%arg0, %add3A_44, %dma_wait3A_52] : memref<2x10240x128xf32, #tpu.memory_space<hbm>> -> memref<1x160x128xf32, #tpu.memory_space<hbm>>
      %dma_wait3A_54 = tpu.memref_squeeze %dma_wait3A_53 : memref<1x160x128xf32, #tpu.memory_space<hbm>> -> memref<160x128xf32, #tpu.memory_space<hbm>>
      %dma_wait3A_55 = arith.constant 0 : i32
      %dma_wait3A_56 = tpu.memref_slice %arg5[%arg0, %add3A_44, %dma_wait3A_55] : memref<2x10240x128xf32, #tpu.memory_space<hbm>> -> memref<1x160x128xf32, #tpu.memory_space<hbm>>
      %dma_wait3A_57 = tpu.memref_squeeze %dma_wait3A_56 : memref<1x160x128xf32, #tpu.memory_space<hbm>> -> memref<160x128xf32, #tpu.memory_space<hbm>>
      tpu.wait_dma2 semaphore(%run_scoped3A_45 : memref<!tpu.dma_semaphore, #tpu.memory_space<semaphore_mem>>) src(%arg9 : memref<160x128xf32, #tpu.memory_space<vmem>>) dst(%dma_wait3A_57 : memref<160x128xf32, #tpu.memory_space<hbm>>)
      tpu.yield
    }) : () -> ()
    return
  }
}

module attributes {stable_mosaic.version = 14 : i64} {
  func.func @body(%arg0: i32, %arg1: memref<1000x256xf32, #tpu.memory_space<vmem>>, %arg2: memref<256x256xbf16, #tpu.memory_space<vmem>>, %arg3: memref<1x256xf32, #tpu.memory_space<vmem>>, %arg4: memref<256x128xbf16, #tpu.memory_space<vmem>>, %arg5: memref<1x128xf32, #tpu.memory_space<vmem>>, %arg6: memref<128x256xbf16, #tpu.memory_space<vmem>>, %arg7: memref<1x256xf32, #tpu.memory_space<vmem>>, %arg8: memref<1000x128xf32, #tpu.memory_space<vmem>>, %arg9: memref<1000x256xf32, #tpu.memory_space<vmem>>) attributes {dimension_semantics = [#tpu.dimension_semantics<arbitrary>], iteration_bounds = array<i64: 10>, scalar_prefetch = 0 : i64, scratch_operands = 0 : i64, tpu.core_type = #tpu.core_type<tc>, window_params = [{transform_indices = @transform_0, window_bounds = array<i64: 1000, 256>}, {pipeline_mode = #tpu.pipeline_mode<synchronous>, transform_indices = @transform_1, window_bounds = array<i64: 256, 256>}, {pipeline_mode = #tpu.pipeline_mode<synchronous>, transform_indices = @transform_2, window_bounds = array<i64: 1, 256>}, {pipeline_mode = #tpu.pipeline_mode<synchronous>, transform_indices = @transform_3, window_bounds = array<i64: 256, 128>}, {pipeline_mode = #tpu.pipeline_mode<synchronous>, transform_indices = @transform_4, window_bounds = array<i64: 1, 128>}, {pipeline_mode = #tpu.pipeline_mode<synchronous>, transform_indices = @transform_5, window_bounds = array<i64: 128, 256>}, {pipeline_mode = #tpu.pipeline_mode<synchronous>, transform_indices = @transform_6, window_bounds = array<i64: 1, 256>}, {transform_indices = @transform_7, window_bounds = array<i64: 1000, 128>}, {transform_indices = @transform_8, window_bounds = array<i64: 1000, 256>}]} {
    %get3A = arith.constant 0 : index
    %get3A_0 = arith.constant 0 : index
    %get3A_1 = vector.load %arg1[%get3A, %get3A_0] : memref<1000x256xf32, #tpu.memory_space<vmem>>, vector<1000x256xf32>
    %get3A_2 = arith.constant 0 : index
    %get3A_3 = arith.constant 0 : index
    %get3A_4 = vector.load %arg2[%get3A_2, %get3A_3] : memref<256x256xbf16, #tpu.memory_space<vmem>>, vector<256x256xbf16>
    %convert_element_type3A = arith.truncf %get3A_1 : vector<1000x256xf32> to vector<1000x256xbf16>
    %dot_general3A = arith.constant dense<0.000000e+00> : vector<1000x256xf32>
    %dot_general3A_5 = tpu.matmul %convert_element_type3A, %get3A_4, %dot_general3A {dimension_numbers = #tpu.dot_dimension_numbers<[1], [0], [0], [1], [0, 0, 1, 1], [], []>, transpose_lhs_hint = false} : vector<1000x256xbf16>, vector<256x256xbf16>, vector<1000x256xf32> -> vector<1000x256xf32>
    %get3A_6 = arith.constant 0 : index
    %get3A_7 = arith.constant 0 : index
    %get3A_8 = vector.load %arg3[%get3A_6, %get3A_7] : memref<1x256xf32, #tpu.memory_space<vmem>>, vector<1x256xf32>
    %add3A = vector.broadcast %get3A_8 : vector<1x256xf32> to vector<1000x256xf32>
    %add3A_9 = arith.addf %dot_general3A_5, %add3A : vector<1000x256xf32>
    %max3A = arith.constant 0.000000e+00 : f32
    %max3A_10 = vector.broadcast %max3A : f32 to vector<1000x256xf32>
    %max3A_11 = arith.maximumf %add3A_9, %max3A_10 : vector<1000x256xf32>
    %get3A_12 = arith.constant 0 : index
    %get3A_13 = arith.constant 0 : index
    %get3A_14 = vector.load %arg4[%get3A_12, %get3A_13] : memref<256x128xbf16, #tpu.memory_space<vmem>>, vector<256x128xbf16>
    %convert_element_type3A_15 = arith.truncf %max3A_11 : vector<1000x256xf32> to vector<1000x256xbf16>
    %dot_general3A_16 = arith.constant dense<0.000000e+00> : vector<1000x128xf32>
    %dot_general3A_17 = tpu.matmul %convert_element_type3A_15, %get3A_14, %dot_general3A_16 {dimension_numbers = #tpu.dot_dimension_numbers<[1], [0], [0], [1], [0, 0, 1, 1], [], []>, transpose_lhs_hint = false} : vector<1000x256xbf16>, vector<256x128xbf16>, vector<1000x128xf32> -> vector<1000x128xf32>
    %get3A_18 = arith.constant 0 : index
    %get3A_19 = arith.constant 0 : index
    %get3A_20 = vector.load %arg5[%get3A_18, %get3A_19] : memref<1x128xf32, #tpu.memory_space<vmem>>, vector<1x128xf32>
    %add3A_21 = vector.broadcast %get3A_20 : vector<1x128xf32> to vector<1000x128xf32>
    %add3A_22 = arith.addf %dot_general3A_17, %add3A_21 : vector<1000x128xf32>
    %max3A_23 = arith.constant 0.000000e+00 : f32
    %max3A_24 = vector.broadcast %max3A_23 : f32 to vector<1000x128xf32>
    %max3A_25 = arith.maximumf %add3A_22, %max3A_24 : vector<1000x128xf32>
    %swap3A = arith.constant 0 : index
    %swap3A_26 = arith.constant 0 : index
    %swap3A_27 = vector.load %arg8[%swap3A, %swap3A_26] : memref<1000x128xf32, #tpu.memory_space<vmem>>, vector<1000x128xf32>
    tpu.vector_store %arg8[%swap3A, %swap3A_26], %max3A_25 {strides = array<i32>} : memref<1000x128xf32, #tpu.memory_space<vmem>>, vector<1000x128xf32>,
    %get3A_28 = arith.constant 0 : index
    %get3A_29 = arith.constant 0 : index
    %get3A_30 = vector.load %arg6[%get3A_28, %get3A_29] : memref<128x256xbf16, #tpu.memory_space<vmem>>, vector<128x256xbf16>
    %convert_element_type3A_31 = arith.truncf %max3A_25 : vector<1000x128xf32> to vector<1000x128xbf16>
    %dot_general3A_32 = arith.constant dense<0.000000e+00> : vector<1000x256xf32>
    %dot_general3A_33 = tpu.matmul %convert_element_type3A_31, %get3A_30, %dot_general3A_32 {dimension_numbers = #tpu.dot_dimension_numbers<[1], [0], [0], [1], [0, 0, 1, 1], [], []>, transpose_lhs_hint = false} : vector<1000x128xbf16>, vector<128x256xbf16>, vector<1000x256xf32> -> vector<1000x256xf32>
    %get3A_34 = arith.constant 0 : index
    %get3A_35 = arith.constant 0 : index
    %get3A_36 = vector.load %arg7[%get3A_34, %get3A_35] : memref<1x256xf32, #tpu.memory_space<vmem>>, vector<1x256xf32>
    %add3A_37 = vector.broadcast %get3A_36 : vector<1x256xf32> to vector<1000x256xf32>
    %add3A_38 = arith.addf %dot_general3A_33, %add3A_37 : vector<1000x256xf32>
    %swap3A_39 = arith.constant 0 : index
    %swap3A_40 = arith.constant 0 : index
    %swap3A_41 = vector.load %arg9[%swap3A_39, %swap3A_40] : memref<1000x256xf32, #tpu.memory_space<vmem>>, vector<1000x256xf32>
    tpu.vector_store %arg9[%swap3A_39, %swap3A_40], %add3A_38 {strides = array<i32>} : memref<1000x256xf32, #tpu.memory_space<vmem>>, vector<1000x256xf32>,
    return
  }
  func.func @transform_0(%arg0: i32) -> (i32, i32) {
    %c0_i32 = arith.constant 0 : i32
    %c0_i32_0 = arith.constant 0 : i32
    return %arg0, %c0_i32 : i32, i32
  }
  func.func @transform_1(%arg0: i32) -> (i32, i32) {
    %c0_i32 = arith.constant 0 : i32
    %c0_i32_0 = arith.constant 0 : i32
    %c0_i32_1 = arith.constant 0 : i32
    return %c0_i32, %c0_i32_0 : i32, i32
  }
  func.func @transform_2(%arg0: i32) -> (i32, i32) {
    %c0_i32 = arith.constant 0 : i32
    %c0_i32_0 = arith.constant 0 : i32
    %c0_i32_1 = arith.constant 0 : i32
    return %c0_i32, %c0_i32_0 : i32, i32
  }
  func.func @transform_3(%arg0: i32) -> (i32, i32) {
    %c0_i32 = arith.constant 0 : i32
    %c0_i32_0 = arith.constant 0 : i32
    %c0_i32_1 = arith.constant 0 : i32
    return %c0_i32, %c0_i32_0 : i32, i32
  }
  func.func @transform_4(%arg0: i32) -> (i32, i32) {
    %c0_i32 = arith.constant 0 : i32
    %c0_i32_0 = arith.constant 0 : i32
    %c0_i32_1 = arith.constant 0 : i32
    return %c0_i32, %c0_i32_0 : i32, i32
  }
  func.func @transform_5(%arg0: i32) -> (i32, i32) {
    %c0_i32 = arith.constant 0 : i32
    %c0_i32_0 = arith.constant 0 : i32
    %c0_i32_1 = arith.constant 0 : i32
    return %c0_i32, %c0_i32_0 : i32, i32
  }
  func.func @transform_6(%arg0: i32) -> (i32, i32) {
    %c0_i32 = arith.constant 0 : i32
    %c0_i32_0 = arith.constant 0 : i32
    %c0_i32_1 = arith.constant 0 : i32
    return %c0_i32, %c0_i32_0 : i32, i32
  }
  func.func @transform_7(%arg0: i32) -> (i32, i32) {
    %c0_i32 = arith.constant 0 : i32
    %c0_i32_0 = arith.constant 0 : i32
    return %arg0, %c0_i32 : i32, i32
  }
  func.func @transform_8(%arg0: i32) -> (i32, i32) {
    %c0_i32 = arith.constant 0 : i32
    %c0_i32_0 = arith.constant 0 : i32
    return %arg0, %c0_i32 : i32, i32
  }
}

module attributes {stable_mosaic.version = 14 : i64} {
  func.func @body(%arg0: i32, %arg1: memref<4000x16xf32, #tpu.memory_space<vmem>>, %arg2: memref<4000x128xf32, #tpu.memory_space<vmem>>, %arg3: memref<4000x128xf32, #tpu.memory_space<vmem>>, %arg4: memref<16x256xbf16, #tpu.memory_space<vmem>>, %arg5: memref<1x256xf32, #tpu.memory_space<vmem>>, %arg6: memref<256x128xbf16, #tpu.memory_space<vmem>>, %arg7: memref<1x128xf32, #tpu.memory_space<vmem>>, %arg8: memref<128x256xbf16, #tpu.memory_space<vmem>>, %arg9: memref<128x256xbf16, #tpu.memory_space<vmem>>, %arg10: memref<128x256xbf16, #tpu.memory_space<vmem>>, %arg11: memref<1x256xf32, #tpu.memory_space<vmem>>, %arg12: memref<256x256xbf16, #tpu.memory_space<vmem>>, %arg13: memref<1x256xf32, #tpu.memory_space<vmem>>, %arg14: memref<256x128xbf16, #tpu.memory_space<vmem>>, %arg15: memref<1x128xf32, #tpu.memory_space<vmem>>, %arg16: memref<4000x128xf32, #tpu.memory_space<vmem>>, %arg17: memref<4000x128xf32, #tpu.memory_space<vmem>>) attributes {dimension_semantics = [#tpu.dimension_semantics<arbitrary>], iteration_bounds = array<i64: 40>, scalar_prefetch = 0 : i64, scratch_operands = 0 : i64, tpu.core_type = #tpu.core_type<tc>, window_params = [{transform_indices = @transform_0, window_bounds = array<i64: 4000, 16>}, {transform_indices = @transform_1, window_bounds = array<i64: 4000, 128>}, {transform_indices = @transform_2, window_bounds = array<i64: 4000, 128>}, {pipeline_mode = #tpu.pipeline_mode<synchronous>, transform_indices = @transform_3, window_bounds = array<i64: 16, 256>}, {pipeline_mode = #tpu.pipeline_mode<synchronous>, transform_indices = @transform_4, window_bounds = array<i64: 1, 256>}, {pipeline_mode = #tpu.pipeline_mode<synchronous>, transform_indices = @transform_5, window_bounds = array<i64: 256, 128>}, {pipeline_mode = #tpu.pipeline_mode<synchronous>, transform_indices = @transform_6, window_bounds = array<i64: 1, 128>}, {pipeline_mode = #tpu.pipeline_mode<synchronous>, transform_indices = @transform_7, window_bounds = array<i64: 128, 256>}, {pipeline_mode = #tpu.pipeline_mode<synchronous>, transform_indices = @transform_8, window_bounds = array<i64: 128, 256>}, {pipeline_mode = #tpu.pipeline_mode<synchronous>, transform_indices = @transform_9, window_bounds = array<i64: 128, 256>}, {pipeline_mode = #tpu.pipeline_mode<synchronous>, transform_indices = @transform_10, window_bounds = array<i64: 1, 256>}, {pipeline_mode = #tpu.pipeline_mode<synchronous>, transform_indices = @transform_11, window_bounds = array<i64: 256, 256>}, {pipeline_mode = #tpu.pipeline_mode<synchronous>, transform_indices = @transform_12, window_bounds = array<i64: 1, 256>}, {pipeline_mode = #tpu.pipeline_mode<synchronous>, transform_indices = @transform_13, window_bounds = array<i64: 256, 128>}, {pipeline_mode = #tpu.pipeline_mode<synchronous>, transform_indices = @transform_14, window_bounds = array<i64: 1, 128>}, {transform_indices = @transform_15, window_bounds = array<i64: 4000, 128>}, {transform_indices = @transform_16, window_bounds = array<i64: 4000, 128>}]} {
    %get3A = arith.constant 0 : index
    %get3A_0 = arith.constant 0 : index
    %get3A_1 = vector.load %arg1[%get3A, %get3A_0] : memref<4000x16xf32, #tpu.memory_space<vmem>>, vector<4000x16xf32>
    %get3A_2 = arith.constant 0 : index
    %get3A_3 = arith.constant 0 : index
    %get3A_4 = vector.load %arg4[%get3A_2, %get3A_3] : memref<16x256xbf16, #tpu.memory_space<vmem>>, vector<16x256xbf16>
    %convert_element_type3A = arith.truncf %get3A_1 : vector<4000x16xf32> to vector<4000x16xbf16>
    %dot_general3A = arith.constant dense<0.000000e+00> : vector<4000x256xf32>
    %dot_general3A_5 = tpu.matmul %convert_element_type3A, %get3A_4, %dot_general3A {dimension_numbers = #tpu.dot_dimension_numbers<[1], [0], [0], [1], [0, 0, 1, 1], [], []>, transpose_lhs_hint = false} : vector<4000x16xbf16>, vector<16x256xbf16>, vector<4000x256xf32> -> vector<4000x256xf32>
    %get3A_6 = arith.constant 0 : index
    %get3A_7 = arith.constant 0 : index
    %get3A_8 = vector.load %arg5[%get3A_6, %get3A_7] : memref<1x256xf32, #tpu.memory_space<vmem>>, vector<1x256xf32>
    %add3A = vector.broadcast %get3A_8 : vector<1x256xf32> to vector<4000x256xf32>
    %add3A_9 = arith.addf %dot_general3A_5, %add3A : vector<4000x256xf32>
    %max3A = arith.constant 0.000000e+00 : f32
    %max3A_10 = vector.broadcast %max3A : f32 to vector<4000x256xf32>
    %max3A_11 = arith.maximumf %add3A_9, %max3A_10 : vector<4000x256xf32>
    %get3A_12 = arith.constant 0 : index
    %get3A_13 = arith.constant 0 : index
    %get3A_14 = vector.load %arg6[%get3A_12, %get3A_13] : memref<256x128xbf16, #tpu.memory_space<vmem>>, vector<256x128xbf16>
    %convert_element_type3A_15 = arith.truncf %max3A_11 : vector<4000x256xf32> to vector<4000x256xbf16>
    %dot_general3A_16 = arith.constant dense<0.000000e+00> : vector<4000x128xf32>
    %dot_general3A_17 = tpu.matmul %convert_element_type3A_15, %get3A_14, %dot_general3A_16 {dimension_numbers = #tpu.dot_dimension_numbers<[1], [0], [0], [1], [0, 0, 1, 1], [], []>, transpose_lhs_hint = false} : vector<4000x256xbf16>, vector<256x128xbf16>, vector<4000x128xf32> -> vector<4000x128xf32>
    %get3A_18 = arith.constant 0 : index
    %get3A_19 = arith.constant 0 : index
    %get3A_20 = vector.load %arg7[%get3A_18, %get3A_19] : memref<1x128xf32, #tpu.memory_space<vmem>>, vector<1x128xf32>
    %add3A_21 = vector.broadcast %get3A_20 : vector<1x128xf32> to vector<4000x128xf32>
    %add3A_22 = arith.addf %dot_general3A_17, %add3A_21 : vector<4000x128xf32>
    %max3A_23 = arith.constant 0.000000e+00 : f32
    %max3A_24 = vector.broadcast %max3A_23 : f32 to vector<4000x128xf32>
    %max3A_25 = arith.maximumf %add3A_22, %max3A_24 : vector<4000x128xf32>
    %get3A_26 = arith.constant 0 : index
    %get3A_27 = arith.constant 0 : index
    %get3A_28 = vector.load %arg2[%get3A_26, %get3A_27] : memref<4000x128xf32, #tpu.memory_space<vmem>>, vector<4000x128xf32>
    %get3A_29 = arith.constant 0 : index
    %get3A_30 = arith.constant 0 : index
    %get3A_31 = vector.load %arg8[%get3A_29, %get3A_30] : memref<128x256xbf16, #tpu.memory_space<vmem>>, vector<128x256xbf16>
    %convert_element_type3A_32 = arith.truncf %get3A_28 : vector<4000x128xf32> to vector<4000x128xbf16>
    %dot_general3A_33 = arith.constant dense<0.000000e+00> : vector<4000x256xf32>
    %dot_general3A_34 = tpu.matmul %convert_element_type3A_32, %get3A_31, %dot_general3A_33 {dimension_numbers = #tpu.dot_dimension_numbers<[1], [0], [0], [1], [0, 0, 1, 1], [], []>, transpose_lhs_hint = false} : vector<4000x128xbf16>, vector<128x256xbf16>, vector<4000x256xf32> -> vector<4000x256xf32>
    %get3A_35 = arith.constant 0 : index
    %get3A_36 = arith.constant 0 : index
    %get3A_37 = vector.load %arg3[%get3A_35, %get3A_36] : memref<4000x128xf32, #tpu.memory_space<vmem>>, vector<4000x128xf32>
    %get3A_38 = arith.constant 0 : index
    %get3A_39 = arith.constant 0 : index
    %get3A_40 = vector.load %arg9[%get3A_38, %get3A_39] : memref<128x256xbf16, #tpu.memory_space<vmem>>, vector<128x256xbf16>
    %convert_element_type3A_41 = arith.truncf %get3A_37 : vector<4000x128xf32> to vector<4000x128xbf16>
    %dot_general3A_42 = arith.constant dense<0.000000e+00> : vector<4000x256xf32>
    %dot_general3A_43 = tpu.matmul %convert_element_type3A_41, %get3A_40, %dot_general3A_42 {dimension_numbers = #tpu.dot_dimension_numbers<[1], [0], [0], [1], [0, 0, 1, 1], [], []>, transpose_lhs_hint = false} : vector<4000x128xbf16>, vector<128x256xbf16>, vector<4000x256xf32> -> vector<4000x256xf32>
    %add3A_44 = arith.addf %dot_general3A_34, %dot_general3A_43 : vector<4000x256xf32>
    %get3A_45 = arith.constant 0 : index
    %get3A_46 = arith.constant 0 : index
    %get3A_47 = vector.load %arg10[%get3A_45, %get3A_46] : memref<128x256xbf16, #tpu.memory_space<vmem>>, vector<128x256xbf16>
    %convert_element_type3A_48 = arith.truncf %max3A_25 : vector<4000x128xf32> to vector<4000x128xbf16>
    %dot_general3A_49 = arith.constant dense<0.000000e+00> : vector<4000x256xf32>
    %dot_general3A_50 = tpu.matmul %convert_element_type3A_48, %get3A_47, %dot_general3A_49 {dimension_numbers = #tpu.dot_dimension_numbers<[1], [0], [0], [1], [0, 0, 1, 1], [], []>, transpose_lhs_hint = false} : vector<4000x128xbf16>, vector<128x256xbf16>, vector<4000x256xf32> -> vector<4000x256xf32>
    %add3A_51 = arith.addf %add3A_44, %dot_general3A_50 : vector<4000x256xf32>
    %get3A_52 = arith.constant 0 : index
    %get3A_53 = arith.constant 0 : index
    %get3A_54 = vector.load %arg11[%get3A_52, %get3A_53] : memref<1x256xf32, #tpu.memory_space<vmem>>, vector<1x256xf32>
    %add3A_55 = vector.broadcast %get3A_54 : vector<1x256xf32> to vector<4000x256xf32>
    %add3A_56 = arith.addf %add3A_51, %add3A_55 : vector<4000x256xf32>
    %max3A_57 = arith.constant 0.000000e+00 : f32
    %max3A_58 = vector.broadcast %max3A_57 : f32 to vector<4000x256xf32>
    %max3A_59 = arith.maximumf %add3A_56, %max3A_58 : vector<4000x256xf32>
    %get3A_60 = arith.constant 0 : index
    %get3A_61 = arith.constant 0 : index
    %get3A_62 = vector.load %arg12[%get3A_60, %get3A_61] : memref<256x256xbf16, #tpu.memory_space<vmem>>, vector<256x256xbf16>
    %convert_element_type3A_63 = arith.truncf %max3A_59 : vector<4000x256xf32> to vector<4000x256xbf16>
    %dot_general3A_64 = arith.constant dense<0.000000e+00> : vector<4000x256xf32>
    %dot_general3A_65 = tpu.matmul %convert_element_type3A_63, %get3A_62, %dot_general3A_64 {dimension_numbers = #tpu.dot_dimension_numbers<[1], [0], [0], [1], [0, 0, 1, 1], [], []>, transpose_lhs_hint = false} : vector<4000x256xbf16>, vector<256x256xbf16>, vector<4000x256xf32> -> vector<4000x256xf32>
    %get3A_66 = arith.constant 0 : index
    %get3A_67 = arith.constant 0 : index
    %get3A_68 = vector.load %arg13[%get3A_66, %get3A_67] : memref<1x256xf32, #tpu.memory_space<vmem>>, vector<1x256xf32>
    %add3A_69 = vector.broadcast %get3A_68 : vector<1x256xf32> to vector<4000x256xf32>
    %add3A_70 = arith.addf %dot_general3A_65, %add3A_69 : vector<4000x256xf32>
    %max3A_71 = arith.constant 0.000000e+00 : f32
    %max3A_72 = vector.broadcast %max3A_71 : f32 to vector<4000x256xf32>
    %max3A_73 = arith.maximumf %add3A_70, %max3A_72 : vector<4000x256xf32>
    %get3A_74 = arith.constant 0 : index
    %get3A_75 = arith.constant 0 : index
    %get3A_76 = vector.load %arg14[%get3A_74, %get3A_75] : memref<256x128xbf16, #tpu.memory_space<vmem>>, vector<256x128xbf16>
    %convert_element_type3A_77 = arith.truncf %max3A_73 : vector<4000x256xf32> to vector<4000x256xbf16>
    %dot_general3A_78 = arith.constant dense<0.000000e+00> : vector<4000x128xf32>
    %dot_general3A_79 = tpu.matmul %convert_element_type3A_77, %get3A_76, %dot_general3A_78 {dimension_numbers = #tpu.dot_dimension_numbers<[1], [0], [0], [1], [0, 0, 1, 1], [], []>, transpose_lhs_hint = false} : vector<4000x256xbf16>, vector<256x128xbf16>, vector<4000x128xf32> -> vector<4000x128xf32>
    %get3A_80 = arith.constant 0 : index
    %get3A_81 = arith.constant 0 : index
    %get3A_82 = vector.load %arg15[%get3A_80, %get3A_81] : memref<1x128xf32, #tpu.memory_space<vmem>>, vector<1x128xf32>
    %add3A_83 = vector.broadcast %get3A_82 : vector<1x128xf32> to vector<4000x128xf32>
    %add3A_84 = arith.addf %dot_general3A_79, %add3A_83 : vector<4000x128xf32>
    %max3A_85 = arith.constant 0.000000e+00 : f32
    %max3A_86 = vector.broadcast %max3A_85 : f32 to vector<4000x128xf32>
    %max3A_87 = arith.maximumf %add3A_84, %max3A_86 : vector<4000x128xf32>
    %swap3A = arith.constant 0 : index
    %swap3A_88 = arith.constant 0 : index
    %swap3A_89 = vector.load %arg16[%swap3A, %swap3A_88] : memref<4000x128xf32, #tpu.memory_space<vmem>>, vector<4000x128xf32>
    tpu.vector_store %arg16[%swap3A, %swap3A_88], %max3A_87 {strides = array<i32>} : memref<4000x128xf32, #tpu.memory_space<vmem>>, vector<4000x128xf32>,
    %add3A_90 = arith.addf %max3A_87, %max3A_25 : vector<4000x128xf32>
    %swap3A_91 = arith.constant 0 : index
    %swap3A_92 = arith.constant 0 : index
    %swap3A_93 = vector.load %arg17[%swap3A_91, %swap3A_92] : memref<4000x128xf32, #tpu.memory_space<vmem>>, vector<4000x128xf32>
    tpu.vector_store %arg17[%swap3A_91, %swap3A_92], %add3A_90 {strides = array<i32>} : memref<4000x128xf32, #tpu.memory_space<vmem>>, vector<4000x128xf32>,
    return
  }
  func.func @transform_0(%arg0: i32) -> (i32, i32) {
    %c0_i32 = arith.constant 0 : i32
    %c0_i32_0 = arith.constant 0 : i32
    return %arg0, %c0_i32 : i32, i32
  }
  func.func @transform_1(%arg0: i32) -> (i32, i32) {
    %c0_i32 = arith.constant 0 : i32
    %c0_i32_0 = arith.constant 0 : i32
    return %arg0, %c0_i32 : i32, i32
  }
  func.func @transform_2(%arg0: i32) -> (i32, i32) {
    %c0_i32 = arith.constant 0 : i32
    %c0_i32_0 = arith.constant 0 : i32
    return %arg0, %c0_i32 : i32, i32
  }
  func.func @transform_3(%arg0: i32) -> (i32, i32) {
    %c0_i32 = arith.constant 0 : i32
    %c0_i32_0 = arith.constant 0 : i32
    %c0_i32_1 = arith.constant 0 : i32
    return %c0_i32, %c0_i32_0 : i32, i32
  }
  func.func @transform_4(%arg0: i32) -> (i32, i32) {
    %c0_i32 = arith.constant 0 : i32
    %c0_i32_0 = arith.constant 0 : i32
    %c0_i32_1 = arith.constant 0 : i32
    return %c0_i32, %c0_i32_0 : i32, i32
  }
  func.func @transform_5(%arg0: i32) -> (i32, i32) {
    %c0_i32 = arith.constant 0 : i32
    %c0_i32_0 = arith.constant 0 : i32
    %c0_i32_1 = arith.constant 0 : i32
    return %c0_i32, %c0_i32_0 : i32, i32
  }
  func.func @transform_6(%arg0: i32) -> (i32, i32) {
    %c0_i32 = arith.constant 0 : i32
    %c0_i32_0 = arith.constant 0 : i32
    %c0_i32_1 = arith.constant 0 : i32
    return %c0_i32, %c0_i32_0 : i32, i32
  }
  func.func @transform_7(%arg0: i32) -> (i32, i32) {
    %c0_i32 = arith.constant 0 : i32
    %c0_i32_0 = arith.constant 0 : i32
    %c0_i32_1 = arith.constant 0 : i32
    return %c0_i32, %c0_i32_0 : i32, i32
  }
  func.func @transform_8(%arg0: i32) -> (i32, i32) {
    %c0_i32 = arith.constant 0 : i32
    %c0_i32_0 = arith.constant 0 : i32
    %c0_i32_1 = arith.constant 0 : i32
    return %c0_i32, %c0_i32_0 : i32, i32
  }
  func.func @transform_9(%arg0: i32) -> (i32, i32) {
    %c0_i32 = arith.constant 0 : i32
    %c0_i32_0 = arith.constant 0 : i32
    %c0_i32_1 = arith.constant 0 : i32
    return %c0_i32, %c0_i32_0 : i32, i32
  }
  func.func @transform_10(%arg0: i32) -> (i32, i32) {
    %c0_i32 = arith.constant 0 : i32
    %c0_i32_0 = arith.constant 0 : i32
    %c0_i32_1 = arith.constant 0 : i32
    return %c0_i32, %c0_i32_0 : i32, i32
  }
  func.func @transform_11(%arg0: i32) -> (i32, i32) {
    %c0_i32 = arith.constant 0 : i32
    %c0_i32_0 = arith.constant 0 : i32
    %c0_i32_1 = arith.constant 0 : i32
    return %c0_i32, %c0_i32_0 : i32, i32
  }
  func.func @transform_12(%arg0: i32) -> (i32, i32) {
    %c0_i32 = arith.constant 0 : i32
    %c0_i32_0 = arith.constant 0 : i32
    %c0_i32_1 = arith.constant 0 : i32
    return %c0_i32, %c0_i32_0 : i32, i32
  }
  func.func @transform_13(%arg0: i32) -> (i32, i32) {
    %c0_i32 = arith.constant 0 : i32
    %c0_i32_0 = arith.constant 0 : i32
    %c0_i32_1 = arith.constant 0 : i32
    return %c0_i32, %c0_i32_0 : i32, i32
  }
  func.func @transform_14(%arg0: i32) -> (i32, i32) {
    %c0_i32 = arith.constant 0 : i32
    %c0_i32_0 = arith.constant 0 : i32
    %c0_i32_1 = arith.constant 0 : i32
    return %c0_i32, %c0_i32_0 : i32, i32
  }
  func.func @transform_15(%arg0: i32) -> (i32, i32) {
    %c0_i32 = arith.constant 0 : i32
    %c0_i32_0 = arith.constant 0 : i32
    return %arg0, %c0_i32 : i32, i32
  }
  func.func @transform_16(%arg0: i32) -> (i32, i32) {
    %c0_i32 = arith.constant 0 : i32
    %c0_i32_0 = arith.constant 0 : i32
    return %arg0, %c0_i32 : i32, i32
  }
}

module attributes {stable_mosaic.version = 14 : i64} {
  func.func @body(%arg0: i32, %arg1: memref<2x1000x128xf32, #tpu.memory_space<vmem>>, %arg2: memref<2x1000x128xf32, #tpu.memory_space<vmem>>, %arg3: memref<1000x256xf32, #tpu.memory_space<vmem>>, %arg4: memref<1000x128xf32, #tpu.memory_space<vmem>>, %arg5: memref<128x256xbf16, #tpu.memory_space<vmem>>, %arg6: memref<1x256xf32, #tpu.memory_space<vmem>>, %arg7: memref<256x256xbf16, #tpu.memory_space<vmem>>, %arg8: memref<1x256xf32, #tpu.memory_space<vmem>>, %arg9: memref<256x128xbf16, #tpu.memory_space<vmem>>, %arg10: memref<1x128xf32, #tpu.memory_space<vmem>>, %arg11: memref<1000x128xf32, #tpu.memory_space<vmem>>) attributes {dimension_semantics = [#tpu.dimension_semantics<arbitrary>], iteration_bounds = array<i64: 10>, scalar_prefetch = 0 : i64, scratch_operands = 0 : i64, tpu.core_type = #tpu.core_type<tc>, window_params = [{transform_indices = @transform_0, window_bounds = array<i64: 2, 1000, 128>}, {transform_indices = @transform_1, window_bounds = array<i64: 2, 1000, 128>}, {transform_indices = @transform_2, window_bounds = array<i64: 1000, 256>}, {transform_indices = @transform_3, window_bounds = array<i64: 1000, 128>}, {pipeline_mode = #tpu.pipeline_mode<synchronous>, transform_indices = @transform_4, window_bounds = array<i64: 128, 256>}, {pipeline_mode = #tpu.pipeline_mode<synchronous>, transform_indices = @transform_5, window_bounds = array<i64: 1, 256>}, {pipeline_mode = #tpu.pipeline_mode<synchronous>, transform_indices = @transform_6, window_bounds = array<i64: 256, 256>}, {pipeline_mode = #tpu.pipeline_mode<synchronous>, transform_indices = @transform_7, window_bounds = array<i64: 1, 256>}, {pipeline_mode = #tpu.pipeline_mode<synchronous>, transform_indices = @transform_8, window_bounds = array<i64: 256, 128>}, {pipeline_mode = #tpu.pipeline_mode<synchronous>, transform_indices = @transform_9, window_bounds = array<i64: 1, 128>}, {transform_indices = @transform_10, window_bounds = array<i64: 1000, 128>}]} {
    %get3A = arith.constant 0 : index
    %get3A_0 = arith.constant 0 : index
    %get3A_1 = arith.constant 0 : index
    %get3A_2 = vector.load %arg1[%get3A, %get3A_0, %get3A_1] : memref<2x1000x128xf32, #tpu.memory_space<vmem>>, vector<1x1000x128xf32>
    %get3A_3 = vector.shape_cast %get3A_2 : vector<1x1000x128xf32> to vector<1000x128xf32>
    %get3A_4 = arith.constant 1 : index
    %get3A_5 = arith.constant 0 : index
    %get3A_6 = arith.constant 0 : index
    %get3A_7 = vector.load %arg1[%get3A_4, %get3A_5, %get3A_6] : memref<2x1000x128xf32, #tpu.memory_space<vmem>>, vector<1x1000x128xf32>
    %get3A_8 = vector.shape_cast %get3A_7 : vector<1x1000x128xf32> to vector<1000x128xf32>
    %add3A = arith.addf %get3A_3, %get3A_8 : vector<1000x128xf32>
    %get3A_9 = arith.constant 0 : index
    %get3A_10 = arith.constant 0 : index
    %get3A_11 = arith.constant 0 : index
    %get3A_12 = vector.load %arg2[%get3A_9, %get3A_10, %get3A_11] : memref<2x1000x128xf32, #tpu.memory_space<vmem>>, vector<1x1000x128xf32>
    %get3A_13 = vector.shape_cast %get3A_12 : vector<1x1000x128xf32> to vector<1000x128xf32>
    %get3A_14 = arith.constant 1 : index
    %get3A_15 = arith.constant 0 : index
    %get3A_16 = arith.constant 0 : index
    %get3A_17 = vector.load %arg2[%get3A_14, %get3A_15, %get3A_16] : memref<2x1000x128xf32, #tpu.memory_space<vmem>>, vector<1x1000x128xf32>
    %get3A_18 = vector.shape_cast %get3A_17 : vector<1x1000x128xf32> to vector<1000x128xf32>
    %add3A_19 = arith.addf %get3A_13, %get3A_18 : vector<1000x128xf32>
    %slice3A = vector.extract_strided_slice %add3A_19 {offsets = [0, 0], sizes = [1000, 1], strides = [1, 1]} : vector<1000x128xf32> to vector<1000x1xf32>
    %max3A = arith.constant 1.000000e+00 : f32
    %max3A_20 = vector.broadcast %max3A : f32 to vector<1000x1xf32>
    %max3A_21 = arith.maximumf %slice3A, %max3A_20 : vector<1000x1xf32>
    %div3A = vector.broadcast %max3A_21 : vector<1000x1xf32> to vector<1000x128xf32>
    %div3A_22 = arith.divf %add3A, %div3A : vector<1000x128xf32>
    %get3A_23 = arith.constant 0 : index
    %get3A_24 = arith.constant 0 : index
    %get3A_25 = vector.load %arg5[%get3A_23, %get3A_24] : memref<128x256xbf16, #tpu.memory_space<vmem>>, vector<128x256xbf16>
    %convert_element_type3A = arith.truncf %div3A_22 : vector<1000x128xf32> to vector<1000x128xbf16>
    %dot_general3A = arith.constant dense<0.000000e+00> : vector<1000x256xf32>
    %dot_general3A_26 = tpu.matmul %convert_element_type3A, %get3A_25, %dot_general3A {dimension_numbers = #tpu.dot_dimension_numbers<[1], [0], [0], [1], [0, 0, 1, 1], [], []>, transpose_lhs_hint = false} : vector<1000x128xbf16>, vector<128x256xbf16>, vector<1000x256xf32> -> vector<1000x256xf32>
    %get3A_27 = arith.constant 0 : index
    %get3A_28 = arith.constant 0 : index
    %get3A_29 = vector.load %arg6[%get3A_27, %get3A_28] : memref<1x256xf32, #tpu.memory_space<vmem>>, vector<1x256xf32>
    %add3A_30 = vector.broadcast %get3A_29 : vector<1x256xf32> to vector<1000x256xf32>
    %add3A_31 = arith.addf %dot_general3A_26, %add3A_30 : vector<1000x256xf32>
    %get3A_32 = arith.constant 0 : index
    %get3A_33 = arith.constant 0 : index
    %get3A_34 = vector.load %arg3[%get3A_32, %get3A_33] : memref<1000x256xf32, #tpu.memory_space<vmem>>, vector<1000x256xf32>
    %add3A_35 = arith.addf %get3A_34, %add3A_31 : vector<1000x256xf32>
    %max3A_36 = arith.constant 0.000000e+00 : f32
    %max3A_37 = vector.broadcast %max3A_36 : f32 to vector<1000x256xf32>
    %max3A_38 = arith.maximumf %add3A_35, %max3A_37 : vector<1000x256xf32>
    %get3A_39 = arith.constant 0 : index
    %get3A_40 = arith.constant 0 : index
    %get3A_41 = vector.load %arg7[%get3A_39, %get3A_40] : memref<256x256xbf16, #tpu.memory_space<vmem>>, vector<256x256xbf16>
    %convert_element_type3A_42 = arith.truncf %max3A_38 : vector<1000x256xf32> to vector<1000x256xbf16>
    %dot_general3A_43 = arith.constant dense<0.000000e+00> : vector<1000x256xf32>
    %dot_general3A_44 = tpu.matmul %convert_element_type3A_42, %get3A_41, %dot_general3A_43 {dimension_numbers = #tpu.dot_dimension_numbers<[1], [0], [0], [1], [0, 0, 1, 1], [], []>, transpose_lhs_hint = false} : vector<1000x256xbf16>, vector<256x256xbf16>, vector<1000x256xf32> -> vector<1000x256xf32>
    %get3A_45 = arith.constant 0 : index
    %get3A_46 = arith.constant 0 : index
    %get3A_47 = vector.load %arg8[%get3A_45, %get3A_46] : memref<1x256xf32, #tpu.memory_space<vmem>>, vector<1x256xf32>
    %add3A_48 = vector.broadcast %get3A_47 : vector<1x256xf32> to vector<1000x256xf32>
    %add3A_49 = arith.addf %dot_general3A_44, %add3A_48 : vector<1000x256xf32>
    %max3A_50 = arith.constant 0.000000e+00 : f32
    %max3A_51 = vector.broadcast %max3A_50 : f32 to vector<1000x256xf32>
    %max3A_52 = arith.maximumf %add3A_49, %max3A_51 : vector<1000x256xf32>
    %get3A_53 = arith.constant 0 : index
    %get3A_54 = arith.constant 0 : index
    %get3A_55 = vector.load %arg9[%get3A_53, %get3A_54] : memref<256x128xbf16, #tpu.memory_space<vmem>>, vector<256x128xbf16>
    %convert_element_type3A_56 = arith.truncf %max3A_52 : vector<1000x256xf32> to vector<1000x256xbf16>
    %dot_general3A_57 = arith.constant dense<0.000000e+00> : vector<1000x128xf32>
    %dot_general3A_58 = tpu.matmul %convert_element_type3A_56, %get3A_55, %dot_general3A_57 {dimension_numbers = #tpu.dot_dimension_numbers<[1], [0], [0], [1], [0, 0, 1, 1], [], []>, transpose_lhs_hint = false} : vector<1000x256xbf16>, vector<256x128xbf16>, vector<1000x128xf32> -> vector<1000x128xf32>
    %get3A_59 = arith.constant 0 : index
    %get3A_60 = arith.constant 0 : index
    %get3A_61 = vector.load %arg10[%get3A_59, %get3A_60] : memref<1x128xf32, #tpu.memory_space<vmem>>, vector<1x128xf32>
    %add3A_62 = vector.broadcast %get3A_61 : vector<1x128xf32> to vector<1000x128xf32>
    %add3A_63 = arith.addf %dot_general3A_58, %add3A_62 : vector<1000x128xf32>
    %max3A_64 = arith.constant 0.000000e+00 : f32
    %max3A_65 = vector.broadcast %max3A_64 : f32 to vector<1000x128xf32>
    %max3A_66 = arith.maximumf %add3A_63, %max3A_65 : vector<1000x128xf32>
    %get3A_67 = arith.constant 0 : index
    %get3A_68 = arith.constant 0 : index
    %get3A_69 = vector.load %arg4[%get3A_67, %get3A_68] : memref<1000x128xf32, #tpu.memory_space<vmem>>, vector<1000x128xf32>
    %add3A_70 = arith.addf %max3A_66, %get3A_69 : vector<1000x128xf32>
    %swap3A = arith.constant 0 : index
    %swap3A_71 = arith.constant 0 : index
    %swap3A_72 = vector.load %arg11[%swap3A, %swap3A_71] : memref<1000x128xf32, #tpu.memory_space<vmem>>, vector<1000x128xf32>
    tpu.vector_store %arg11[%swap3A, %swap3A_71], %add3A_70 {strides = array<i32>} : memref<1000x128xf32, #tpu.memory_space<vmem>>, vector<1000x128xf32>,
    return
  }
  func.func @transform_0(%arg0: i32) -> (i32, i32, i32) {
    %c0_i32 = arith.constant 0 : i32
    %c0_i32_0 = arith.constant 0 : i32
    %c0_i32_1 = arith.constant 0 : i32
    return %c0_i32, %arg0, %c0_i32_0 : i32, i32, i32
  }
  func.func @transform_1(%arg0: i32) -> (i32, i32, i32) {
    %c0_i32 = arith.constant 0 : i32
    %c0_i32_0 = arith.constant 0 : i32
    %c0_i32_1 = arith.constant 0 : i32
    return %c0_i32, %arg0, %c0_i32_0 : i32, i32, i32
  }
  func.func @transform_2(%arg0: i32) -> (i32, i32) {
    %c0_i32 = arith.constant 0 : i32
    %c0_i32_0 = arith.constant 0 : i32
    return %arg0, %c0_i32 : i32, i32
  }
  func.func @transform_3(%arg0: i32) -> (i32, i32) {
    %c0_i32 = arith.constant 0 : i32
    %c0_i32_0 = arith.constant 0 : i32
    return %arg0, %c0_i32 : i32, i32
  }
  func.func @transform_4(%arg0: i32) -> (i32, i32) {
    %c0_i32 = arith.constant 0 : i32
    %c0_i32_0 = arith.constant 0 : i32
    %c0_i32_1 = arith.constant 0 : i32
    return %c0_i32, %c0_i32_0 : i32, i32
  }
  func.func @transform_5(%arg0: i32) -> (i32, i32) {
    %c0_i32 = arith.constant 0 : i32
    %c0_i32_0 = arith.constant 0 : i32
    %c0_i32_1 = arith.constant 0 : i32
    return %c0_i32, %c0_i32_0 : i32, i32
  }
  func.func @transform_6(%arg0: i32) -> (i32, i32) {
    %c0_i32 = arith.constant 0 : i32
    %c0_i32_0 = arith.constant 0 : i32
    %c0_i32_1 = arith.constant 0 : i32
    return %c0_i32, %c0_i32_0 : i32, i32
  }
  func.func @transform_7(%arg0: i32) -> (i32, i32) {
    %c0_i32 = arith.constant 0 : i32
    %c0_i32_0 = arith.constant 0 : i32
    %c0_i32_1 = arith.constant 0 : i32
    return %c0_i32, %c0_i32_0 : i32, i32
  }
  func.func @transform_8(%arg0: i32) -> (i32, i32) {
    %c0_i32 = arith.constant 0 : i32
    %c0_i32_0 = arith.constant 0 : i32
    %c0_i32_1 = arith.constant 0 : i32
    return %c0_i32, %c0_i32_0 : i32, i32
  }
  func.func @transform_9(%arg0: i32) -> (i32, i32) {
    %c0_i32 = arith.constant 0 : i32
    %c0_i32_0 = arith.constant 0 : i32
    %c0_i32_1 = arith.constant 0 : i32
    return %c0_i32, %c0_i32_0 : i32, i32
  }
  func.func @transform_10(%arg0: i32) -> (i32, i32) {
    %c0_i32 = arith.constant 0 : i32
    %c0_i32_0 = arith.constant 0 : i32
    return %arg0, %c0_i32 : i32, i32
  }
}

module attributes {stable_mosaic.version = 14 : i64} {
  func.func @body(%arg0: i32, %arg1: memref<1000x128xf32, #tpu.memory_space<vmem>>, %arg2: memref<128x256xbf16, #tpu.memory_space<vmem>>, %arg3: memref<1x256xf32, #tpu.memory_space<vmem>>, %arg4: memref<256x128xbf16, #tpu.memory_space<vmem>>, %arg5: memref<1x128xf32, #tpu.memory_space<vmem>>, %arg6: memref<128x256xbf16, #tpu.memory_space<vmem>>, %arg7: memref<1x256xf32, #tpu.memory_space<vmem>>, %arg8: memref<1000x128xf32, #tpu.memory_space<vmem>>, %arg9: memref<1000x256xf32, #tpu.memory_space<vmem>>) attributes {dimension_semantics = [#tpu.dimension_semantics<arbitrary>], iteration_bounds = array<i64: 10>, scalar_prefetch = 0 : i64, scratch_operands = 0 : i64, tpu.core_type = #tpu.core_type<tc>, window_params = [{transform_indices = @transform_0, window_bounds = array<i64: 1000, 128>}, {pipeline_mode = #tpu.pipeline_mode<synchronous>, transform_indices = @transform_1, window_bounds = array<i64: 128, 256>}, {pipeline_mode = #tpu.pipeline_mode<synchronous>, transform_indices = @transform_2, window_bounds = array<i64: 1, 256>}, {pipeline_mode = #tpu.pipeline_mode<synchronous>, transform_indices = @transform_3, window_bounds = array<i64: 256, 128>}, {pipeline_mode = #tpu.pipeline_mode<synchronous>, transform_indices = @transform_4, window_bounds = array<i64: 1, 128>}, {pipeline_mode = #tpu.pipeline_mode<synchronous>, transform_indices = @transform_5, window_bounds = array<i64: 128, 256>}, {pipeline_mode = #tpu.pipeline_mode<synchronous>, transform_indices = @transform_6, window_bounds = array<i64: 1, 256>}, {transform_indices = @transform_7, window_bounds = array<i64: 1000, 128>}, {transform_indices = @transform_8, window_bounds = array<i64: 1000, 256>}]} {
    %get3A = arith.constant 0 : index
    %get3A_0 = arith.constant 0 : index
    %get3A_1 = vector.load %arg1[%get3A, %get3A_0] : memref<1000x128xf32, #tpu.memory_space<vmem>>, vector<1000x128xf32>
    %get3A_2 = arith.constant 0 : index
    %get3A_3 = arith.constant 0 : index
    %get3A_4 = vector.load %arg2[%get3A_2, %get3A_3] : memref<128x256xbf16, #tpu.memory_space<vmem>>, vector<128x256xbf16>
    %convert_element_type3A = arith.truncf %get3A_1 : vector<1000x128xf32> to vector<1000x128xbf16>
    %dot_general3A = arith.constant dense<0.000000e+00> : vector<1000x256xf32>
    %dot_general3A_5 = tpu.matmul %convert_element_type3A, %get3A_4, %dot_general3A {dimension_numbers = #tpu.dot_dimension_numbers<[1], [0], [0], [1], [0, 0, 1, 1], [], []>, transpose_lhs_hint = false} : vector<1000x128xbf16>, vector<128x256xbf16>, vector<1000x256xf32> -> vector<1000x256xf32>
    %get3A_6 = arith.constant 0 : index
    %get3A_7 = arith.constant 0 : index
    %get3A_8 = vector.load %arg3[%get3A_6, %get3A_7] : memref<1x256xf32, #tpu.memory_space<vmem>>, vector<1x256xf32>
    %add3A = vector.broadcast %get3A_8 : vector<1x256xf32> to vector<1000x256xf32>
    %add3A_9 = arith.addf %dot_general3A_5, %add3A : vector<1000x256xf32>
    %max3A = arith.constant 0.000000e+00 : f32
    %max3A_10 = vector.broadcast %max3A : f32 to vector<1000x256xf32>
    %max3A_11 = arith.maximumf %add3A_9, %max3A_10 : vector<1000x256xf32>
    %get3A_12 = arith.constant 0 : index
    %get3A_13 = arith.constant 0 : index
    %get3A_14 = vector.load %arg4[%get3A_12, %get3A_13] : memref<256x128xbf16, #tpu.memory_space<vmem>>, vector<256x128xbf16>
    %convert_element_type3A_15 = arith.truncf %max3A_11 : vector<1000x256xf32> to vector<1000x256xbf16>
    %dot_general3A_16 = arith.constant dense<0.000000e+00> : vector<1000x128xf32>
    %dot_general3A_17 = tpu.matmul %convert_element_type3A_15, %get3A_14, %dot_general3A_16 {dimension_numbers = #tpu.dot_dimension_numbers<[1], [0], [0], [1], [0, 0, 1, 1], [], []>, transpose_lhs_hint = false} : vector<1000x256xbf16>, vector<256x128xbf16>, vector<1000x128xf32> -> vector<1000x128xf32>
    %get3A_18 = arith.constant 0 : index
    %get3A_19 = arith.constant 0 : index
    %get3A_20 = vector.load %arg5[%get3A_18, %get3A_19] : memref<1x128xf32, #tpu.memory_space<vmem>>, vector<1x128xf32>
    %add3A_21 = vector.broadcast %get3A_20 : vector<1x128xf32> to vector<1000x128xf32>
    %add3A_22 = arith.addf %dot_general3A_17, %add3A_21 : vector<1000x128xf32>
    %max3A_23 = arith.constant 0.000000e+00 : f32
    %max3A_24 = vector.broadcast %max3A_23 : f32 to vector<1000x128xf32>
    %max3A_25 = arith.maximumf %add3A_22, %max3A_24 : vector<1000x128xf32>
    %swap3A = arith.constant 0 : index
    %swap3A_26 = arith.constant 0 : index
    %swap3A_27 = vector.load %arg8[%swap3A, %swap3A_26] : memref<1000x128xf32, #tpu.memory_space<vmem>>, vector<1000x128xf32>
    tpu.vector_store %arg8[%swap3A, %swap3A_26], %max3A_25 {strides = array<i32>} : memref<1000x128xf32, #tpu.memory_space<vmem>>, vector<1000x128xf32>,
    %get3A_28 = arith.constant 0 : index
    %get3A_29 = arith.constant 0 : index
    %get3A_30 = vector.load %arg6[%get3A_28, %get3A_29] : memref<128x256xbf16, #tpu.memory_space<vmem>>, vector<128x256xbf16>
    %convert_element_type3A_31 = arith.truncf %max3A_25 : vector<1000x128xf32> to vector<1000x128xbf16>
    %dot_general3A_32 = arith.constant dense<0.000000e+00> : vector<1000x256xf32>
    %dot_general3A_33 = tpu.matmul %convert_element_type3A_31, %get3A_30, %dot_general3A_32 {dimension_numbers = #tpu.dot_dimension_numbers<[1], [0], [0], [1], [0, 0, 1, 1], [], []>, transpose_lhs_hint = false} : vector<1000x128xbf16>, vector<128x256xbf16>, vector<1000x256xf32> -> vector<1000x256xf32>
    %get3A_34 = arith.constant 0 : index
    %get3A_35 = arith.constant 0 : index
    %get3A_36 = vector.load %arg7[%get3A_34, %get3A_35] : memref<1x256xf32, #tpu.memory_space<vmem>>, vector<1x256xf32>
    %add3A_37 = vector.broadcast %get3A_36 : vector<1x256xf32> to vector<1000x256xf32>
    %add3A_38 = arith.addf %dot_general3A_33, %add3A_37 : vector<1000x256xf32>
    %swap3A_39 = arith.constant 0 : index
    %swap3A_40 = arith.constant 0 : index
    %swap3A_41 = vector.load %arg9[%swap3A_39, %swap3A_40] : memref<1000x256xf32, #tpu.memory_space<vmem>>, vector<1000x256xf32>
    tpu.vector_store %arg9[%swap3A_39, %swap3A_40], %add3A_38 {strides = array<i32>} : memref<1000x256xf32, #tpu.memory_space<vmem>>, vector<1000x256xf32>,
    return
  }
  func.func @transform_0(%arg0: i32) -> (i32, i32) {
    %c0_i32 = arith.constant 0 : i32
    %c0_i32_0 = arith.constant 0 : i32
    return %arg0, %c0_i32 : i32, i32
  }
  func.func @transform_1(%arg0: i32) -> (i32, i32) {
    %c0_i32 = arith.constant 0 : i32
    %c0_i32_0 = arith.constant 0 : i32
    %c0_i32_1 = arith.constant 0 : i32
    return %c0_i32, %c0_i32_0 : i32, i32
  }
  func.func @transform_2(%arg0: i32) -> (i32, i32) {
    %c0_i32 = arith.constant 0 : i32
    %c0_i32_0 = arith.constant 0 : i32
    %c0_i32_1 = arith.constant 0 : i32
    return %c0_i32, %c0_i32_0 : i32, i32
  }
  func.func @transform_3(%arg0: i32) -> (i32, i32) {
    %c0_i32 = arith.constant 0 : i32
    %c0_i32_0 = arith.constant 0 : i32
    %c0_i32_1 = arith.constant 0 : i32
    return %c0_i32, %c0_i32_0 : i32, i32
  }
  func.func @transform_4(%arg0: i32) -> (i32, i32) {
    %c0_i32 = arith.constant 0 : i32
    %c0_i32_0 = arith.constant 0 : i32
    %c0_i32_1 = arith.constant 0 : i32
    return %c0_i32, %c0_i32_0 : i32, i32
  }
  func.func @transform_5(%arg0: i32) -> (i32, i32) {
    %c0_i32 = arith.constant 0 : i32
    %c0_i32_0 = arith.constant 0 : i32
    %c0_i32_1 = arith.constant 0 : i32
    return %c0_i32, %c0_i32_0 : i32, i32
  }
  func.func @transform_6(%arg0: i32) -> (i32, i32) {
    %c0_i32 = arith.constant 0 : i32
    %c0_i32_0 = arith.constant 0 : i32
    %c0_i32_1 = arith.constant 0 : i32
    return %c0_i32, %c0_i32_0 : i32, i32
  }
  func.func @transform_7(%arg0: i32) -> (i32, i32) {
    %c0_i32 = arith.constant 0 : i32
    %c0_i32_0 = arith.constant 0 : i32
    return %arg0, %c0_i32 : i32, i32
  }
  func.func @transform_8(%arg0: i32) -> (i32, i32) {
    %c0_i32 = arith.constant 0 : i32
    %c0_i32_0 = arith.constant 0 : i32
    return %arg0, %c0_i32 : i32, i32
  }
}

module attributes {stable_mosaic.version = 14 : i64} {
  func.func @body(%arg0: i32, %arg1: memref<4000x128xf32, #tpu.memory_space<vmem>>, %arg2: memref<4000x128xf32, #tpu.memory_space<vmem>>, %arg3: memref<4000x128xf32, #tpu.memory_space<vmem>>, %arg4: memref<128x256xbf16, #tpu.memory_space<vmem>>, %arg5: memref<1x256xf32, #tpu.memory_space<vmem>>, %arg6: memref<256x128xbf16, #tpu.memory_space<vmem>>, %arg7: memref<1x128xf32, #tpu.memory_space<vmem>>, %arg8: memref<128x256xbf16, #tpu.memory_space<vmem>>, %arg9: memref<128x256xbf16, #tpu.memory_space<vmem>>, %arg10: memref<128x256xbf16, #tpu.memory_space<vmem>>, %arg11: memref<1x256xf32, #tpu.memory_space<vmem>>, %arg12: memref<256x256xbf16, #tpu.memory_space<vmem>>, %arg13: memref<1x256xf32, #tpu.memory_space<vmem>>, %arg14: memref<256x128xbf16, #tpu.memory_space<vmem>>, %arg15: memref<1x128xf32, #tpu.memory_space<vmem>>, %arg16: memref<4000x128xf32, #tpu.memory_space<vmem>>, %arg17: memref<4000x128xf32, #tpu.memory_space<vmem>>) attributes {dimension_semantics = [#tpu.dimension_semantics<arbitrary>], iteration_bounds = array<i64: 40>, scalar_prefetch = 0 : i64, scratch_operands = 0 : i64, tpu.core_type = #tpu.core_type<tc>, window_params = [{transform_indices = @transform_0, window_bounds = array<i64: 4000, 128>}, {transform_indices = @transform_1, window_bounds = array<i64: 4000, 128>}, {transform_indices = @transform_2, window_bounds = array<i64: 4000, 128>}, {pipeline_mode = #tpu.pipeline_mode<synchronous>, transform_indices = @transform_3, window_bounds = array<i64: 128, 256>}, {pipeline_mode = #tpu.pipeline_mode<synchronous>, transform_indices = @transform_4, window_bounds = array<i64: 1, 256>}, {pipeline_mode = #tpu.pipeline_mode<synchronous>, transform_indices = @transform_5, window_bounds = array<i64: 256, 128>}, {pipeline_mode = #tpu.pipeline_mode<synchronous>, transform_indices = @transform_6, window_bounds = array<i64: 1, 128>}, {pipeline_mode = #tpu.pipeline_mode<synchronous>, transform_indices = @transform_7, window_bounds = array<i64: 128, 256>}, {pipeline_mode = #tpu.pipeline_mode<synchronous>, transform_indices = @transform_8, window_bounds = array<i64: 128, 256>}, {pipeline_mode = #tpu.pipeline_mode<synchronous>, transform_indices = @transform_9, window_bounds = array<i64: 128, 256>}, {pipeline_mode = #tpu.pipeline_mode<synchronous>, transform_indices = @transform_10, window_bounds = array<i64: 1, 256>}, {pipeline_mode = #tpu.pipeline_mode<synchronous>, transform_indices = @transform_11, window_bounds = array<i64: 256, 256>}, {pipeline_mode = #tpu.pipeline_mode<synchronous>, transform_indices = @transform_12, window_bounds = array<i64: 1, 256>}, {pipeline_mode = #tpu.pipeline_mode<synchronous>, transform_indices = @transform_13, window_bounds = array<i64: 256, 128>}, {pipeline_mode = #tpu.pipeline_mode<synchronous>, transform_indices = @transform_14, window_bounds = array<i64: 1, 128>}, {transform_indices = @transform_15, window_bounds = array<i64: 4000, 128>}, {transform_indices = @transform_16, window_bounds = array<i64: 4000, 128>}]} {
    %get3A = arith.constant 0 : index
    %get3A_0 = arith.constant 0 : index
    %get3A_1 = vector.load %arg1[%get3A, %get3A_0] : memref<4000x128xf32, #tpu.memory_space<vmem>>, vector<4000x128xf32>
    %get3A_2 = arith.constant 0 : index
    %get3A_3 = arith.constant 0 : index
    %get3A_4 = vector.load %arg4[%get3A_2, %get3A_3] : memref<128x256xbf16, #tpu.memory_space<vmem>>, vector<128x256xbf16>
    %convert_element_type3A = arith.truncf %get3A_1 : vector<4000x128xf32> to vector<4000x128xbf16>
    %dot_general3A = arith.constant dense<0.000000e+00> : vector<4000x256xf32>
    %dot_general3A_5 = tpu.matmul %convert_element_type3A, %get3A_4, %dot_general3A {dimension_numbers = #tpu.dot_dimension_numbers<[1], [0], [0], [1], [0, 0, 1, 1], [], []>, transpose_lhs_hint = false} : vector<4000x128xbf16>, vector<128x256xbf16>, vector<4000x256xf32> -> vector<4000x256xf32>
    %get3A_6 = arith.constant 0 : index
    %get3A_7 = arith.constant 0 : index
    %get3A_8 = vector.load %arg5[%get3A_6, %get3A_7] : memref<1x256xf32, #tpu.memory_space<vmem>>, vector<1x256xf32>
    %add3A = vector.broadcast %get3A_8 : vector<1x256xf32> to vector<4000x256xf32>
    %add3A_9 = arith.addf %dot_general3A_5, %add3A : vector<4000x256xf32>
    %max3A = arith.constant 0.000000e+00 : f32
    %max3A_10 = vector.broadcast %max3A : f32 to vector<4000x256xf32>
    %max3A_11 = arith.maximumf %add3A_9, %max3A_10 : vector<4000x256xf32>
    %get3A_12 = arith.constant 0 : index
    %get3A_13 = arith.constant 0 : index
    %get3A_14 = vector.load %arg6[%get3A_12, %get3A_13] : memref<256x128xbf16, #tpu.memory_space<vmem>>, vector<256x128xbf16>
    %convert_element_type3A_15 = arith.truncf %max3A_11 : vector<4000x256xf32> to vector<4000x256xbf16>
    %dot_general3A_16 = arith.constant dense<0.000000e+00> : vector<4000x128xf32>
    %dot_general3A_17 = tpu.matmul %convert_element_type3A_15, %get3A_14, %dot_general3A_16 {dimension_numbers = #tpu.dot_dimension_numbers<[1], [0], [0], [1], [0, 0, 1, 1], [], []>, transpose_lhs_hint = false} : vector<4000x256xbf16>, vector<256x128xbf16>, vector<4000x128xf32> -> vector<4000x128xf32>
    %get3A_18 = arith.constant 0 : index
    %get3A_19 = arith.constant 0 : index
    %get3A_20 = vector.load %arg7[%get3A_18, %get3A_19] : memref<1x128xf32, #tpu.memory_space<vmem>>, vector<1x128xf32>
    %add3A_21 = vector.broadcast %get3A_20 : vector<1x128xf32> to vector<4000x128xf32>
    %add3A_22 = arith.addf %dot_general3A_17, %add3A_21 : vector<4000x128xf32>
    %max3A_23 = arith.constant 0.000000e+00 : f32
    %max3A_24 = vector.broadcast %max3A_23 : f32 to vector<4000x128xf32>
    %max3A_25 = arith.maximumf %add3A_22, %max3A_24 : vector<4000x128xf32>
    %get3A_26 = arith.constant 0 : index
    %get3A_27 = arith.constant 0 : index
    %get3A_28 = vector.load %arg2[%get3A_26, %get3A_27] : memref<4000x128xf32, #tpu.memory_space<vmem>>, vector<4000x128xf32>
    %get3A_29 = arith.constant 0 : index
    %get3A_30 = arith.constant 0 : index
    %get3A_31 = vector.load %arg8[%get3A_29, %get3A_30] : memref<128x256xbf16, #tpu.memory_space<vmem>>, vector<128x256xbf16>
    %convert_element_type3A_32 = arith.truncf %get3A_28 : vector<4000x128xf32> to vector<4000x128xbf16>
    %dot_general3A_33 = arith.constant dense<0.000000e+00> : vector<4000x256xf32>
    %dot_general3A_34 = tpu.matmul %convert_element_type3A_32, %get3A_31, %dot_general3A_33 {dimension_numbers = #tpu.dot_dimension_numbers<[1], [0], [0], [1], [0, 0, 1, 1], [], []>, transpose_lhs_hint = false} : vector<4000x128xbf16>, vector<128x256xbf16>, vector<4000x256xf32> -> vector<4000x256xf32>
    %get3A_35 = arith.constant 0 : index
    %get3A_36 = arith.constant 0 : index
    %get3A_37 = vector.load %arg3[%get3A_35, %get3A_36] : memref<4000x128xf32, #tpu.memory_space<vmem>>, vector<4000x128xf32>
    %get3A_38 = arith.constant 0 : index
    %get3A_39 = arith.constant 0 : index
    %get3A_40 = vector.load %arg9[%get3A_38, %get3A_39] : memref<128x256xbf16, #tpu.memory_space<vmem>>, vector<128x256xbf16>
    %convert_element_type3A_41 = arith.truncf %get3A_37 : vector<4000x128xf32> to vector<4000x128xbf16>
    %dot_general3A_42 = arith.constant dense<0.000000e+00> : vector<4000x256xf32>
    %dot_general3A_43 = tpu.matmul %convert_element_type3A_41, %get3A_40, %dot_general3A_42 {dimension_numbers = #tpu.dot_dimension_numbers<[1], [0], [0], [1], [0, 0, 1, 1], [], []>, transpose_lhs_hint = false} : vector<4000x128xbf16>, vector<128x256xbf16>, vector<4000x256xf32> -> vector<4000x256xf32>
    %add3A_44 = arith.addf %dot_general3A_34, %dot_general3A_43 : vector<4000x256xf32>
    %get3A_45 = arith.constant 0 : index
    %get3A_46 = arith.constant 0 : index
    %get3A_47 = vector.load %arg10[%get3A_45, %get3A_46] : memref<128x256xbf16, #tpu.memory_space<vmem>>, vector<128x256xbf16>
    %convert_element_type3A_48 = arith.truncf %max3A_25 : vector<4000x128xf32> to vector<4000x128xbf16>
    %dot_general3A_49 = arith.constant dense<0.000000e+00> : vector<4000x256xf32>
    %dot_general3A_50 = tpu.matmul %convert_element_type3A_48, %get3A_47, %dot_general3A_49 {dimension_numbers = #tpu.dot_dimension_numbers<[1], [0], [0], [1], [0, 0, 1, 1], [], []>, transpose_lhs_hint = false} : vector<4000x128xbf16>, vector<128x256xbf16>, vector<4000x256xf32> -> vector<4000x256xf32>
    %add3A_51 = arith.addf %add3A_44, %dot_general3A_50 : vector<4000x256xf32>
    %get3A_52 = arith.constant 0 : index
    %get3A_53 = arith.constant 0 : index
    %get3A_54 = vector.load %arg11[%get3A_52, %get3A_53] : memref<1x256xf32, #tpu.memory_space<vmem>>, vector<1x256xf32>
    %add3A_55 = vector.broadcast %get3A_54 : vector<1x256xf32> to vector<4000x256xf32>
    %add3A_56 = arith.addf %add3A_51, %add3A_55 : vector<4000x256xf32>
    %max3A_57 = arith.constant 0.000000e+00 : f32
    %max3A_58 = vector.broadcast %max3A_57 : f32 to vector<4000x256xf32>
    %max3A_59 = arith.maximumf %add3A_56, %max3A_58 : vector<4000x256xf32>
    %get3A_60 = arith.constant 0 : index
    %get3A_61 = arith.constant 0 : index
    %get3A_62 = vector.load %arg12[%get3A_60, %get3A_61] : memref<256x256xbf16, #tpu.memory_space<vmem>>, vector<256x256xbf16>
    %convert_element_type3A_63 = arith.truncf %max3A_59 : vector<4000x256xf32> to vector<4000x256xbf16>
    %dot_general3A_64 = arith.constant dense<0.000000e+00> : vector<4000x256xf32>
    %dot_general3A_65 = tpu.matmul %convert_element_type3A_63, %get3A_62, %dot_general3A_64 {dimension_numbers = #tpu.dot_dimension_numbers<[1], [0], [0], [1], [0, 0, 1, 1], [], []>, transpose_lhs_hint = false} : vector<4000x256xbf16>, vector<256x256xbf16>, vector<4000x256xf32> -> vector<4000x256xf32>
    %get3A_66 = arith.constant 0 : index
    %get3A_67 = arith.constant 0 : index
    %get3A_68 = vector.load %arg13[%get3A_66, %get3A_67] : memref<1x256xf32, #tpu.memory_space<vmem>>, vector<1x256xf32>
    %add3A_69 = vector.broadcast %get3A_68 : vector<1x256xf32> to vector<4000x256xf32>
    %add3A_70 = arith.addf %dot_general3A_65, %add3A_69 : vector<4000x256xf32>
    %max3A_71 = arith.constant 0.000000e+00 : f32
    %max3A_72 = vector.broadcast %max3A_71 : f32 to vector<4000x256xf32>
    %max3A_73 = arith.maximumf %add3A_70, %max3A_72 : vector<4000x256xf32>
    %get3A_74 = arith.constant 0 : index
    %get3A_75 = arith.constant 0 : index
    %get3A_76 = vector.load %arg14[%get3A_74, %get3A_75] : memref<256x128xbf16, #tpu.memory_space<vmem>>, vector<256x128xbf16>
    %convert_element_type3A_77 = arith.truncf %max3A_73 : vector<4000x256xf32> to vector<4000x256xbf16>
    %dot_general3A_78 = arith.constant dense<0.000000e+00> : vector<4000x128xf32>
    %dot_general3A_79 = tpu.matmul %convert_element_type3A_77, %get3A_76, %dot_general3A_78 {dimension_numbers = #tpu.dot_dimension_numbers<[1], [0], [0], [1], [0, 0, 1, 1], [], []>, transpose_lhs_hint = false} : vector<4000x256xbf16>, vector<256x128xbf16>, vector<4000x128xf32> -> vector<4000x128xf32>
    %get3A_80 = arith.constant 0 : index
    %get3A_81 = arith.constant 0 : index
    %get3A_82 = vector.load %arg15[%get3A_80, %get3A_81] : memref<1x128xf32, #tpu.memory_space<vmem>>, vector<1x128xf32>
    %add3A_83 = vector.broadcast %get3A_82 : vector<1x128xf32> to vector<4000x128xf32>
    %add3A_84 = arith.addf %dot_general3A_79, %add3A_83 : vector<4000x128xf32>
    %max3A_85 = arith.constant 0.000000e+00 : f32
    %max3A_86 = vector.broadcast %max3A_85 : f32 to vector<4000x128xf32>
    %max3A_87 = arith.maximumf %add3A_84, %max3A_86 : vector<4000x128xf32>
    %swap3A = arith.constant 0 : index
    %swap3A_88 = arith.constant 0 : index
    %swap3A_89 = vector.load %arg16[%swap3A, %swap3A_88] : memref<4000x128xf32, #tpu.memory_space<vmem>>, vector<4000x128xf32>
    tpu.vector_store %arg16[%swap3A, %swap3A_88], %max3A_87 {strides = array<i32>} : memref<4000x128xf32, #tpu.memory_space<vmem>>, vector<4000x128xf32>,
    %add3A_90 = arith.addf %max3A_87, %get3A_1 : vector<4000x128xf32>
    %swap3A_91 = arith.constant 0 : index
    %swap3A_92 = arith.constant 0 : index
    %swap3A_93 = vector.load %arg17[%swap3A_91, %swap3A_92] : memref<4000x128xf32, #tpu.memory_space<vmem>>, vector<4000x128xf32>
    tpu.vector_store %arg17[%swap3A_91, %swap3A_92], %add3A_90 {strides = array<i32>} : memref<4000x128xf32, #tpu.memory_space<vmem>>, vector<4000x128xf32>,
    return
  }
  func.func @transform_0(%arg0: i32) -> (i32, i32) {
    %c0_i32 = arith.constant 0 : i32
    %c0_i32_0 = arith.constant 0 : i32
    return %arg0, %c0_i32 : i32, i32
  }
  func.func @transform_1(%arg0: i32) -> (i32, i32) {
    %c0_i32 = arith.constant 0 : i32
    %c0_i32_0 = arith.constant 0 : i32
    return %arg0, %c0_i32 : i32, i32
  }
  func.func @transform_2(%arg0: i32) -> (i32, i32) {
    %c0_i32 = arith.constant 0 : i32
    %c0_i32_0 = arith.constant 0 : i32
    return %arg0, %c0_i32 : i32, i32
  }
  func.func @transform_3(%arg0: i32) -> (i32, i32) {
    %c0_i32 = arith.constant 0 : i32
    %c0_i32_0 = arith.constant 0 : i32
    %c0_i32_1 = arith.constant 0 : i32
    return %c0_i32, %c0_i32_0 : i32, i32
  }
  func.func @transform_4(%arg0: i32) -> (i32, i32) {
    %c0_i32 = arith.constant 0 : i32
    %c0_i32_0 = arith.constant 0 : i32
    %c0_i32_1 = arith.constant 0 : i32
    return %c0_i32, %c0_i32_0 : i32, i32
  }
  func.func @transform_5(%arg0: i32) -> (i32, i32) {
    %c0_i32 = arith.constant 0 : i32
    %c0_i32_0 = arith.constant 0 : i32
    %c0_i32_1 = arith.constant 0 : i32
    return %c0_i32, %c0_i32_0 : i32, i32
  }
  func.func @transform_6(%arg0: i32) -> (i32, i32) {
    %c0_i32 = arith.constant 0 : i32
    %c0_i32_0 = arith.constant 0 : i32
    %c0_i32_1 = arith.constant 0 : i32
    return %c0_i32, %c0_i32_0 : i32, i32
  }
  func.func @transform_7(%arg0: i32) -> (i32, i32) {
    %c0_i32 = arith.constant 0 : i32
    %c0_i32_0 = arith.constant 0 : i32
    %c0_i32_1 = arith.constant 0 : i32
    return %c0_i32, %c0_i32_0 : i32, i32
  }
  func.func @transform_8(%arg0: i32) -> (i32, i32) {
    %c0_i32 = arith.constant 0 : i32
    %c0_i32_0 = arith.constant 0 : i32
    %c0_i32_1 = arith.constant 0 : i32
    return %c0_i32, %c0_i32_0 : i32, i32
  }
  func.func @transform_9(%arg0: i32) -> (i32, i32) {
    %c0_i32 = arith.constant 0 : i32
    %c0_i32_0 = arith.constant 0 : i32
    %c0_i32_1 = arith.constant 0 : i32
    return %c0_i32, %c0_i32_0 : i32, i32
  }
  func.func @transform_10(%arg0: i32) -> (i32, i32) {
    %c0_i32 = arith.constant 0 : i32
    %c0_i32_0 = arith.constant 0 : i32
    %c0_i32_1 = arith.constant 0 : i32
    return %c0_i32, %c0_i32_0 : i32, i32
  }
  func.func @transform_11(%arg0: i32) -> (i32, i32) {
    %c0_i32 = arith.constant 0 : i32
    %c0_i32_0 = arith.constant 0 : i32
    %c0_i32_1 = arith.constant 0 : i32
    return %c0_i32, %c0_i32_0 : i32, i32
  }
  func.func @transform_12(%arg0: i32) -> (i32, i32) {
    %c0_i32 = arith.constant 0 : i32
    %c0_i32_0 = arith.constant 0 : i32
    %c0_i32_1 = arith.constant 0 : i32
    return %c0_i32, %c0_i32_0 : i32, i32
  }
  func.func @transform_13(%arg0: i32) -> (i32, i32) {
    %c0_i32 = arith.constant 0 : i32
    %c0_i32_0 = arith.constant 0 : i32
    %c0_i32_1 = arith.constant 0 : i32
    return %c0_i32, %c0_i32_0 : i32, i32
  }
  func.func @transform_14(%arg0: i32) -> (i32, i32) {
    %c0_i32 = arith.constant 0 : i32
    %c0_i32_0 = arith.constant 0 : i32
    %c0_i32_1 = arith.constant 0 : i32
    return %c0_i32, %c0_i32_0 : i32, i32
  }
  func.func @transform_15(%arg0: i32) -> (i32, i32) {
    %c0_i32 = arith.constant 0 : i32
    %c0_i32_0 = arith.constant 0 : i32
    return %arg0, %c0_i32 : i32, i32
  }
  func.func @transform_16(%arg0: i32) -> (i32, i32) {
    %c0_i32 = arith.constant 0 : i32
    %c0_i32_0 = arith.constant 0 : i32
    return %arg0, %c0_i32 : i32, i32
  }
}

module attributes {stable_mosaic.version = 14 : i64} {
  func.func @body(%arg0: i32, %arg1: memref<2x1000x128xf32, #tpu.memory_space<vmem>>, %arg2: memref<2x1000x128xf32, #tpu.memory_space<vmem>>, %arg3: memref<1000x256xf32, #tpu.memory_space<vmem>>, %arg4: memref<1000x128xf32, #tpu.memory_space<vmem>>, %arg5: memref<128x256xbf16, #tpu.memory_space<vmem>>, %arg6: memref<1x256xf32, #tpu.memory_space<vmem>>, %arg7: memref<256x256xbf16, #tpu.memory_space<vmem>>, %arg8: memref<1x256xf32, #tpu.memory_space<vmem>>, %arg9: memref<256x128xbf16, #tpu.memory_space<vmem>>, %arg10: memref<1x128xf32, #tpu.memory_space<vmem>>, %arg11: memref<1000x128xf32, #tpu.memory_space<vmem>>) attributes {dimension_semantics = [#tpu.dimension_semantics<arbitrary>], iteration_bounds = array<i64: 10>, scalar_prefetch = 0 : i64, scratch_operands = 0 : i64, tpu.core_type = #tpu.core_type<tc>, window_params = [{transform_indices = @transform_0, window_bounds = array<i64: 2, 1000, 128>}, {transform_indices = @transform_1, window_bounds = array<i64: 2, 1000, 128>}, {transform_indices = @transform_2, window_bounds = array<i64: 1000, 256>}, {transform_indices = @transform_3, window_bounds = array<i64: 1000, 128>}, {pipeline_mode = #tpu.pipeline_mode<synchronous>, transform_indices = @transform_4, window_bounds = array<i64: 128, 256>}, {pipeline_mode = #tpu.pipeline_mode<synchronous>, transform_indices = @transform_5, window_bounds = array<i64: 1, 256>}, {pipeline_mode = #tpu.pipeline_mode<synchronous>, transform_indices = @transform_6, window_bounds = array<i64: 256, 256>}, {pipeline_mode = #tpu.pipeline_mode<synchronous>, transform_indices = @transform_7, window_bounds = array<i64: 1, 256>}, {pipeline_mode = #tpu.pipeline_mode<synchronous>, transform_indices = @transform_8, window_bounds = array<i64: 256, 128>}, {pipeline_mode = #tpu.pipeline_mode<synchronous>, transform_indices = @transform_9, window_bounds = array<i64: 1, 128>}, {transform_indices = @transform_10, window_bounds = array<i64: 1000, 128>}]} {
    %get3A = arith.constant 0 : index
    %get3A_0 = arith.constant 0 : index
    %get3A_1 = arith.constant 0 : index
    %get3A_2 = vector.load %arg1[%get3A, %get3A_0, %get3A_1] : memref<2x1000x128xf32, #tpu.memory_space<vmem>>, vector<1x1000x128xf32>
    %get3A_3 = vector.shape_cast %get3A_2 : vector<1x1000x128xf32> to vector<1000x128xf32>
    %get3A_4 = arith.constant 1 : index
    %get3A_5 = arith.constant 0 : index
    %get3A_6 = arith.constant 0 : index
    %get3A_7 = vector.load %arg1[%get3A_4, %get3A_5, %get3A_6] : memref<2x1000x128xf32, #tpu.memory_space<vmem>>, vector<1x1000x128xf32>
    %get3A_8 = vector.shape_cast %get3A_7 : vector<1x1000x128xf32> to vector<1000x128xf32>
    %add3A = arith.addf %get3A_3, %get3A_8 : vector<1000x128xf32>
    %get3A_9 = arith.constant 0 : index
    %get3A_10 = arith.constant 0 : index
    %get3A_11 = arith.constant 0 : index
    %get3A_12 = vector.load %arg2[%get3A_9, %get3A_10, %get3A_11] : memref<2x1000x128xf32, #tpu.memory_space<vmem>>, vector<1x1000x128xf32>
    %get3A_13 = vector.shape_cast %get3A_12 : vector<1x1000x128xf32> to vector<1000x128xf32>
    %get3A_14 = arith.constant 1 : index
    %get3A_15 = arith.constant 0 : index
    %get3A_16 = arith.constant 0 : index
    %get3A_17 = vector.load %arg2[%get3A_14, %get3A_15, %get3A_16] : memref<2x1000x128xf32, #tpu.memory_space<vmem>>, vector<1x1000x128xf32>
    %get3A_18 = vector.shape_cast %get3A_17 : vector<1x1000x128xf32> to vector<1000x128xf32>
    %add3A_19 = arith.addf %get3A_13, %get3A_18 : vector<1000x128xf32>
    %slice3A = vector.extract_strided_slice %add3A_19 {offsets = [0, 0], sizes = [1000, 1], strides = [1, 1]} : vector<1000x128xf32> to vector<1000x1xf32>
    %max3A = arith.constant 1.000000e+00 : f32
    %max3A_20 = vector.broadcast %max3A : f32 to vector<1000x1xf32>
    %max3A_21 = arith.maximumf %slice3A, %max3A_20 : vector<1000x1xf32>
    %div3A = vector.broadcast %max3A_21 : vector<1000x1xf32> to vector<1000x128xf32>
    %div3A_22 = arith.divf %add3A, %div3A : vector<1000x128xf32>
    %get3A_23 = arith.constant 0 : index
    %get3A_24 = arith.constant 0 : index
    %get3A_25 = vector.load %arg5[%get3A_23, %get3A_24] : memref<128x256xbf16, #tpu.memory_space<vmem>>, vector<128x256xbf16>
    %convert_element_type3A = arith.truncf %div3A_22 : vector<1000x128xf32> to vector<1000x128xbf16>
    %dot_general3A = arith.constant dense<0.000000e+00> : vector<1000x256xf32>
    %dot_general3A_26 = tpu.matmul %convert_element_type3A, %get3A_25, %dot_general3A {dimension_numbers = #tpu.dot_dimension_numbers<[1], [0], [0], [1], [0, 0, 1, 1], [], []>, transpose_lhs_hint = false} : vector<1000x128xbf16>, vector<128x256xbf16>, vector<1000x256xf32> -> vector<1000x256xf32>
    %get3A_27 = arith.constant 0 : index
    %get3A_28 = arith.constant 0 : index
    %get3A_29 = vector.load %arg6[%get3A_27, %get3A_28] : memref<1x256xf32, #tpu.memory_space<vmem>>, vector<1x256xf32>
    %add3A_30 = vector.broadcast %get3A_29 : vector<1x256xf32> to vector<1000x256xf32>
    %add3A_31 = arith.addf %dot_general3A_26, %add3A_30 : vector<1000x256xf32>
    %get3A_32 = arith.constant 0 : index
    %get3A_33 = arith.constant 0 : index
    %get3A_34 = vector.load %arg3[%get3A_32, %get3A_33] : memref<1000x256xf32, #tpu.memory_space<vmem>>, vector<1000x256xf32>
    %add3A_35 = arith.addf %get3A_34, %add3A_31 : vector<1000x256xf32>
    %max3A_36 = arith.constant 0.000000e+00 : f32
    %max3A_37 = vector.broadcast %max3A_36 : f32 to vector<1000x256xf32>
    %max3A_38 = arith.maximumf %add3A_35, %max3A_37 : vector<1000x256xf32>
    %get3A_39 = arith.constant 0 : index
    %get3A_40 = arith.constant 0 : index
    %get3A_41 = vector.load %arg7[%get3A_39, %get3A_40] : memref<256x256xbf16, #tpu.memory_space<vmem>>, vector<256x256xbf16>
    %convert_element_type3A_42 = arith.truncf %max3A_38 : vector<1000x256xf32> to vector<1000x256xbf16>
    %dot_general3A_43 = arith.constant dense<0.000000e+00> : vector<1000x256xf32>
    %dot_general3A_44 = tpu.matmul %convert_element_type3A_42, %get3A_41, %dot_general3A_43 {dimension_numbers = #tpu.dot_dimension_numbers<[1], [0], [0], [1], [0, 0, 1, 1], [], []>, transpose_lhs_hint = false} : vector<1000x256xbf16>, vector<256x256xbf16>, vector<1000x256xf32> -> vector<1000x256xf32>
    %get3A_45 = arith.constant 0 : index
    %get3A_46 = arith.constant 0 : index
    %get3A_47 = vector.load %arg8[%get3A_45, %get3A_46] : memref<1x256xf32, #tpu.memory_space<vmem>>, vector<1x256xf32>
    %add3A_48 = vector.broadcast %get3A_47 : vector<1x256xf32> to vector<1000x256xf32>
    %add3A_49 = arith.addf %dot_general3A_44, %add3A_48 : vector<1000x256xf32>
    %max3A_50 = arith.constant 0.000000e+00 : f32
    %max3A_51 = vector.broadcast %max3A_50 : f32 to vector<1000x256xf32>
    %max3A_52 = arith.maximumf %add3A_49, %max3A_51 : vector<1000x256xf32>
    %get3A_53 = arith.constant 0 : index
    %get3A_54 = arith.constant 0 : index
    %get3A_55 = vector.load %arg9[%get3A_53, %get3A_54] : memref<256x128xbf16, #tpu.memory_space<vmem>>, vector<256x128xbf16>
    %convert_element_type3A_56 = arith.truncf %max3A_52 : vector<1000x256xf32> to vector<1000x256xbf16>
    %dot_general3A_57 = arith.constant dense<0.000000e+00> : vector<1000x128xf32>
    %dot_general3A_58 = tpu.matmul %convert_element_type3A_56, %get3A_55, %dot_general3A_57 {dimension_numbers = #tpu.dot_dimension_numbers<[1], [0], [0], [1], [0, 0, 1, 1], [], []>, transpose_lhs_hint = false} : vector<1000x256xbf16>, vector<256x128xbf16>, vector<1000x128xf32> -> vector<1000x128xf32>
    %get3A_59 = arith.constant 0 : index
    %get3A_60 = arith.constant 0 : index
    %get3A_61 = vector.load %arg10[%get3A_59, %get3A_60] : memref<1x128xf32, #tpu.memory_space<vmem>>, vector<1x128xf32>
    %add3A_62 = vector.broadcast %get3A_61 : vector<1x128xf32> to vector<1000x128xf32>
    %add3A_63 = arith.addf %dot_general3A_58, %add3A_62 : vector<1000x128xf32>
    %max3A_64 = arith.constant 0.000000e+00 : f32
    %max3A_65 = vector.broadcast %max3A_64 : f32 to vector<1000x128xf32>
    %max3A_66 = arith.maximumf %add3A_63, %max3A_65 : vector<1000x128xf32>
    %get3A_67 = arith.constant 0 : index
    %get3A_68 = arith.constant 0 : index
    %get3A_69 = vector.load %arg4[%get3A_67, %get3A_68] : memref<1000x128xf32, #tpu.memory_space<vmem>>, vector<1000x128xf32>
    %add3A_70 = arith.addf %max3A_66, %get3A_69 : vector<1000x128xf32>
    %swap3A = arith.constant 0 : index
    %swap3A_71 = arith.constant 0 : index
    %swap3A_72 = vector.load %arg11[%swap3A, %swap3A_71] : memref<1000x128xf32, #tpu.memory_space<vmem>>, vector<1000x128xf32>
    tpu.vector_store %arg11[%swap3A, %swap3A_71], %add3A_70 {strides = array<i32>} : memref<1000x128xf32, #tpu.memory_space<vmem>>, vector<1000x128xf32>,
    return
  }
  func.func @transform_0(%arg0: i32) -> (i32, i32, i32) {
    %c0_i32 = arith.constant 0 : i32
    %c0_i32_0 = arith.constant 0 : i32
    %c0_i32_1 = arith.constant 0 : i32
    return %c0_i32, %arg0, %c0_i32_0 : i32, i32, i32
  }
  func.func @transform_1(%arg0: i32) -> (i32, i32, i32) {
    %c0_i32 = arith.constant 0 : i32
    %c0_i32_0 = arith.constant 0 : i32
    %c0_i32_1 = arith.constant 0 : i32
    return %c0_i32, %arg0, %c0_i32_0 : i32, i32, i32
  }
  func.func @transform_2(%arg0: i32) -> (i32, i32) {
    %c0_i32 = arith.constant 0 : i32
    %c0_i32_0 = arith.constant 0 : i32
    return %arg0, %c0_i32 : i32, i32
  }
  func.func @transform_3(%arg0: i32) -> (i32, i32) {
    %c0_i32 = arith.constant 0 : i32
    %c0_i32_0 = arith.constant 0 : i32
    return %arg0, %c0_i32 : i32, i32
  }
  func.func @transform_4(%arg0: i32) -> (i32, i32) {
    %c0_i32 = arith.constant 0 : i32
    %c0_i32_0 = arith.constant 0 : i32
    %c0_i32_1 = arith.constant 0 : i32
    return %c0_i32, %c0_i32_0 : i32, i32
  }
  func.func @transform_5(%arg0: i32) -> (i32, i32) {
    %c0_i32 = arith.constant 0 : i32
    %c0_i32_0 = arith.constant 0 : i32
    %c0_i32_1 = arith.constant 0 : i32
    return %c0_i32, %c0_i32_0 : i32, i32
  }
  func.func @transform_6(%arg0: i32) -> (i32, i32) {
    %c0_i32 = arith.constant 0 : i32
    %c0_i32_0 = arith.constant 0 : i32
    %c0_i32_1 = arith.constant 0 : i32
    return %c0_i32, %c0_i32_0 : i32, i32
  }
  func.func @transform_7(%arg0: i32) -> (i32, i32) {
    %c0_i32 = arith.constant 0 : i32
    %c0_i32_0 = arith.constant 0 : i32
    %c0_i32_1 = arith.constant 0 : i32
    return %c0_i32, %c0_i32_0 : i32, i32
  }
  func.func @transform_8(%arg0: i32) -> (i32, i32) {
    %c0_i32 = arith.constant 0 : i32
    %c0_i32_0 = arith.constant 0 : i32
    %c0_i32_1 = arith.constant 0 : i32
    return %c0_i32, %c0_i32_0 : i32, i32
  }
  func.func @transform_9(%arg0: i32) -> (i32, i32) {
    %c0_i32 = arith.constant 0 : i32
    %c0_i32_0 = arith.constant 0 : i32
    %c0_i32_1 = arith.constant 0 : i32
    return %c0_i32, %c0_i32_0 : i32, i32
  }
  func.func @transform_10(%arg0: i32) -> (i32, i32) {
    %c0_i32 = arith.constant 0 : i32
    %c0_i32_0 = arith.constant 0 : i32
    return %arg0, %c0_i32 : i32, i32
  }
}

</mosaic_0001>

<sc_bundles>
// kernel: kernel.13.cloned.1.call-start
scs
__scs_entry_jumppad:
0x0: {  	(pc) =	sbr.rel $0x88, $3  }
0x1: {  	(tag) =	ssettag $0x0;
	lr =	simm.s32 $0x1  }
0x2: {  	[smem:$0x3F6A] =	sst lr;
	_ =	strace $0xD0000000  }
0x3: {  	_ = 	snop  }
0x4: {  	_ = 	snop  }
0x5: {  	_ = 	snop  }
0x6: {  	_ = 	snop  }
0x7: {  	_ = 	snop  }
__scs_overlays_trampoline_lowered:
0x8: {  	[smem:$0x3F79] =	sst s0  }
0x9: {  	[smem:$0x3F7A] =	sst s1  }
0xa: {  	[smem:$0x3F7B] =	sst s2  }
0xb: {  	[smem:$0x3F7C] =	sst s3  }
0xc: {  	[smem:$0x3F7D] =	sst s4  }
0xd: {  	[smem:$0x3F7E] =	sst s5  }
0xe: {  	[smem:$0x3F7F] =	sst s6  }
0xf: {  	[smem:$0x3F80] =	sst s7  }
0x10: {  	[smem:$0x3F81] =	sst s8  }
0x11: {  	[smem:$0x3F82] =	sst s9;
	s0 =	simm.s32 @!p0 $0x0  }
0x12: {  	s1 =	sld [smem:$0x3F68];
	s0 =	simm.s32 @p0 $0x1  }
0x13: {  	[smem:$0x3F83] =	sst s0;
	s0 =	simm.s32 @!p1 $0x0  }
0x14: {  	s2 =	sld [smem:$0x3F67];
	s0 =	simm.s32 @p1 $0x1  }
0x15: {  	[smem:$0x3F84] =	sst s0;
	s0 =	simm.s32 @!p2 $0x0  }
0x16: {  	s3 =	sld [smem:$0x3FDB];
	s0 =	simm.s32 @p2 $0x1  }
0x17: {  	s4 =	simm.s32 $0x1BF5;
	[smem:$0x3F86] =	sst s0  }
0x18: {  	s0 =	sld [smem:$0x3F69];
	_ =	swait.ge [sflag:s4], $0x0  }
0x19: {  	s7 =	sld [smem:$0x3F6A]  }
0x1a: {  	s8 =	sadd.s32 $0xFFFFE003, lr  }
0x1b: {  	s9 =	sadd.s32 $0xFFFFFEF7, lr;
	s5 =	simm.s32 $0xFFFFFFFF;
	p2 =	slt.u32 s8, $0xFFFFF086  }
0x1c: {  	p1 =	slt.u32 s9, $0xF7A;
	s5 =	simm.s32 @!p2 $0x0  }
0x1d: {  	s5 =	simm.s32 @p1 $0x1;
	p0 =	seq.s32 s7, s2  }
0x1e: {  	s7 =	smul.u32 @!p0 $0xF7A, s2;
	p2 =	seq.s32 @!p0 s5, $0x0  }
0x1f: {  	s9 =	smul.u32 $0xF7A, s1;
	s8 =	simm.s32 @!p0 $0x1BF5;
	p2 =	por !p2, p0  }
0x20: {  	[sflag:s8] =	ssyncset.s32 @!p0 $0xFFFFF086;
	s6 =	sadd.s32 @!p0 s3, s7;
	s7 =	simm.s32 @!p0 $0x108  }
0x21: {  	s3 =	sadd.s32 s3, s9;
	s6 =	sadd.s32 @!p0 $0x88, s6;
	s7 =	simm.s32 @p2 $0x1082  }
0x22: {  	[simem:s7], [sflag:s8] =	dma.local @!p0 [hbm:s6], $0xF7A  }
0x23: {  	s9 =	sor.u32 $0xD0000000, s2;
	s6 =	simm.s32 $0x108;
	_ =	swait.ge @!p0 [sflag:s8], $0x0  }
0x24: {  	s3 =	sadd.s32 $0x88, s3;
	s6 =	simm.s32 @!p1 $0x1082;
	[sflag:s4] =	ssyncset.s32 $0xFFFFF086  }
0x25: {  	[simem:s6], [sflag:s4] =	dma.local [hbm:s3], $0xF7A  }
0x26: {  	[smem:$0x3F6A] =	sst s1;
	(tag) =	ssettag s2;
	_ =	strace s9  }
0x27: {  	s1 =	sld [smem:$0x3F7A]  }
0x28: {  	s2 =	sld [smem:$0x3F7B]  }
0x29: {  	s4 =	sld [smem:$0x3F7D]  }
0x2a: {  	p0 =	seq.s32 s5, $0x0;
	s5 =	sld [smem:$0x3F7E]  }
0x2b: {  	s6 =	sld [smem:$0x3F7F]  }
0x2c: {  	s7 =	sld [smem:$0x3F80]  }
0x2d: {  	s3 =	simm.s32 $0x108;
	s8 =	sld [smem:$0x3F81]  }
0x2e: {  	s3 =	simm.s32 @!p0 $0x1082;
	s9 =	sld [smem:$0x3F82]  }
0x2f: {  	lr =	sadd.s32 s0, s3;
	s0 =	sld [smem:$0x3F79]  }
0x30: {  	s3 =	sld [smem:$0x3F7C]  }
0x31: {  	[smem:$0x3F85] =	sst s10  }
0x32: {  	s10 =	sld [smem:$0x3F83];
	_ =	sdelay $0x3  }
0x33: {  	p0 =	seq.s32 s10, $0x1;
	s10 =	sld [smem:$0x3F85];
	_ =	sdelay $0x3  }
0x34: {  	[smem:$0x3F85] =	sst s10  }
0x35: {  	s10 =	sld [smem:$0x3F84];
	_ =	sdelay $0x3  }
0x36: {  	p1 =	seq.s32 s10, $0x1;
	s10 =	sld [smem:$0x3F85];
	_ =	sdelay $0x3  }
0x37: {  	[smem:$0x3F85] =	sst s10  }
0x38: {  	s10 =	sld [smem:$0x3F86]  }
0x39: {  	_ = 	snop;
	(pc) =	sbr.ind lr, $3  }
0x3a: {  	_ = 	snop  }
0x3b: {  	_ = 	snop  }
0x3c: {  	p2 =	seq.s32 s10, $0x1;
	s10 =	sld [smem:$0x3F85]  }
0x3d: {  	_ =	shalt  }
0x3e: {  	_ =	shalt  }
0x3f: {  	_ =	shalt  }
0x40: {  	_ =	shalt  }
0x41: {  	_ =	shalt  }
0x42: {  	_ =	shalt  }
0x43: {  	_ =	shalt  }
0x44: {  	_ =	shalt  }
0x45: {  	_ =	shalt  }
0x46: {  	_ =	shalt  }
0x47: {  	_ =	shalt  }
0x48: {  	_ =	shalt  }
0x49: {  	_ =	shalt  }
0x4a: {  	_ =	shalt  }
0x4b: {  	_ =	shalt  }
0x4c: {  	_ =	shalt  }
0x4d: {  	_ =	shalt  }
0x4e: {  	_ =	shalt  }
0x4f: {  	_ =	shalt  }
0x50: {  	_ =	shalt  }
0x51: {  	_ =	shalt  }
0x52: {  	_ =	shalt  }
0x53: {  	_ =	shalt  }
0x54: {  	_ =	shalt  }
0x55: {  	_ =	shalt  }
0x56: {  	_ =	shalt  }
0x57: {  	_ =	shalt  }
0x58: {  	_ =	shalt  }
0x59: {  	_ =	shalt  }
0x5a: {  	_ =	shalt  }
0x5b: {  	_ =	shalt  }
0x5c: {  	_ =	shalt  }
0x5d: {  	_ =	shalt  }
0x5e: {  	_ =	shalt  }
0x5f: {  	_ =	shalt  }
0x60: {  	_ =	shalt  }
0x61: {  	_ =	shalt  }
0x62: {  	_ =	shalt  }
0x63: {  	_ =	shalt  }
0x64: {  	_ =	shalt  }
0x65: {  	_ =	shalt  }
0x66: {  	_ =	shalt  }
0x67: {  	_ =	shalt  }
0x68: {  	_ =	shalt  }
0x69: {  	_ =	shalt  }
0x6a: {  	_ =	shalt  }
0x6b: {  	_ =	shalt  }
0x6c: {  	_ =	shalt  }
0x6d: {  	_ =	shalt  }
0x6e: {  	_ =	shalt  }
0x6f: {  	_ =	shalt  }
0x70: {  	_ =	shalt  }
0x71: {  	_ =	shalt  }
0x72: {  	_ =	shalt  }
0x73: {  	_ =	shalt  }
0x74: {  	_ =	shalt  }
0x75: {  	_ =	shalt  }
0x76: {  	_ =	shalt  }
0x77: {  	_ =	shalt  }
0x78: {  	_ =	shalt  }
0x79: {  	_ =	shalt  }
0x7a: {  	_ =	shalt  }
0x7b: {  	_ =	shalt  }
0x7c: {  	_ =	shalt  }
0x7d: {  	_ =	shalt  }
0x7e: {  	_ =	shalt  }
0x7f: {  	_ =	shalt  }
0x80: {  	_ =	shalt  }
0x81: {  	_ =	shalt  }
0x82: {  	_ =	shalt  }
0x83: {  	_ =	shalt  }
0x84: {  	_ =	shalt  }
0x85: {  	_ =	shalt  }
0x86: {  	_ =	shalt  }
0x87: {  	_ =	shalt  }
.Lfunc_end0:
.L_simem_size_0:
called_computation_lowered:
.L_overlay_start_0:
0x88: {  	s2 =	sld [smem:$0x3FD9]  }
0x89: {  	s3 =	sld [smem:$0x3FFE];
	_ =	sdelay $0x1  }
0x8a: {  	s1 =	srdreg.scid  }
0x8b: {  	s0 =	sand.u32 $0x1, s1  }
0x8c: {  	s17 =	sshll.u32 s0, $0xA;
	s2 =	sadd.s32 s3, s2  }
0x8d: {  	s2 =	sadd.s32 s2, s17  }
0x8e: {  	[smem:$0x3F91] =	sst s2  }
0x8f: {  	_ = 	snop  }
0x90: {  	(tm) =	ssettm $0x1  }
0x91: {  	s18 =	sld [smem:$0x3FFB];
	_ =	sdelay $0x3  }
0x92: {  	_ =	strace s18  }
0x93: {  	s2 =	sld [smem:$0x3FFC];
	_ =	sdelay $0x3  }
0x94: {  	_ =	strace s2  }
0x95: {  	s2 =	sld [smem:$0x3FFD];
	_ =	sdelay $0x3  }
0x96: {  	_ =	strace s2  }
0x97: {  	_ =	strace $0x8FFFFFFF  }
0x98: {  	s19 =	sld [smem:$0x3FDB];
	_ =	sdelay $0x1  }
0x99: {  	s20 =	simm.s32 $_scs_section_size  }
0x9a: {  	s4 =	simm.s32 $_size__tile_overlayer_lowered;
	s5 =	simm.s32 $_tile_overlayer_lowered  }
0x9b: {  	s6 =	simm.s32 $0x1BFF;
	s21 =	sshll.u32 s5, $0x1;
	s3 =	sadd.s32 s20, s19  }
0x9c: {  	s22 =	simm.s32 $0x0;
	s4 =	sshll.u32 s4, $0x1;
	s5 =	sadd.s32 s21, s3  }
0x9d: {  	[timem:s22], [sflag:s6] =	dma.local [hbm:s5], s4  }
0x9e: {  	_ =	swait.ge [sflag:s6], s4  }
0x9f: {  	s4 =	ssub.s32 $0x0, s4;
	[sflag:s6] =	ssyncset.done $0x0  }
0xa0: {  	[sflag:s6] =	ssyncadd.s32 s4;
	_ =	sdelay $0x1  }
0xa1: {  	s23 =	simm.s32 $0x1B8B  }
0xa2: {  	_ =	swait.ge [sflag:s23], $0x1  }
0xa3: {  	[sflag:s23] =	ssyncset.done $0x0  }
0xa4: {  	[sflag:s23] =	ssyncadd.s32 $0xFFFFFFFF  }
0xa5: {  	s4 =	sld [smem:$0x0]  }
0xa6: {  	s5 =	sand.u32 $0xFFFFFFFE, s1  }
0xa7: {  	p0 =	sne.s32 s1, s5  }
0xa8: {  	s5 =	sshll.u32 @p0 s5, $0xE  }
0xa9: {  	s5 =	sadd.s32 @p0 $0x11B8D, s5;
	s6 =	sshll.u32 @p0 s4, $0x11  }
0xaa: {  	s5 =	sor.u32 @p0 s6, s5  }
0xab: {  	[sflag:s5] =	ssyncadd.remote.s32 @p0 $0x1;
	_ =	sdelay $0x1  }
0xac: {  	s5 =	simm.s32 @p0 $0x1B8D  }
0xad: {  	_ =	swait.eq @p0 [sflag:s5], $0x1  }
0xae: {  	[sflag:s5] =	ssyncadd.s32 @p0 $0xFFFFFFFF  }
0xaf: {  	s6 =	sshll.u32 @!p0 s1, $0xE  }
0xb0: {  	s6 =	sor.u32 @!p0 $0x4000, s6;
	s5 =	simm.s32 @!p0 $0x1B8D  }
0xb1: {  	s4 =	sshll.u32 @!p0 s4, $0x11;
	s6 =	sadd.s32 @!p0 $0x11B8D, s6;
	_ =	swait.eq @!p0 [sflag:s5], $0x1  }
0xb2: {  	s4 =	sor.u32 @!p0 s4, s6;
	[sflag:s5] =	ssyncadd.s32 @!p0 $0xFFFFFFFF  }
0xb3: {  	s25 =	simm.s32 $0x1B8E;
	s24 =	sld [smem:$0x3FFE];
	[sflag:s4] =	ssyncadd.remote.s32 @!p0 $0x1  }
0xb4: {  	s26 =	simm.s32 $execute0_lowered;
	[smem:$0x3FD2] =	sst s25  }
0xb5: {  	s5 =	sshll.u32 s26, $0x1;
	_ =	strace $0x80000049;
	[dreg:$0x1] =	wrdreg $0xFFFFFFFF  }
0xb6: {  	s28 =	simm.s32 $_size_execute0_lowered;
	s3 =	sadd.s32 s3, s5;
	[dreg:$0x0] =	wrdreg $0x0  }
0xb7: {  	s5 =	sshll.u32 s28, $0x1;
	[dreg:$0x2] =	wrdreg s3  }
0xb8: {  	[dreg:$0x3] =	wrdreg s5  }
0xb9: {  	[dreg:$0x4] =	wrdreg $0xC0  }
0xba: {  	_ =	task [dreg:s22], $0x5FFFF  }
0xbb: {  	[dreg:$0x1] =	wrdreg $0xFFFFFFFF  }
0xbc: {  	[dreg:$0x0] =	wrdreg $0x60  }
0xbd: {  	[dreg:$0x2] =	wrdreg s24  }
0xbe: {  	[dreg:$0x3] =	wrdreg $0xA4000  }
0xbf: {  	[dreg:$0x4] =	wrdreg $0x9  }
0xc0: {  	_ =	task.clear_ibuf [dreg:s22], $0x5FFFF;
	_ =	strace $0x90000049  }
0xc1: {  	s29 =	simm.s32 $0x9;
	_ =	strace $0x8000004B  }
0xc2: {  	_ =	swait.ge [sflag:s29], $0x1  }
0xc3: {  	[sflag:s29] =	ssyncadd.s32 $0xFFFFFFFF  }
0xc4: {  	_ =	strace $0x9000004B  }
0xc5: {  	_ =	sfence  }
0xc6: {  	s30 =	sld [smem:$0x0];
	_ =	sdelay $0x2  }
0xc7: {  	s31 =	sshll.u32 s1, $0xD;
	s1 =	sshrl.u32 s1, $0x2  }
0xc8: {  	s4 =	sand.u32 $0x4000, s31;
	s1 =	sadd.s32 s1, s30  }
0xc9: {  	s0 =	sor.u32 s4, s0;
	s1 =	sshll.u32 s1, $0x11  }
0xca: {  	s0 =	sor.u32 s1, s0  }
0xcb: {  	s0 =	sadd.s32 $0x8F2B, s0  }
0xcc: {  	[sflag:s0] =	ssyncadd.remote.s32 $0x1  }
0xcd: {  	_ =	sfence.sel $0xFFFF  }
0xce: {  	[dreg:$0x0] =	wrdreg $0xFFFFFFFF;
	(pc) =	sbr.abs _section_cstart, $3  }
0xcf: {  	[dreg:$0x1] =	wrdreg $0xFFFFFFFF  }
0xd0: {  	_ =	task.clear_ibuf [dreg:s22], $0x2FFFF;
	_ =	strace $0x9FFFFFFF  }
0xd1: {  	(tm) =	ssettm $0x7FFFFFFF  }
tec
execute0_lowered:
.L_overlay_start_1:
0x0: {  	(tag) =	ssettag $0x1  }
0x1: {  	s6 =	rddreg [dreg:$0x0]  }
0x2: {  	s1 =	rddreg [dreg:$0x1]  }
0x3: {  	s0 =	rddreg [dreg:$0x2];
	s2 =	simm.s32 $0x0  }
0x4: {  	s3 =	srdreg.scid;
	s18 =	simm.s32 $0x4000;
	s19 =	simm.s32 $0x28  }
0x5: {  	s7 =	sand.u32 $0x1, s3;
	s3 =	stileid.u32;
	s5 =	sadd.s32 $0x55B200, s6  }
0x6: {  	[smem:$0x7FF] =	sst s2;
	s14 =	sadd.s32 $0x55B600, s6;
	s10 =	smul.u32 $0x50000, s3  }
0x7: {  	s20 =	simm.s32 $0x0;
	_ =	strace $0x8000004A;
	s12 =	smul.u32 $0x14000, s3  }
0x8: {  	s4 =	sshll.u32 s7, $0xB;
	s8 =	ssub.s32 $0x2, s7;
	s16 =	smul.u32 $0x140000, s7  }
0x9: {  	s28 =	sshll.u32 s3, $0xC;
	s9 =	sadd.s32 s4, s6;
	s11 =	sshrl.u32 s8, $0x1  }
0xa: {  	s4 =	sadd.s32 $0x55A800, s6;
	s15 =	ssub.s32 s8, s11;
	s26 =	sshrl.u32 s10, $0x2  }
0xb: {  	s13 =	sadd.s32 $0x5000, s12;
	s17 =	sadd.s32 $0xA000, s12;
	s29 =	sadd.s32 s12, s16  }
0xc: {  	s12 =	sadd.s32 $0xF000, s12;
	s10 =	sadd.s32 s28, s9;
	s6 =	sadd.s32 s26, s1  }
0xd: {  	s7 =	sadd.s32 s13, s1;
	s8 =	sadd.s32 s17, s1;
	s11 =	sshrl.u32 s29, $0x3  }
0xe: {  	s9 =	sadd.s32 s12, s1;
	s10 =	sadd.s32 $0x54A800, s10;
	s13 =	sadd.s32 s16, s13  }
0xf: {  	s17 =	sadd.s32 s16, s17;
	s12 =	sadd.s32 s16, s12;
	s15 =	smax.u32 s15, $0x1  }
0x10: {  	s16 =	simm.s32 $0x5400;
	s11 =	sadd.s32 s14, s11;
	s13 =	sshrl.u32 s13, $0x3  }
0x11: {  	s30 =	sshrl.u32 s17, $0x3;
	s31 =	sshrl.u32 s12, $0x3;
	s17 =	simm.s32 $0x1  }
0x12: {  	s12 =	sadd.s32 s14, s13;
	s13 =	sadd.s32 s14, s30;
	s14 =	sadd.s32 s14, s31  }
.LBB2_1:
0x13: {  	[tilespmem:s16], [sflag:$0x1] =	stream.linear.gather [hbm4b:s4+s2], $0x5000, $0x38;
	[tilespmem:$0x1E400] =	vst v63  }
0x14: {  	_ =	swait.ge [sflag:s17], $0x5000  }
0x15: {  	[sflag:s17] =	ssyncset.done $0x0  }
0x16: {  	[sflag:s17] =	ssyncadd.s32 $0xFFFFB000  }
0x17: {  	[spmem:s6] =	stream.linear.scatter [tilespmem:s16], [sflag:$0x1], $0x5000, $0x38;
	[tilespmem:$0x1E400] =	vst v63  }
0x18: {  	_ =	swait.ge [sflag:s17], $0x5000  }
0x19: {  	[sflag:s17] =	ssyncset.done $0x0  }
0x1a: {  	[sflag:s17] =	ssyncadd.s32 $0xFFFFB000  }
0x1b: {  	[spmem:s7] =	stream.linear.scatter [tilespmem:s16], [sflag:$0x1], $0x5000, $0x38;
	[tilespmem:$0x1E400] =	vst v63  }
0x1c: {  	_ =	swait.ge [sflag:s17], $0x5000  }
0x1d: {  	[sflag:s17] =	ssyncset.done $0x0  }
0x1e: {  	[sflag:s17] =	ssyncadd.s32 $0xFFFFB000  }
0x1f: {  	[spmem:s8] =	stream.linear.scatter [tilespmem:s16], [sflag:$0x1], $0x5000, $0x38;
	[tilespmem:$0x1E400] =	vst v63  }
0x20: {  	_ =	swait.ge [sflag:s17], $0x5000  }
0x21: {  	[sflag:s17] =	ssyncset.done $0x0  }
0x22: {  	[sflag:s17] =	ssyncadd.s32 $0xFFFFB000  }
0x23: {  	[spmem:s9] =	stream.linear.scatter [tilespmem:s16], [sflag:$0x1], $0x5000, $0x38;
	[tilespmem:$0x1E400] =	vst v63  }
0x24: {  	_ =	swait.ge [sflag:s17], $0x5000  }
0x25: {  	[sflag:s17] =	ssyncset.done $0x0  }
0x26: {  	[sflag:s17] =	ssyncadd.s32 $0xFFFFB000  }
0x27: {  	[tilespmem:s2], [sflag:$0x1] =	stream.linear.gather [hbm4b:s10+s2], $0x3E80, $0x38;
	[tilespmem:$0x1E400] =	vst v63  }
0x28: {  	_ =	swait.ge [sflag:s17], $0x3E80  }
0x29: {  	[sflag:s17] =	ssyncset.done $0x0  }
0x2a: {  	[sflag:s17] =	ssyncadd.s32 $0xFFFFC180  }
0x2b: {  	[tilespmem:s18], [sflag:$0x1] =	stream.linear.gather [hbm4b:s5+s2], $0x1400, $0x38;
	[tilespmem:$0x1E400] =	vst v63  }
0x2c: {  	_ =	swait.ge [sflag:s17], $0x1400  }
0x2d: {  	[sflag:s17] =	ssyncset.done $0x0  }
0x2e: {  	[sflag:s17] =	ssyncadd.s32 $0xFFFFEC00  }
0x2f: {  	s21 =	simm.s32 $0x0;
	[bflag:$0x0] =	sbarrier.arrive $0xFFFF  }
0x30: {  	[spmem:s1] =	stream.indirect.scatter.add.f32 [tilespmem:s18], [sflag:$0x1], $0x80, s21, s19, $0xb8;
	[tilespmem:$0x1E400] =	vst v63  }
0x31: {  	_ =	swait.ge [sflag:s17], $0x1400  }
0x32: {  	s21 =	simm.s32 $0x200;
	[sflag:s17] =	ssyncset.done $0x0  }
.LBB2_2:
0x33: {  	s22 =	sshra.s32 s21, $0x2;
	[sflag:s17] =	ssyncadd.s32 $0xFFFFEC00;
	p0 =	sne.s32 s21, $0xF800  }
0x34: {  	[spmem:s1] =	stream.indirect.scatter.add.f32 [tilespmem:s18], [sflag:$0x1], $0x80, s22, s19, $0xb8;
	[tilespmem:$0x1E400] =	vst v63  }
.Ltmp0:
0x35: {  	_ = 	snop;
	(pc) =	sbr.rel @p0 .LBB2_2-.Ltmp0, $4  }
0x36: {  	_ = 	snop  }
0x37: {  	s21 =	sadd.s32 $0x200, s21  }
0x38: {  	_ =	swait.ge [sflag:s17], $0x1400  }
0x39: {  	[sflag:s17] =	ssyncset.done $0x0  }
0x3a: {  	[sflag:s17] =	ssyncadd.s32 $0xFFFFEC00  }
0x3b: {  	[bflag:$0x0] =	sbarrier.arrive $0xFFFF  }
0x3c: {  	[tilespmem:s16], [sflag:$0x1] =	stream.linear.gather [spmem:s6], $0x5000, $0x38;
	[tilespmem:$0x1E400] =	vst v63  }
0x3d: {  	_ =	swait.ge [sflag:s17], $0x5000  }
0x3e: {  	[sflag:s17] =	ssyncset.done $0x0  }
0x3f: {  	[sflag:s17] =	ssyncadd.s32 $0xFFFFB000  }
0x40: {  	[hbm4b:s11+s2] =	stream.linear.scatter [tilespmem:s16], [sflag:$0x1], $0x5000, $0x38;
	[tilespmem:$0x1E400] =	vst v63  }
0x41: {  	_ =	swait.ge [sflag:s17], $0x5000  }
0x42: {  	[sflag:s17] =	ssyncset.done $0x0  }
0x43: {  	[sflag:s17] =	ssyncadd.s32 $0xFFFFB000  }
0x44: {  	[tilespmem:s16], [sflag:$0x1] =	stream.linear.gather [spmem:s7], $0x5000, $0x38;
	[tilespmem:$0x1E400] =	vst v63  }
0x45: {  	_ =	swait.ge [sflag:s17], $0x5000  }
0x46: {  	[sflag:s17] =	ssyncset.done $0x0  }
0x47: {  	[sflag:s17] =	ssyncadd.s32 $0xFFFFB000  }
0x48: {  	[hbm4b:s12+s2] =	stream.linear.scatter [tilespmem:s16], [sflag:$0x1], $0x5000, $0x38;
	[tilespmem:$0x1E400] =	vst v63  }
0x49: {  	_ =	swait.ge [sflag:s17], $0x5000  }
0x4a: {  	[sflag:s17] =	ssyncset.done $0x0  }
0x4b: {  	[sflag:s17] =	ssyncadd.s32 $0xFFFFB000  }
0x4c: {  	[tilespmem:s16], [sflag:$0x1] =	stream.linear.gather [spmem:s8], $0x5000, $0x38;
	[tilespmem:$0x1E400] =	vst v63  }
0x4d: {  	_ =	swait.ge [sflag:s17], $0x5000  }
0x4e: {  	[sflag:s17] =	ssyncset.done $0x0  }
0x4f: {  	[sflag:s17] =	ssyncadd.s32 $0xFFFFB000  }
0x50: {  	[hbm4b:s13+s2] =	stream.linear.scatter [tilespmem:s16], [sflag:$0x1], $0x5000, $0x38;
	[tilespmem:$0x1E400] =	vst v63  }
0x51: {  	_ =	swait.ge [sflag:s17], $0x5000  }
0x52: {  	[sflag:s17] =	ssyncset.done $0x0  }
0x53: {  	[sflag:s17] =	ssyncadd.s32 $0xFFFFB000  }
0x54: {  	[tilespmem:s16], [sflag:$0x1] =	stream.linear.gather [spmem:s9], $0x5000, $0x38;
	[tilespmem:$0x1E400] =	vst v63  }
0x55: {  	s20 =	sadd.s32 $0x1, s20;
	_ =	swait.ge [sflag:s17], $0x5000  }
0x56: {  	p0 =	sne.s32 s20, s15;
	[sflag:s17] =	ssyncset.done $0x0  }
.Ltmp1:
0x57: {  	[sflag:s17] =	ssyncadd.s32 $0xFFFFB000;
	(pc) =	sbr.rel @p0 .LBB2_1-.Ltmp1, $4  }
0x58: {  	[hbm4b:s14+s2] =	stream.linear.scatter [tilespmem:s16], [sflag:$0x1], $0x5000, $0x38;
	[tilespmem:$0x1E400] =	vst v63  }
0x59: {  	_ =	swait.ge [sflag:s17], $0x5000  }
0x5a: {  	[sflag:s17] =	ssyncset.done $0x0  }
0x5b: {  	[sflag:s17] =	ssyncadd.s32 $0xFFFFB000  }
0x5c: {  	_ =	sfence.sel $0x180000  }
0x5d: {  	[bflag:$0x0] =	sbarrier.arrive $0xFFFF  }
0x5e: {  	p0 =	sne.s32 s3, $0x0;
	_ =	strace $0x9000004A  }
0x5f: {  	s0 =	sadd.s32 @!p0 $0x100000, s0;
	[bflag:$0x2] =	sbarrier.arrive $0xFFFF  }
0x60: {  	[sflag:s0] =	ssyncadd.tile.s32 @!p0 $0x1;
	_ =	shalt  }
.Lfunc_end2:
_tile_overlayer_lowered:
.L_overlay_start_2:
0x61: {  	(tag) =	ssettag $0x2  }
0x62: {  	s0 =	rddreg [dreg:$0x0];
	s2 =	stileid.u32  }
0x63: {  	s1 =	rddreg [dreg:$0x1];
	p0 =	sne.s32 s2, $0x0  }
0x64: {  	s3 =	rddreg [dreg:$0x2];
	[bflag:$0x3] =	sbarrier.arrive $0xFFFF;
	s2 =	simm.s32 @!p0 $0x1C01  }
0x65: {  	[timem:s3], [sflag:s2] =	dma.local @!p0 [hbm:s0], s1  }
0x66: {  	s0 =	simm.s32 @!p0 $0x1  }
0x67: {  	_ =	swait.ge @!p0 [sflag:s0], s1  }
0x68: {  	s1 =	ssub.s32 @!p0 $0x0, s1;
	[sflag:s0] =	ssyncset.done @!p0 $0x0  }
0x69: {  	[sflag:s0] =	ssyncadd.s32 @!p0 s1  }
0x6a: {  	[bflag:$0x3] =	sbarrier.arrive $0xFFFF  }
0x6b: {  	_ =	shalt  }

// kernel: kernel.16.cloned.1.call-start
scs
__scs_entry_jumppad:
0x0: {  	(pc) =	sbr.rel $0x88, $3  }
0x1: {  	(tag) =	ssettag $0x0;
	lr =	simm.s32 $0x1  }
0x2: {  	[smem:$0x3F6A] =	sst lr;
	_ =	strace $0xD0000000  }
0x3: {  	_ = 	snop  }
0x4: {  	_ = 	snop  }
0x5: {  	_ = 	snop  }
0x6: {  	_ = 	snop  }
0x7: {  	_ = 	snop  }
__scs_overlays_trampoline_lowered:
0x8: {  	[smem:$0x3F79] =	sst s0  }
0x9: {  	[smem:$0x3F7A] =	sst s1  }
0xa: {  	[smem:$0x3F7B] =	sst s2  }
0xb: {  	[smem:$0x3F7C] =	sst s3  }
0xc: {  	[smem:$0x3F7D] =	sst s4  }
0xd: {  	[smem:$0x3F7E] =	sst s5  }
0xe: {  	[smem:$0x3F7F] =	sst s6  }
0xf: {  	[smem:$0x3F80] =	sst s7  }
0x10: {  	[smem:$0x3F81] =	sst s8  }
0x11: {  	[smem:$0x3F82] =	sst s9;
	s0 =	simm.s32 @!p0 $0x0  }
0x12: {  	s1 =	sld [smem:$0x3F68];
	s0 =	simm.s32 @p0 $0x1  }
0x13: {  	[smem:$0x3F83] =	sst s0;
	s0 =	simm.s32 @!p1 $0x0  }
0x14: {  	s2 =	sld [smem:$0x3F67];
	s0 =	simm.s32 @p1 $0x1  }
0x15: {  	[smem:$0x3F84] =	sst s0;
	s0 =	simm.s32 @!p2 $0x0  }
0x16: {  	s3 =	sld [smem:$0x3FDB];
	s0 =	simm.s32 @p2 $0x1  }
0x17: {  	s4 =	simm.s32 $0x1BF5;
	[smem:$0x3F86] =	sst s0  }
0x18: {  	s0 =	sld [smem:$0x3F69];
	_ =	swait.ge [sflag:s4], $0x0  }
0x19: {  	s7 =	sld [smem:$0x3F6A]  }
0x1a: {  	s8 =	sadd.s32 $0xFFFFE003, lr  }
0x1b: {  	s9 =	sadd.s32 $0xFFFFFEF7, lr;
	s5 =	simm.s32 $0xFFFFFFFF;
	p2 =	slt.u32 s8, $0xFFFFF086  }
0x1c: {  	p1 =	slt.u32 s9, $0xF7A;
	s5 =	simm.s32 @!p2 $0x0  }
0x1d: {  	s5 =	simm.s32 @p1 $0x1;
	p0 =	seq.s32 s7, s2  }
0x1e: {  	s7 =	smul.u32 @!p0 $0xF7A, s2;
	p2 =	seq.s32 @!p0 s5, $0x0  }
0x1f: {  	s9 =	smul.u32 $0xF7A, s1;
	s8 =	simm.s32 @!p0 $0x1BF5;
	p2 =	por !p2, p0  }
0x20: {  	[sflag:s8] =	ssyncset.s32 @!p0 $0xFFFFF086;
	s6 =	sadd.s32 @!p0 s3, s7;
	s7 =	simm.s32 @!p0 $0x108  }
0x21: {  	s3 =	sadd.s32 s3, s9;
	s6 =	sadd.s32 @!p0 $0x88, s6;
	s7 =	simm.s32 @p2 $0x1082  }
0x22: {  	[simem:s7], [sflag:s8] =	dma.local @!p0 [hbm:s6], $0xF7A  }
0x23: {  	s9 =	sor.u32 $0xD0000000, s2;
	s6 =	simm.s32 $0x108;
	_ =	swait.ge @!p0 [sflag:s8], $0x0  }
0x24: {  	s3 =	sadd.s32 $0x88, s3;
	s6 =	simm.s32 @!p1 $0x1082;
	[sflag:s4] =	ssyncset.s32 $0xFFFFF086  }
0x25: {  	[simem:s6], [sflag:s4] =	dma.local [hbm:s3], $0xF7A  }
0x26: {  	[smem:$0x3F6A] =	sst s1;
	(tag) =	ssettag s2;
	_ =	strace s9  }
0x27: {  	s1 =	sld [smem:$0x3F7A]  }
0x28: {  	s2 =	sld [smem:$0x3F7B]  }
0x29: {  	s4 =	sld [smem:$0x3F7D]  }
0x2a: {  	p0 =	seq.s32 s5, $0x0;
	s5 =	sld [smem:$0x3F7E]  }
0x2b: {  	s6 =	sld [smem:$0x3F7F]  }
0x2c: {  	s7 =	sld [smem:$0x3F80]  }
0x2d: {  	s3 =	simm.s32 $0x108;
	s8 =	sld [smem:$0x3F81]  }
0x2e: {  	s3 =	simm.s32 @!p0 $0x1082;
	s9 =	sld [smem:$0x3F82]  }
0x2f: {  	lr =	sadd.s32 s0, s3;
	s0 =	sld [smem:$0x3F79]  }
0x30: {  	s3 =	sld [smem:$0x3F7C]  }
0x31: {  	[smem:$0x3F85] =	sst s10  }
0x32: {  	s10 =	sld [smem:$0x3F83];
	_ =	sdelay $0x3  }
0x33: {  	p0 =	seq.s32 s10, $0x1;
	s10 =	sld [smem:$0x3F85];
	_ =	sdelay $0x3  }
0x34: {  	[smem:$0x3F85] =	sst s10  }
0x35: {  	s10 =	sld [smem:$0x3F84];
	_ =	sdelay $0x3  }
0x36: {  	p1 =	seq.s32 s10, $0x1;
	s10 =	sld [smem:$0x3F85];
	_ =	sdelay $0x3  }
0x37: {  	[smem:$0x3F85] =	sst s10  }
0x38: {  	s10 =	sld [smem:$0x3F86]  }
0x39: {  	_ = 	snop;
	(pc) =	sbr.ind lr, $3  }
0x3a: {  	_ = 	snop  }
0x3b: {  	_ = 	snop  }
0x3c: {  	p2 =	seq.s32 s10, $0x1;
	s10 =	sld [smem:$0x3F85]  }
0x3d: {  	_ =	shalt  }
0x3e: {  	_ =	shalt  }
0x3f: {  	_ =	shalt  }
0x40: {  	_ =	shalt  }
0x41: {  	_ =	shalt  }
0x42: {  	_ =	shalt  }
0x43: {  	_ =	shalt  }
0x44: {  	_ =	shalt  }
0x45: {  	_ =	shalt  }
0x46: {  	_ =	shalt  }
0x47: {  	_ =	shalt  }
0x48: {  	_ =	shalt  }
0x49: {  	_ =	shalt  }
0x4a: {  	_ =	shalt  }
0x4b: {  	_ =	shalt  }
0x4c: {  	_ =	shalt  }
0x4d: {  	_ =	shalt  }
0x4e: {  	_ =	shalt  }
0x4f: {  	_ =	shalt  }
0x50: {  	_ =	shalt  }
0x51: {  	_ =	shalt  }
0x52: {  	_ =	shalt  }
0x53: {  	_ =	shalt  }
0x54: {  	_ =	shalt  }
0x55: {  	_ =	shalt  }
0x56: {  	_ =	shalt  }
0x57: {  	_ =	shalt  }
0x58: {  	_ =	shalt  }
0x59: {  	_ =	shalt  }
0x5a: {  	_ =	shalt  }
0x5b: {  	_ =	shalt  }
0x5c: {  	_ =	shalt  }
0x5d: {  	_ =	shalt  }
0x5e: {  	_ =	shalt  }
0x5f: {  	_ =	shalt  }
0x60: {  	_ =	shalt  }
0x61: {  	_ =	shalt  }
0x62: {  	_ =	shalt  }
0x63: {  	_ =	shalt  }
0x64: {  	_ =	shalt  }
0x65: {  	_ =	shalt  }
0x66: {  	_ =	shalt  }
0x67: {  	_ =	shalt  }
0x68: {  	_ =	shalt  }
0x69: {  	_ =	shalt  }
0x6a: {  	_ =	shalt  }
0x6b: {  	_ =	shalt  }
0x6c: {  	_ =	shalt  }
0x6d: {  	_ =	shalt  }
0x6e: {  	_ =	shalt  }
0x6f: {  	_ =	shalt  }
0x70: {  	_ =	shalt  }
0x71: {  	_ =	shalt  }
0x72: {  	_ =	shalt  }
0x73: {  	_ =	shalt  }
0x74: {  	_ =	shalt  }
0x75: {  	_ =	shalt  }
0x76: {  	_ =	shalt  }
0x77: {  	_ =	shalt  }
0x78: {  	_ =	shalt  }
0x79: {  	_ =	shalt  }
0x7a: {  	_ =	shalt  }
0x7b: {  	_ =	shalt  }
0x7c: {  	_ =	shalt  }
0x7d: {  	_ =	shalt  }
0x7e: {  	_ =	shalt  }
0x7f: {  	_ =	shalt  }
0x80: {  	_ =	shalt  }
0x81: {  	_ =	shalt  }
0x82: {  	_ =	shalt  }
0x83: {  	_ =	shalt  }
0x84: {  	_ =	shalt  }
0x85: {  	_ =	shalt  }
0x86: {  	_ =	shalt  }
0x87: {  	_ =	shalt  }
.Lfunc_end0:
.L_simem_size_0:
called_computation.1_lowered:
.L_overlay_start_0:
0x88: {  	s2 =	sld [smem:$0x3FD9]  }
0x89: {  	s3 =	sld [smem:$0x3FFE];
	_ =	sdelay $0x1  }
0x8a: {  	s1 =	srdreg.scid  }
0x8b: {  	s0 =	sand.u32 $0x1, s1  }
0x8c: {  	s14 =	sshll.u32 s0, $0xA;
	s2 =	sadd.s32 s3, s2  }
0x8d: {  	s2 =	sadd.s32 s2, s14  }
0x8e: {  	[smem:$0x3F91] =	sst s2  }
0x8f: {  	_ = 	snop  }
0x90: {  	s2 =	sld [smem:$0x3FD0];
	_ =	sdelay $0x2  }
0x91: {  	s15 =	simm.s32 $0xB;
	s4 =	simm.s32 $0x10  }
0x92: {  	[smem:s4], [sflag:s15] =	dma.local [hbm:s2], $0x1  }
0x93: {  	_ =	swait.eq [sflag:s15], $0x1  }
0x94: {  	[sflag:s15] =	ssyncset.done $0x0  }
0x95: {  	[sflag:s15] =	ssyncadd.s32 $0xFFFFFFFF  }
0x96: {  	s16 =	sld [smem:$0x10];
	(tm) =	ssettm $0x1  }
0x97: {  	s17 =	sld [smem:$0x3FFB];
	_ =	sdelay $0x3  }
0x98: {  	_ =	strace s17  }
0x99: {  	s3 =	sld [smem:$0x3FFC];
	_ =	sdelay $0x3  }
0x9a: {  	_ =	strace s3  }
0x9b: {  	s3 =	sld [smem:$0x3FFD];
	_ =	sdelay $0x3  }
0x9c: {  	_ =	strace s3  }
0x9d: {  	_ =	strace $0x8FFFFFFF  }
0x9e: {  	s18 =	sld [smem:$0x3FDB];
	_ =	sdelay $0x1  }
0x9f: {  	s19 =	simm.s32 $_scs_section_size  }
0xa0: {  	s5 =	simm.s32 $_size__tile_overlayer_lowered;
	s6 =	simm.s32 $_tile_overlayer_lowered  }
0xa1: {  	s22 =	simm.s32 $0x1BFF;
	s21 =	sshll.u32 s6, $0x1;
	s3 =	sadd.s32 s19, s18  }
0xa2: {  	s7 =	simm.s32 $0x0;
	s20 =	sshll.u32 s5, $0x1;
	s5 =	sadd.s32 s21, s3  }
0xa3: {  	[timem:s7], [sflag:s22] =	dma.local [hbm:s5], s20  }
0xa4: {  	_ =	swait.ge [sflag:s22], s20  }
0xa5: {  	s4 =	ssub.s32 $0x0, s20;
	[sflag:s22] =	ssyncset.done $0x0  }
0xa6: {  	[sflag:s22] =	ssyncadd.s32 s4;
	_ =	sdelay $0x1  }
0xa7: {  	s23 =	simm.s32 $0x1B8B  }
0xa8: {  	_ =	swait.ge [sflag:s23], $0x1  }
0xa9: {  	[sflag:s23] =	ssyncset.done $0x0  }
0xaa: {  	s25 =	simm.s32 $0x1B8E;
	s24 =	sld [smem:$0x3FFE];
	[sflag:s23] =	ssyncadd.s32 $0xFFFFFFFF  }
0xab: {  	s26 =	simm.s32 $execute0_lowered;
	[smem:$0x3FD2] =	sst s25  }
0xac: {  	s5 =	sshll.u32 s26, $0x1;
	_ =	strace $0x80000046;
	[dreg:$0x1] =	wrdreg $0xFFFFFFFF  }
0xad: {  	s28 =	simm.s32 $_size_execute0_lowered;
	s3 =	sadd.s32 s3, s5;
	[dreg:$0x0] =	wrdreg $0x0  }
0xae: {  	s5 =	sshll.u32 s28, $0x1;
	[dreg:$0x2] =	wrdreg s3  }
0xaf: {  	[dreg:$0x3] =	wrdreg s5  }
0xb0: {  	[dreg:$0x4] =	wrdreg $0xC0  }
0xb1: {  	_ =	task [dreg:s7], $0x5FFFF  }
0xb2: {  	[dreg:$0x1] =	wrdreg $0xFFFFFFFF  }
0xb3: {  	[dreg:$0x0] =	wrdreg $0x60  }
0xb4: {  	[dreg:$0x2] =	wrdreg s16  }
0xb5: {  	[dreg:$0x3] =	wrdreg s24  }
0xb6: {  	[dreg:$0x4] =	wrdreg $0xA  }
0xb7: {  	_ =	task.clear_ibuf [dreg:s7], $0x5FFFF;
	_ =	strace $0x90000046  }
0xb8: {  	s29 =	simm.s32 $0xA;
	_ =	strace $0x80000048  }
0xb9: {  	_ =	swait.ge [sflag:s29], $0x1  }
0xba: {  	[sflag:s29] =	ssyncadd.s32 $0xFFFFFFFF  }
0xbb: {  	_ =	strace $0x90000048  }
0xbc: {  	_ =	sfence  }
0xbd: {  	s30 =	sld [smem:$0x0];
	_ =	sdelay $0x2  }
0xbe: {  	s31 =	sshll.u32 s1, $0xD;
	s1 =	sshrl.u32 s1, $0x2  }
0xbf: {  	s3 =	sand.u32 $0x4000, s31;
	s1 =	sadd.s32 s1, s30  }
0xc0: {  	s0 =	sor.u32 s3, s0;
	s1 =	sshll.u32 s1, $0x11  }
0xc1: {  	s0 =	sor.u32 s1, s0  }
0xc2: {  	s0 =	sadd.s32 $0x8F2B, s0  }
0xc3: {  	[sflag:s0] =	ssyncadd.remote.s32 $0x1  }
0xc4: {  	_ =	sfence.sel $0xFFFF  }
0xc5: {  	[dreg:$0x0] =	wrdreg $0xFFFFFFFF;
	(pc) =	sbr.abs _section_cstart, $3  }
0xc6: {  	[dreg:$0x1] =	wrdreg $0xFFFFFFFF  }
0xc7: {  	_ =	task.clear_ibuf [dreg:s7], $0x2FFFF;
	_ =	strace $0x9FFFFFFF  }
0xc8: {  	(tm) =	ssettm $0x7FFFFFFF  }
0xc9: {  	_ =	shalt  }
tec
execute0_lowered:
.L_overlay_start_1:
0x0: {  	(tag) =	ssettag $0x1  }
0x1: {  	s1 =	rddreg [dreg:$0x0]  }
0x2: {  	s4 =	rddreg [dreg:$0x1]  }
0x3: {  	s0 =	rddreg [dreg:$0x2];
	s3 =	simm.s32 $0x0  }
0x4: {  	s5 =	srdreg.scid;
	s2 =	stileid.u32;
	s12 =	simm.s32 $0x1  }
0x5: {  	s13 =	simm.s32 $0x2;
	s14 =	simm.s32 $0x0;
	[smem:$0x7FF] =	sst s3  }
0x6: {  	s5 =	sand.u32 $0x1, s5;
	s6 =	sshll.u32 s2, $0x1;
	s8 =	sadd.s32 $0x68800, s4  }
0x7: {  	s10 =	smul.u32 $0x4E200, s2;
	_ =	strace $0x80000047;
	s6 =	sor.u32 s5, s6  }
0x8: {  	s30 =	ssub.s32 $0x2, s5;
	s11 =	smul.u32 $0x27100, s5;
	s7 =	sshll.u32 s6, $0xB  }
0x9: {  	s6 =	smul.u32 $0x138800, s6;
	s9 =	sshrl.u32 s30, $0x1;
	s31 =	sadd.s32 s10, s8  }
0xa: {  	s10 =	simm.s32 $0x4000;
	s7 =	sadd.s32 s7, s4;
	s9 =	ssub.s32 s30, s9  }
0xb: {  	s6 =	sshrl.u32 s6, $0x3;
	s4 =	sadd.s32 $0xA600, s7;
	s7 =	sadd.s32 s11, s31  }
0xc: {  	s11 =	simm.s32 $0x6800;
	s6 =	sadd.s32 s8, s6;
	s8 =	simm.s32 $0x3  }
0xd: {  	s5 =	sadd.s32 $0x26C00, s6;
	s6 =	smax.u32 s9, $0x1;
	s9 =	simm.s32 $0x50  }
.LBB2_1:
0xe: {  	[tilespmem:s3], [sflag:$0x3] =	stream.linear.gather [hbm4b:s4+s3], $0x3E80, $0x38;
	[tilespmem:$0x9000] =	vst v63  }
0xf: {  	_ =	swait.ge [sflag:s8], $0x3E80  }
0x10: {  	[sflag:s8] =	ssyncset.done $0x0  }
0x11: {  	[sflag:s8] =	ssyncadd.s32 $0xFFFFC180  }
0x12: {  	[tilespmem:s10], [sflag:$0x1] =	stream.indirect.gather [hbm4b:s1+s9], $0x80, s3, s9, $0xb8;
	[tilespmem:$0x9000] =	vst v63  }
0x13: {  	s15 =	simm.s32 $0x80  }
0x14: {  	[tilespmem:s11], [sflag:$0x2] =	stream.indirect.gather [hbm4b:s1+s9], $0x80, s15, s9, $0xb8;
	[tilespmem:$0x9000] =	vst v63  }
0x15: {  	_ =	swait.ge [sflag:s12], $0x2800  }
0x16: {  	[sflag:s12] =	ssyncset.done $0x0  }
0x17: {  	s31 =	sadd.s32 $0x0, s7;
	[sflag:s12] =	ssyncadd.s32 $0xFFFFD800  }
0x18: {  	[hbm4b:s31+s3] =	stream.linear.scatter [tilespmem:s10], [sflag:$0x3], $0x2800, $0x38;
	[tilespmem:$0x9000] =	vst v63  }
0x19: {  	_ =	swait.ge [sflag:s8], $0x2800  }
0x1a: {  	[sflag:s8] =	ssyncset.done $0x0  }
0x1b: {  	s16 =	simm.s32 $0x100;
	[sflag:s8] =	ssyncadd.s32 $0xFFFFD800  }
0x1c: {  	[tilespmem:s10], [sflag:$0x1] =	stream.indirect.gather [hbm4b:s1+s9], $0x80, s16, s9, $0xb8;
	[tilespmem:$0x9000] =	vst v63  }
0x1d: {  	_ =	swait.ge [sflag:s13], $0x2800  }
0x1e: {  	[sflag:s13] =	ssyncset.done $0x0  }
0x1f: {  	s15 =	sadd.s32 $0x500, s31;
	[sflag:s13] =	ssyncadd.s32 $0xFFFFD800  }
0x20: {  	[hbm4b:s15+s3] =	stream.linear.scatter [tilespmem:s11], [sflag:$0x3], $0x2800, $0x38;
	[tilespmem:$0x9000] =	vst v63  }
0x21: {  	s17 =	simm.s32 $0x1400;
	_ =	swait.ge [sflag:s8], $0x2800  }
0x22: {  	s16 =	simm.s32 $0xA00;
	s15 =	simm.s32 $0x200;
	[sflag:s8] =	ssyncset.done $0x0  }
.LBB2_2:
0x23: {  	p0 =	sne.s32 s17, $0x26200;
	s18 =	sadd.s32 $0xFFFFFF80, s15;
	[sflag:s8] =	ssyncadd.s32 $0xFFFFD800  }
0x24: {  	[tilespmem:s11], [sflag:$0x2] =	stream.indirect.gather [hbm4b:s1+s9], $0x80, s18, s9, $0xb8;
	[tilespmem:$0x9000] =	vst v63  }
0x25: {  	s18 =	smov.u32 s17;
	s17 =	sadd.s32 $0xA00, s17;
	_ =	swait.ge [sflag:s12], $0x2800  }
0x26: {  	[sflag:s12] =	ssyncset.done $0x0  }
0x27: {  	s19 =	sadd.s32 s16, s7;
	s16 =	smov.u32 s18;
	[sflag:s12] =	ssyncadd.s32 $0xFFFFD800  }
0x28: {  	[hbm4b:s19+s3] =	stream.linear.scatter [tilespmem:s10], [sflag:$0x3], $0x2800, $0x38;
	[tilespmem:$0x9000] =	vst v63  }
0x29: {  	_ =	swait.ge [sflag:s8], $0x2800  }
0x2a: {  	[sflag:s8] =	ssyncset.done $0x0  }
0x2b: {  	[sflag:s8] =	ssyncadd.s32 $0xFFFFD800  }
0x2c: {  	[tilespmem:s10], [sflag:$0x1] =	stream.indirect.gather [hbm4b:s1+s9], $0x80, s15, s9, $0xb8;
	[tilespmem:$0x9000] =	vst v63  }
0x2d: {  	_ =	swait.ge [sflag:s13], $0x2800  }
.Ltmp0:
0x2e: {  	[sflag:s13] =	ssyncset.done $0x0;
	(pc) =	sbr.rel @p0 .LBB2_2-.Ltmp0, $4  }
0x2f: {  	s18 =	sadd.s32 $0x500, s19;
	[sflag:s13] =	ssyncadd.s32 $0xFFFFD800  }
0x30: {  	[hbm4b:s18+s3] =	stream.linear.scatter [tilespmem:s11], [sflag:$0x3], $0x2800, $0x38;
	[tilespmem:$0x9000] =	vst v63  }
0x31: {  	_ =	swait.ge [sflag:s8], $0x2800  }
0x32: {  	s15 =	sadd.s32 $0x100, s15;
	[sflag:s8] =	ssyncset.done $0x0  }
0x33: {  	s17 =	sadd.s32 $0xFFFFFF80, s15;
	[sflag:s8] =	ssyncadd.s32 $0xFFFFD800  }
0x34: {  	[tilespmem:s11], [sflag:$0x2] =	stream.indirect.gather [hbm4b:s1+s9], $0x80, s17, s9, $0xb8;
	[tilespmem:$0x9000] =	vst v63  }
0x35: {  	_ =	swait.ge [sflag:s12], $0x2800  }
0x36: {  	[sflag:s12] =	ssyncset.done $0x0  }
0x37: {  	s16 =	sadd.s32 s16, s7;
	[sflag:s12] =	ssyncadd.s32 $0xFFFFD800  }
0x38: {  	[hbm4b:s16+s3] =	stream.linear.scatter [tilespmem:s10], [sflag:$0x3], $0x2800, $0x38;
	[tilespmem:$0x9000] =	vst v63  }
0x39: {  	_ =	swait.ge [sflag:s8], $0x2800  }
0x3a: {  	[sflag:s8] =	ssyncset.done $0x0  }
0x3b: {  	[sflag:s8] =	ssyncadd.s32 $0xFFFFD800  }
0x3c: {  	[tilespmem:s10], [sflag:$0x1] =	stream.indirect.gather [hbm4b:s1+s9], $0x80, s15, s9, $0xb8;
	[tilespmem:$0x9000] =	vst v63  }
0x3d: {  	_ =	swait.ge [sflag:s13], $0x2800  }
0x3e: {  	[sflag:s13] =	ssyncset.done $0x0  }
0x3f: {  	s31 =	sadd.s32 $0x500, s16;
	[sflag:s13] =	ssyncadd.s32 $0xFFFFD800  }
0x40: {  	[hbm4b:s31+s3] =	stream.linear.scatter [tilespmem:s11], [sflag:$0x3], $0x2800, $0x38;
	[tilespmem:$0x9000] =	vst v63  }
0x41: {  	_ =	swait.ge [sflag:s8], $0x2800  }
0x42: {  	[sflag:s8] =	ssyncset.done $0x0  }
0x43: {  	[sflag:s8] =	ssyncadd.s32 $0xFFFFD800  }
0x44: {  	s14 =	sadd.s32 $0x1, s14;
	_ =	swait.ge [sflag:s12], $0x2800  }
0x45: {  	p0 =	sne.s32 s14, s6;
	[sflag:s12] =	ssyncset.done $0x0  }
.Ltmp1:
0x46: {  	[sflag:s12] =	ssyncadd.s32 $0xFFFFD800;
	(pc) =	sbr.rel @p0 .LBB2_1-.Ltmp1, $4  }
0x47: {  	[hbm4b:s5+s3] =	stream.linear.scatter [tilespmem:s10], [sflag:$0x3], $0x2800, $0x38;
	[tilespmem:$0x9000] =	vst v63  }
0x48: {  	_ =	swait.ge [sflag:s8], $0x2800  }
0x49: {  	[sflag:s8] =	ssyncset.done $0x0  }
0x4a: {  	[sflag:s8] =	ssyncadd.s32 $0xFFFFD800  }
0x4b: {  	_ =	sfence.sel $0x180000  }
0x4c: {  	[bflag:$0x0] =	sbarrier.arrive $0xFFFF  }
0x4d: {  	p0 =	sne.s32 s2, $0x0;
	_ =	strace $0x90000047  }
0x4e: {  	s0 =	sadd.s32 @!p0 $0x100000, s0;
	[bflag:$0x2] =	sbarrier.arrive $0xFFFF  }
0x4f: {  	[sflag:s0] =	ssyncadd.tile.s32 @!p0 $0x1;
	_ =	shalt  }
.Lfunc_end2:
_tile_overlayer_lowered:
.L_overlay_start_2:
0x50: {  	(tag) =	ssettag $0x2  }
0x51: {  	s0 =	rddreg [dreg:$0x0];
	s2 =	stileid.u32  }
0x52: {  	s1 =	rddreg [dreg:$0x1];
	p0 =	sne.s32 s2, $0x0  }
0x53: {  	s3 =	rddreg [dreg:$0x2];
	[bflag:$0x3] =	sbarrier.arrive $0xFFFF;
	s2 =	simm.s32 @!p0 $0x1C03  }
0x54: {  	[timem:s3], [sflag:s2] =	dma.local @!p0 [hbm:s0], s1  }
0x55: {  	s0 =	simm.s32 @!p0 $0x3  }
0x56: {  	_ =	swait.ge @!p0 [sflag:s0], s1  }
0x57: {  	s1 =	ssub.s32 @!p0 $0x0, s1;
	[sflag:s0] =	ssyncset.done @!p0 $0x0  }
0x58: {  	[sflag:s0] =	ssyncadd.s32 @!p0 s1  }
0x59: {  	[bflag:$0x3] =	sbarrier.arrive $0xFFFF  }
0x5a: {  	_ =	shalt  }

// kernel: kernel.19.cloned.1.call-start
scs
__scs_entry_jumppad:
0x0: {  	(pc) =	sbr.rel $0x88, $3  }
0x1: {  	(tag) =	ssettag $0x0;
	lr =	simm.s32 $0x1  }
0x2: {  	[smem:$0x3F6A] =	sst lr;
	_ =	strace $0xD0000000  }
0x3: {  	_ = 	snop  }
0x4: {  	_ = 	snop  }
0x5: {  	_ = 	snop  }
0x6: {  	_ = 	snop  }
0x7: {  	_ = 	snop  }
__scs_overlays_trampoline_lowered:
0x8: {  	[smem:$0x3F79] =	sst s0  }
0x9: {  	[smem:$0x3F7A] =	sst s1  }
0xa: {  	[smem:$0x3F7B] =	sst s2  }
0xb: {  	[smem:$0x3F7C] =	sst s3  }
0xc: {  	[smem:$0x3F7D] =	sst s4  }
0xd: {  	[smem:$0x3F7E] =	sst s5  }
0xe: {  	[smem:$0x3F7F] =	sst s6  }
0xf: {  	[smem:$0x3F80] =	sst s7  }
0x10: {  	[smem:$0x3F81] =	sst s8  }
0x11: {  	[smem:$0x3F82] =	sst s9;
	s0 =	simm.s32 @!p0 $0x0  }
0x12: {  	s1 =	sld [smem:$0x3F68];
	s0 =	simm.s32 @p0 $0x1  }
0x13: {  	[smem:$0x3F83] =	sst s0;
	s0 =	simm.s32 @!p1 $0x0  }
0x14: {  	s2 =	sld [smem:$0x3F67];
	s0 =	simm.s32 @p1 $0x1  }
0x15: {  	[smem:$0x3F84] =	sst s0;
	s0 =	simm.s32 @!p2 $0x0  }
0x16: {  	s3 =	sld [smem:$0x3FDB];
	s0 =	simm.s32 @p2 $0x1  }
0x17: {  	s4 =	simm.s32 $0x1BF5;
	[smem:$0x3F86] =	sst s0  }
0x18: {  	s0 =	sld [smem:$0x3F69];
	_ =	swait.ge [sflag:s4], $0x0  }
0x19: {  	s7 =	sld [smem:$0x3F6A]  }
0x1a: {  	s8 =	sadd.s32 $0xFFFFE003, lr  }
0x1b: {  	s9 =	sadd.s32 $0xFFFFFEF7, lr;
	s5 =	simm.s32 $0xFFFFFFFF;
	p2 =	slt.u32 s8, $0xFFFFF086  }
0x1c: {  	p1 =	slt.u32 s9, $0xF7A;
	s5 =	simm.s32 @!p2 $0x0  }
0x1d: {  	s5 =	simm.s32 @p1 $0x1;
	p0 =	seq.s32 s7, s2  }
0x1e: {  	s7 =	smul.u32 @!p0 $0xF7A, s2;
	p2 =	seq.s32 @!p0 s5, $0x0  }
0x1f: {  	s9 =	smul.u32 $0xF7A, s1;
	s8 =	simm.s32 @!p0 $0x1BF5;
	p2 =	por !p2, p0  }
0x20: {  	[sflag:s8] =	ssyncset.s32 @!p0 $0xFFFFF086;
	s6 =	sadd.s32 @!p0 s3, s7;
	s7 =	simm.s32 @!p0 $0x108  }
0x21: {  	s3 =	sadd.s32 s3, s9;
	s6 =	sadd.s32 @!p0 $0x88, s6;
	s7 =	simm.s32 @p2 $0x1082  }
0x22: {  	[simem:s7], [sflag:s8] =	dma.local @!p0 [hbm:s6], $0xF7A  }
0x23: {  	s9 =	sor.u32 $0xD0000000, s2;
	s6 =	simm.s32 $0x108;
	_ =	swait.ge @!p0 [sflag:s8], $0x0  }
0x24: {  	s3 =	sadd.s32 $0x88, s3;
	s6 =	simm.s32 @!p1 $0x1082;
	[sflag:s4] =	ssyncset.s32 $0xFFFFF086  }
0x25: {  	[simem:s6], [sflag:s4] =	dma.local [hbm:s3], $0xF7A  }
0x26: {  	[smem:$0x3F6A] =	sst s1;
	(tag) =	ssettag s2;
	_ =	strace s9  }
0x27: {  	s1 =	sld [smem:$0x3F7A]  }
0x28: {  	s2 =	sld [smem:$0x3F7B]  }
0x29: {  	s4 =	sld [smem:$0x3F7D]  }
0x2a: {  	p0 =	seq.s32 s5, $0x0;
	s5 =	sld [smem:$0x3F7E]  }
0x2b: {  	s6 =	sld [smem:$0x3F7F]  }
0x2c: {  	s7 =	sld [smem:$0x3F80]  }
0x2d: {  	s3 =	simm.s32 $0x108;
	s8 =	sld [smem:$0x3F81]  }
0x2e: {  	s3 =	simm.s32 @!p0 $0x1082;
	s9 =	sld [smem:$0x3F82]  }
0x2f: {  	lr =	sadd.s32 s0, s3;
	s0 =	sld [smem:$0x3F79]  }
0x30: {  	s3 =	sld [smem:$0x3F7C]  }
0x31: {  	[smem:$0x3F85] =	sst s10  }
0x32: {  	s10 =	sld [smem:$0x3F83];
	_ =	sdelay $0x3  }
0x33: {  	p0 =	seq.s32 s10, $0x1;
	s10 =	sld [smem:$0x3F85];
	_ =	sdelay $0x3  }
0x34: {  	[smem:$0x3F85] =	sst s10  }
0x35: {  	s10 =	sld [smem:$0x3F84];
	_ =	sdelay $0x3  }
0x36: {  	p1 =	seq.s32 s10, $0x1;
	s10 =	sld [smem:$0x3F85];
	_ =	sdelay $0x3  }
0x37: {  	[smem:$0x3F85] =	sst s10  }
0x38: {  	s10 =	sld [smem:$0x3F86]  }
0x39: {  	_ = 	snop;
	(pc) =	sbr.ind lr, $3  }
0x3a: {  	_ = 	snop  }
0x3b: {  	_ = 	snop  }
0x3c: {  	p2 =	seq.s32 s10, $0x1;
	s10 =	sld [smem:$0x3F85]  }
0x3d: {  	_ =	shalt  }
0x3e: {  	_ =	shalt  }
0x3f: {  	_ =	shalt  }
0x40: {  	_ =	shalt  }
0x41: {  	_ =	shalt  }
0x42: {  	_ =	shalt  }
0x43: {  	_ =	shalt  }
0x44: {  	_ =	shalt  }
0x45: {  	_ =	shalt  }
0x46: {  	_ =	shalt  }
0x47: {  	_ =	shalt  }
0x48: {  	_ =	shalt  }
0x49: {  	_ =	shalt  }
0x4a: {  	_ =	shalt  }
0x4b: {  	_ =	shalt  }
0x4c: {  	_ =	shalt  }
0x4d: {  	_ =	shalt  }
0x4e: {  	_ =	shalt  }
0x4f: {  	_ =	shalt  }
0x50: {  	_ =	shalt  }
0x51: {  	_ =	shalt  }
0x52: {  	_ =	shalt  }
0x53: {  	_ =	shalt  }
0x54: {  	_ =	shalt  }
0x55: {  	_ =	shalt  }
0x56: {  	_ =	shalt  }
0x57: {  	_ =	shalt  }
0x58: {  	_ =	shalt  }
0x59: {  	_ =	shalt  }
0x5a: {  	_ =	shalt  }
0x5b: {  	_ =	shalt  }
0x5c: {  	_ =	shalt  }
0x5d: {  	_ =	shalt  }
0x5e: {  	_ =	shalt  }
0x5f: {  	_ =	shalt  }
0x60: {  	_ =	shalt  }
0x61: {  	_ =	shalt  }
0x62: {  	_ =	shalt  }
0x63: {  	_ =	shalt  }
0x64: {  	_ =	shalt  }
0x65: {  	_ =	shalt  }
0x66: {  	_ =	shalt  }
0x67: {  	_ =	shalt  }
0x68: {  	_ =	shalt  }
0x69: {  	_ =	shalt  }
0x6a: {  	_ =	shalt  }
0x6b: {  	_ =	shalt  }
0x6c: {  	_ =	shalt  }
0x6d: {  	_ =	shalt  }
0x6e: {  	_ =	shalt  }
0x6f: {  	_ =	shalt  }
0x70: {  	_ =	shalt  }
0x71: {  	_ =	shalt  }
0x72: {  	_ =	shalt  }
0x73: {  	_ =	shalt  }
0x74: {  	_ =	shalt  }
0x75: {  	_ =	shalt  }
0x76: {  	_ =	shalt  }
0x77: {  	_ =	shalt  }
0x78: {  	_ =	shalt  }
0x79: {  	_ =	shalt  }
0x7a: {  	_ =	shalt  }
0x7b: {  	_ =	shalt  }
0x7c: {  	_ =	shalt  }
0x7d: {  	_ =	shalt  }
0x7e: {  	_ =	shalt  }
0x7f: {  	_ =	shalt  }
0x80: {  	_ =	shalt  }
0x81: {  	_ =	shalt  }
0x82: {  	_ =	shalt  }
0x83: {  	_ =	shalt  }
0x84: {  	_ =	shalt  }
0x85: {  	_ =	shalt  }
0x86: {  	_ =	shalt  }
0x87: {  	_ =	shalt  }
.Lfunc_end0:
.L_simem_size_0:
called_computation.2_lowered:
.L_overlay_start_0:
0x88: {  	s2 =	sld [smem:$0x3FD9]  }
0x89: {  	s3 =	sld [smem:$0x3FFE];
	_ =	sdelay $0x1  }
0x8a: {  	s1 =	srdreg.scid  }
0x8b: {  	s0 =	sand.u32 $0x1, s1  }
0x8c: {  	s15 =	sshll.u32 s0, $0xA;
	s2 =	sadd.s32 s3, s2  }
0x8d: {  	s2 =	sadd.s32 s2, s15  }
0x8e: {  	[smem:$0x3F91] =	sst s2  }
0x8f: {  	_ = 	snop  }
0x90: {  	s2 =	sld [smem:$0x3FD0];
	_ =	sdelay $0x2  }
0x91: {  	s16 =	simm.s32 $0xB;
	s4 =	simm.s32 $0x10  }
0x92: {  	[smem:s4], [sflag:s16] =	dma.local [hbm:s2], $0x1  }
0x93: {  	_ =	swait.eq [sflag:s16], $0x1  }
0x94: {  	[sflag:s16] =	ssyncset.done $0x0  }
0x95: {  	[sflag:s16] =	ssyncadd.s32 $0xFFFFFFFF  }
0x96: {  	s17 =	sld [smem:$0x11];
	(tm) =	ssettm $0x1  }
0x97: {  	s18 =	sld [smem:$0x3FFB];
	_ =	sdelay $0x3  }
0x98: {  	_ =	strace s18  }
0x99: {  	s2 =	sld [smem:$0x3FFC];
	_ =	sdelay $0x3  }
0x9a: {  	_ =	strace s2  }
0x9b: {  	s2 =	sld [smem:$0x3FFD];
	_ =	sdelay $0x3  }
0x9c: {  	_ =	strace s2  }
0x9d: {  	_ =	strace $0x8FFFFFFF  }
0x9e: {  	s19 =	sld [smem:$0x3FDB];
	_ =	sdelay $0x1  }
0x9f: {  	s20 =	simm.s32 $_scs_section_size  }
0xa0: {  	s5 =	simm.s32 $_size__tile_overlayer_lowered;
	s6 =	simm.s32 $_tile_overlayer_lowered  }
0xa1: {  	s7 =	simm.s32 $0x1BFF;
	s21 =	sshll.u32 s6, $0x1;
	s4 =	sadd.s32 s20, s19  }
0xa2: {  	s22 =	simm.s32 $0x0;
	s5 =	sshll.u32 s5, $0x1;
	s6 =	sadd.s32 s21, s4  }
0xa3: {  	[timem:s22], [sflag:s7] =	dma.local [hbm:s6], s5  }
0xa4: {  	_ =	swait.ge [sflag:s7], s5  }
0xa5: {  	s5 =	ssub.s32 $0x0, s5;
	[sflag:s7] =	ssyncset.done $0x0  }
0xa6: {  	[sflag:s7] =	ssyncadd.s32 s5;
	_ =	sdelay $0x1  }
0xa7: {  	s23 =	simm.s32 $0x1B8B  }
0xa8: {  	_ =	swait.ge [sflag:s23], $0x1  }
0xa9: {  	[sflag:s23] =	ssyncset.done $0x0  }
0xaa: {  	[sflag:s23] =	ssyncadd.s32 $0xFFFFFFFF  }
0xab: {  	s5 =	sld [smem:$0x0]  }
0xac: {  	s6 =	sand.u32 $0xFFFFFFFE, s1  }
0xad: {  	p0 =	sne.s32 s1, s6  }
0xae: {  	s6 =	sshll.u32 @p0 s6, $0xE  }
0xaf: {  	s6 =	sadd.s32 @p0 $0x11B8D, s6;
	s7 =	sshll.u32 @p0 s5, $0x11  }
0xb0: {  	s6 =	sor.u32 @p0 s7, s6  }
0xb1: {  	[sflag:s6] =	ssyncadd.remote.s32 @p0 $0x1;
	_ =	sdelay $0x1  }
0xb2: {  	s6 =	simm.s32 @p0 $0x1B8D  }
0xb3: {  	_ =	swait.eq @p0 [sflag:s6], $0x1  }
0xb4: {  	[sflag:s6] =	ssyncadd.s32 @p0 $0xFFFFFFFF  }
0xb5: {  	s7 =	sshll.u32 @!p0 s1, $0xE  }
0xb6: {  	s7 =	sor.u32 @!p0 $0x4000, s7;
	s6 =	simm.s32 @!p0 $0x1B8D  }
0xb7: {  	s5 =	sshll.u32 @!p0 s5, $0x11;
	s7 =	sadd.s32 @!p0 $0x11B8D, s7;
	_ =	swait.eq @!p0 [sflag:s6], $0x1  }
0xb8: {  	s5 =	sor.u32 @!p0 s5, s7;
	[sflag:s6] =	ssyncadd.s32 @!p0 $0xFFFFFFFF  }
0xb9: {  	s25 =	simm.s32 $0x1B8E;
	s24 =	sld [smem:$0x3FFE];
	[sflag:s5] =	ssyncadd.remote.s32 @!p0 $0x1  }
0xba: {  	s26 =	simm.s32 $execute0_lowered;
	[smem:$0x3FD2] =	sst s25  }
0xbb: {  	s6 =	sshll.u32 s26, $0x1;
	_ =	strace $0x8000004C;
	[dreg:$0x1] =	wrdreg $0xFFFFFFFF  }
0xbc: {  	s28 =	simm.s32 $_size_execute0_lowered;
	s4 =	sadd.s32 s4, s6;
	[dreg:$0x0] =	wrdreg $0x0  }
0xbd: {  	s6 =	sshll.u32 s28, $0x1;
	[dreg:$0x2] =	wrdreg s4  }
0xbe: {  	[dreg:$0x3] =	wrdreg s6  }
0xbf: {  	[dreg:$0x4] =	wrdreg $0xC0  }
0xc0: {  	_ =	task [dreg:s22], $0x5FFFF  }
0xc1: {  	[dreg:$0x1] =	wrdreg $0xFFFFFFFF  }
0xc2: {  	[dreg:$0x0] =	wrdreg $0x60  }
0xc3: {  	[dreg:$0x2] =	wrdreg s24  }
0xc4: {  	[dreg:$0x3] =	wrdreg s17  }
0xc5: {  	[dreg:$0x4] =	wrdreg $0xB8000  }
0xc6: {  	[dreg:$0x5] =	wrdreg $0xA  }
0xc7: {  	_ =	task.clear_ibuf [dreg:s22], $0x6FFFF;
	_ =	strace $0x9000004C  }
0xc8: {  	s29 =	simm.s32 $0xA;
	_ =	strace $0x8000004E  }
0xc9: {  	_ =	swait.ge [sflag:s29], $0x1  }
0xca: {  	[sflag:s29] =	ssyncadd.s32 $0xFFFFFFFF  }
0xcb: {  	_ =	strace $0x9000004E  }
0xcc: {  	_ =	sfence  }
0xcd: {  	s30 =	sld [smem:$0x0];
	_ =	sdelay $0x2  }
0xce: {  	s31 =	sshll.u32 s1, $0xD;
	s1 =	sshrl.u32 s1, $0x2  }
0xcf: {  	s4 =	sand.u32 $0x4000, s31;
	s1 =	sadd.s32 s1, s30  }
0xd0: {  	s0 =	sor.u32 s4, s0;
	s1 =	sshll.u32 s1, $0x11  }
0xd1: {  	s0 =	sor.u32 s1, s0  }
0xd2: {  	s0 =	sadd.s32 $0x8F2B, s0  }
0xd3: {  	[sflag:s0] =	ssyncadd.remote.s32 $0x1  }
0xd4: {  	_ =	sfence.sel $0xFFFF  }
0xd5: {  	[dreg:$0x0] =	wrdreg $0xFFFFFFFF;
	(pc) =	sbr.abs _section_cstart, $3  }
0xd6: {  	[dreg:$0x1] =	wrdreg $0xFFFFFFFF  }
0xd7: {  	_ =	task.clear_ibuf [dreg:s22], $0x2FFFF;
	_ =	strace $0x9FFFFFFF  }
0xd8: {  	(tm) =	ssettm $0x7FFFFFFF  }
0xd9: {  	_ =	shalt  }
tec
execute0_lowered:
.L_overlay_start_1:
0x0: {  	(tag) =	ssettag $0x1  }
0x1: {  	s4 =	rddreg [dreg:$0x0]  }
0x2: {  	s14 =	rddreg [dreg:$0x1]  }
0x3: {  	s2 =	rddreg [dreg:$0x2]  }
0x4: {  	s0 =	rddreg [dreg:$0x3]  }
0x5: {  	s3 =	simm.s32 $0x0;
	s5 =	srdreg.scid;
	s1 =	stileid.u32  }
0x6: {  	[smem:$0x7FF] =	sst s3;
	s6 =	smul.u32 $0x50000, s1  }
0x7: {  	s13 =	sand.u32 $0x1, s5;
	s22 =	sshll.u32 s1, $0x1;
	s10 =	smul.u32 $0x14000, s1  }
0x8: {  	s15 =	sadd.s32 $0x68800, s4;
	s28 =	smul.u32 $0x27100, s1;
	_ =	strace $0x8000004D  }
0x9: {  	s8 =	sor.u32 s13, s22;
	s23 =	ssub.s32 $0x2, s13;
	s18 =	smul.u32 $0x140000, s13  }
0xa: {  	s21 =	smul.u32 $0x13880, s13;
	s22 =	simm.s32 $0x28;
	s5 =	sshll.u32 s8, $0xB  }
0xb: {  	s7 =	sshrl.u32 s23, $0x1;
	s6 =	sshrl.u32 s6, $0x2;
	s11 =	sadd.s32 $0x5000, s10  }
0xc: {  	s17 =	sadd.s32 $0xA000, s10;
	s19 =	sadd.s32 $0xF000, s10;
	s12 =	smul.u32 $0x13880, s8  }
0xd: {  	s9 =	sadd.s32 s5, s4;
	s4 =	sadd.s32 $0x55A800, s4;
	s16 =	ssub.s32 s23, s7  }
0xe: {  	s5 =	sadd.s32 s6, s2;
	s6 =	sadd.s32 s11, s2;
	s7 =	sadd.s32 s17, s2  }
0xf: {  	s8 =	sadd.s32 s19, s2;
	s20 =	sadd.s32 s10, s18;
	s25 =	sadd.s32 s18, s11  }
0x10: {  	s17 =	sadd.s32 s18, s17;
	s30 =	sadd.s32 s18, s19;
	s18 =	simm.s32 $0x3  }
0x11: {  	s19 =	simm.s32 $0x4000;
	s23 =	simm.s32 $0x2;
	s9 =	sadd.s32 $0x54A800, s9  }
0x12: {  	s10 =	sadd.s32 s15, s12;
	s24 =	sshrl.u32 s20, $0x3;
	s26 =	sshrl.u32 s25, $0x3  }
0x13: {  	s29 =	sshrl.u32 s17, $0x3;
	s15 =	sadd.s32 s28, s15;
	s17 =	sshrl.u32 s30, $0x3  }
0x14: {  	s20 =	simm.s32 $0x5400;
	s25 =	simm.s32 $0x0;
	s11 =	sadd.s32 s14, s24  }
0x15: {  	s12 =	sadd.s32 s14, s26;
	s13 =	sadd.s32 s14, s29;
	s31 =	sadd.s32 s21, s15  }
0x16: {  	s14 =	sadd.s32 s14, s17;
	s15 =	smax.u32 s16, $0x1;
	s17 =	simm.s32 $0x6800  }
0x17: {  	s21 =	simm.s32 $0x1;
	s24 =	simm.s32 $0x3E00;
	s16 =	sadd.s32 $0x500, s31  }
.LBB2_1:
0x18: {  	[tilespmem:s17], [sflag:$0x3] =	stream.linear.gather [hbm4b:s4+s3], $0x5000, $0x38;
	[tilespmem:$0x1F800] =	vst v63  }
0x19: {  	_ =	swait.ge [sflag:s18], $0x5000  }
0x1a: {  	[sflag:s18] =	ssyncset.done $0x0  }
0x1b: {  	[sflag:s18] =	ssyncadd.s32 $0xFFFFB000  }
0x1c: {  	[spmem:s5] =	stream.linear.scatter [tilespmem:s17], [sflag:$0x3], $0x5000, $0x38;
	[tilespmem:$0x1F800] =	vst v63  }
0x1d: {  	_ =	swait.ge [sflag:s18], $0x5000  }
0x1e: {  	[sflag:s18] =	ssyncset.done $0x0  }
0x1f: {  	[sflag:s18] =	ssyncadd.s32 $0xFFFFB000  }
0x20: {  	[spmem:s6] =	stream.linear.scatter [tilespmem:s17], [sflag:$0x3], $0x5000, $0x38;
	[tilespmem:$0x1F800] =	vst v63  }
0x21: {  	_ =	swait.ge [sflag:s18], $0x5000  }
0x22: {  	[sflag:s18] =	ssyncset.done $0x0  }
0x23: {  	[sflag:s18] =	ssyncadd.s32 $0xFFFFB000  }
0x24: {  	[spmem:s7] =	stream.linear.scatter [tilespmem:s17], [sflag:$0x3], $0x5000, $0x38;
	[tilespmem:$0x1F800] =	vst v63  }
0x25: {  	_ =	swait.ge [sflag:s18], $0x5000  }
0x26: {  	[sflag:s18] =	ssyncset.done $0x0  }
0x27: {  	[sflag:s18] =	ssyncadd.s32 $0xFFFFB000  }
0x28: {  	[spmem:s8] =	stream.linear.scatter [tilespmem:s17], [sflag:$0x3], $0x5000, $0x38;
	[tilespmem:$0x1F800] =	vst v63  }
0x29: {  	_ =	swait.ge [sflag:s18], $0x5000  }
0x2a: {  	[sflag:s18] =	ssyncset.done $0x0  }
0x2b: {  	[sflag:s18] =	ssyncadd.s32 $0xFFFFB000  }
0x2c: {  	[tilespmem:s3], [sflag:$0x3] =	stream.linear.gather [hbm4b:s9+s3], $0x3E80, $0x38;
	[tilespmem:$0x1F800] =	vst v63  }
0x2d: {  	_ =	swait.ge [sflag:s18], $0x3E80  }
0x2e: {  	[sflag:s18] =	ssyncset.done $0x0  }
0x2f: {  	[sflag:s18] =	ssyncadd.s32 $0xFFFFC180  }
0x30: {  	[bflag:$0x0] =	sbarrier.arrive $0xFFFF  }
0x31: {  	[tilespmem:s19], [sflag:$0x1] =	stream.linear.gather [hbm4b:s10+s3], $0x1400, $0x38;
	[tilespmem:$0x1F800] =	vst v63  }
0x32: {  	s26 =	sadd.s32 $0xFFFFFD80, s16  }
0x33: {  	[tilespmem:s20], [sflag:$0x2] =	stream.linear.gather [hbm4b:s26+s3], $0x1400, $0x38;
	[tilespmem:$0x1F800] =	vst v63  }
0x34: {  	_ =	swait.ge [sflag:s21], $0x1400  }
0x35: {  	[sflag:s21] =	ssyncset.done $0x0  }
0x36: {  	s30 =	simm.s32 $0x0;
	[sflag:s21] =	ssyncadd.s32 $0xFFFFEC00  }
0x37: {  	[spmem:s2] =	stream.indirect.scatter.add.f32 [tilespmem:s19], [sflag:$0x3], $0x80, s30, s22, $0xb8;
	[tilespmem:$0x1F800] =	vst v63  }
0x38: {  	_ =	swait.ge [sflag:s18], $0x1400  }
0x39: {  	[sflag:s18] =	ssyncset.done $0x0  }
0x3a: {  	[sflag:s18] =	ssyncadd.s32 $0xFFFFEC00  }
0x3b: {  	[tilespmem:s19], [sflag:$0x1] =	stream.linear.gather [hbm4b:s16+s3], $0x1400, $0x38;
	[tilespmem:$0x1F800] =	vst v63  }
0x3c: {  	_ =	swait.ge [sflag:s23], $0x1400  }
0x3d: {  	[sflag:s23] =	ssyncset.done $0x0  }
0x3e: {  	s31 =	simm.s32 $0x80;
	[sflag:s23] =	ssyncadd.s32 $0xFFFFEC00  }
0x3f: {  	[spmem:s2] =	stream.indirect.scatter.add.f32 [tilespmem:s20], [sflag:$0x3], $0x80, s31, s22, $0xb8;
	[tilespmem:$0x1F800] =	vst v63  }
0x40: {  	s28 =	simm.s32 $0x400;
	_ =	swait.ge [sflag:s18], $0x1400  }
0x41: {  	s29 =	simm.s32 $0x800;
	s26 =	sadd.s32 $0x500, s16;
	[sflag:s18] =	ssyncset.done $0x0  }
.LBB2_2:
0x42: {  	p0 =	sne.s32 s29, $0xF400;
	s30 =	sadd.s32 $0xFFFFFD80, s26;
	[sflag:s18] =	ssyncadd.s32 $0xFFFFEC00  }
0x43: {  	[tilespmem:s20], [sflag:$0x2] =	stream.linear.gather [hbm4b:s30+s3], $0x1400, $0x38;
	[tilespmem:$0x1F800] =	vst v63  }
0x44: {  	s30 =	smov.u32 s29;
	s29 =	sadd.s32 $0x400, s29;
	_ =	swait.ge [sflag:s21], $0x1400  }
0x45: {  	[sflag:s21] =	ssyncset.done $0x0  }
0x46: {  	s31 =	sshra.s32 s28, $0x2;
	s28 =	smov.u32 s30;
	[sflag:s21] =	ssyncadd.s32 $0xFFFFEC00  }
0x47: {  	[spmem:s2] =	stream.indirect.scatter.add.f32 [tilespmem:s19], [sflag:$0x3], $0x80, s31, s22, $0xb8;
	[tilespmem:$0x1F800] =	vst v63  }
0x48: {  	_ =	swait.ge [sflag:s18], $0x1400  }
0x49: {  	[sflag:s18] =	ssyncset.done $0x0  }
0x4a: {  	[sflag:s18] =	ssyncadd.s32 $0xFFFFEC00  }
0x4b: {  	[tilespmem:s19], [sflag:$0x1] =	stream.linear.gather [hbm4b:s26+s3], $0x1400, $0x38;
	[tilespmem:$0x1F800] =	vst v63  }
0x4c: {  	_ =	swait.ge [sflag:s23], $0x1400  }
.Ltmp0:
0x4d: {  	[sflag:s23] =	ssyncset.done $0x0;
	(pc) =	sbr.rel @p0 .LBB2_2-.Ltmp0, $4  }
0x4e: {  	s30 =	sadd.s32 $0x80, s31;
	[sflag:s23] =	ssyncadd.s32 $0xFFFFEC00  }
0x4f: {  	[spmem:s2] =	stream.indirect.scatter.add.f32 [tilespmem:s20], [sflag:$0x3], $0x80, s30, s22, $0xb8;
	[tilespmem:$0x1F800] =	vst v63  }
0x50: {  	_ =	swait.ge [sflag:s18], $0x1400  }
0x51: {  	s26 =	sadd.s32 $0x500, s26;
	[sflag:s18] =	ssyncset.done $0x0  }
0x52: {  	s29 =	sadd.s32 $0xFFFFFD80, s26;
	[sflag:s18] =	ssyncadd.s32 $0xFFFFEC00  }
0x53: {  	[tilespmem:s20], [sflag:$0x2] =	stream.linear.gather [hbm4b:s29+s3], $0x1400, $0x38;
	[tilespmem:$0x1F800] =	vst v63  }
0x54: {  	_ =	swait.ge [sflag:s21], $0x1400  }
0x55: {  	[sflag:s21] =	ssyncset.done $0x0  }
0x56: {  	s28 =	sshra.s32 s28, $0x2;
	[sflag:s21] =	ssyncadd.s32 $0xFFFFEC00  }
0x57: {  	[spmem:s2] =	stream.indirect.scatter.add.f32 [tilespmem:s19], [sflag:$0x3], $0x80, s28, s22, $0xb8;
	[tilespmem:$0x1F800] =	vst v63  }
0x58: {  	_ =	swait.ge [sflag:s18], $0x1400  }
0x59: {  	[sflag:s18] =	ssyncset.done $0x0  }
0x5a: {  	[sflag:s18] =	ssyncadd.s32 $0xFFFFEC00  }
0x5b: {  	[tilespmem:s19], [sflag:$0x1] =	stream.linear.gather [hbm4b:s26+s3], $0x1400, $0x38;
	[tilespmem:$0x1F800] =	vst v63  }
0x5c: {  	_ =	swait.ge [sflag:s23], $0x1400  }
0x5d: {  	[sflag:s23] =	ssyncset.done $0x0  }
0x5e: {  	s31 =	sadd.s32 $0x80, s28;
	[sflag:s23] =	ssyncadd.s32 $0xFFFFEC00  }
0x5f: {  	[spmem:s2] =	stream.indirect.scatter.add.f32 [tilespmem:s20], [sflag:$0x3], $0x80, s31, s22, $0xb8;
	[tilespmem:$0x1F800] =	vst v63  }
0x60: {  	_ =	swait.ge [sflag:s18], $0x1400  }
0x61: {  	[sflag:s18] =	ssyncset.done $0x0  }
0x62: {  	[sflag:s18] =	ssyncadd.s32 $0xFFFFEC00  }
0x63: {  	_ =	swait.ge [sflag:s21], $0x1400  }
0x64: {  	[sflag:s21] =	ssyncset.done $0x0  }
0x65: {  	[sflag:s21] =	ssyncadd.s32 $0xFFFFEC00  }
0x66: {  	[spmem:s2] =	stream.indirect.scatter.add.f32 [tilespmem:s19], [sflag:$0x3], $0x80, s24, s22, $0xb8;
	[tilespmem:$0x1F800] =	vst v63  }
0x67: {  	_ =	swait.ge [sflag:s18], $0x1400  }
0x68: {  	[sflag:s18] =	ssyncset.done $0x0  }
0x69: {  	[sflag:s18] =	ssyncadd.s32 $0xFFFFEC00  }
0x6a: {  	[bflag:$0x0] =	sbarrier.arrive $0xFFFF  }
0x6b: {  	[tilespmem:s17], [sflag:$0x3] =	stream.linear.gather [spmem:s5], $0x5000, $0x38;
	[tilespmem:$0x1F800] =	vst v63  }
0x6c: {  	_ =	swait.ge [sflag:s18], $0x5000  }
0x6d: {  	[sflag:s18] =	ssyncset.done $0x0  }
0x6e: {  	[sflag:s18] =	ssyncadd.s32 $0xFFFFB000  }
0x6f: {  	[hbm4b:s11+s3] =	stream.linear.scatter [tilespmem:s17], [sflag:$0x3], $0x5000, $0x38;
	[tilespmem:$0x1F800] =	vst v63  }
0x70: {  	_ =	swait.ge [sflag:s18], $0x5000  }
0x71: {  	[sflag:s18] =	ssyncset.done $0x0  }
0x72: {  	[sflag:s18] =	ssyncadd.s32 $0xFFFFB000  }
0x73: {  	[tilespmem:s17], [sflag:$0x3] =	stream.linear.gather [spmem:s6], $0x5000, $0x38;
	[tilespmem:$0x1F800] =	vst v63  }
0x74: {  	_ =	swait.ge [sflag:s18], $0x5000  }
0x75: {  	[sflag:s18] =	ssyncset.done $0x0  }
0x76: {  	[sflag:s18] =	ssyncadd.s32 $0xFFFFB000  }
0x77: {  	[hbm4b:s12+s3] =	stream.linear.scatter [tilespmem:s17], [sflag:$0x3], $0x5000, $0x38;
	[tilespmem:$0x1F800] =	vst v63  }
0x78: {  	_ =	swait.ge [sflag:s18], $0x5000  }
0x79: {  	[sflag:s18] =	ssyncset.done $0x0  }
0x7a: {  	[sflag:s18] =	ssyncadd.s32 $0xFFFFB000  }
0x7b: {  	[tilespmem:s17], [sflag:$0x3] =	stream.linear.gather [spmem:s7], $0x5000, $0x38;
	[tilespmem:$0x1F800] =	vst v63  }
0x7c: {  	_ =	swait.ge [sflag:s18], $0x5000  }
0x7d: {  	[sflag:s18] =	ssyncset.done $0x0  }
0x7e: {  	[sflag:s18] =	ssyncadd.s32 $0xFFFFB000  }
0x7f: {  	[hbm4b:s13+s3] =	stream.linear.scatter [tilespmem:s17], [sflag:$0x3], $0x5000, $0x38;
	[tilespmem:$0x1F800] =	vst v63  }
0x80: {  	_ =	swait.ge [sflag:s18], $0x5000  }
0x81: {  	[sflag:s18] =	ssyncset.done $0x0  }
0x82: {  	[sflag:s18] =	ssyncadd.s32 $0xFFFFB000  }
0x83: {  	[tilespmem:s17], [sflag:$0x3] =	stream.linear.gather [spmem:s8], $0x5000, $0x38;
	[tilespmem:$0x1F800] =	vst v63  }
0x84: {  	s25 =	sadd.s32 $0x1, s25;
	_ =	swait.ge [sflag:s18], $0x5000  }
0x85: {  	p0 =	sne.s32 s25, s15;
	[sflag:s18] =	ssyncset.done $0x0  }
.Ltmp1:
0x86: {  	[sflag:s18] =	ssyncadd.s32 $0xFFFFB000;
	(pc) =	sbr.rel @p0 .LBB2_1-.Ltmp1, $4  }
0x87: {  	[hbm4b:s14+s3] =	stream.linear.scatter [tilespmem:s17], [sflag:$0x3], $0x5000, $0x38;
	[tilespmem:$0x1F800] =	vst v63  }
0x88: {  	_ =	swait.ge [sflag:s18], $0x5000  }
0x89: {  	[sflag:s18] =	ssyncset.done $0x0  }
0x8a: {  	[sflag:s18] =	ssyncadd.s32 $0xFFFFB000  }
0x8b: {  	_ =	sfence.sel $0x180000  }
0x8c: {  	[bflag:$0x0] =	sbarrier.arrive $0xFFFF  }
0x8d: {  	p0 =	sne.s32 s1, $0x0;
	_ =	strace $0x9000004D  }
0x8e: {  	s0 =	sadd.s32 @!p0 $0x100000, s0;
	[bflag:$0x2] =	sbarrier.arrive $0xFFFF  }
0x8f: {  	[sflag:s0] =	ssyncadd.tile.s32 @!p0 $0x1;
	_ =	shalt  }
.Lfunc_end2:
_tile_overlayer_lowered:
.L_overlay_start_2:
0x90: {  	(tag) =	ssettag $0x2  }
0x91: {  	s0 =	rddreg [dreg:$0x0];
	s2 =	stileid.u32  }
0x92: {  	s1 =	rddreg [dreg:$0x1];
	p0 =	sne.s32 s2, $0x0  }
0x93: {  	s3 =	rddreg [dreg:$0x2];
	[bflag:$0x3] =	sbarrier.arrive $0xFFFF;
	s2 =	simm.s32 @!p0 $0x1C03  }
0x94: {  	[timem:s3], [sflag:s2] =	dma.local @!p0 [hbm:s0], s1  }
0x95: {  	s0 =	simm.s32 @!p0 $0x3  }
0x96: {  	_ =	swait.ge @!p0 [sflag:s0], s1  }
0x97: {  	s1 =	ssub.s32 @!p0 $0x0, s1;
	[sflag:s0] =	ssyncset.done @!p0 $0x0  }
0x98: {  	[sflag:s0] =	ssyncadd.s32 @!p0 s1  }
0x99: {  	[bflag:$0x3] =	sbarrier.arrive $0xFFFF  }
0x9a: {  	_ =	shalt  }

// kernel: kernel.22.cloned.1.call-start
scs
__scs_entry_jumppad:
0x0: {  	(pc) =	sbr.rel $0x88, $3  }
0x1: {  	(tag) =	ssettag $0x0;
	lr =	simm.s32 $0x1  }
0x2: {  	[smem:$0x3F6A] =	sst lr;
	_ =	strace $0xD0000000  }
0x3: {  	_ = 	snop  }
0x4: {  	_ = 	snop  }
0x5: {  	_ = 	snop  }
0x6: {  	_ = 	snop  }
0x7: {  	_ = 	snop  }
__scs_overlays_trampoline_lowered:
0x8: {  	[smem:$0x3F79] =	sst s0  }
0x9: {  	[smem:$0x3F7A] =	sst s1  }
0xa: {  	[smem:$0x3F7B] =	sst s2  }
0xb: {  	[smem:$0x3F7C] =	sst s3  }
0xc: {  	[smem:$0x3F7D] =	sst s4  }
0xd: {  	[smem:$0x3F7E] =	sst s5  }
0xe: {  	[smem:$0x3F7F] =	sst s6  }
0xf: {  	[smem:$0x3F80] =	sst s7  }
0x10: {  	[smem:$0x3F81] =	sst s8  }
0x11: {  	[smem:$0x3F82] =	sst s9;
	s0 =	simm.s32 @!p0 $0x0  }
0x12: {  	s1 =	sld [smem:$0x3F68];
	s0 =	simm.s32 @p0 $0x1  }
0x13: {  	[smem:$0x3F83] =	sst s0;
	s0 =	simm.s32 @!p1 $0x0  }
0x14: {  	s2 =	sld [smem:$0x3F67];
	s0 =	simm.s32 @p1 $0x1  }
0x15: {  	[smem:$0x3F84] =	sst s0;
	s0 =	simm.s32 @!p2 $0x0  }
0x16: {  	s3 =	sld [smem:$0x3FDB];
	s0 =	simm.s32 @p2 $0x1  }
0x17: {  	s4 =	simm.s32 $0x1BF5;
	[smem:$0x3F86] =	sst s0  }
0x18: {  	s0 =	sld [smem:$0x3F69];
	_ =	swait.ge [sflag:s4], $0x0  }
0x19: {  	s7 =	sld [smem:$0x3F6A]  }
0x1a: {  	s8 =	sadd.s32 $0xFFFFE003, lr  }
0x1b: {  	s9 =	sadd.s32 $0xFFFFFEF7, lr;
	s5 =	simm.s32 $0xFFFFFFFF;
	p2 =	slt.u32 s8, $0xFFFFF086  }
0x1c: {  	p1 =	slt.u32 s9, $0xF7A;
	s5 =	simm.s32 @!p2 $0x0  }
0x1d: {  	s5 =	simm.s32 @p1 $0x1;
	p0 =	seq.s32 s7, s2  }
0x1e: {  	s7 =	smul.u32 @!p0 $0xF7A, s2;
	p2 =	seq.s32 @!p0 s5, $0x0  }
0x1f: {  	s9 =	smul.u32 $0xF7A, s1;
	s8 =	simm.s32 @!p0 $0x1BF5;
	p2 =	por !p2, p0  }
0x20: {  	[sflag:s8] =	ssyncset.s32 @!p0 $0xFFFFF086;
	s6 =	sadd.s32 @!p0 s3, s7;
	s7 =	simm.s32 @!p0 $0x108  }
0x21: {  	s3 =	sadd.s32 s3, s9;
	s6 =	sadd.s32 @!p0 $0x88, s6;
	s7 =	simm.s32 @p2 $0x1082  }
0x22: {  	[simem:s7], [sflag:s8] =	dma.local @!p0 [hbm:s6], $0xF7A  }
0x23: {  	s9 =	sor.u32 $0xD0000000, s2;
	s6 =	simm.s32 $0x108;
	_ =	swait.ge @!p0 [sflag:s8], $0x0  }
0x24: {  	s3 =	sadd.s32 $0x88, s3;
	s6 =	simm.s32 @!p1 $0x1082;
	[sflag:s4] =	ssyncset.s32 $0xFFFFF086  }
0x25: {  	[simem:s6], [sflag:s4] =	dma.local [hbm:s3], $0xF7A  }
0x26: {  	[smem:$0x3F6A] =	sst s1;
	(tag) =	ssettag s2;
	_ =	strace s9  }
0x27: {  	s1 =	sld [smem:$0x3F7A]  }
0x28: {  	s2 =	sld [smem:$0x3F7B]  }
0x29: {  	s4 =	sld [smem:$0x3F7D]  }
0x2a: {  	p0 =	seq.s32 s5, $0x0;
	s5 =	sld [smem:$0x3F7E]  }
0x2b: {  	s6 =	sld [smem:$0x3F7F]  }
0x2c: {  	s7 =	sld [smem:$0x3F80]  }
0x2d: {  	s3 =	simm.s32 $0x108;
	s8 =	sld [smem:$0x3F81]  }
0x2e: {  	s3 =	simm.s32 @!p0 $0x1082;
	s9 =	sld [smem:$0x3F82]  }
0x2f: {  	lr =	sadd.s32 s0, s3;
	s0 =	sld [smem:$0x3F79]  }
0x30: {  	s3 =	sld [smem:$0x3F7C]  }
0x31: {  	[smem:$0x3F85] =	sst s10  }
0x32: {  	s10 =	sld [smem:$0x3F83];
	_ =	sdelay $0x3  }
0x33: {  	p0 =	seq.s32 s10, $0x1;
	s10 =	sld [smem:$0x3F85];
	_ =	sdelay $0x3  }
0x34: {  	[smem:$0x3F85] =	sst s10  }
0x35: {  	s10 =	sld [smem:$0x3F84];
	_ =	sdelay $0x3  }
0x36: {  	p1 =	seq.s32 s10, $0x1;
	s10 =	sld [smem:$0x3F85];
	_ =	sdelay $0x3  }
0x37: {  	[smem:$0x3F85] =	sst s10  }
0x38: {  	s10 =	sld [smem:$0x3F86]  }
0x39: {  	_ = 	snop;
	(pc) =	sbr.ind lr, $3  }
0x3a: {  	_ = 	snop  }
0x3b: {  	_ = 	snop  }
0x3c: {  	p2 =	seq.s32 s10, $0x1;
	s10 =	sld [smem:$0x3F85]  }
0x3d: {  	_ =	shalt  }
0x3e: {  	_ =	shalt  }
0x3f: {  	_ =	shalt  }
0x40: {  	_ =	shalt  }
0x41: {  	_ =	shalt  }
0x42: {  	_ =	shalt  }
0x43: {  	_ =	shalt  }
0x44: {  	_ =	shalt  }
0x45: {  	_ =	shalt  }
0x46: {  	_ =	shalt  }
0x47: {  	_ =	shalt  }
0x48: {  	_ =	shalt  }
0x49: {  	_ =	shalt  }
0x4a: {  	_ =	shalt  }
0x4b: {  	_ =	shalt  }
0x4c: {  	_ =	shalt  }
0x4d: {  	_ =	shalt  }
0x4e: {  	_ =	shalt  }
0x4f: {  	_ =	shalt  }
0x50: {  	_ =	shalt  }
0x51: {  	_ =	shalt  }
0x52: {  	_ =	shalt  }
0x53: {  	_ =	shalt  }
0x54: {  	_ =	shalt  }
0x55: {  	_ =	shalt  }
0x56: {  	_ =	shalt  }
0x57: {  	_ =	shalt  }
0x58: {  	_ =	shalt  }
0x59: {  	_ =	shalt  }
0x5a: {  	_ =	shalt  }
0x5b: {  	_ =	shalt  }
0x5c: {  	_ =	shalt  }
0x5d: {  	_ =	shalt  }
0x5e: {  	_ =	shalt  }
0x5f: {  	_ =	shalt  }
0x60: {  	_ =	shalt  }
0x61: {  	_ =	shalt  }
0x62: {  	_ =	shalt  }
0x63: {  	_ =	shalt  }
0x64: {  	_ =	shalt  }
0x65: {  	_ =	shalt  }
0x66: {  	_ =	shalt  }
0x67: {  	_ =	shalt  }
0x68: {  	_ =	shalt  }
0x69: {  	_ =	shalt  }
0x6a: {  	_ =	shalt  }
0x6b: {  	_ =	shalt  }
0x6c: {  	_ =	shalt  }
0x6d: {  	_ =	shalt  }
0x6e: {  	_ =	shalt  }
0x6f: {  	_ =	shalt  }
0x70: {  	_ =	shalt  }
0x71: {  	_ =	shalt  }
0x72: {  	_ =	shalt  }
0x73: {  	_ =	shalt  }
0x74: {  	_ =	shalt  }
0x75: {  	_ =	shalt  }
0x76: {  	_ =	shalt  }
0x77: {  	_ =	shalt  }
0x78: {  	_ =	shalt  }
0x79: {  	_ =	shalt  }
0x7a: {  	_ =	shalt  }
0x7b: {  	_ =	shalt  }
0x7c: {  	_ =	shalt  }
0x7d: {  	_ =	shalt  }
0x7e: {  	_ =	shalt  }
0x7f: {  	_ =	shalt  }
0x80: {  	_ =	shalt  }
0x81: {  	_ =	shalt  }
0x82: {  	_ =	shalt  }
0x83: {  	_ =	shalt  }
0x84: {  	_ =	shalt  }
0x85: {  	_ =	shalt  }
0x86: {  	_ =	shalt  }
0x87: {  	_ =	shalt  }
.Lfunc_end0:
.L_simem_size_0:
called_computation.3_lowered:
.L_overlay_start_0:
0x88: {  	s2 =	sld [smem:$0x3FD9]  }
0x89: {  	s3 =	sld [smem:$0x3FFE];
	_ =	sdelay $0x1  }
0x8a: {  	s1 =	srdreg.scid  }
0x8b: {  	s0 =	sand.u32 $0x1, s1  }
0x8c: {  	s14 =	sshll.u32 s0, $0xA;
	s2 =	sadd.s32 s3, s2  }
0x8d: {  	s2 =	sadd.s32 s2, s14  }
0x8e: {  	[smem:$0x3F91] =	sst s2  }
0x8f: {  	_ = 	snop  }
0x90: {  	s2 =	sld [smem:$0x3FD0];
	_ =	sdelay $0x2  }
0x91: {  	s15 =	simm.s32 $0xB;
	s4 =	simm.s32 $0x10  }
0x92: {  	[smem:s4], [sflag:s15] =	dma.local [hbm:s2], $0x1  }
0x93: {  	_ =	swait.eq [sflag:s15], $0x1  }
0x94: {  	[sflag:s15] =	ssyncset.done $0x0  }
0x95: {  	[sflag:s15] =	ssyncadd.s32 $0xFFFFFFFF  }
0x96: {  	s16 =	sld [smem:$0x10];
	(tm) =	ssettm $0x1  }
0x97: {  	s17 =	sld [smem:$0x3FFB];
	_ =	sdelay $0x3  }
0x98: {  	_ =	strace s17  }
0x99: {  	s3 =	sld [smem:$0x3FFC];
	_ =	sdelay $0x3  }
0x9a: {  	_ =	strace s3  }
0x9b: {  	s3 =	sld [smem:$0x3FFD];
	_ =	sdelay $0x3  }
0x9c: {  	_ =	strace s3  }
0x9d: {  	_ =	strace $0x8FFFFFFF  }
0x9e: {  	s18 =	sld [smem:$0x3FDB];
	_ =	sdelay $0x1  }
0x9f: {  	s19 =	simm.s32 $_scs_section_size  }
0xa0: {  	s5 =	simm.s32 $_size__tile_overlayer_lowered;
	s6 =	simm.s32 $_tile_overlayer_lowered  }
0xa1: {  	s22 =	simm.s32 $0x1BFF;
	s21 =	sshll.u32 s6, $0x1;
	s3 =	sadd.s32 s19, s18  }
0xa2: {  	s7 =	simm.s32 $0x0;
	s20 =	sshll.u32 s5, $0x1;
	s5 =	sadd.s32 s21, s3  }
0xa3: {  	[timem:s7], [sflag:s22] =	dma.local [hbm:s5], s20  }
0xa4: {  	_ =	swait.ge [sflag:s22], s20  }
0xa5: {  	s4 =	ssub.s32 $0x0, s20;
	[sflag:s22] =	ssyncset.done $0x0  }
0xa6: {  	[sflag:s22] =	ssyncadd.s32 s4;
	_ =	sdelay $0x1  }
0xa7: {  	s23 =	simm.s32 $0x1B8B  }
0xa8: {  	_ =	swait.ge [sflag:s23], $0x1  }
0xa9: {  	[sflag:s23] =	ssyncset.done $0x0  }
0xaa: {  	s25 =	simm.s32 $0x1B8E;
	s24 =	sld [smem:$0x3FFE];
	[sflag:s23] =	ssyncadd.s32 $0xFFFFFFFF  }
0xab: {  	s26 =	simm.s32 $execute0_lowered;
	[smem:$0x3FD2] =	sst s25  }
0xac: {  	s5 =	sshll.u32 s26, $0x1;
	_ =	strace $0x8000004F;
	[dreg:$0x1] =	wrdreg $0xFFFFFFFF  }
0xad: {  	s28 =	simm.s32 $_size_execute0_lowered;
	s3 =	sadd.s32 s3, s5;
	[dreg:$0x0] =	wrdreg $0x0  }
0xae: {  	s5 =	sshll.u32 s28, $0x1;
	[dreg:$0x2] =	wrdreg s3  }
0xaf: {  	[dreg:$0x3] =	wrdreg s5  }
0xb0: {  	[dreg:$0x4] =	wrdreg $0xC0  }
0xb1: {  	_ =	task [dreg:s7], $0x5FFFF  }
0xb2: {  	[dreg:$0x1] =	wrdreg $0xFFFFFFFF  }
0xb3: {  	[dreg:$0x0] =	wrdreg $0x60  }
0xb4: {  	[dreg:$0x2] =	wrdreg s16  }
0xb5: {  	[dreg:$0x3] =	wrdreg s24  }
0xb6: {  	[dreg:$0x4] =	wrdreg $0x9  }
0xb7: {  	_ =	task.clear_ibuf [dreg:s7], $0x5FFFF;
	_ =	strace $0x9000004F  }
0xb8: {  	s29 =	simm.s32 $0x9;
	_ =	strace $0x80000051  }
0xb9: {  	_ =	swait.ge [sflag:s29], $0x1  }
0xba: {  	[sflag:s29] =	ssyncadd.s32 $0xFFFFFFFF  }
0xbb: {  	_ =	strace $0x90000051  }
0xbc: {  	_ =	sfence  }
0xbd: {  	s30 =	sld [smem:$0x0];
	_ =	sdelay $0x2  }
0xbe: {  	s31 =	sshll.u32 s1, $0xD;
	s1 =	sshrl.u32 s1, $0x2  }
0xbf: {  	s3 =	sand.u32 $0x4000, s31;
	s1 =	sadd.s32 s1, s30  }
0xc0: {  	s0 =	sor.u32 s3, s0;
	s1 =	sshll.u32 s1, $0x11  }
0xc1: {  	s0 =	sor.u32 s1, s0  }
0xc2: {  	s0 =	sadd.s32 $0x8F2B, s0  }
0xc3: {  	[sflag:s0] =	ssyncadd.remote.s32 $0x1  }
0xc4: {  	_ =	sfence.sel $0xFFFF  }
0xc5: {  	[dreg:$0x0] =	wrdreg $0xFFFFFFFF;
	(pc) =	sbr.abs _section_cstart, $3  }
0xc6: {  	[dreg:$0x1] =	wrdreg $0xFFFFFFFF  }
0xc7: {  	_ =	task.clear_ibuf [dreg:s7], $0x2FFFF;
	_ =	strace $0x9FFFFFFF  }
0xc8: {  	(tm) =	ssettm $0x7FFFFFFF  }
0xc9: {  	_ =	shalt  }
tec
execute0_lowered:
.L_overlay_start_1:
0x0: {  	(tag) =	ssettag $0x1  }
0x1: {  	s1 =	rddreg [dreg:$0x0]  }
0x2: {  	s4 =	rddreg [dreg:$0x1]  }
0x3: {  	s0 =	rddreg [dreg:$0x2];
	s3 =	simm.s32 $0x0  }
0x4: {  	s5 =	srdreg.scid;
	s2 =	stileid.u32;
	s12 =	simm.s32 $0x1  }
0x5: {  	s13 =	simm.s32 $0x2;
	s14 =	simm.s32 $0x0;
	[smem:$0x7FF] =	sst s3  }
0x6: {  	s5 =	sand.u32 $0x1, s5;
	s6 =	sshll.u32 s2, $0x1;
	s8 =	sadd.s32 $0x5F9800, s4  }
0x7: {  	s10 =	smul.u32 $0x4E200, s2;
	_ =	strace $0x80000050;
	s6 =	sor.u32 s5, s6  }
0x8: {  	s30 =	ssub.s32 $0x2, s5;
	s11 =	smul.u32 $0x27100, s5;
	s7 =	sshll.u32 s6, $0xB  }
0x9: {  	s6 =	smul.u32 $0x138800, s6;
	s9 =	sshrl.u32 s30, $0x1;
	s31 =	sadd.s32 s10, s8  }
0xa: {  	s10 =	simm.s32 $0x4000;
	s7 =	sadd.s32 s7, s4;
	s9 =	ssub.s32 s30, s9  }
0xb: {  	s6 =	sshrl.u32 s6, $0x3;
	s4 =	sadd.s32 $0xA600, s7;
	s7 =	sadd.s32 s11, s31  }
0xc: {  	s11 =	simm.s32 $0x6800;
	s6 =	sadd.s32 s8, s6;
	s8 =	simm.s32 $0x3  }
0xd: {  	s5 =	sadd.s32 $0x26C00, s6;
	s6 =	smax.u32 s9, $0x1;
	s9 =	simm.s32 $0x50  }
.LBB2_1:
0xe: {  	[tilespmem:s3], [sflag:$0x3] =	stream.linear.gather [hbm4b:s4+s3], $0x3E80, $0x38;
	[tilespmem:$0x9000] =	vst v63  }
0xf: {  	_ =	swait.ge [sflag:s8], $0x3E80  }
0x10: {  	[sflag:s8] =	ssyncset.done $0x0  }
0x11: {  	[sflag:s8] =	ssyncadd.s32 $0xFFFFC180  }
0x12: {  	[tilespmem:s10], [sflag:$0x1] =	stream.indirect.gather [hbm4b:s1+s9], $0x80, s3, s9, $0xb8;
	[tilespmem:$0x9000] =	vst v63  }
0x13: {  	s15 =	simm.s32 $0x80  }
0x14: {  	[tilespmem:s11], [sflag:$0x2] =	stream.indirect.gather [hbm4b:s1+s9], $0x80, s15, s9, $0xb8;
	[tilespmem:$0x9000] =	vst v63  }
0x15: {  	_ =	swait.ge [sflag:s12], $0x2800  }
0x16: {  	[sflag:s12] =	ssyncset.done $0x0  }
0x17: {  	s31 =	sadd.s32 $0x0, s7;
	[sflag:s12] =	ssyncadd.s32 $0xFFFFD800  }
0x18: {  	[hbm4b:s31+s3] =	stream.linear.scatter [tilespmem:s10], [sflag:$0x3], $0x2800, $0x38;
	[tilespmem:$0x9000] =	vst v63  }
0x19: {  	_ =	swait.ge [sflag:s8], $0x2800  }
0x1a: {  	[sflag:s8] =	ssyncset.done $0x0  }
0x1b: {  	s16 =	simm.s32 $0x100;
	[sflag:s8] =	ssyncadd.s32 $0xFFFFD800  }
0x1c: {  	[tilespmem:s10], [sflag:$0x1] =	stream.indirect.gather [hbm4b:s1+s9], $0x80, s16, s9, $0xb8;
	[tilespmem:$0x9000] =	vst v63  }
0x1d: {  	_ =	swait.ge [sflag:s13], $0x2800  }
0x1e: {  	[sflag:s13] =	ssyncset.done $0x0  }
0x1f: {  	s15 =	sadd.s32 $0x500, s31;
	[sflag:s13] =	ssyncadd.s32 $0xFFFFD800  }
0x20: {  	[hbm4b:s15+s3] =	stream.linear.scatter [tilespmem:s11], [sflag:$0x3], $0x2800, $0x38;
	[tilespmem:$0x9000] =	vst v63  }
0x21: {  	s17 =	simm.s32 $0x1400;
	_ =	swait.ge [sflag:s8], $0x2800  }
0x22: {  	s16 =	simm.s32 $0xA00;
	s15 =	simm.s32 $0x200;
	[sflag:s8] =	ssyncset.done $0x0  }
.LBB2_2:
0x23: {  	p0 =	sne.s32 s17, $0x26200;
	s18 =	sadd.s32 $0xFFFFFF80, s15;
	[sflag:s8] =	ssyncadd.s32 $0xFFFFD800  }
0x24: {  	[tilespmem:s11], [sflag:$0x2] =	stream.indirect.gather [hbm4b:s1+s9], $0x80, s18, s9, $0xb8;
	[tilespmem:$0x9000] =	vst v63  }
0x25: {  	s18 =	smov.u32 s17;
	s17 =	sadd.s32 $0xA00, s17;
	_ =	swait.ge [sflag:s12], $0x2800  }
0x26: {  	[sflag:s12] =	ssyncset.done $0x0  }
0x27: {  	s19 =	sadd.s32 s16, s7;
	s16 =	smov.u32 s18;
	[sflag:s12] =	ssyncadd.s32 $0xFFFFD800  }
0x28: {  	[hbm4b:s19+s3] =	stream.linear.scatter [tilespmem:s10], [sflag:$0x3], $0x2800, $0x38;
	[tilespmem:$0x9000] =	vst v63  }
0x29: {  	_ =	swait.ge [sflag:s8], $0x2800  }
0x2a: {  	[sflag:s8] =	ssyncset.done $0x0  }
0x2b: {  	[sflag:s8] =	ssyncadd.s32 $0xFFFFD800  }
0x2c: {  	[tilespmem:s10], [sflag:$0x1] =	stream.indirect.gather [hbm4b:s1+s9], $0x80, s15, s9, $0xb8;
	[tilespmem:$0x9000] =	vst v63  }
0x2d: {  	_ =	swait.ge [sflag:s13], $0x2800  }
.Ltmp0:
0x2e: {  	[sflag:s13] =	ssyncset.done $0x0;
	(pc) =	sbr.rel @p0 .LBB2_2-.Ltmp0, $4  }
0x2f: {  	s18 =	sadd.s32 $0x500, s19;
	[sflag:s13] =	ssyncadd.s32 $0xFFFFD800  }
0x30: {  	[hbm4b:s18+s3] =	stream.linear.scatter [tilespmem:s11], [sflag:$0x3], $0x2800, $0x38;
	[tilespmem:$0x9000] =	vst v63  }
0x31: {  	_ =	swait.ge [sflag:s8], $0x2800  }
0x32: {  	s15 =	sadd.s32 $0x100, s15;
	[sflag:s8] =	ssyncset.done $0x0  }
0x33: {  	s17 =	sadd.s32 $0xFFFFFF80, s15;
	[sflag:s8] =	ssyncadd.s32 $0xFFFFD800  }
0x34: {  	[tilespmem:s11], [sflag:$0x2] =	stream.indirect.gather [hbm4b:s1+s9], $0x80, s17, s9, $0xb8;
	[tilespmem:$0x9000] =	vst v63  }
0x35: {  	_ =	swait.ge [sflag:s12], $0x2800  }
0x36: {  	[sflag:s12] =	ssyncset.done $0x0  }
0x37: {  	s16 =	sadd.s32 s16, s7;
	[sflag:s12] =	ssyncadd.s32 $0xFFFFD800  }
0x38: {  	[hbm4b:s16+s3] =	stream.linear.scatter [tilespmem:s10], [sflag:$0x3], $0x2800, $0x38;
	[tilespmem:$0x9000] =	vst v63  }
0x39: {  	_ =	swait.ge [sflag:s8], $0x2800  }
0x3a: {  	[sflag:s8] =	ssyncset.done $0x0  }
0x3b: {  	[sflag:s8] =	ssyncadd.s32 $0xFFFFD800  }
0x3c: {  	[tilespmem:s10], [sflag:$0x1] =	stream.indirect.gather [hbm4b:s1+s9], $0x80, s15, s9, $0xb8;
	[tilespmem:$0x9000] =	vst v63  }
0x3d: {  	_ =	swait.ge [sflag:s13], $0x2800  }
0x3e: {  	[sflag:s13] =	ssyncset.done $0x0  }
0x3f: {  	s31 =	sadd.s32 $0x500, s16;
	[sflag:s13] =	ssyncadd.s32 $0xFFFFD800  }
0x40: {  	[hbm4b:s31+s3] =	stream.linear.scatter [tilespmem:s11], [sflag:$0x3], $0x2800, $0x38;
	[tilespmem:$0x9000] =	vst v63  }
0x41: {  	_ =	swait.ge [sflag:s8], $0x2800  }
0x42: {  	[sflag:s8] =	ssyncset.done $0x0  }
0x43: {  	[sflag:s8] =	ssyncadd.s32 $0xFFFFD800  }
0x44: {  	s14 =	sadd.s32 $0x1, s14;
	_ =	swait.ge [sflag:s12], $0x2800  }
0x45: {  	p0 =	sne.s32 s14, s6;
	[sflag:s12] =	ssyncset.done $0x0  }
.Ltmp1:
0x46: {  	[sflag:s12] =	ssyncadd.s32 $0xFFFFD800;
	(pc) =	sbr.rel @p0 .LBB2_1-.Ltmp1, $4  }
0x47: {  	[hbm4b:s5+s3] =	stream.linear.scatter [tilespmem:s10], [sflag:$0x3], $0x2800, $0x38;
	[tilespmem:$0x9000] =	vst v63  }
0x48: {  	_ =	swait.ge [sflag:s8], $0x2800  }
0x49: {  	[sflag:s8] =	ssyncset.done $0x0  }
0x4a: {  	[sflag:s8] =	ssyncadd.s32 $0xFFFFD800  }
0x4b: {  	_ =	sfence.sel $0x180000  }
0x4c: {  	[bflag:$0x0] =	sbarrier.arrive $0xFFFF  }
0x4d: {  	p0 =	sne.s32 s2, $0x0;
	_ =	strace $0x90000050  }
0x4e: {  	s0 =	sadd.s32 @!p0 $0x100000, s0;
	[bflag:$0x2] =	sbarrier.arrive $0xFFFF  }
0x4f: {  	[sflag:s0] =	ssyncadd.tile.s32 @!p0 $0x1;
	_ =	shalt  }
.Lfunc_end2:
_tile_overlayer_lowered:
.L_overlay_start_2:
0x50: {  	(tag) =	ssettag $0x2  }
0x51: {  	s0 =	rddreg [dreg:$0x0];
	s2 =	stileid.u32  }
0x52: {  	s1 =	rddreg [dreg:$0x1];
	p0 =	sne.s32 s2, $0x0  }
0x53: {  	s3 =	rddreg [dreg:$0x2];
	[bflag:$0x3] =	sbarrier.arrive $0xFFFF;
	s2 =	simm.s32 @!p0 $0x1C03  }
0x54: {  	[timem:s3], [sflag:s2] =	dma.local @!p0 [hbm:s0], s1  }
0x55: {  	s0 =	simm.s32 @!p0 $0x3  }
0x56: {  	_ =	swait.ge @!p0 [sflag:s0], s1  }
0x57: {  	s1 =	ssub.s32 @!p0 $0x0, s1;
	[sflag:s0] =	ssyncset.done @!p0 $0x0  }
0x58: {  	[sflag:s0] =	ssyncadd.s32 @!p0 s1  }
0x59: {  	[bflag:$0x3] =	sbarrier.arrive $0xFFFF  }
0x5a: {  	_ =	shalt  }

// kernel: kernel.25.cloned.1.call-start
scs
__scs_entry_jumppad:
0x0: {  	(pc) =	sbr.rel $0x88, $3  }
0x1: {  	(tag) =	ssettag $0x0;
	lr =	simm.s32 $0x1  }
0x2: {  	[smem:$0x3F6A] =	sst lr;
	_ =	strace $0xD0000000  }
0x3: {  	_ = 	snop  }
0x4: {  	_ = 	snop  }
0x5: {  	_ = 	snop  }
0x6: {  	_ = 	snop  }
0x7: {  	_ = 	snop  }
__scs_overlays_trampoline_lowered:
0x8: {  	[smem:$0x3F79] =	sst s0  }
0x9: {  	[smem:$0x3F7A] =	sst s1  }
0xa: {  	[smem:$0x3F7B] =	sst s2  }
0xb: {  	[smem:$0x3F7C] =	sst s3  }
0xc: {  	[smem:$0x3F7D] =	sst s4  }
0xd: {  	[smem:$0x3F7E] =	sst s5  }
0xe: {  	[smem:$0x3F7F] =	sst s6  }
0xf: {  	[smem:$0x3F80] =	sst s7  }
0x10: {  	[smem:$0x3F81] =	sst s8  }
0x11: {  	[smem:$0x3F82] =	sst s9;
	s0 =	simm.s32 @!p0 $0x0  }
0x12: {  	s1 =	sld [smem:$0x3F68];
	s0 =	simm.s32 @p0 $0x1  }
0x13: {  	[smem:$0x3F83] =	sst s0;
	s0 =	simm.s32 @!p1 $0x0  }
0x14: {  	s2 =	sld [smem:$0x3F67];
	s0 =	simm.s32 @p1 $0x1  }
0x15: {  	[smem:$0x3F84] =	sst s0;
	s0 =	simm.s32 @!p2 $0x0  }
0x16: {  	s3 =	sld [smem:$0x3FDB];
	s0 =	simm.s32 @p2 $0x1  }
0x17: {  	s4 =	simm.s32 $0x1BF5;
	[smem:$0x3F86] =	sst s0  }
0x18: {  	s0 =	sld [smem:$0x3F69];
	_ =	swait.ge [sflag:s4], $0x0  }
0x19: {  	s7 =	sld [smem:$0x3F6A]  }
0x1a: {  	s8 =	sadd.s32 $0xFFFFE003, lr  }
0x1b: {  	s9 =	sadd.s32 $0xFFFFFEF7, lr;
	s5 =	simm.s32 $0xFFFFFFFF;
	p2 =	slt.u32 s8, $0xFFFFF086  }
0x1c: {  	p1 =	slt.u32 s9, $0xF7A;
	s5 =	simm.s32 @!p2 $0x0  }
0x1d: {  	s5 =	simm.s32 @p1 $0x1;
	p0 =	seq.s32 s7, s2  }
0x1e: {  	s7 =	smul.u32 @!p0 $0xF7A, s2;
	p2 =	seq.s32 @!p0 s5, $0x0  }
0x1f: {  	s9 =	smul.u32 $0xF7A, s1;
	s8 =	simm.s32 @!p0 $0x1BF5;
	p2 =	por !p2, p0  }
0x20: {  	[sflag:s8] =	ssyncset.s32 @!p0 $0xFFFFF086;
	s6 =	sadd.s32 @!p0 s3, s7;
	s7 =	simm.s32 @!p0 $0x108  }
0x21: {  	s3 =	sadd.s32 s3, s9;
	s6 =	sadd.s32 @!p0 $0x88, s6;
	s7 =	simm.s32 @p2 $0x1082  }
0x22: {  	[simem:s7], [sflag:s8] =	dma.local @!p0 [hbm:s6], $0xF7A  }
0x23: {  	s9 =	sor.u32 $0xD0000000, s2;
	s6 =	simm.s32 $0x108;
	_ =	swait.ge @!p0 [sflag:s8], $0x0  }
0x24: {  	s3 =	sadd.s32 $0x88, s3;
	s6 =	simm.s32 @!p1 $0x1082;
	[sflag:s4] =	ssyncset.s32 $0xFFFFF086  }
0x25: {  	[simem:s6], [sflag:s4] =	dma.local [hbm:s3], $0xF7A  }
0x26: {  	[smem:$0x3F6A] =	sst s1;
	(tag) =	ssettag s2;
	_ =	strace s9  }
0x27: {  	s1 =	sld [smem:$0x3F7A]  }
0x28: {  	s2 =	sld [smem:$0x3F7B]  }
0x29: {  	s4 =	sld [smem:$0x3F7D]  }
0x2a: {  	p0 =	seq.s32 s5, $0x0;
	s5 =	sld [smem:$0x3F7E]  }
0x2b: {  	s6 =	sld [smem:$0x3F7F]  }
0x2c: {  	s7 =	sld [smem:$0x3F80]  }
0x2d: {  	s3 =	simm.s32 $0x108;
	s8 =	sld [smem:$0x3F81]  }
0x2e: {  	s3 =	simm.s32 @!p0 $0x1082;
	s9 =	sld [smem:$0x3F82]  }
0x2f: {  	lr =	sadd.s32 s0, s3;
	s0 =	sld [smem:$0x3F79]  }
0x30: {  	s3 =	sld [smem:$0x3F7C]  }
0x31: {  	[smem:$0x3F85] =	sst s10  }
0x32: {  	s10 =	sld [smem:$0x3F83];
	_ =	sdelay $0x3  }
0x33: {  	p0 =	seq.s32 s10, $0x1;
	s10 =	sld [smem:$0x3F85];
	_ =	sdelay $0x3  }
0x34: {  	[smem:$0x3F85] =	sst s10  }
0x35: {  	s10 =	sld [smem:$0x3F84];
	_ =	sdelay $0x3  }
0x36: {  	p1 =	seq.s32 s10, $0x1;
	s10 =	sld [smem:$0x3F85];
	_ =	sdelay $0x3  }
0x37: {  	[smem:$0x3F85] =	sst s10  }
0x38: {  	s10 =	sld [smem:$0x3F86]  }
0x39: {  	_ = 	snop;
	(pc) =	sbr.ind lr, $3  }
0x3a: {  	_ = 	snop  }
0x3b: {  	_ = 	snop  }
0x3c: {  	p2 =	seq.s32 s10, $0x1;
	s10 =	sld [smem:$0x3F85]  }
0x3d: {  	_ =	shalt  }
0x3e: {  	_ =	shalt  }
0x3f: {  	_ =	shalt  }
0x40: {  	_ =	shalt  }
0x41: {  	_ =	shalt  }
0x42: {  	_ =	shalt  }
0x43: {  	_ =	shalt  }
0x44: {  	_ =	shalt  }
0x45: {  	_ =	shalt  }
0x46: {  	_ =	shalt  }
0x47: {  	_ =	shalt  }
0x48: {  	_ =	shalt  }
0x49: {  	_ =	shalt  }
0x4a: {  	_ =	shalt  }
0x4b: {  	_ =	shalt  }
0x4c: {  	_ =	shalt  }
0x4d: {  	_ =	shalt  }
0x4e: {  	_ =	shalt  }
0x4f: {  	_ =	shalt  }
0x50: {  	_ =	shalt  }
0x51: {  	_ =	shalt  }
0x52: {  	_ =	shalt  }
0x53: {  	_ =	shalt  }
0x54: {  	_ =	shalt  }
0x55: {  	_ =	shalt  }
0x56: {  	_ =	shalt  }
0x57: {  	_ =	shalt  }
0x58: {  	_ =	shalt  }
0x59: {  	_ =	shalt  }
0x5a: {  	_ =	shalt  }
0x5b: {  	_ =	shalt  }
0x5c: {  	_ =	shalt  }
0x5d: {  	_ =	shalt  }
0x5e: {  	_ =	shalt  }
0x5f: {  	_ =	shalt  }
0x60: {  	_ =	shalt  }
0x61: {  	_ =	shalt  }
0x62: {  	_ =	shalt  }
0x63: {  	_ =	shalt  }
0x64: {  	_ =	shalt  }
0x65: {  	_ =	shalt  }
0x66: {  	_ =	shalt  }
0x67: {  	_ =	shalt  }
0x68: {  	_ =	shalt  }
0x69: {  	_ =	shalt  }
0x6a: {  	_ =	shalt  }
0x6b: {  	_ =	shalt  }
0x6c: {  	_ =	shalt  }
0x6d: {  	_ =	shalt  }
0x6e: {  	_ =	shalt  }
0x6f: {  	_ =	shalt  }
0x70: {  	_ =	shalt  }
0x71: {  	_ =	shalt  }
0x72: {  	_ =	shalt  }
0x73: {  	_ =	shalt  }
0x74: {  	_ =	shalt  }
0x75: {  	_ =	shalt  }
0x76: {  	_ =	shalt  }
0x77: {  	_ =	shalt  }
0x78: {  	_ =	shalt  }
0x79: {  	_ =	shalt  }
0x7a: {  	_ =	shalt  }
0x7b: {  	_ =	shalt  }
0x7c: {  	_ =	shalt  }
0x7d: {  	_ =	shalt  }
0x7e: {  	_ =	shalt  }
0x7f: {  	_ =	shalt  }
0x80: {  	_ =	shalt  }
0x81: {  	_ =	shalt  }
0x82: {  	_ =	shalt  }
0x83: {  	_ =	shalt  }
0x84: {  	_ =	shalt  }
0x85: {  	_ =	shalt  }
0x86: {  	_ =	shalt  }
0x87: {  	_ =	shalt  }
.Lfunc_end0:
.L_simem_size_0:
called_computation.4_lowered:
.L_overlay_start_0:
0x88: {  	s2 =	sld [smem:$0x3FD9]  }
0x89: {  	s3 =	sld [smem:$0x3FFE];
	_ =	sdelay $0x1  }
0x8a: {  	s1 =	srdreg.scid  }
0x8b: {  	s0 =	sand.u32 $0x1, s1  }
0x8c: {  	s16 =	sshll.u32 s0, $0xA;
	s2 =	sadd.s32 s3, s2  }
0x8d: {  	s2 =	sadd.s32 s2, s16  }
0x8e: {  	[smem:$0x3F91] =	sst s2  }
0x8f: {  	_ = 	snop  }
0x90: {  	(tm) =	ssettm $0x1  }
0x91: {  	s17 =	sld [smem:$0x3FFB];
	_ =	sdelay $0x3  }
0x92: {  	_ =	strace s17  }
0x93: {  	s2 =	sld [smem:$0x3FFC];
	_ =	sdelay $0x3  }
0x94: {  	_ =	strace s2  }
0x95: {  	s2 =	sld [smem:$0x3FFD];
	_ =	sdelay $0x3  }
0x96: {  	_ =	strace s2  }
0x97: {  	_ =	strace $0x8FFFFFFF  }
0x98: {  	s18 =	sld [smem:$0x3FDB];
	_ =	sdelay $0x1  }
0x99: {  	s19 =	simm.s32 $_scs_section_size  }
0x9a: {  	s4 =	simm.s32 $_size__tile_overlayer_lowered;
	s5 =	simm.s32 $_tile_overlayer_lowered  }
0x9b: {  	s22 =	simm.s32 $0x1BFF;
	s21 =	sshll.u32 s5, $0x1;
	s2 =	sadd.s32 s19, s18  }
0x9c: {  	s6 =	simm.s32 $0x0;
	s20 =	sshll.u32 s4, $0x1;
	s4 =	sadd.s32 s21, s2  }
0x9d: {  	[timem:s6], [sflag:s22] =	dma.local [hbm:s4], s20  }
0x9e: {  	_ =	swait.ge [sflag:s22], s20  }
0x9f: {  	s3 =	ssub.s32 $0x0, s20;
	[sflag:s22] =	ssyncset.done $0x0  }
0xa0: {  	[sflag:s22] =	ssyncadd.s32 s3;
	_ =	sdelay $0x1  }
0xa1: {  	s23 =	simm.s32 $0x1B8B  }
0xa2: {  	_ =	swait.ge [sflag:s23], $0x1  }
0xa3: {  	[sflag:s23] =	ssyncset.done $0x0  }
0xa4: {  	s25 =	simm.s32 $0x1B8E;
	s24 =	sld [smem:$0x3FFE];
	[sflag:s23] =	ssyncadd.s32 $0xFFFFFFFF  }
0xa5: {  	s26 =	simm.s32 $execute0_lowered;
	[smem:$0x3FD2] =	sst s25  }
0xa6: {  	s4 =	sshll.u32 s26, $0x1;
	_ =	strace $0x80000052;
	[dreg:$0x1] =	wrdreg $0xFFFFFFFF  }
0xa7: {  	s28 =	simm.s32 $_size_execute0_lowered;
	s2 =	sadd.s32 s2, s4;
	[dreg:$0x0] =	wrdreg $0x0  }
0xa8: {  	s4 =	sshll.u32 s28, $0x1;
	[dreg:$0x2] =	wrdreg s2  }
0xa9: {  	[dreg:$0x3] =	wrdreg s4  }
0xaa: {  	[dreg:$0x4] =	wrdreg $0xC0  }
0xab: {  	_ =	task [dreg:s6], $0x5FFFF  }
0xac: {  	[dreg:$0x1] =	wrdreg $0xFFFFFFFF  }
0xad: {  	[dreg:$0x0] =	wrdreg $0x60  }
0xae: {  	[dreg:$0x2] =	wrdreg s24  }
0xaf: {  	[dreg:$0x3] =	wrdreg $0xB8000  }
0xb0: {  	[dreg:$0x4] =	wrdreg $0x9  }
0xb1: {  	_ =	task.clear_ibuf [dreg:s6], $0x5FFFF;
	_ =	strace $0x90000052  }
0xb2: {  	s29 =	simm.s32 $0x9;
	_ =	strace $0x80000054  }
0xb3: {  	_ =	swait.ge [sflag:s29], $0x1  }
0xb4: {  	[sflag:s29] =	ssyncadd.s32 $0xFFFFFFFF  }
0xb5: {  	_ =	strace $0x90000054  }
0xb6: {  	_ =	sfence  }
0xb7: {  	s30 =	sld [smem:$0x0];
	_ =	sdelay $0x2  }
0xb8: {  	s31 =	sshll.u32 s1, $0xD;
	s1 =	sshrl.u32 s1, $0x2  }
0xb9: {  	s3 =	sand.u32 $0x4000, s31;
	s1 =	sadd.s32 s1, s30  }
0xba: {  	s0 =	sor.u32 s3, s0;
	s1 =	sshll.u32 s1, $0x11  }
0xbb: {  	s0 =	sor.u32 s1, s0  }
0xbc: {  	s0 =	sadd.s32 $0x8F2B, s0  }
0xbd: {  	[sflag:s0] =	ssyncadd.remote.s32 $0x1  }
0xbe: {  	_ =	sfence.sel $0xFFFF  }
0xbf: {  	[dreg:$0x0] =	wrdreg $0xFFFFFFFF;
	(pc) =	sbr.abs _section_cstart, $3  }
0xc0: {  	[dreg:$0x1] =	wrdreg $0xFFFFFFFF  }
0xc1: {  	_ =	task.clear_ibuf [dreg:s6], $0x2FFFF;
	_ =	strace $0x9FFFFFFF  }
0xc2: {  	(tm) =	ssettm $0x7FFFFFFF  }
0xc3: {  	_ =	shalt  }
tec
execute0_lowered:
.L_overlay_start_1:
0x0: {  	(tag) =	ssettag $0x1  }
0x1: {  	s5 =	rddreg [dreg:$0x0]  }
0x2: {  	s2 =	rddreg [dreg:$0x1]  }
0x3: {  	s0 =	rddreg [dreg:$0x2]  }
0x4: {  	s4 =	srdreg.scid;
	s1 =	stileid.u32;
	s3 =	simm.s32 $0x0  }
0x5: {  	s13 =	sand.u32 $0x1, s4;
	s22 =	sshll.u32 s1, $0x1;
	s6 =	smul.u32 $0x50000, s1  }
0x6: {  	[smem:$0x7FF] =	sst s3;
	s14 =	sadd.s32 $0x5F9800, s5;
	s10 =	smul.u32 $0x14000, s1  }
0x7: {  	s15 =	sadd.s32 $0x68800, s5;
	s28 =	smul.u32 $0x27100, s1;
	s8 =	sor.u32 s13, s22  }
0x8: {  	_ =	strace $0x80000053;
	s7 =	ssub.s32 $0x2, s13;
	s18 =	smul.u32 $0x140000, s13  }
0x9: {  	s21 =	smul.u32 $0x13880, s13;
	s22 =	simm.s32 $0x28;
	s4 =	sshll.u32 s8, $0xB  }
0xa: {  	s23 =	sshrl.u32 s7, $0x1;
	s6 =	sshrl.u32 s6, $0x2;
	s11 =	sadd.s32 $0x5000, s10  }
0xb: {  	s17 =	sadd.s32 $0xA000, s10;
	s19 =	sadd.s32 $0xF000, s10;
	s12 =	smul.u32 $0x13880, s8  }
0xc: {  	s9 =	sadd.s32 s4, s5;
	s4 =	sadd.s32 $0x55A800, s5;
	s16 =	ssub.s32 s7, s23  }
0xd: {  	s5 =	sadd.s32 s6, s2;
	s6 =	sadd.s32 s11, s2;
	s7 =	sadd.s32 s17, s2  }
0xe: {  	s8 =	sadd.s32 s19, s2;
	s20 =	sadd.s32 s10, s18;
	s25 =	sadd.s32 s18, s11  }
0xf: {  	s17 =	sadd.s32 s18, s17;
	s30 =	sadd.s32 s18, s19;
	s18 =	simm.s32 $0x3  }
0x10: {  	s19 =	simm.s32 $0x4000;
	s23 =	simm.s32 $0x2;
	s9 =	sadd.s32 $0x54A800, s9  }
0x11: {  	s10 =	sadd.s32 s14, s12;
	s24 =	sshrl.u32 s20, $0x3;
	s26 =	sshrl.u32 s25, $0x3  }
0x12: {  	s29 =	sshrl.u32 s17, $0x3;
	s14 =	sadd.s32 s28, s14;
	s17 =	sshrl.u32 s30, $0x3  }
0x13: {  	s20 =	simm.s32 $0x5400;
	s25 =	simm.s32 $0x0;
	s11 =	sadd.s32 s15, s24  }
0x14: {  	s12 =	sadd.s32 s15, s26;
	s13 =	sadd.s32 s15, s29;
	s31 =	sadd.s32 s21, s14  }
0x15: {  	s14 =	sadd.s32 s15, s17;
	s15 =	smax.u32 s16, $0x1;
	s17 =	simm.s32 $0x6800  }
0x16: {  	s21 =	simm.s32 $0x1;
	s24 =	simm.s32 $0x3E00;
	s16 =	sadd.s32 $0x500, s31  }
.LBB2_1:
0x17: {  	[tilespmem:s17], [sflag:$0x3] =	stream.linear.gather [hbm4b:s4+s3], $0x5000, $0x38;
	[tilespmem:$0x1F800] =	vst v63  }
0x18: {  	_ =	swait.ge [sflag:s18], $0x5000  }
0x19: {  	[sflag:s18] =	ssyncset.done $0x0  }
0x1a: {  	[sflag:s18] =	ssyncadd.s32 $0xFFFFB000  }
0x1b: {  	[spmem:s5] =	stream.linear.scatter [tilespmem:s17], [sflag:$0x3], $0x5000, $0x38;
	[tilespmem:$0x1F800] =	vst v63  }
0x1c: {  	_ =	swait.ge [sflag:s18], $0x5000  }
0x1d: {  	[sflag:s18] =	ssyncset.done $0x0  }
0x1e: {  	[sflag:s18] =	ssyncadd.s32 $0xFFFFB000  }
0x1f: {  	[spmem:s6] =	stream.linear.scatter [tilespmem:s17], [sflag:$0x3], $0x5000, $0x38;
	[tilespmem:$0x1F800] =	vst v63  }
0x20: {  	_ =	swait.ge [sflag:s18], $0x5000  }
0x21: {  	[sflag:s18] =	ssyncset.done $0x0  }
0x22: {  	[sflag:s18] =	ssyncadd.s32 $0xFFFFB000  }
0x23: {  	[spmem:s7] =	stream.linear.scatter [tilespmem:s17], [sflag:$0x3], $0x5000, $0x38;
	[tilespmem:$0x1F800] =	vst v63  }
0x24: {  	_ =	swait.ge [sflag:s18], $0x5000  }
0x25: {  	[sflag:s18] =	ssyncset.done $0x0  }
0x26: {  	[sflag:s18] =	ssyncadd.s32 $0xFFFFB000  }
0x27: {  	[spmem:s8] =	stream.linear.scatter [tilespmem:s17], [sflag:$0x3], $0x5000, $0x38;
	[tilespmem:$0x1F800] =	vst v63  }
0x28: {  	_ =	swait.ge [sflag:s18], $0x5000  }
0x29: {  	[sflag:s18] =	ssyncset.done $0x0  }
0x2a: {  	[sflag:s18] =	ssyncadd.s32 $0xFFFFB000  }
0x2b: {  	[tilespmem:s3], [sflag:$0x3] =	stream.linear.gather [hbm4b:s9+s3], $0x3E80, $0x38;
	[tilespmem:$0x1F800] =	vst v63  }
0x2c: {  	_ =	swait.ge [sflag:s18], $0x3E80  }
0x2d: {  	[sflag:s18] =	ssyncset.done $0x0  }
0x2e: {  	[sflag:s18] =	ssyncadd.s32 $0xFFFFC180  }
0x2f: {  	[bflag:$0x0] =	sbarrier.arrive $0xFFFF  }
0x30: {  	[tilespmem:s19], [sflag:$0x1] =	stream.linear.gather [hbm4b:s10+s3], $0x1400, $0x38;
	[tilespmem:$0x1F800] =	vst v63  }
0x31: {  	s26 =	sadd.s32 $0xFFFFFD80, s16  }
0x32: {  	[tilespmem:s20], [sflag:$0x2] =	stream.linear.gather [hbm4b:s26+s3], $0x1400, $0x38;
	[tilespmem:$0x1F800] =	vst v63  }
0x33: {  	_ =	swait.ge [sflag:s21], $0x1400  }
0x34: {  	[sflag:s21] =	ssyncset.done $0x0  }
0x35: {  	s30 =	simm.s32 $0x0;
	[sflag:s21] =	ssyncadd.s32 $0xFFFFEC00  }
0x36: {  	[spmem:s2] =	stream.indirect.scatter.add.f32 [tilespmem:s19], [sflag:$0x3], $0x80, s30, s22, $0xb8;
	[tilespmem:$0x1F800] =	vst v63  }
0x37: {  	_ =	swait.ge [sflag:s18], $0x1400  }
0x38: {  	[sflag:s18] =	ssyncset.done $0x0  }
0x39: {  	[sflag:s18] =	ssyncadd.s32 $0xFFFFEC00  }
0x3a: {  	[tilespmem:s19], [sflag:$0x1] =	stream.linear.gather [hbm4b:s16+s3], $0x1400, $0x38;
	[tilespmem:$0x1F800] =	vst v63  }
0x3b: {  	_ =	swait.ge [sflag:s23], $0x1400  }
0x3c: {  	[sflag:s23] =	ssyncset.done $0x0  }
0x3d: {  	s31 =	simm.s32 $0x80;
	[sflag:s23] =	ssyncadd.s32 $0xFFFFEC00  }
0x3e: {  	[spmem:s2] =	stream.indirect.scatter.add.f32 [tilespmem:s20], [sflag:$0x3], $0x80, s31, s22, $0xb8;
	[tilespmem:$0x1F800] =	vst v63  }
0x3f: {  	s28 =	simm.s32 $0x400;
	_ =	swait.ge [sflag:s18], $0x1400  }
0x40: {  	s29 =	simm.s32 $0x800;
	s26 =	sadd.s32 $0x500, s16;
	[sflag:s18] =	ssyncset.done $0x0  }
.LBB2_2:
0x41: {  	p0 =	sne.s32 s29, $0xF400;
	s30 =	sadd.s32 $0xFFFFFD80, s26;
	[sflag:s18] =	ssyncadd.s32 $0xFFFFEC00  }
0x42: {  	[tilespmem:s20], [sflag:$0x2] =	stream.linear.gather [hbm4b:s30+s3], $0x1400, $0x38;
	[tilespmem:$0x1F800] =	vst v63  }
0x43: {  	s30 =	smov.u32 s29;
	s29 =	sadd.s32 $0x400, s29;
	_ =	swait.ge [sflag:s21], $0x1400  }
0x44: {  	[sflag:s21] =	ssyncset.done $0x0  }
0x45: {  	s31 =	sshra.s32 s28, $0x2;
	s28 =	smov.u32 s30;
	[sflag:s21] =	ssyncadd.s32 $0xFFFFEC00  }
0x46: {  	[spmem:s2] =	stream.indirect.scatter.add.f32 [tilespmem:s19], [sflag:$0x3], $0x80, s31, s22, $0xb8;
	[tilespmem:$0x1F800] =	vst v63  }
0x47: {  	_ =	swait.ge [sflag:s18], $0x1400  }
0x48: {  	[sflag:s18] =	ssyncset.done $0x0  }
0x49: {  	[sflag:s18] =	ssyncadd.s32 $0xFFFFEC00  }
0x4a: {  	[tilespmem:s19], [sflag:$0x1] =	stream.linear.gather [hbm4b:s26+s3], $0x1400, $0x38;
	[tilespmem:$0x1F800] =	vst v63  }
0x4b: {  	_ =	swait.ge [sflag:s23], $0x1400  }
.Ltmp0:
0x4c: {  	[sflag:s23] =	ssyncset.done $0x0;
	(pc) =	sbr.rel @p0 .LBB2_2-.Ltmp0, $4  }
0x4d: {  	s30 =	sadd.s32 $0x80, s31;
	[sflag:s23] =	ssyncadd.s32 $0xFFFFEC00  }
0x4e: {  	[spmem:s2] =	stream.indirect.scatter.add.f32 [tilespmem:s20], [sflag:$0x3], $0x80, s30, s22, $0xb8;
	[tilespmem:$0x1F800] =	vst v63  }
0x4f: {  	_ =	swait.ge [sflag:s18], $0x1400  }
0x50: {  	s26 =	sadd.s32 $0x500, s26;
	[sflag:s18] =	ssyncset.done $0x0  }
0x51: {  	s29 =	sadd.s32 $0xFFFFFD80, s26;
	[sflag:s18] =	ssyncadd.s32 $0xFFFFEC00  }
0x52: {  	[tilespmem:s20], [sflag:$0x2] =	stream.linear.gather [hbm4b:s29+s3], $0x1400, $0x38;
	[tilespmem:$0x1F800] =	vst v63  }
0x53: {  	_ =	swait.ge [sflag:s21], $0x1400  }
0x54: {  	[sflag:s21] =	ssyncset.done $0x0  }
0x55: {  	s28 =	sshra.s32 s28, $0x2;
	[sflag:s21] =	ssyncadd.s32 $0xFFFFEC00  }
0x56: {  	[spmem:s2] =	stream.indirect.scatter.add.f32 [tilespmem:s19], [sflag:$0x3], $0x80, s28, s22, $0xb8;
	[tilespmem:$0x1F800] =	vst v63  }
0x57: {  	_ =	swait.ge [sflag:s18], $0x1400  }
0x58: {  	[sflag:s18] =	ssyncset.done $0x0  }
0x59: {  	[sflag:s18] =	ssyncadd.s32 $0xFFFFEC00  }
0x5a: {  	[tilespmem:s19], [sflag:$0x1] =	stream.linear.gather [hbm4b:s26+s3], $0x1400, $0x38;
	[tilespmem:$0x1F800] =	vst v63  }
0x5b: {  	_ =	swait.ge [sflag:s23], $0x1400  }
0x5c: {  	[sflag:s23] =	ssyncset.done $0x0  }
0x5d: {  	s31 =	sadd.s32 $0x80, s28;
	[sflag:s23] =	ssyncadd.s32 $0xFFFFEC00  }
0x5e: {  	[spmem:s2] =	stream.indirect.scatter.add.f32 [tilespmem:s20], [sflag:$0x3], $0x80, s31, s22, $0xb8;
	[tilespmem:$0x1F800] =	vst v63  }
0x5f: {  	_ =	swait.ge [sflag:s18], $0x1400  }
0x60: {  	[sflag:s18] =	ssyncset.done $0x0  }
0x61: {  	[sflag:s18] =	ssyncadd.s32 $0xFFFFEC00  }
0x62: {  	_ =	swait.ge [sflag:s21], $0x1400  }
0x63: {  	[sflag:s21] =	ssyncset.done $0x0  }
0x64: {  	[sflag:s21] =	ssyncadd.s32 $0xFFFFEC00  }
0x65: {  	[spmem:s2] =	stream.indirect.scatter.add.f32 [tilespmem:s19], [sflag:$0x3], $0x80, s24, s22, $0xb8;
	[tilespmem:$0x1F800] =	vst v63  }
0x66: {  	_ =	swait.ge [sflag:s18], $0x1400  }
0x67: {  	[sflag:s18] =	ssyncset.done $0x0  }
0x68: {  	[sflag:s18] =	ssyncadd.s32 $0xFFFFEC00  }
0x69: {  	[bflag:$0x0] =	sbarrier.arrive $0xFFFF  }
0x6a: {  	[tilespmem:s17], [sflag:$0x3] =	stream.linear.gather [spmem:s5], $0x5000, $0x38;
	[tilespmem:$0x1F800] =	vst v63  }
0x6b: {  	_ =	swait.ge [sflag:s18], $0x5000  }
0x6c: {  	[sflag:s18] =	ssyncset.done $0x0  }
0x6d: {  	[sflag:s18] =	ssyncadd.s32 $0xFFFFB000  }
0x6e: {  	[hbm4b:s11+s3] =	stream.linear.scatter [tilespmem:s17], [sflag:$0x3], $0x5000, $0x38;
	[tilespmem:$0x1F800] =	vst v63  }
0x6f: {  	_ =	swait.ge [sflag:s18], $0x5000  }
0x70: {  	[sflag:s18] =	ssyncset.done $0x0  }
0x71: {  	[sflag:s18] =	ssyncadd.s32 $0xFFFFB000  }
0x72: {  	[tilespmem:s17], [sflag:$0x3] =	stream.linear.gather [spmem:s6], $0x5000, $0x38;
	[tilespmem:$0x1F800] =	vst v63  }
0x73: {  	_ =	swait.ge [sflag:s18], $0x5000  }
0x74: {  	[sflag:s18] =	ssyncset.done $0x0  }
0x75: {  	[sflag:s18] =	ssyncadd.s32 $0xFFFFB000  }
0x76: {  	[hbm4b:s12+s3] =	stream.linear.scatter [tilespmem:s17], [sflag:$0x3], $0x5000, $0x38;
	[tilespmem:$0x1F800] =	vst v63  }
0x77: {  	_ =	swait.ge [sflag:s18], $0x5000  }
0x78: {  	[sflag:s18] =	ssyncset.done $0x0  }
0x79: {  	[sflag:s18] =	ssyncadd.s32 $0xFFFFB000  }
0x7a: {  	[tilespmem:s17], [sflag:$0x3] =	stream.linear.gather [spmem:s7], $0x5000, $0x38;
	[tilespmem:$0x1F800] =	vst v63  }
0x7b: {  	_ =	swait.ge [sflag:s18], $0x5000  }
0x7c: {  	[sflag:s18] =	ssyncset.done $0x0  }
0x7d: {  	[sflag:s18] =	ssyncadd.s32 $0xFFFFB000  }
0x7e: {  	[hbm4b:s13+s3] =	stream.linear.scatter [tilespmem:s17], [sflag:$0x3], $0x5000, $0x38;
	[tilespmem:$0x1F800] =	vst v63  }
0x7f: {  	_ =	swait.ge [sflag:s18], $0x5000  }
0x80: {  	[sflag:s18] =	ssyncset.done $0x0  }
0x81: {  	[sflag:s18] =	ssyncadd.s32 $0xFFFFB000  }
0x82: {  	[tilespmem:s17], [sflag:$0x3] =	stream.linear.gather [spmem:s8], $0x5000, $0x38;
	[tilespmem:$0x1F800] =	vst v63  }
0x83: {  	s25 =	sadd.s32 $0x1, s25;
	_ =	swait.ge [sflag:s18], $0x5000  }
0x84: {  	p0 =	sne.s32 s25, s15;
	[sflag:s18] =	ssyncset.done $0x0  }
.Ltmp1:
0x85: {  	[sflag:s18] =	ssyncadd.s32 $0xFFFFB000;
	(pc) =	sbr.rel @p0 .LBB2_1-.Ltmp1, $4  }
0x86: {  	[hbm4b:s14+s3] =	stream.linear.scatter [tilespmem:s17], [sflag:$0x3], $0x5000, $0x38;
	[tilespmem:$0x1F800] =	vst v63  }
0x87: {  	_ =	swait.ge [sflag:s18], $0x5000  }
0x88: {  	[sflag:s18] =	ssyncset.done $0x0  }
0x89: {  	[sflag:s18] =	ssyncadd.s32 $0xFFFFB000  }
0x8a: {  	_ =	sfence.sel $0x180000  }
0x8b: {  	[bflag:$0x0] =	sbarrier.arrive $0xFFFF  }
0x8c: {  	p0 =	sne.s32 s1, $0x0;
	_ =	strace $0x90000053  }
0x8d: {  	s0 =	sadd.s32 @!p0 $0x100000, s0;
	[bflag:$0x2] =	sbarrier.arrive $0xFFFF  }
0x8e: {  	[sflag:s0] =	ssyncadd.tile.s32 @!p0 $0x1;
	_ =	shalt  }
.Lfunc_end2:
_tile_overlayer_lowered:
.L_overlay_start_2:
0x8f: {  	(tag) =	ssettag $0x2  }
0x90: {  	s0 =	rddreg [dreg:$0x0];
	s2 =	stileid.u32  }
0x91: {  	s1 =	rddreg [dreg:$0x1];
	p0 =	sne.s32 s2, $0x0  }
0x92: {  	s3 =	rddreg [dreg:$0x2];
	[bflag:$0x3] =	sbarrier.arrive $0xFFFF;
	s2 =	simm.s32 @!p0 $0x1C03  }
0x93: {  	[timem:s3], [sflag:s2] =	dma.local @!p0 [hbm:s0], s1  }
0x94: {  	s0 =	simm.s32 @!p0 $0x3  }
0x95: {  	_ =	swait.ge @!p0 [sflag:s0], s1  }
0x96: {  	s1 =	ssub.s32 @!p0 $0x0, s1;
	[sflag:s0] =	ssyncset.done @!p0 $0x0  }
0x97: {  	[sflag:s0] =	ssyncadd.s32 @!p0 s1  }
0x98: {  	[bflag:$0x3] =	sbarrier.arrive $0xFFFF  }
0x99: {  	_ =	shalt  }

</sc_bundles>
